<compile_context>
chip_gen: v7x
topology: tpu7x:2x2x1
jax: 0.10.2.dev20260603
libtpu: 0.0.44.dev20260713+nightly
codegen_flags: <defaults>
</compile_context>

<pallas_src>
import functools

import jax
import jax.numpy as jnp
from jax import lax
from jax.experimental import pallas as pl
from jax.experimental.pallas import tpu as pltpu
from jax.experimental.pallas import tpu_sc as plsc

P = 100
E = 50000
F = 5_000_000
M = 64
N = 200000

OFFLEN = P * E + 1
PADF = F + 256
NW = 32
QW = 6400
NPAD = NW * QW
C = 128
G = C // 16
IT = QW // C
OUT_ROWS = NPAD * M // 128

_GATHER_DNUMS = lax.GatherDimensionNumbers(
    offset_dims=(), collapsed_slice_dims=(0,), start_index_map=(0,))


def _splat(vec, q):
    idx = jnp.full((16, 1), q, jnp.int32)
    return lax.gather(vec, idx, _GATHER_DNUMS, (1,),
                      mode=lax.GatherScatterMode.PROMISE_IN_BOUNDS)


def _body(qp_hbm, qb_hbm, qd_hbm, offs_hbm, vals_hbm, cand_hbm, valid_hbm,
          qp_v, qb_v, kidx_v, qda_v, qdb_v, offsa_v, offsb_v,
          ridxa_v, ridxb_v, gbufa_v, gbufb_v,
          vbufa_v, vbufb_v, valida_v, validb_v,
          osem, gsema, gsemb, outsema, outsemb):
    wid = lax.axis_index("s") * 2 + lax.axis_index("c")
    qbase0 = wid * QW
    iota16 = lax.iota(jnp.int32, 16)

    def qbase_of(j):
        return pl.multiple_of(qbase0 + j * C, C)

    def kgrp_loop(qd_v):
        def kgrp(g, c):
            p = qp_v[pl.ds(g * 16, 16)]
            b = qb_v[pl.ds(g * 16, 16)]
            d = qd_v[pl.ds(g * 16, 16)]
            k = p * E + b + d * OFFLEN
            kidx_v[0, pl.ds(g * 16, 16)] = k
            kidx_v[1, pl.ds(g * 16, 16)] = k + 1
            return c
        lax.fori_loop(0, G, kgrp, 0, unroll=False)

    def rgrp_loop(offs_v, qd_v, ridx_v):
        def rgrp(g, c):
            lo = offs_v[0, pl.ds(g * 16, 16)]
            d = qd_v[pl.ds(g * 16, 16)]
            vb = lo + d * PADF
            r0 = lax.shift_right_logical(vb, 7)
            ridx_v[0, pl.ds(g * 16, 16)] = r0
            ridx_v[1, pl.ds(g * 16, 16)] = r0 + 1
            return c
        lax.fori_loop(0, G, rgrp, 0, unroll=False)

    def fire_rg(ridx_v, gbuf_v, gsem):
        pltpu.async_copy(vals_hbm.at[ridx_v.at[0]],
                         gbuf_v.at[:, pl.ds(0, 128)], gsem)
        pltpu.async_copy(vals_hbm.at[ridx_v.at[1]],
                         gbuf_v.at[:, pl.ds(128, 128)], gsem)

    def wait_rg(ridx_v, gbuf_v, gsem):
        pltpu.make_async_copy(vals_hbm.at[ridx_v.at[0]],
                              gbuf_v.at[:, pl.ds(0, 128)], gsem).wait()
        pltpu.make_async_copy(vals_hbm.at[ridx_v.at[1]],
                              gbuf_v.at[:, pl.ds(128, 128)], gsem).wait()

    def vgrp_loop(offs_v, qd_v, gbuf_v, vbuf_v, valid_v):
        def vgrp(g, c):
            qg0 = g * 16
            lo = offs_v[0, pl.ds(qg0, 16)]
            hi = offs_v[1, pl.ds(qg0, 16)]
            d = qd_v[pl.ds(qg0, 16)]
            vb = lo + d * PADF
            cnt = hi - lo
            basev = (iota16 + qg0) * 256 + lax.bitwise_and(vb, 127)
            row0 = g * 8
            for q in range(16):
                bq = _splat(basev, q)
                cntq = _splat(cnt, q)
                vrow = row0 + (q // 2)
                vcolb = (q % 2) * 64
                for j in range(4):
                    mvec = iota16 + (16 * j)
                    t = bq + mvec
                    grow = lax.shift_right_logical(t, 8)
                    gcol = lax.bitwise_and(t, 255)
                    v = plsc.load_gather(gbuf_v, [grow, gcol])
                    vbuf_v[vrow, pl.ds(vcolb + 16 * j, 16)] = v
                    vld = jnp.minimum(jnp.maximum(cntq - mvec, 0), 1)
                    valid_v[vrow, pl.ds(vcolb + 16 * j, 16)] = vld
            return c
        lax.fori_loop(0, G, vgrp, 0, unroll=False)

    def fire_out(j, vbuf_v, valid_v, outsem):
        orow = pl.multiple_of(qbase_of(j) // 2, 64)
        pltpu.async_copy(vbuf_v, cand_hbm.at[pl.ds(orow, 64)], outsem)
        pltpu.async_copy(valid_v, valid_hbm.at[pl.ds(orow, 64)], outsem)

    def wait_out(vbuf_v, valid_v, outsem):
        pltpu.make_async_copy(vbuf_v, cand_hbm.at[pl.ds(0, 64)],
                              outsem).wait()
        pltpu.make_async_copy(valid_v, valid_hbm.at[pl.ds(0, 64)],
                              outsem).wait()

    def iter_body(i, carry):
        front = i <= IT - 1
        even = lax.rem(i, 2) == 0

        @pl.when(front)
        def _():
            qbase = qbase_of(i)
            pltpu.sync_copy(qp_hbm.at[pl.ds(qbase, C)], qp_v)
            pltpu.sync_copy(qb_hbm.at[pl.ds(qbase, C)], qb_v)

        def front_par(qd_v, offs_v, ridx_v, gbuf_v, gsem):
            qbase = qbase_of(i)
            pltpu.sync_copy(qd_hbm.at[pl.ds(qbase, C)], qd_v)
            kgrp_loop(qd_v)
            c0 = pltpu.async_copy(offs_hbm.at[kidx_v.at[0]],
                                  offs_v.at[0], osem)
            c1 = pltpu.async_copy(offs_hbm.at[kidx_v.at[1]],
                                  offs_v.at[1], osem)
            c0.wait()
            c1.wait()
            rgrp_loop(offs_v, qd_v, ridx_v)
            fire_rg(ridx_v, gbuf_v, gsem)

        @pl.when(front & even)
        def _():
            front_par(qda_v, offsa_v, ridxa_v, gbufa_v, gsema)

        @pl.when(front & jnp.logical_not(even))
        def _():
            front_par(qdb_v, offsb_v, ridxb_v, gbufb_v, gsemb)

        back = i >= 1
        deep = i >= 3

        @pl.when(back & deep & jnp.logical_not(even))
        def _():
            wait_out(vbufa_v, valida_v, outsema)

        @pl.when(back & deep & even)
        def _():
            wait_out(vbufb_v, validb_v, outsemb)

        def back_par(qd_v, offs_v, ridx_v, gbuf_v, gsem,
                     vbuf_v, valid_v, outsem):
            wait_rg(ridx_v, gbuf_v, gsem)
            vgrp_loop(offs_v, qd_v, gbuf_v, vbuf_v, valid_v)
            fire_out(i - 1, vbuf_v, valid_v, outsem)

        @pl.when(back & jnp.logical_not(even))
        def _():
            back_par(qda_v, offsa_v, ridxa_v, gbufa_v, gsema,
                     vbufa_v, valida_v, outsema)

        @pl.when(back & even)
        def _():
            back_par(qdb_v, offsb_v, ridxb_v, gbufb_v, gsemb,
                     vbufb_v, validb_v, outsemb)

        return carry

    lax.fori_loop(0, IT + 1, iter_body, 0, unroll=False)
    wait_out(vbufa_v, valida_v, outsema)
    wait_out(vbufb_v, validb_v, outsemb)


_sc_kernel = functools.partial(
    pl.kernel,
    out_type=[
        jax.ShapeDtypeStruct((OUT_ROWS, 128), jnp.int32),
        jax.ShapeDtypeStruct((OUT_ROWS, 128), jnp.int32),
    ],
    mesh=plsc.VectorSubcoreMesh(core_axis_name="c", subcore_axis_name="s"),
    compiler_params=pltpu.CompilerParams(needs_layout_passes=False),
    scratch_types=[
        pltpu.VMEM((C,), jnp.int32),
        pltpu.VMEM((C,), jnp.int32),
        pltpu.VMEM((2, C), jnp.int32),
        pltpu.VMEM((C,), jnp.int32),
        pltpu.VMEM((C,), jnp.int32),
        pltpu.VMEM((2, C), jnp.int32),
        pltpu.VMEM((2, C), jnp.int32),
        pltpu.VMEM((2, C), jnp.int32),
        pltpu.VMEM((2, C), jnp.int32),
        pltpu.VMEM((C, 256), jnp.int32),
        pltpu.VMEM((C, 256), jnp.int32),
        pltpu.VMEM((M, 128), jnp.int32),
        pltpu.VMEM((M, 128), jnp.int32),
        pltpu.VMEM((M, 128), jnp.int32),
        pltpu.VMEM((M, 128), jnp.int32),
        pltpu.SemaphoreType.DMA,
        pltpu.SemaphoreType.DMA,
        pltpu.SemaphoreType.DMA,
        pltpu.SemaphoreType.DMA,
        pltpu.SemaphoreType.DMA,
    ],
)(_body)


@jax.jit
def kernel(preds, bound_args, direction, ps_sorted_objs, ps_offsets,
           po_sorted_subjs, po_offsets):
    pad = NPAD - N
    qp = jnp.pad(preds.astype(jnp.int32), (0, pad))
    qb = jnp.pad(bound_args.astype(jnp.int32), (0, pad))
    qd = jnp.pad(direction.astype(jnp.int32), (0, pad))
    offs_all = jnp.concatenate(
        [ps_offsets.astype(jnp.int32), po_offsets.astype(jnp.int32)])
    ps32 = ps_sorted_objs.astype(jnp.int32)
    po32 = po_sorted_subjs.astype(jnp.int32)
    vals_pad = jnp.concatenate([
        ps32, jnp.full((PADF - F,), ps32[-1], jnp.int32),
        po32, jnp.full((PADF - F,), po32[-1], jnp.int32),
    ])
    vals2d = vals_pad.reshape(2 * PADF // 128, 128)
    cand, vld = _sc_kernel(qp, qb, qd, offs_all, vals2d)
    candidates = cand.reshape(NPAD, M)[:N]
    valid = vld.reshape(NPAD, M)[:N].astype(bool)
    return candidates, valid

# --- scband reference (transcript-rebuilt; emitter-appended) ---
"""Pipeline reference for scband-inverted-fact-index-16346645528844 (READ-ONLY COPY).

The authoritative reference and input builder live on the scoring server;
editing this copy changes nothing except your own understanding.
"""

import jax, jax.numpy as jnp
import numpy as np

P = 100
E = 50000
F = 5_000_000
M = 64
N = 200000


def _build_index(preds, bound, other):
    keys = preds.astype(np.int64) * E + bound.astype(np.int64)
    order = np.argsort(keys, kind='stable')
    sorted_vals = other.astype(np.int64)[order]
    counts = np.bincount(keys, minlength=P * E)
    offsets = np.concatenate([np.zeros(1, dtype=np.int64), np.cumsum(counts).astype(np.int64)])
    return sorted_vals, offsets


def setup_inputs() -> dict:
    rng = np.random.default_rng(0)
    fp = rng.integers(0, P, size=F)
    fs = rng.integers(0, E, size=F)
    fo = rng.integers(0, E, size=F)
    ps_sorted_objs, ps_offsets = _build_index(fp, fs, fo)
    po_sorted_subjs, po_offsets = _build_index(fp, fo, fs)
    preds = rng.integers(0, P, size=N)
    bound_args = rng.integers(0, E, size=N)
    direction = rng.integers(0, 2, size=N)
    return {
        'preds': jnp.asarray(preds),
        'bound_args': jnp.asarray(bound_args),
        'direction': jnp.asarray(direction),
        'ps_sorted_objs': jnp.asarray(ps_sorted_objs),
        'ps_offsets': jnp.asarray(ps_offsets),
        'po_sorted_subjs': jnp.asarray(po_sorted_subjs),
        'po_offsets': jnp.asarray(po_offsets),
    }


def reference(preds, bound_args, direction, ps_sorted_objs, ps_offsets, po_sorted_subjs, po_offsets):
    keys = preds * E + bound_args
    starts_ps = jnp.take(ps_offsets, keys)
    counts_ps = jnp.clip(jnp.take(ps_offsets, keys + 1) - starts_ps, 0, M)
    starts_po = jnp.take(po_offsets, keys)
    counts_po = jnp.clip(jnp.take(po_offsets, keys + 1) - starts_po, 0, M)
    is_obj = direction == 0
    starts = jnp.where(is_obj, starts_ps, starts_po)
    counts = jnp.where(is_obj, counts_ps, counts_po)
    pos = jnp.arange(M)[None, :]
    valid = pos < counts[:, None]
    cap = max(ps_sorted_objs.shape[0], po_sorted_subjs.shape[0]) - 1
    gidx = jnp.clip(starts[:, None] + pos, 0, cap)
    gi_ps = jnp.clip(gidx, 0, ps_sorted_objs.shape[0] - 1)
    gi_po = jnp.clip(gidx, 0, po_sorted_subjs.shape[0] - 1)
    vals_obj = jnp.take(ps_sorted_objs, gi_ps)
    vals_subj = jnp.take(po_sorted_subjs, gi_po)
    candidates = jnp.where(is_obj[:, None], vals_obj, vals_subj)
    return candidates, valid

if __name__ == "__main__":
    import jax
    _d = setup_inputs()
    print(jax.jit(kernel)(*tuple(_d.values())))

</pallas_src>

<mosaic_0001>
#map = affine_map<(d0, d1) -> (0)>
#map1 = affine_map<(d0, d1) -> (0, 0)>
module attributes {stable_mosaic.version = 14 : i64} {
  func.func @_body(%arg0: i32, %arg1: i32, %arg2: memref<204800xi32, #tpu.memory_space<hbm>>, %arg3: memref<204800xi32, #tpu.memory_space<hbm>>, %arg4: memref<204800xi32, #tpu.memory_space<hbm>>, %arg5: memref<10000002xi32, #tpu.memory_space<hbm>>, %arg6: memref<78129x128xi32, #tpu.memory_space<hbm>>, %arg7: memref<102400x128xi32, #tpu.memory_space<hbm>>, %arg8: memref<102400x128xi32, #tpu.memory_space<hbm>>, %arg9: memref<128xi32, #tpu.memory_space<vmem>>, %arg10: memref<128xi32, #tpu.memory_space<vmem>>, %arg11: memref<2x128xi32, #tpu.memory_space<vmem>>, %arg12: memref<128xi32, #tpu.memory_space<vmem>>, %arg13: memref<128xi32, #tpu.memory_space<vmem>>, %arg14: memref<2x128xi32, #tpu.memory_space<vmem>>, %arg15: memref<2x128xi32, #tpu.memory_space<vmem>>, %arg16: memref<2x128xi32, #tpu.memory_space<vmem>>, %arg17: memref<2x128xi32, #tpu.memory_space<vmem>>, %arg18: memref<128x256xi32, #tpu.memory_space<vmem>>, %arg19: memref<128x256xi32, #tpu.memory_space<vmem>>, %arg20: memref<64x128xi32, #tpu.memory_space<vmem>>, %arg21: memref<64x128xi32, #tpu.memory_space<vmem>>, %arg22: memref<64x128xi32, #tpu.memory_space<vmem>>, %arg23: memref<64x128xi32, #tpu.memory_space<vmem>>, %arg24: memref<!tpu.dma_semaphore, #tpu.memory_space<semaphore_mem>>, %arg25: memref<!tpu.dma_semaphore, #tpu.memory_space<semaphore_mem>>, %arg26: memref<!tpu.dma_semaphore, #tpu.memory_space<semaphore_mem>>, %arg27: memref<!tpu.dma_semaphore, #tpu.memory_space<semaphore_mem>>, %arg28: memref<!tpu.dma_semaphore, #tpu.memory_space<semaphore_mem>>) attributes {dimension_semantics = [#tpu.dimension_semantics<core_parallel>, #tpu.dimension_semantics<subcore_parallel>], iteration_bounds = array<i64: 2, 16>, scalar_prefetch = 0 : i64, scratch_operands = 20 : i64, tpu.core_type = #tpu.core_type<sc_vector_subcore>, window_params = [{transform_indices = #map}, {transform_indices = #map}, {transform_indices = #map}, {transform_indices = #map}, {transform_indices = #map1}, {transform_indices = #map1}, {transform_indices = #map1}]} {
    %mul3A = arith.constant 2 : i32
    %mul3A_0 = arith.muli %arg1, %mul3A : i32
    %add3A = arith.addi %mul3A_0, %arg0 : i32
    %mul3A_1 = arith.constant 6400 : i32
    %mul3A_2 = arith.muli %add3A, %mul3A_1 : i32
    %iota3A = tpu.iota {dimensions = array<i32: 0>} : vector<16xi32>
    %scan3A = arith.constant 0 : i32
    %scan3A_3 = arith.constant 0 : i32
    %scan3A_4 = arith.constant 51 : i32
    %scan3A_5 = arith.addi %scan3A_3, %scan3A_4 : i32
    %scan3A_6 = arith.constant 1 : i32
    scf.for %scan3A_31 = %scan3A_3 to %scan3A_5 step %scan3A_6  : i32 {
      %le3A = arith.constant 49 : i32
      %le3A_32 = arith.cmpi sle, %scan3A_31, %le3A : i32
      %rem3A = arith.constant 2 : i32
      %rem3A_33 = arith.remsi %scan3A_31, %rem3A : i32
      %eq3A = arith.constant 0 : i32
      %eq3A_34 = arith.cmpi eq, %rem3A_33, %eq3A : i32
      %convert_element_type3A = arith.extui %le3A_32 : i1 to i32
      %cond3A = arith.constant 0 : i32
      %cond3A_35 = arith.cmpi ne, %convert_element_type3A, %cond3A : i32
      scf.if %cond3A_35 {
        %mul3A_69 = arith.constant 128 : i32
        %mul3A_70 = arith.muli %scan3A_31, %mul3A_69 : i32
        %add3A_71 = arith.addi %mul3A_2, %mul3A_70 : i32
        %multiple_of3A = tpu.assume_multiple %add3A_71, 128 : i32
        "tpu.region"() ({
          %run_scoped3A = tpu.sem_alloc : memref<!tpu.dma_semaphore, #tpu.memory_space<semaphore_mem>>
          %dma_start3A = tpu.memref_slice %arg2[%multiple_of3A] : memref<204800xi32, #tpu.memory_space<hbm>> -> memref<128xi32, #tpu.memory_space<hbm>>
          %dma_start3A_72 = tpu.memref_slice %arg2[%multiple_of3A] : memref<204800xi32, #tpu.memory_space<hbm>> -> memref<128xi32, #tpu.memory_space<hbm>>
          tpu.enqueue_dma source(%dma_start3A_72 : memref<128xi32, #tpu.memory_space<hbm>>) target(%arg9 : memref<128xi32, #tpu.memory_space<vmem>>) target_semaphore(%run_scoped3A : memref<!tpu.dma_semaphore, #tpu.memory_space<semaphore_mem>>)
          %dma_wait3A_73 = tpu.memref_slice %arg2[%multiple_of3A] : memref<204800xi32, #tpu.memory_space<hbm>> -> memref<128xi32, #tpu.memory_space<hbm>>
          %dma_wait3A_74 = tpu.memref_slice %arg2[%multiple_of3A] : memref<204800xi32, #tpu.memory_space<hbm>> -> memref<128xi32, #tpu.memory_space<hbm>>
          tpu.wait_dma2 semaphore(%run_scoped3A : memref<!tpu.dma_semaphore, #tpu.memory_space<semaphore_mem>>) src(%dma_wait3A_74 : memref<128xi32, #tpu.memory_space<hbm>>) dst(%arg9 : memref<128xi32, #tpu.memory_space<vmem>>)
          tpu.yield
        }) : () -> ()
        "tpu.region"() ({
          %run_scoped3A = tpu.sem_alloc : memref<!tpu.dma_semaphore, #tpu.memory_space<semaphore_mem>>
          %dma_start3A = tpu.memref_slice %arg3[%multiple_of3A] : memref<204800xi32, #tpu.memory_space<hbm>> -> memref<128xi32, #tpu.memory_space<hbm>>
          %dma_start3A_72 = tpu.memref_slice %arg3[%multiple_of3A] : memref<204800xi32, #tpu.memory_space<hbm>> -> memref<128xi32, #tpu.memory_space<hbm>>
          tpu.enqueue_dma source(%dma_start3A_72 : memref<128xi32, #tpu.memory_space<hbm>>) target(%arg10 : memref<128xi32, #tpu.memory_space<vmem>>) target_semaphore(%run_scoped3A : memref<!tpu.dma_semaphore, #tpu.memory_space<semaphore_mem>>)
          %dma_wait3A_73 = tpu.memref_slice %arg3[%multiple_of3A] : memref<204800xi32, #tpu.memory_space<hbm>> -> memref<128xi32, #tpu.memory_space<hbm>>
          %dma_wait3A_74 = tpu.memref_slice %arg3[%multiple_of3A] : memref<204800xi32, #tpu.memory_space<hbm>> -> memref<128xi32, #tpu.memory_space<hbm>>
          tpu.wait_dma2 semaphore(%run_scoped3A : memref<!tpu.dma_semaphore, #tpu.memory_space<semaphore_mem>>) src(%dma_wait3A_74 : memref<128xi32, #tpu.memory_space<hbm>>) dst(%arg10 : memref<128xi32, #tpu.memory_space<vmem>>)
          tpu.yield
        }) : () -> ()
      } else {
      }
      %and3A = arith.andi %le3A_32, %eq3A_34 : i1
      %convert_element_type3A_36 = arith.extui %and3A : i1 to i32
      %cond3A_37 = arith.constant 0 : i32
      %cond3A_38 = arith.cmpi ne, %convert_element_type3A_36, %cond3A_37 : i32
      scf.if %cond3A_38 {
        %mul3A_69 = arith.constant 128 : i32
        %mul3A_70 = arith.muli %scan3A_31, %mul3A_69 : i32
        %add3A_71 = arith.addi %mul3A_2, %mul3A_70 : i32
        %multiple_of3A = tpu.assume_multiple %add3A_71, 128 : i32
        "tpu.region"() ({
          %run_scoped3A = tpu.sem_alloc : memref<!tpu.dma_semaphore, #tpu.memory_space<semaphore_mem>>
          %dma_start3A_143 = tpu.memref_slice %arg4[%multiple_of3A] : memref<204800xi32, #tpu.memory_space<hbm>> -> memref<128xi32, #tpu.memory_space<hbm>>
          %dma_start3A_144 = tpu.memref_slice %arg4[%multiple_of3A] : memref<204800xi32, #tpu.memory_space<hbm>> -> memref<128xi32, #tpu.memory_space<hbm>>
          tpu.enqueue_dma source(%dma_start3A_144 : memref<128xi32, #tpu.memory_space<hbm>>) target(%arg12 : memref<128xi32, #tpu.memory_space<vmem>>) target_semaphore(%run_scoped3A : memref<!tpu.dma_semaphore, #tpu.memory_space<semaphore_mem>>)
          %dma_wait3A_145 = tpu.memref_slice %arg4[%multiple_of3A] : memref<204800xi32, #tpu.memory_space<hbm>> -> memref<128xi32, #tpu.memory_space<hbm>>
          %dma_wait3A_146 = tpu.memref_slice %arg4[%multiple_of3A] : memref<204800xi32, #tpu.memory_space<hbm>> -> memref<128xi32, #tpu.memory_space<hbm>>
          tpu.wait_dma2 semaphore(%run_scoped3A : memref<!tpu.dma_semaphore, #tpu.memory_space<semaphore_mem>>) src(%dma_wait3A_146 : memref<128xi32, #tpu.memory_space<hbm>>) dst(%arg12 : memref<128xi32, #tpu.memory_space<vmem>>)
          tpu.yield
        }) : () -> ()
        %scan3A_72 = arith.constant 0 : i32
        %scan3A_73 = arith.constant 0 : i32
        %scan3A_74 = arith.constant 8 : i32
        %scan3A_75 = arith.addi %scan3A_73, %scan3A_74 : i32
        %scan3A_76 = arith.constant 1 : i32
        scf.for %scan3A_143 = %scan3A_73 to %scan3A_75 step %scan3A_76  : i32 {
          %mul3A_144 = arith.constant 16 : i32
          %mul3A_145 = arith.muli %scan3A_143, %mul3A_144 : i32
          %get3A = arith.index_cast %mul3A_145 : i32 to index
          %get3A_146 = tpu.vector_load %arg9[%get3A] {strides = array<i32>} : memref<128xi32, #tpu.memory_space<vmem>>, vector<16xi32>,
          %mul3A_147 = arith.constant 16 : i32
          %mul3A_148 = arith.muli %scan3A_143, %mul3A_147 : i32
          %get3A_149 = arith.index_cast %mul3A_148 : i32 to index
          %get3A_150 = tpu.vector_load %arg10[%get3A_149] {strides = array<i32>} : memref<128xi32, #tpu.memory_space<vmem>>, vector<16xi32>,
          %mul3A_151 = arith.constant 16 : i32
          %mul3A_152 = arith.muli %scan3A_143, %mul3A_151 : i32
          %get3A_153 = arith.index_cast %mul3A_152 : i32 to index
          %get3A_154 = tpu.vector_load %arg12[%get3A_153] {strides = array<i32>} : memref<128xi32, #tpu.memory_space<vmem>>, vector<16xi32>,
          %mul3A_155 = arith.constant 50000 : i32
          %mul3A_156 = vector.broadcast %mul3A_155 : i32 to vector<16xi32>
          %mul3A_157 = arith.muli %get3A_146, %mul3A_156 : vector<16xi32>
          %add3A_158 = arith.addi %mul3A_157, %get3A_150 : vector<16xi32>
          %mul3A_159 = arith.constant 5000001 : i32
          %mul3A_160 = vector.broadcast %mul3A_159 : i32 to vector<16xi32>
          %mul3A_161 = arith.muli %get3A_154, %mul3A_160 : vector<16xi32>
          %add3A_162 = arith.addi %add3A_158, %mul3A_161 : vector<16xi32>
          %mul3A_163 = arith.constant 16 : i32
          %mul3A_164 = arith.muli %scan3A_143, %mul3A_163 : i32
          %swap3A = arith.constant 0 : i32
          %swap3A_165 = arith.index_cast %swap3A : i32 to index
          %swap3A_166 = arith.index_cast %mul3A_164 : i32 to index
          %swap3A_167 = tpu.vector_load %arg11[%swap3A_165, %swap3A_166] {strides = array<i32>} : memref<2x128xi32, #tpu.memory_space<vmem>>, vector<16xi32>,
          tpu.vector_store %arg11[%swap3A_165, %swap3A_166], %add3A_162 {strides = array<i32>} : memref<2x128xi32, #tpu.memory_space<vmem>>, vector<16xi32>,
          %add3A_168 = arith.constant 1 : i32
          %add3A_169 = vector.broadcast %add3A_168 : i32 to vector<16xi32>
          %add3A_170 = arith.addi %add3A_162, %add3A_169 : vector<16xi32>
          %mul3A_171 = arith.constant 16 : i32
          %mul3A_172 = arith.muli %scan3A_143, %mul3A_171 : i32
          %swap3A_173 = arith.constant 1 : i32
          %swap3A_174 = arith.index_cast %swap3A_173 : i32 to index
          %swap3A_175 = arith.index_cast %mul3A_172 : i32 to index
          %swap3A_176 = tpu.vector_load %arg11[%swap3A_174, %swap3A_175] {strides = array<i32>} : memref<2x128xi32, #tpu.memory_space<vmem>>, vector<16xi32>,
          tpu.vector_store %arg11[%swap3A_174, %swap3A_175], %add3A_170 {strides = array<i32>} : memref<2x128xi32, #tpu.memory_space<vmem>>, vector<16xi32>,
        }
        %scan3A_77 = arith.constant 8 : i32
        %dma_start3A = arith.constant 0 : i32
        %dma_start3A_78 = arith.constant 0 : i32
        %dma_start3A_79 = arith.constant 0 : i32
        %dma_start3A_80 = tpu.memref_slice %arg14[%dma_start3A_78, %dma_start3A_79] : memref<2x128xi32, #tpu.memory_space<vmem>> -> memref<1x128xi32, #tpu.memory_space<vmem>>
        %dma_start3A_81 = tpu.memref_squeeze %dma_start3A_80 : memref<1x128xi32, #tpu.memory_space<vmem>> -> memref<128xi32, #tpu.memory_space<vmem>>
        %dma_start3A_82 = arith.constant 0 : i32
        %dma_start3A_83 = tpu.memref_slice %arg11[%dma_start3A, %dma_start3A_82] : memref<2x128xi32, #tpu.memory_space<vmem>> -> memref<1x128xi32, #tpu.memory_space<vmem>>
        %dma_start3A_84 = tpu.memref_squeeze %dma_start3A_83 : memref<1x128xi32, #tpu.memory_space<vmem>> -> memref<128xi32, #tpu.memory_space<vmem>>
        %dma_start3A_85 = arith.constant 0 : i32
        %dma_start3A_86 = tpu.memref_slice %arg5[%dma_start3A_85] : memref<10000002xi32, #tpu.memory_space<hbm>> -> memref<10000002xi32, #tpu.memory_space<hbm>>
        tpu.enqueue_indirect_dma source(%dma_start3A_86 : memref<10000002xi32, #tpu.memory_space<hbm>>) target(%dma_start3A_81 : memref<128xi32, #tpu.memory_space<vmem>>) offsets(%dma_start3A_84 : memref<128xi32, #tpu.memory_space<vmem>>) semaphore(%arg24 : memref<!tpu.dma_semaphore, #tpu.memory_space<semaphore_mem>>)
        %dma_start3A_87 = arith.constant 1 : i32
        %dma_start3A_88 = arith.constant 1 : i32
        %dma_start3A_89 = arith.constant 0 : i32
        %dma_start3A_90 = tpu.memref_slice %arg14[%dma_start3A_88, %dma_start3A_89] : memref<2x128xi32, #tpu.memory_space<vmem>> -> memref<1x128xi32, #tpu.memory_space<vmem>>
        %dma_start3A_91 = tpu.memref_squeeze %dma_start3A_90 : memref<1x128xi32, #tpu.memory_space<vmem>> -> memref<128xi32, #tpu.memory_space<vmem>>
        %dma_start3A_92 = arith.constant 0 : i32
        %dma_start3A_93 = tpu.memref_slice %arg11[%dma_start3A_87, %dma_start3A_92] : memref<2x128xi32, #tpu.memory_space<vmem>> -> memref<1x128xi32, #tpu.memory_space<vmem>>
        %dma_start3A_94 = tpu.memref_squeeze %dma_start3A_93 : memref<1x128xi32, #tpu.memory_space<vmem>> -> memref<128xi32, #tpu.memory_space<vmem>>
        %dma_start3A_95 = arith.constant 0 : i32
        %dma_start3A_96 = tpu.memref_slice %arg5[%dma_start3A_95] : memref<10000002xi32, #tpu.memory_space<hbm>> -> memref<10000002xi32, #tpu.memory_space<hbm>>
        tpu.enqueue_indirect_dma source(%dma_start3A_96 : memref<10000002xi32, #tpu.memory_space<hbm>>) target(%dma_start3A_91 : memref<128xi32, #tpu.memory_space<vmem>>) offsets(%dma_start3A_94 : memref<128xi32, #tpu.memory_space<vmem>>) semaphore(%arg24 : memref<!tpu.dma_semaphore, #tpu.memory_space<semaphore_mem>>)
        %dma_wait3A_97 = arith.constant 0 : i32
        %dma_wait3A_98 = arith.constant 0 : i32
        %dma_wait3A_99 = arith.constant 0 : i32
        %dma_wait3A_100 = tpu.memref_slice %arg14[%dma_wait3A_98, %dma_wait3A_99] : memref<2x128xi32, #tpu.memory_space<vmem>> -> memref<1x128xi32, #tpu.memory_space<vmem>>
        %dma_wait3A_101 = tpu.memref_squeeze %dma_wait3A_100 : memref<1x128xi32, #tpu.memory_space<vmem>> -> memref<128xi32, #tpu.memory_space<vmem>>
        %dma_wait3A_102 = arith.constant 0 : i32
        %dma_wait3A_103 = tpu.memref_slice %arg11[%dma_wait3A_97, %dma_wait3A_102] : memref<2x128xi32, #tpu.memory_space<vmem>> -> memref<1x128xi32, #tpu.memory_space<vmem>>
        %dma_wait3A_104 = tpu.memref_squeeze %dma_wait3A_103 : memref<1x128xi32, #tpu.memory_space<vmem>> -> memref<128xi32, #tpu.memory_space<vmem>>
        %dma_wait3A_105 = arith.constant 0 : i32
        %dma_wait3A_106 = tpu.memref_slice %arg5[%dma_wait3A_105] : memref<10000002xi32, #tpu.memory_space<hbm>> -> memref<10000002xi32, #tpu.memory_space<hbm>>
        tpu.wait_indirect_dma semaphore(%arg24 : memref<!tpu.dma_semaphore, #tpu.memory_space<semaphore_mem>>) src(%dma_wait3A_106 : memref<10000002xi32, #tpu.memory_space<hbm>>) dst(%dma_wait3A_101 : memref<128xi32, #tpu.memory_space<vmem>>)
        %dma_wait3A_107 = arith.constant 1 : i32
        %dma_wait3A_108 = arith.constant 1 : i32
        %dma_wait3A_109 = arith.constant 0 : i32
        %dma_wait3A_110 = tpu.memref_slice %arg14[%dma_wait3A_108, %dma_wait3A_109] : memref<2x128xi32, #tpu.memory_space<vmem>> -> memref<1x128xi32, #tpu.memory_space<vmem>>
        %dma_wait3A_111 = tpu.memref_squeeze %dma_wait3A_110 : memref<1x128xi32, #tpu.memory_space<vmem>> -> memref<128xi32, #tpu.memory_space<vmem>>
        %dma_wait3A_112 = arith.constant 0 : i32
        %dma_wait3A_113 = tpu.memref_slice %arg11[%dma_wait3A_107, %dma_wait3A_112] : memref<2x128xi32, #tpu.memory_space<vmem>> -> memref<1x128xi32, #tpu.memory_space<vmem>>
        %dma_wait3A_114 = tpu.memref_squeeze %dma_wait3A_113 : memref<1x128xi32, #tpu.memory_space<vmem>> -> memref<128xi32, #tpu.memory_space<vmem>>
        %dma_wait3A_115 = arith.constant 0 : i32
        %dma_wait3A_116 = tpu.memref_slice %arg5[%dma_wait3A_115] : memref<10000002xi32, #tpu.memory_space<hbm>> -> memref<10000002xi32, #tpu.memory_space<hbm>>
        tpu.wait_indirect_dma semaphore(%arg24 : memref<!tpu.dma_semaphore, #tpu.memory_space<semaphore_mem>>) src(%dma_wait3A_116 : memref<10000002xi32, #tpu.memory_space<hbm>>) dst(%dma_wait3A_111 : memref<128xi32, #tpu.memory_space<vmem>>)
        %scan3A_117 = arith.constant 0 : i32
        %scan3A_118 = arith.constant 0 : i32
        %scan3A_119 = arith.constant 8 : i32
        %scan3A_120 = arith.addi %scan3A_118, %scan3A_119 : i32
        %scan3A_121 = arith.constant 1 : i32
        scf.for %scan3A_143 = %scan3A_118 to %scan3A_120 step %scan3A_121  : i32 {
          %mul3A_144 = arith.constant 16 : i32
          %mul3A_145 = arith.muli %scan3A_143, %mul3A_144 : i32
          %get3A = arith.constant 0 : i32
          %get3A_146 = arith.index_cast %get3A : i32 to index
          %get3A_147 = arith.index_cast %mul3A_145 : i32 to index
          %get3A_148 = tpu.vector_load %arg14[%get3A_146, %get3A_147] {strides = array<i32>} : memref<2x128xi32, #tpu.memory_space<vmem>>, vector<16xi32>,
          %mul3A_149 = arith.constant 16 : i32
          %mul3A_150 = arith.muli %scan3A_143, %mul3A_149 : i32
          %get3A_151 = arith.index_cast %mul3A_150 : i32 to index
          %get3A_152 = tpu.vector_load %arg12[%get3A_151] {strides = array<i32>} : memref<128xi32, #tpu.memory_space<vmem>>, vector<16xi32>,
          %mul3A_153 = arith.constant 5000256 : i32
          %mul3A_154 = vector.broadcast %mul3A_153 : i32 to vector<16xi32>
          %mul3A_155 = arith.muli %get3A_152, %mul3A_154 : vector<16xi32>
          %add3A_156 = arith.addi %get3A_148, %mul3A_155 : vector<16xi32>
          %shift_right_logical3A = arith.constant 7 : i32
          %shift_right_logical3A_157 = vector.broadcast %shift_right_logical3A : i32 to vector<16xi32>
          %shift_right_logical3A_158 = arith.shrui %add3A_156, %shift_right_logical3A_157 : vector<16xi32>
          %mul3A_159 = arith.constant 16 : i32
          %mul3A_160 = arith.muli %scan3A_143, %mul3A_159 : i32
          %swap3A = arith.constant 0 : i32
          %swap3A_161 = arith.index_cast %swap3A : i32 to index
          %swap3A_162 = arith.index_cast %mul3A_160 : i32 to index
          %swap3A_163 = tpu.vector_load %arg16[%swap3A_161, %swap3A_162] {strides = array<i32>} : memref<2x128xi32, #tpu.memory_space<vmem>>, vector<16xi32>,
          tpu.vector_store %arg16[%swap3A_161, %swap3A_162], %shift_right_logical3A_158 {strides = array<i32>} : memref<2x128xi32, #tpu.memory_space<vmem>>, vector<16xi32>,
          %add3A_164 = arith.constant 1 : i32
          %add3A_165 = vector.broadcast %add3A_164 : i32 to vector<16xi32>
          %add3A_166 = arith.addi %shift_right_logical3A_158, %add3A_165 : vector<16xi32>
          %mul3A_167 = arith.constant 16 : i32
          %mul3A_168 = arith.muli %scan3A_143, %mul3A_167 : i32
          %swap3A_169 = arith.constant 1 : i32
          %swap3A_170 = arith.index_cast %swap3A_169 : i32 to index
          %swap3A_171 = arith.index_cast %mul3A_168 : i32 to index
          %swap3A_172 = tpu.vector_load %arg16[%swap3A_170, %swap3A_171] {strides = array<i32>} : memref<2x128xi32, #tpu.memory_space<vmem>>, vector<16xi32>,
          tpu.vector_store %arg16[%swap3A_170, %swap3A_171], %add3A_166 {strides = array<i32>} : memref<2x128xi32, #tpu.memory_space<vmem>>, vector<16xi32>,
        }
        %scan3A_122 = arith.constant 8 : i32
        %dma_start3A_123 = arith.constant 0 : i32
        %dma_start3A_124 = arith.constant 0 : i32
        %dma_start3A_125 = arith.constant 0 : i32
        %dma_start3A_126 = tpu.memref_slice %arg18[%dma_start3A_124, %dma_start3A_125] : memref<128x256xi32, #tpu.memory_space<vmem>> -> memref<128x128xi32, #tpu.memory_space<vmem>>
        %dma_start3A_127 = arith.constant 0 : i32
        %dma_start3A_128 = tpu.memref_slice %arg16[%dma_start3A_123, %dma_start3A_127] : memref<2x128xi32, #tpu.memory_space<vmem>> -> memref<1x128xi32, #tpu.memory_space<vmem>>
        %dma_start3A_129 = tpu.memref_squeeze %dma_start3A_128 : memref<1x128xi32, #tpu.memory_space<vmem>> -> memref<128xi32, #tpu.memory_space<vmem>>
        %dma_start3A_130 = arith.constant 0 : i32
        %dma_start3A_131 = arith.constant 0 : i32
        %dma_start3A_132 = tpu.memref_slice %arg6[%dma_start3A_130, %dma_start3A_131] : memref<78129x128xi32, #tpu.memory_space<hbm>> -> memref<78129x128xi32, #tpu.memory_space<hbm>>
        tpu.enqueue_indirect_dma source(%dma_start3A_132 : memref<78129x128xi32, #tpu.memory_space<hbm>>) target(%dma_start3A_126 : memref<128x128xi32, #tpu.memory_space<vmem>>) offsets(%dma_start3A_129 : memref<128xi32, #tpu.memory_space<vmem>>) semaphore(%arg25 : memref<!tpu.dma_semaphore, #tpu.memory_space<semaphore_mem>>)
        %dma_start3A_133 = arith.constant 1 : i32
        %dma_start3A_134 = arith.constant 0 : i32
        %dma_start3A_135 = arith.constant 128 : i32
        %dma_start3A_136 = tpu.memref_slice %arg18[%dma_start3A_134, %dma_start3A_135] : memref<128x256xi32, #tpu.memory_space<vmem>> -> memref<128x128xi32, #tpu.memory_space<vmem>>
        %dma_start3A_137 = arith.constant 0 : i32
        %dma_start3A_138 = tpu.memref_slice %arg16[%dma_start3A_133, %dma_start3A_137] : memref<2x128xi32, #tpu.memory_space<vmem>> -> memref<1x128xi32, #tpu.memory_space<vmem>>
        %dma_start3A_139 = tpu.memref_squeeze %dma_start3A_138 : memref<1x128xi32, #tpu.memory_space<vmem>> -> memref<128xi32, #tpu.memory_space<vmem>>
        %dma_start3A_140 = arith.constant 0 : i32
        %dma_start3A_141 = arith.constant 0 : i32
        %dma_start3A_142 = tpu.memref_slice %arg6[%dma_start3A_140, %dma_start3A_141] : memref<78129x128xi32, #tpu.memory_space<hbm>> -> memref<78129x128xi32, #tpu.memory_space<hbm>>
        tpu.enqueue_indirect_dma source(%dma_start3A_142 : memref<78129x128xi32, #tpu.memory_space<hbm>>) target(%dma_start3A_136 : memref<128x128xi32, #tpu.memory_space<vmem>>) offsets(%dma_start3A_139 : memref<128xi32, #tpu.memory_space<vmem>>) semaphore(%arg25 : memref<!tpu.dma_semaphore, #tpu.memory_space<semaphore_mem>>)
      } else {
      }
      %not3A = arith.constant true
      %not3A_39 = arith.xori %eq3A_34, %not3A : i1
      %and3A_40 = arith.andi %le3A_32, %not3A_39 : i1
      %convert_element_type3A_41 = arith.extui %and3A_40 : i1 to i32
      %cond3A_42 = arith.constant 0 : i32
      %cond3A_43 = arith.cmpi ne, %convert_element_type3A_41, %cond3A_42 : i32
      scf.if %cond3A_43 {
        %mul3A_69 = arith.constant 128 : i32
        %mul3A_70 = arith.muli %scan3A_31, %mul3A_69 : i32
        %add3A_71 = arith.addi %mul3A_2, %mul3A_70 : i32
        %multiple_of3A = tpu.assume_multiple %add3A_71, 128 : i32
        "tpu.region"() ({
          %run_scoped3A = tpu.sem_alloc : memref<!tpu.dma_semaphore, #tpu.memory_space<semaphore_mem>>
          %dma_start3A_143 = tpu.memref_slice %arg4[%multiple_of3A] : memref<204800xi32, #tpu.memory_space<hbm>> -> memref<128xi32, #tpu.memory_space<hbm>>
          %dma_start3A_144 = tpu.memref_slice %arg4[%multiple_of3A] : memref<204800xi32, #tpu.memory_space<hbm>> -> memref<128xi32, #tpu.memory_space<hbm>>
          tpu.enqueue_dma source(%dma_start3A_144 : memref<128xi32, #tpu.memory_space<hbm>>) target(%arg13 : memref<128xi32, #tpu.memory_space<vmem>>) target_semaphore(%run_scoped3A : memref<!tpu.dma_semaphore, #tpu.memory_space<semaphore_mem>>)
          %dma_wait3A_145 = tpu.memref_slice %arg4[%multiple_of3A] : memref<204800xi32, #tpu.memory_space<hbm>> -> memref<128xi32, #tpu.memory_space<hbm>>
          %dma_wait3A_146 = tpu.memref_slice %arg4[%multiple_of3A] : memref<204800xi32, #tpu.memory_space<hbm>> -> memref<128xi32, #tpu.memory_space<hbm>>
          tpu.wait_dma2 semaphore(%run_scoped3A : memref<!tpu.dma_semaphore, #tpu.memory_space<semaphore_mem>>) src(%dma_wait3A_146 : memref<128xi32, #tpu.memory_space<hbm>>) dst(%arg13 : memref<128xi32, #tpu.memory_space<vmem>>)
          tpu.yield
        }) : () -> ()
        %scan3A_72 = arith.constant 0 : i32
        %scan3A_73 = arith.constant 0 : i32
        %scan3A_74 = arith.constant 8 : i32
        %scan3A_75 = arith.addi %scan3A_73, %scan3A_74 : i32
        %scan3A_76 = arith.constant 1 : i32
        scf.for %scan3A_143 = %scan3A_73 to %scan3A_75 step %scan3A_76  : i32 {
          %mul3A_144 = arith.constant 16 : i32
          %mul3A_145 = arith.muli %scan3A_143, %mul3A_144 : i32
          %get3A = arith.index_cast %mul3A_145 : i32 to index
          %get3A_146 = tpu.vector_load %arg9[%get3A] {strides = array<i32>} : memref<128xi32, #tpu.memory_space<vmem>>, vector<16xi32>,
          %mul3A_147 = arith.constant 16 : i32
          %mul3A_148 = arith.muli %scan3A_143, %mul3A_147 : i32
          %get3A_149 = arith.index_cast %mul3A_148 : i32 to index
          %get3A_150 = tpu.vector_load %arg10[%get3A_149] {strides = array<i32>} : memref<128xi32, #tpu.memory_space<vmem>>, vector<16xi32>,
          %mul3A_151 = arith.constant 16 : i32
          %mul3A_152 = arith.muli %scan3A_143, %mul3A_151 : i32
          %get3A_153 = arith.index_cast %mul3A_152 : i32 to index
          %get3A_154 = tpu.vector_load %arg13[%get3A_153] {strides = array<i32>} : memref<128xi32, #tpu.memory_space<vmem>>, vector<16xi32>,
          %mul3A_155 = arith.constant 50000 : i32
          %mul3A_156 = vector.broadcast %mul3A_155 : i32 to vector<16xi32>
          %mul3A_157 = arith.muli %get3A_146, %mul3A_156 : vector<16xi32>
          %add3A_158 = arith.addi %mul3A_157, %get3A_150 : vector<16xi32>
          %mul3A_159 = arith.constant 5000001 : i32
          %mul3A_160 = vector.broadcast %mul3A_159 : i32 to vector<16xi32>
          %mul3A_161 = arith.muli %get3A_154, %mul3A_160 : vector<16xi32>
          %add3A_162 = arith.addi %add3A_158, %mul3A_161 : vector<16xi32>
          %mul3A_163 = arith.constant 16 : i32
          %mul3A_164 = arith.muli %scan3A_143, %mul3A_163 : i32
          %swap3A = arith.constant 0 : i32
          %swap3A_165 = arith.index_cast %swap3A : i32 to index
          %swap3A_166 = arith.index_cast %mul3A_164 : i32 to index
          %swap3A_167 = tpu.vector_load %arg11[%swap3A_165, %swap3A_166] {strides = array<i32>} : memref<2x128xi32, #tpu.memory_space<vmem>>, vector<16xi32>,
          tpu.vector_store %arg11[%swap3A_165, %swap3A_166], %add3A_162 {strides = array<i32>} : memref<2x128xi32, #tpu.memory_space<vmem>>, vector<16xi32>,
          %add3A_168 = arith.constant 1 : i32
          %add3A_169 = vector.broadcast %add3A_168 : i32 to vector<16xi32>
          %add3A_170 = arith.addi %add3A_162, %add3A_169 : vector<16xi32>
          %mul3A_171 = arith.constant 16 : i32
          %mul3A_172 = arith.muli %scan3A_143, %mul3A_171 : i32
          %swap3A_173 = arith.constant 1 : i32
          %swap3A_174 = arith.index_cast %swap3A_173 : i32 to index
          %swap3A_175 = arith.index_cast %mul3A_172 : i32 to index
          %swap3A_176 = tpu.vector_load %arg11[%swap3A_174, %swap3A_175] {strides = array<i32>} : memref<2x128xi32, #tpu.memory_space<vmem>>, vector<16xi32>,
          tpu.vector_store %arg11[%swap3A_174, %swap3A_175], %add3A_170 {strides = array<i32>} : memref<2x128xi32, #tpu.memory_space<vmem>>, vector<16xi32>,
        }
        %scan3A_77 = arith.constant 8 : i32
        %dma_start3A = arith.constant 0 : i32
        %dma_start3A_78 = arith.constant 0 : i32
        %dma_start3A_79 = arith.constant 0 : i32
        %dma_start3A_80 = tpu.memref_slice %arg15[%dma_start3A_78, %dma_start3A_79] : memref<2x128xi32, #tpu.memory_space<vmem>> -> memref<1x128xi32, #tpu.memory_space<vmem>>
        %dma_start3A_81 = tpu.memref_squeeze %dma_start3A_80 : memref<1x128xi32, #tpu.memory_space<vmem>> -> memref<128xi32, #tpu.memory_space<vmem>>
        %dma_start3A_82 = arith.constant 0 : i32
        %dma_start3A_83 = tpu.memref_slice %arg11[%dma_start3A, %dma_start3A_82] : memref<2x128xi32, #tpu.memory_space<vmem>> -> memref<1x128xi32, #tpu.memory_space<vmem>>
        %dma_start3A_84 = tpu.memref_squeeze %dma_start3A_83 : memref<1x128xi32, #tpu.memory_space<vmem>> -> memref<128xi32, #tpu.memory_space<vmem>>
        %dma_start3A_85 = arith.constant 0 : i32
        %dma_start3A_86 = tpu.memref_slice %arg5[%dma_start3A_85] : memref<10000002xi32, #tpu.memory_space<hbm>> -> memref<10000002xi32, #tpu.memory_space<hbm>>
        tpu.enqueue_indirect_dma source(%dma_start3A_86 : memref<10000002xi32, #tpu.memory_space<hbm>>) target(%dma_start3A_81 : memref<128xi32, #tpu.memory_space<vmem>>) offsets(%dma_start3A_84 : memref<128xi32, #tpu.memory_space<vmem>>) semaphore(%arg24 : memref<!tpu.dma_semaphore, #tpu.memory_space<semaphore_mem>>)
        %dma_start3A_87 = arith.constant 1 : i32
        %dma_start3A_88 = arith.constant 1 : i32
        %dma_start3A_89 = arith.constant 0 : i32
        %dma_start3A_90 = tpu.memref_slice %arg15[%dma_start3A_88, %dma_start3A_89] : memref<2x128xi32, #tpu.memory_space<vmem>> -> memref<1x128xi32, #tpu.memory_space<vmem>>
        %dma_start3A_91 = tpu.memref_squeeze %dma_start3A_90 : memref<1x128xi32, #tpu.memory_space<vmem>> -> memref<128xi32, #tpu.memory_space<vmem>>
        %dma_start3A_92 = arith.constant 0 : i32
        %dma_start3A_93 = tpu.memref_slice %arg11[%dma_start3A_87, %dma_start3A_92] : memref<2x128xi32, #tpu.memory_space<vmem>> -> memref<1x128xi32, #tpu.memory_space<vmem>>
        %dma_start3A_94 = tpu.memref_squeeze %dma_start3A_93 : memref<1x128xi32, #tpu.memory_space<vmem>> -> memref<128xi32, #tpu.memory_space<vmem>>
        %dma_start3A_95 = arith.constant 0 : i32
        %dma_start3A_96 = tpu.memref_slice %arg5[%dma_start3A_95] : memref<10000002xi32, #tpu.memory_space<hbm>> -> memref<10000002xi32, #tpu.memory_space<hbm>>
        tpu.enqueue_indirect_dma source(%dma_start3A_96 : memref<10000002xi32, #tpu.memory_space<hbm>>) target(%dma_start3A_91 : memref<128xi32, #tpu.memory_space<vmem>>) offsets(%dma_start3A_94 : memref<128xi32, #tpu.memory_space<vmem>>) semaphore(%arg24 : memref<!tpu.dma_semaphore, #tpu.memory_space<semaphore_mem>>)
        %dma_wait3A_97 = arith.constant 0 : i32
        %dma_wait3A_98 = arith.constant 0 : i32
        %dma_wait3A_99 = arith.constant 0 : i32
        %dma_wait3A_100 = tpu.memref_slice %arg15[%dma_wait3A_98, %dma_wait3A_99] : memref<2x128xi32, #tpu.memory_space<vmem>> -> memref<1x128xi32, #tpu.memory_space<vmem>>
        %dma_wait3A_101 = tpu.memref_squeeze %dma_wait3A_100 : memref<1x128xi32, #tpu.memory_space<vmem>> -> memref<128xi32, #tpu.memory_space<vmem>>
        %dma_wait3A_102 = arith.constant 0 : i32
        %dma_wait3A_103 = tpu.memref_slice %arg11[%dma_wait3A_97, %dma_wait3A_102] : memref<2x128xi32, #tpu.memory_space<vmem>> -> memref<1x128xi32, #tpu.memory_space<vmem>>
        %dma_wait3A_104 = tpu.memref_squeeze %dma_wait3A_103 : memref<1x128xi32, #tpu.memory_space<vmem>> -> memref<128xi32, #tpu.memory_space<vmem>>
        %dma_wait3A_105 = arith.constant 0 : i32
        %dma_wait3A_106 = tpu.memref_slice %arg5[%dma_wait3A_105] : memref<10000002xi32, #tpu.memory_space<hbm>> -> memref<10000002xi32, #tpu.memory_space<hbm>>
        tpu.wait_indirect_dma semaphore(%arg24 : memref<!tpu.dma_semaphore, #tpu.memory_space<semaphore_mem>>) src(%dma_wait3A_106 : memref<10000002xi32, #tpu.memory_space<hbm>>) dst(%dma_wait3A_101 : memref<128xi32, #tpu.memory_space<vmem>>)
        %dma_wait3A_107 = arith.constant 1 : i32
        %dma_wait3A_108 = arith.constant 1 : i32
        %dma_wait3A_109 = arith.constant 0 : i32
        %dma_wait3A_110 = tpu.memref_slice %arg15[%dma_wait3A_108, %dma_wait3A_109] : memref<2x128xi32, #tpu.memory_space<vmem>> -> memref<1x128xi32, #tpu.memory_space<vmem>>
        %dma_wait3A_111 = tpu.memref_squeeze %dma_wait3A_110 : memref<1x128xi32, #tpu.memory_space<vmem>> -> memref<128xi32, #tpu.memory_space<vmem>>
        %dma_wait3A_112 = arith.constant 0 : i32
        %dma_wait3A_113 = tpu.memref_slice %arg11[%dma_wait3A_107, %dma_wait3A_112] : memref<2x128xi32, #tpu.memory_space<vmem>> -> memref<1x128xi32, #tpu.memory_space<vmem>>
        %dma_wait3A_114 = tpu.memref_squeeze %dma_wait3A_113 : memref<1x128xi32, #tpu.memory_space<vmem>> -> memref<128xi32, #tpu.memory_space<vmem>>
        %dma_wait3A_115 = arith.constant 0 : i32
        %dma_wait3A_116 = tpu.memref_slice %arg5[%dma_wait3A_115] : memref<10000002xi32, #tpu.memory_space<hbm>> -> memref<10000002xi32, #tpu.memory_space<hbm>>
        tpu.wait_indirect_dma semaphore(%arg24 : memref<!tpu.dma_semaphore, #tpu.memory_space<semaphore_mem>>) src(%dma_wait3A_116 : memref<10000002xi32, #tpu.memory_space<hbm>>) dst(%dma_wait3A_111 : memref<128xi32, #tpu.memory_space<vmem>>)
        %scan3A_117 = arith.constant 0 : i32
        %scan3A_118 = arith.constant 0 : i32
        %scan3A_119 = arith.constant 8 : i32
        %scan3A_120 = arith.addi %scan3A_118, %scan3A_119 : i32
        %scan3A_121 = arith.constant 1 : i32
        scf.for %scan3A_143 = %scan3A_118 to %scan3A_120 step %scan3A_121  : i32 {
          %mul3A_144 = arith.constant 16 : i32
          %mul3A_145 = arith.muli %scan3A_143, %mul3A_144 : i32
          %get3A = arith.constant 0 : i32
          %get3A_146 = arith.index_cast %get3A : i32 to index
          %get3A_147 = arith.index_cast %mul3A_145 : i32 to index
          %get3A_148 = tpu.vector_load %arg15[%get3A_146, %get3A_147] {strides = array<i32>} : memref<2x128xi32, #tpu.memory_space<vmem>>, vector<16xi32>,
          %mul3A_149 = arith.constant 16 : i32
          %mul3A_150 = arith.muli %scan3A_143, %mul3A_149 : i32
          %get3A_151 = arith.index_cast %mul3A_150 : i32 to index
          %get3A_152 = tpu.vector_load %arg13[%get3A_151] {strides = array<i32>} : memref<128xi32, #tpu.memory_space<vmem>>, vector<16xi32>,
          %mul3A_153 = arith.constant 5000256 : i32
          %mul3A_154 = vector.broadcast %mul3A_153 : i32 to vector<16xi32>
          %mul3A_155 = arith.muli %get3A_152, %mul3A_154 : vector<16xi32>
          %add3A_156 = arith.addi %get3A_148, %mul3A_155 : vector<16xi32>
          %shift_right_logical3A = arith.constant 7 : i32
          %shift_right_logical3A_157 = vector.broadcast %shift_right_logical3A : i32 to vector<16xi32>
          %shift_right_logical3A_158 = arith.shrui %add3A_156, %shift_right_logical3A_157 : vector<16xi32>
          %mul3A_159 = arith.constant 16 : i32
          %mul3A_160 = arith.muli %scan3A_143, %mul3A_159 : i32
          %swap3A = arith.constant 0 : i32
          %swap3A_161 = arith.index_cast %swap3A : i32 to index
          %swap3A_162 = arith.index_cast %mul3A_160 : i32 to index
          %swap3A_163 = tpu.vector_load %arg17[%swap3A_161, %swap3A_162] {strides = array<i32>} : memref<2x128xi32, #tpu.memory_space<vmem>>, vector<16xi32>,
          tpu.vector_store %arg17[%swap3A_161, %swap3A_162], %shift_right_logical3A_158 {strides = array<i32>} : memref<2x128xi32, #tpu.memory_space<vmem>>, vector<16xi32>,
          %add3A_164 = arith.constant 1 : i32
          %add3A_165 = vector.broadcast %add3A_164 : i32 to vector<16xi32>
          %add3A_166 = arith.addi %shift_right_logical3A_158, %add3A_165 : vector<16xi32>
          %mul3A_167 = arith.constant 16 : i32
          %mul3A_168 = arith.muli %scan3A_143, %mul3A_167 : i32
          %swap3A_169 = arith.constant 1 : i32
          %swap3A_170 = arith.index_cast %swap3A_169 : i32 to index
          %swap3A_171 = arith.index_cast %mul3A_168 : i32 to index
          %swap3A_172 = tpu.vector_load %arg17[%swap3A_170, %swap3A_171] {strides = array<i32>} : memref<2x128xi32, #tpu.memory_space<vmem>>, vector<16xi32>,
          tpu.vector_store %arg17[%swap3A_170, %swap3A_171], %add3A_166 {strides = array<i32>} : memref<2x128xi32, #tpu.memory_space<vmem>>, vector<16xi32>,
        }
        %scan3A_122 = arith.constant 8 : i32
        %dma_start3A_123 = arith.constant 0 : i32
        %dma_start3A_124 = arith.constant 0 : i32
        %dma_start3A_125 = arith.constant 0 : i32
        %dma_start3A_126 = tpu.memref_slice %arg19[%dma_start3A_124, %dma_start3A_125] : memref<128x256xi32, #tpu.memory_space<vmem>> -> memref<128x128xi32, #tpu.memory_space<vmem>>
        %dma_start3A_127 = arith.constant 0 : i32
        %dma_start3A_128 = tpu.memref_slice %arg17[%dma_start3A_123, %dma_start3A_127] : memref<2x128xi32, #tpu.memory_space<vmem>> -> memref<1x128xi32, #tpu.memory_space<vmem>>
        %dma_start3A_129 = tpu.memref_squeeze %dma_start3A_128 : memref<1x128xi32, #tpu.memory_space<vmem>> -> memref<128xi32, #tpu.memory_space<vmem>>
        %dma_start3A_130 = arith.constant 0 : i32
        %dma_start3A_131 = arith.constant 0 : i32
        %dma_start3A_132 = tpu.memref_slice %arg6[%dma_start3A_130, %dma_start3A_131] : memref<78129x128xi32, #tpu.memory_space<hbm>> -> memref<78129x128xi32, #tpu.memory_space<hbm>>
        tpu.enqueue_indirect_dma source(%dma_start3A_132 : memref<78129x128xi32, #tpu.memory_space<hbm>>) target(%dma_start3A_126 : memref<128x128xi32, #tpu.memory_space<vmem>>) offsets(%dma_start3A_129 : memref<128xi32, #tpu.memory_space<vmem>>) semaphore(%arg26 : memref<!tpu.dma_semaphore, #tpu.memory_space<semaphore_mem>>)
        %dma_start3A_133 = arith.constant 1 : i32
        %dma_start3A_134 = arith.constant 0 : i32
        %dma_start3A_135 = arith.constant 128 : i32
        %dma_start3A_136 = tpu.memref_slice %arg19[%dma_start3A_134, %dma_start3A_135] : memref<128x256xi32, #tpu.memory_space<vmem>> -> memref<128x128xi32, #tpu.memory_space<vmem>>
        %dma_start3A_137 = arith.constant 0 : i32
        %dma_start3A_138 = tpu.memref_slice %arg17[%dma_start3A_133, %dma_start3A_137] : memref<2x128xi32, #tpu.memory_space<vmem>> -> memref<1x128xi32, #tpu.memory_space<vmem>>
        %dma_start3A_139 = tpu.memref_squeeze %dma_start3A_138 : memref<1x128xi32, #tpu.memory_space<vmem>> -> memref<128xi32, #tpu.memory_space<vmem>>
        %dma_start3A_140 = arith.constant 0 : i32
        %dma_start3A_141 = arith.constant 0 : i32
        %dma_start3A_142 = tpu.memref_slice %arg6[%dma_start3A_140, %dma_start3A_141] : memref<78129x128xi32, #tpu.memory_space<hbm>> -> memref<78129x128xi32, #tpu.memory_space<hbm>>
        tpu.enqueue_indirect_dma source(%dma_start3A_142 : memref<78129x128xi32, #tpu.memory_space<hbm>>) target(%dma_start3A_136 : memref<128x128xi32, #tpu.memory_space<vmem>>) offsets(%dma_start3A_139 : memref<128xi32, #tpu.memory_space<vmem>>) semaphore(%arg26 : memref<!tpu.dma_semaphore, #tpu.memory_space<semaphore_mem>>)
      } else {
      }
      %ge3A = arith.constant 1 : i32
      %ge3A_44 = arith.cmpi sge, %scan3A_31, %ge3A : i32
      %ge3A_45 = arith.constant 3 : i32
      %ge3A_46 = arith.cmpi sge, %scan3A_31, %ge3A_45 : i32
      %and3A_47 = arith.andi %ge3A_44, %ge3A_46 : i1
      %not3A_48 = arith.constant true
      %not3A_49 = arith.xori %eq3A_34, %not3A_48 : i1
      %and3A_50 = arith.andi %and3A_47, %not3A_49 : i1
      %convert_element_type3A_51 = arith.extui %and3A_50 : i1 to i32
      %cond3A_52 = arith.constant 0 : i32
      %cond3A_53 = arith.cmpi ne, %convert_element_type3A_51, %cond3A_52 : i32
      scf.if %cond3A_53 {
        %dma_wait3A_69 = arith.constant 0 : i32
        %dma_wait3A_70 = arith.constant 0 : i32
        %dma_wait3A_71 = tpu.memref_slice %arg7[%dma_wait3A_69, %dma_wait3A_70] : memref<102400x128xi32, #tpu.memory_space<hbm>> -> memref<64x128xi32, #tpu.memory_space<hbm>>
        %dma_wait3A_72 = arith.constant 0 : i32
        %dma_wait3A_73 = arith.constant 0 : i32
        %dma_wait3A_74 = tpu.memref_slice %arg7[%dma_wait3A_72, %dma_wait3A_73] : memref<102400x128xi32, #tpu.memory_space<hbm>> -> memref<64x128xi32, #tpu.memory_space<hbm>>
        tpu.wait_dma2 semaphore(%arg27 : memref<!tpu.dma_semaphore, #tpu.memory_space<semaphore_mem>>) src(%arg20 : memref<64x128xi32, #tpu.memory_space<vmem>>) dst(%dma_wait3A_74 : memref<64x128xi32, #tpu.memory_space<hbm>>)
        %dma_wait3A_75 = arith.constant 0 : i32
        %dma_wait3A_76 = arith.constant 0 : i32
        %dma_wait3A_77 = tpu.memref_slice %arg8[%dma_wait3A_75, %dma_wait3A_76] : memref<102400x128xi32, #tpu.memory_space<hbm>> -> memref<64x128xi32, #tpu.memory_space<hbm>>
        %dma_wait3A_78 = arith.constant 0 : i32
        %dma_wait3A_79 = arith.constant 0 : i32
        %dma_wait3A_80 = tpu.memref_slice %arg8[%dma_wait3A_78, %dma_wait3A_79] : memref<102400x128xi32, #tpu.memory_space<hbm>> -> memref<64x128xi32, #tpu.memory_space<hbm>>
        tpu.wait_dma2 semaphore(%arg27 : memref<!tpu.dma_semaphore, #tpu.memory_space<semaphore_mem>>) src(%arg22 : memref<64x128xi32, #tpu.memory_space<vmem>>) dst(%dma_wait3A_80 : memref<64x128xi32, #tpu.memory_space<hbm>>)
      } else {
      }
      %and3A_54 = arith.andi %ge3A_44, %ge3A_46 : i1
      %and3A_55 = arith.andi %and3A_54, %eq3A_34 : i1
      %convert_element_type3A_56 = arith.extui %and3A_55 : i1 to i32
      %cond3A_57 = arith.constant 0 : i32
      %cond3A_58 = arith.cmpi ne, %convert_element_type3A_56, %cond3A_57 : i32
      scf.if %cond3A_58 {
        %dma_wait3A_69 = arith.constant 0 : i32
        %dma_wait3A_70 = arith.constant 0 : i32
        %dma_wait3A_71 = tpu.memref_slice %arg7[%dma_wait3A_69, %dma_wait3A_70] : memref<102400x128xi32, #tpu.memory_space<hbm>> -> memref<64x128xi32, #tpu.memory_space<hbm>>
        %dma_wait3A_72 = arith.constant 0 : i32
        %dma_wait3A_73 = arith.constant 0 : i32
        %dma_wait3A_74 = tpu.memref_slice %arg7[%dma_wait3A_72, %dma_wait3A_73] : memref<102400x128xi32, #tpu.memory_space<hbm>> -> memref<64x128xi32, #tpu.memory_space<hbm>>
        tpu.wait_dma2 semaphore(%arg28 : memref<!tpu.dma_semaphore, #tpu.memory_space<semaphore_mem>>) src(%arg21 : memref<64x128xi32, #tpu.memory_space<vmem>>) dst(%dma_wait3A_74 : memref<64x128xi32, #tpu.memory_space<hbm>>)
        %dma_wait3A_75 = arith.constant 0 : i32
        %dma_wait3A_76 = arith.constant 0 : i32
        %dma_wait3A_77 = tpu.memref_slice %arg8[%dma_wait3A_75, %dma_wait3A_76] : memref<102400x128xi32, #tpu.memory_space<hbm>> -> memref<64x128xi32, #tpu.memory_space<hbm>>
        %dma_wait3A_78 = arith.constant 0 : i32
        %dma_wait3A_79 = arith.constant 0 : i32
        %dma_wait3A_80 = tpu.memref_slice %arg8[%dma_wait3A_78, %dma_wait3A_79] : memref<102400x128xi32, #tpu.memory_space<hbm>> -> memref<64x128xi32, #tpu.memory_space<hbm>>
        tpu.wait_dma2 semaphore(%arg28 : memref<!tpu.dma_semaphore, #tpu.memory_space<semaphore_mem>>) src(%arg23 : memref<64x128xi32, #tpu.memory_space<vmem>>) dst(%dma_wait3A_80 : memref<64x128xi32, #tpu.memory_space<hbm>>)
      } else {
      }
      %not3A_59 = arith.constant true
      %not3A_60 = arith.xori %eq3A_34, %not3A_59 : i1
      %and3A_61 = arith.andi %ge3A_44, %not3A_60 : i1
      %convert_element_type3A_62 = arith.extui %and3A_61 : i1 to i32
      %cond3A_63 = arith.constant 0 : i32
      %cond3A_64 = arith.cmpi ne, %convert_element_type3A_62, %cond3A_63 : i32
      scf.if %cond3A_64 {
        %dma_wait3A_69 = arith.constant 0 : i32
        %dma_wait3A_70 = arith.constant 0 : i32
        %dma_wait3A_71 = arith.constant 0 : i32
        %dma_wait3A_72 = tpu.memref_slice %arg18[%dma_wait3A_70, %dma_wait3A_71] : memref<128x256xi32, #tpu.memory_space<vmem>> -> memref<128x128xi32, #tpu.memory_space<vmem>>
        %dma_wait3A_73 = arith.constant 0 : i32
        %dma_wait3A_74 = tpu.memref_slice %arg16[%dma_wait3A_69, %dma_wait3A_73] : memref<2x128xi32, #tpu.memory_space<vmem>> -> memref<1x128xi32, #tpu.memory_space<vmem>>
        %dma_wait3A_75 = tpu.memref_squeeze %dma_wait3A_74 : memref<1x128xi32, #tpu.memory_space<vmem>> -> memref<128xi32, #tpu.memory_space<vmem>>
        %dma_wait3A_76 = arith.constant 0 : i32
        %dma_wait3A_77 = arith.constant 0 : i32
        %dma_wait3A_78 = tpu.memref_slice %arg6[%dma_wait3A_76, %dma_wait3A_77] : memref<78129x128xi32, #tpu.memory_space<hbm>> -> memref<78129x128xi32, #tpu.memory_space<hbm>>
        tpu.wait_indirect_dma semaphore(%arg25 : memref<!tpu.dma_semaphore, #tpu.memory_space<semaphore_mem>>) src(%dma_wait3A_78 : memref<78129x128xi32, #tpu.memory_space<hbm>>) dst(%dma_wait3A_72 : memref<128x128xi32, #tpu.memory_space<vmem>>)
        %dma_wait3A_79 = arith.constant 1 : i32
        %dma_wait3A_80 = arith.constant 0 : i32
        %dma_wait3A_81 = arith.constant 128 : i32
        %dma_wait3A_82 = tpu.memref_slice %arg18[%dma_wait3A_80, %dma_wait3A_81] : memref<128x256xi32, #tpu.memory_space<vmem>> -> memref<128x128xi32, #tpu.memory_space<vmem>>
        %dma_wait3A_83 = arith.constant 0 : i32
        %dma_wait3A_84 = tpu.memref_slice %arg16[%dma_wait3A_79, %dma_wait3A_83] : memref<2x128xi32, #tpu.memory_space<vmem>> -> memref<1x128xi32, #tpu.memory_space<vmem>>
        %dma_wait3A_85 = tpu.memref_squeeze %dma_wait3A_84 : memref<1x128xi32, #tpu.memory_space<vmem>> -> memref<128xi32, #tpu.memory_space<vmem>>
        %dma_wait3A_86 = arith.constant 0 : i32
        %dma_wait3A_87 = arith.constant 0 : i32
        %dma_wait3A_88 = tpu.memref_slice %arg6[%dma_wait3A_86, %dma_wait3A_87] : memref<78129x128xi32, #tpu.memory_space<hbm>> -> memref<78129x128xi32, #tpu.memory_space<hbm>>
        tpu.wait_indirect_dma semaphore(%arg25 : memref<!tpu.dma_semaphore, #tpu.memory_space<semaphore_mem>>) src(%dma_wait3A_88 : memref<78129x128xi32, #tpu.memory_space<hbm>>) dst(%dma_wait3A_82 : memref<128x128xi32, #tpu.memory_space<vmem>>)
        %scan3A_89 = arith.constant 0 : i32
        %scan3A_90 = arith.constant 0 : i32
        %scan3A_91 = arith.constant 8 : i32
        %scan3A_92 = arith.addi %scan3A_90, %scan3A_91 : i32
        %scan3A_93 = arith.constant 1 : i32
        scf.for %scan3A_126 = %scan3A_90 to %scan3A_92 step %scan3A_93  : i32 {
          %mul3A_127 = arith.constant 16 : i32
          %mul3A_128 = arith.muli %scan3A_126, %mul3A_127 : i32
          %get3A = arith.constant 0 : i32
          %get3A_129 = arith.index_cast %get3A : i32 to index
          %get3A_130 = arith.index_cast %mul3A_128 : i32 to index
          %get3A_131 = tpu.vector_load %arg14[%get3A_129, %get3A_130] {strides = array<i32>} : memref<2x128xi32, #tpu.memory_space<vmem>>, vector<16xi32>,
          %get3A_132 = arith.constant 1 : i32
          %get3A_133 = arith.index_cast %get3A_132 : i32 to index
          %get3A_134 = arith.index_cast %mul3A_128 : i32 to index
          %get3A_135 = tpu.vector_load %arg14[%get3A_133, %get3A_134] {strides = array<i32>} : memref<2x128xi32, #tpu.memory_space<vmem>>, vector<16xi32>,
          %get3A_136 = arith.index_cast %mul3A_128 : i32 to index
          %get3A_137 = tpu.vector_load %arg12[%get3A_136] {strides = array<i32>} : memref<128xi32, #tpu.memory_space<vmem>>, vector<16xi32>,
          %mul3A_138 = arith.constant 5000256 : i32
          %mul3A_139 = vector.broadcast %mul3A_138 : i32 to vector<16xi32>
          %mul3A_140 = arith.muli %get3A_137, %mul3A_139 : vector<16xi32>
          %add3A_141 = arith.addi %get3A_131, %mul3A_140 : vector<16xi32>
          %sub3A_142 = arith.subi %get3A_135, %get3A_131 : vector<16xi32>
          %add3A_143 = vector.broadcast %mul3A_128 : i32 to vector<16xi32>
          %add3A_144 = arith.addi %iota3A, %add3A_143 : vector<16xi32>
          %mul3A_145 = arith.constant 256 : i32
          %mul3A_146 = vector.broadcast %mul3A_145 : i32 to vector<16xi32>
          %mul3A_147 = arith.muli %add3A_144, %mul3A_146 : vector<16xi32>
          %and3A_148 = arith.constant 127 : i32
          %and3A_149 = vector.broadcast %and3A_148 : i32 to vector<16xi32>
          %and3A_150 = arith.andi %add3A_141, %and3A_149 : vector<16xi32>
          %add3A_151 = arith.addi %mul3A_147, %and3A_150 : vector<16xi32>
          %mul3A_152 = arith.constant 8 : i32
          %mul3A_153 = arith.muli %scan3A_126, %mul3A_152 : i32
          %broadcast_in_dim3A = arith.constant 0 : i32
          %broadcast_in_dim3A_154 = vector.broadcast %broadcast_in_dim3A : i32 to vector<16x1xi32>
          %gather3A = vector.shape_cast %broadcast_in_dim3A_154 : vector<16x1xi32> to vector<16xi32>
          %gather3A_155 = tpu.dynamic_gather %add3A_151[%gather3A] in [0] : vector<16xi32>, vector<16xi32> -> vector<16xi32>
          %broadcast_in_dim3A_156 = arith.constant 0 : i32
          %broadcast_in_dim3A_157 = vector.broadcast %broadcast_in_dim3A_156 : i32 to vector<16x1xi32>
          %gather3A_158 = vector.shape_cast %broadcast_in_dim3A_157 : vector<16x1xi32> to vector<16xi32>
          %gather3A_159 = tpu.dynamic_gather %sub3A_142[%gather3A_158] in [0] : vector<16xi32>, vector<16xi32> -> vector<16xi32>
          %add3A_160 = arith.constant 0 : i32
          %add3A_161 = arith.addi %mul3A_153, %add3A_160 : i32
          %add3A_162 = arith.constant 0 : i32
          %add3A_163 = vector.broadcast %add3A_162 : i32 to vector<16xi32>
          %add3A_164 = arith.addi %iota3A, %add3A_163 : vector<16xi32>
          %add3A_165 = arith.addi %gather3A_155, %add3A_164 : vector<16xi32>
          %shift_right_logical3A = arith.constant 8 : i32
          %shift_right_logical3A_166 = vector.broadcast %shift_right_logical3A : i32 to vector<16xi32>
          %shift_right_logical3A_167 = arith.shrui %add3A_165, %shift_right_logical3A_166 : vector<16xi32>
          %and3A_168 = arith.constant 255 : i32
          %and3A_169 = vector.broadcast %and3A_168 : i32 to vector<16xi32>
          %and3A_170 = arith.andi %add3A_165, %and3A_169 : vector<16xi32>
          %gather3A_171 = tpu.vector_load_idx %arg18[%shift_right_logical3A_167, %and3A_170] : memref<128x256xi32, #tpu.memory_space<vmem>>[vector<16xi32>, vector<16xi32>], vector<16xi32>,
          %swap3A = arith.index_cast %add3A_161 : i32 to index
          %swap3A_172 = arith.constant 0 : index
          %swap3A_173 = tpu.vector_load %arg20[%swap3A, %swap3A_172] {strides = array<i32>} : memref<64x128xi32, #tpu.memory_space<vmem>>, vector<16xi32>,
          tpu.vector_store %arg20[%swap3A, %swap3A_172], %gather3A_171 {strides = array<i32>} : memref<64x128xi32, #tpu.memory_space<vmem>>, vector<16xi32>,
          %sub3A_174 = arith.subi %gather3A_159, %add3A_164 : vector<16xi32>
          %max3A = arith.constant 0 : i32
          %max3A_175 = vector.broadcast %max3A : i32 to vector<16xi32>
          %max3A_176 = arith.maxsi %sub3A_174, %max3A_175 : vector<16xi32>
          %min3A = arith.constant 1 : i32
          %min3A_177 = vector.broadcast %min3A : i32 to vector<16xi32>
          %min3A_178 = arith.minsi %max3A_176, %min3A_177 : vector<16xi32>
          %swap3A_179 = arith.index_cast %add3A_161 : i32 to index
          %swap3A_180 = arith.constant 0 : index
          %swap3A_181 = tpu.vector_load %arg22[%swap3A_179, %swap3A_180] {strides = array<i32>} : memref<64x128xi32, #tpu.memory_space<vmem>>, vector<16xi32>,
          tpu.vector_store %arg22[%swap3A_179, %swap3A_180], %min3A_178 {strides = array<i32>} : memref<64x128xi32, #tpu.memory_space<vmem>>, vector<16xi32>,
          %add3A_182 = arith.constant 16 : i32
          %add3A_183 = vector.broadcast %add3A_182 : i32 to vector<16xi32>
          %add3A_184 = arith.addi %iota3A, %add3A_183 : vector<16xi32>
          %add3A_185 = arith.addi %gather3A_155, %add3A_184 : vector<16xi32>
          %shift_right_logical3A_186 = arith.constant 8 : i32
          %shift_right_logical3A_187 = vector.broadcast %shift_right_logical3A_186 : i32 to vector<16xi32>
          %shift_right_logical3A_188 = arith.shrui %add3A_185, %shift_right_logical3A_187 : vector<16xi32>
          %and3A_189 = arith.constant 255 : i32
          %and3A_190 = vector.broadcast %and3A_189 : i32 to vector<16xi32>
          %and3A_191 = arith.andi %add3A_185, %and3A_190 : vector<16xi32>
          %gather3A_192 = tpu.vector_load_idx %arg18[%shift_right_logical3A_188, %and3A_191] : memref<128x256xi32, #tpu.memory_space<vmem>>[vector<16xi32>, vector<16xi32>], vector<16xi32>,
          %swap3A_193 = arith.index_cast %add3A_161 : i32 to index
          %swap3A_194 = arith.constant 16 : index
          %swap3A_195 = tpu.vector_load %arg20[%swap3A_193, %swap3A_194] {strides = array<i32>} : memref<64x128xi32, #tpu.memory_space<vmem>>, vector<16xi32>,
          tpu.vector_store %arg20[%swap3A_193, %swap3A_194], %gather3A_192 {strides = array<i32>} : memref<64x128xi32, #tpu.memory_space<vmem>>, vector<16xi32>,
          %sub3A_196 = arith.subi %gather3A_159, %add3A_184 : vector<16xi32>
          %max3A_197 = arith.constant 0 : i32
          %max3A_198 = vector.broadcast %max3A_197 : i32 to vector<16xi32>
          %max3A_199 = arith.maxsi %sub3A_196, %max3A_198 : vector<16xi32>
          %min3A_200 = arith.constant 1 : i32
          %min3A_201 = vector.broadcast %min3A_200 : i32 to vector<16xi32>
          %min3A_202 = arith.minsi %max3A_199, %min3A_201 : vector<16xi32>
          %swap3A_203 = arith.index_cast %add3A_161 : i32 to index
          %swap3A_204 = arith.constant 16 : index
          %swap3A_205 = tpu.vector_load %arg22[%swap3A_203, %swap3A_204] {strides = array<i32>} : memref<64x128xi32, #tpu.memory_space<vmem>>, vector<16xi32>,
          tpu.vector_store %arg22[%swap3A_203, %swap3A_204], %min3A_202 {strides = array<i32>} : memref<64x128xi32, #tpu.memory_space<vmem>>, vector<16xi32>,
          %add3A_206 = arith.constant 32 : i32
          %add3A_207 = vector.broadcast %add3A_206 : i32 to vector<16xi32>
          %add3A_208 = arith.addi %iota3A, %add3A_207 : vector<16xi32>
          %add3A_209 = arith.addi %gather3A_155, %add3A_208 : vector<16xi32>
          %shift_right_logical3A_210 = arith.constant 8 : i32
          %shift_right_logical3A_211 = vector.broadcast %shift_right_logical3A_210 : i32 to vector<16xi32>
          %shift_right_logical3A_212 = arith.shrui %add3A_209, %shift_right_logical3A_211 : vector<16xi32>
          %and3A_213 = arith.constant 255 : i32
          %and3A_214 = vector.broadcast %and3A_213 : i32 to vector<16xi32>
          %and3A_215 = arith.andi %add3A_209, %and3A_214 : vector<16xi32>
          %gather3A_216 = tpu.vector_load_idx %arg18[%shift_right_logical3A_212, %and3A_215] : memref<128x256xi32, #tpu.memory_space<vmem>>[vector<16xi32>, vector<16xi32>], vector<16xi32>,
          %swap3A_217 = arith.index_cast %add3A_161 : i32 to index
          %swap3A_218 = arith.constant 32 : index
          %swap3A_219 = tpu.vector_load %arg20[%swap3A_217, %swap3A_218] {strides = array<i32>} : memref<64x128xi32, #tpu.memory_space<vmem>>, vector<16xi32>,
          tpu.vector_store %arg20[%swap3A_217, %swap3A_218], %gather3A_216 {strides = array<i32>} : memref<64x128xi32, #tpu.memory_space<vmem>>, vector<16xi32>,
          %sub3A_220 = arith.subi %gather3A_159, %add3A_208 : vector<16xi32>
          %max3A_221 = arith.constant 0 : i32
          %max3A_222 = vector.broadcast %max3A_221 : i32 to vector<16xi32>
          %max3A_223 = arith.maxsi %sub3A_220, %max3A_222 : vector<16xi32>
          %min3A_224 = arith.constant 1 : i32
          %min3A_225 = vector.broadcast %min3A_224 : i32 to vector<16xi32>
          %min3A_226 = arith.minsi %max3A_223, %min3A_225 : vector<16xi32>
          %swap3A_227 = arith.index_cast %add3A_161 : i32 to index
          %swap3A_228 = arith.constant 32 : index
          %swap3A_229 = tpu.vector_load %arg22[%swap3A_227, %swap3A_228] {strides = array<i32>} : memref<64x128xi32, #tpu.memory_space<vmem>>, vector<16xi32>,
          tpu.vector_store %arg22[%swap3A_227, %swap3A_228], %min3A_226 {strides = array<i32>} : memref<64x128xi32, #tpu.memory_space<vmem>>, vector<16xi32>,
          %add3A_230 = arith.constant 48 : i32
          %add3A_231 = vector.broadcast %add3A_230 : i32 to vector<16xi32>
          %add3A_232 = arith.addi %iota3A, %add3A_231 : vector<16xi32>
          %add3A_233 = arith.addi %gather3A_155, %add3A_232 : vector<16xi32>
          %shift_right_logical3A_234 = arith.constant 8 : i32
          %shift_right_logical3A_235 = vector.broadcast %shift_right_logical3A_234 : i32 to vector<16xi32>
          %shift_right_logical3A_236 = arith.shrui %add3A_233, %shift_right_logical3A_235 : vector<16xi32>
          %and3A_237 = arith.constant 255 : i32
          %and3A_238 = vector.broadcast %and3A_237 : i32 to vector<16xi32>
          %and3A_239 = arith.andi %add3A_233, %and3A_238 : vector<16xi32>
          %gather3A_240 = tpu.vector_load_idx %arg18[%shift_right_logical3A_236, %and3A_239] : memref<128x256xi32, #tpu.memory_space<vmem>>[vector<16xi32>, vector<16xi32>], vector<16xi32>,
          %swap3A_241 = arith.index_cast %add3A_161 : i32 to index
          %swap3A_242 = arith.constant 48 : index
          %swap3A_243 = tpu.vector_load %arg20[%swap3A_241, %swap3A_242] {strides = array<i32>} : memref<64x128xi32, #tpu.memory_space<vmem>>, vector<16xi32>,
          tpu.vector_store %arg20[%swap3A_241, %swap3A_242], %gather3A_240 {strides = array<i32>} : memref<64x128xi32, #tpu.memory_space<vmem>>, vector<16xi32>,
          %sub3A_244 = arith.subi %gather3A_159, %add3A_232 : vector<16xi32>
          %max3A_245 = arith.constant 0 : i32
          %max3A_246 = vector.broadcast %max3A_245 : i32 to vector<16xi32>
          %max3A_247 = arith.maxsi %sub3A_244, %max3A_246 : vector<16xi32>
          %min3A_248 = arith.constant 1 : i32
          %min3A_249 = vector.broadcast %min3A_248 : i32 to vector<16xi32>
          %min3A_250 = arith.minsi %max3A_247, %min3A_249 : vector<16xi32>
          %swap3A_251 = arith.index_cast %add3A_161 : i32 to index
          %swap3A_252 = arith.constant 48 : index
          %swap3A_253 = tpu.vector_load %arg22[%swap3A_251, %swap3A_252] {strides = array<i32>} : memref<64x128xi32, #tpu.memory_space<vmem>>, vector<16xi32>,
          tpu.vector_store %arg22[%swap3A_251, %swap3A_252], %min3A_250 {strides = array<i32>} : memref<64x128xi32, #tpu.memory_space<vmem>>, vector<16xi32>,
          %broadcast_in_dim3A_254 = arith.constant 1 : i32
          %broadcast_in_dim3A_255 = vector.broadcast %broadcast_in_dim3A_254 : i32 to vector<16x1xi32>
          %gather3A_256 = vector.shape_cast %broadcast_in_dim3A_255 : vector<16x1xi32> to vector<16xi32>
          %gather3A_257 = tpu.dynamic_gather %add3A_151[%gather3A_256] in [0] : vector<16xi32>, vector<16xi32> -> vector<16xi32>
          %broadcast_in_dim3A_258 = arith.constant 1 : i32
          %broadcast_in_dim3A_259 = vector.broadcast %broadcast_in_dim3A_258 : i32 to vector<16x1xi32>
          %gather3A_260 = vector.shape_cast %broadcast_in_dim3A_259 : vector<16x1xi32> to vector<16xi32>
          %gather3A_261 = tpu.dynamic_gather %sub3A_142[%gather3A_260] in [0] : vector<16xi32>, vector<16xi32> -> vector<16xi32>
          %add3A_262 = arith.constant 0 : i32
          %add3A_263 = arith.addi %mul3A_153, %add3A_262 : i32
          %add3A_264 = arith.constant 0 : i32
          %add3A_265 = vector.broadcast %add3A_264 : i32 to vector<16xi32>
          %add3A_266 = arith.addi %iota3A, %add3A_265 : vector<16xi32>
          %add3A_267 = arith.addi %gather3A_257, %add3A_266 : vector<16xi32>
          %shift_right_logical3A_268 = arith.constant 8 : i32
          %shift_right_logical3A_269 = vector.broadcast %shift_right_logical3A_268 : i32 to vector<16xi32>
          %shift_right_logical3A_270 = arith.shrui %add3A_267, %shift_right_logical3A_269 : vector<16xi32>
          %and3A_271 = arith.constant 255 : i32
          %and3A_272 = vector.broadcast %and3A_271 : i32 to vector<16xi32>
          %and3A_273 = arith.andi %add3A_267, %and3A_272 : vector<16xi32>
          %gather3A_274 = tpu.vector_load_idx %arg18[%shift_right_logical3A_270, %and3A_273] : memref<128x256xi32, #tpu.memory_space<vmem>>[vector<16xi32>, vector<16xi32>], vector<16xi32>,
          %swap3A_275 = arith.index_cast %add3A_263 : i32 to index
          %swap3A_276 = arith.constant 64 : index
          %swap3A_277 = tpu.vector_load %arg20[%swap3A_275, %swap3A_276] {strides = array<i32>} : memref<64x128xi32, #tpu.memory_space<vmem>>, vector<16xi32>,
          tpu.vector_store %arg20[%swap3A_275, %swap3A_276], %gather3A_274 {strides = array<i32>} : memref<64x128xi32, #tpu.memory_space<vmem>>, vector<16xi32>,
          %sub3A_278 = arith.subi %gather3A_261, %add3A_266 : vector<16xi32>
          %max3A_279 = arith.constant 0 : i32
          %max3A_280 = vector.broadcast %max3A_279 : i32 to vector<16xi32>
          %max3A_281 = arith.maxsi %sub3A_278, %max3A_280 : vector<16xi32>
          %min3A_282 = arith.constant 1 : i32
          %min3A_283 = vector.broadcast %min3A_282 : i32 to vector<16xi32>
          %min3A_284 = arith.minsi %max3A_281, %min3A_283 : vector<16xi32>
          %swap3A_285 = arith.index_cast %add3A_263 : i32 to index
          %swap3A_286 = arith.constant 64 : index
          %swap3A_287 = tpu.vector_load %arg22[%swap3A_285, %swap3A_286] {strides = array<i32>} : memref<64x128xi32, #tpu.memory_space<vmem>>, vector<16xi32>,
          tpu.vector_store %arg22[%swap3A_285, %swap3A_286], %min3A_284 {strides = array<i32>} : memref<64x128xi32, #tpu.memory_space<vmem>>, vector<16xi32>,
          %add3A_288 = arith.constant 16 : i32
          %add3A_289 = vector.broadcast %add3A_288 : i32 to vector<16xi32>
          %add3A_290 = arith.addi %iota3A, %add3A_289 : vector<16xi32>
          %add3A_291 = arith.addi %gather3A_257, %add3A_290 : vector<16xi32>
          %shift_right_logical3A_292 = arith.constant 8 : i32
          %shift_right_logical3A_293 = vector.broadcast %shift_right_logical3A_292 : i32 to vector<16xi32>
          %shift_right_logical3A_294 = arith.shrui %add3A_291, %shift_right_logical3A_293 : vector<16xi32>
          %and3A_295 = arith.constant 255 : i32
          %and3A_296 = vector.broadcast %and3A_295 : i32 to vector<16xi32>
          %and3A_297 = arith.andi %add3A_291, %and3A_296 : vector<16xi32>
          %gather3A_298 = tpu.vector_load_idx %arg18[%shift_right_logical3A_294, %and3A_297] : memref<128x256xi32, #tpu.memory_space<vmem>>[vector<16xi32>, vector<16xi32>], vector<16xi32>,
          %swap3A_299 = arith.index_cast %add3A_263 : i32 to index
          %swap3A_300 = arith.constant 80 : index
          %swap3A_301 = tpu.vector_load %arg20[%swap3A_299, %swap3A_300] {strides = array<i32>} : memref<64x128xi32, #tpu.memory_space<vmem>>, vector<16xi32>,
          tpu.vector_store %arg20[%swap3A_299, %swap3A_300], %gather3A_298 {strides = array<i32>} : memref<64x128xi32, #tpu.memory_space<vmem>>, vector<16xi32>,
          %sub3A_302 = arith.subi %gather3A_261, %add3A_290 : vector<16xi32>
          %max3A_303 = arith.constant 0 : i32
          %max3A_304 = vector.broadcast %max3A_303 : i32 to vector<16xi32>
          %max3A_305 = arith.maxsi %sub3A_302, %max3A_304 : vector<16xi32>
          %min3A_306 = arith.constant 1 : i32
          %min3A_307 = vector.broadcast %min3A_306 : i32 to vector<16xi32>
          %min3A_308 = arith.minsi %max3A_305, %min3A_307 : vector<16xi32>
          %swap3A_309 = arith.index_cast %add3A_263 : i32 to index
          %swap3A_310 = arith.constant 80 : index
          %swap3A_311 = tpu.vector_load %arg22[%swap3A_309, %swap3A_310] {strides = array<i32>} : memref<64x128xi32, #tpu.memory_space<vmem>>, vector<16xi32>,
          tpu.vector_store %arg22[%swap3A_309, %swap3A_310], %min3A_308 {strides = array<i32>} : memref<64x128xi32, #tpu.memory_space<vmem>>, vector<16xi32>,
          %add3A_312 = arith.constant 32 : i32
          %add3A_313 = vector.broadcast %add3A_312 : i32 to vector<16xi32>
          %add3A_314 = arith.addi %iota3A, %add3A_313 : vector<16xi32>
          %add3A_315 = arith.addi %gather3A_257, %add3A_314 : vector<16xi32>
          %shift_right_logical3A_316 = arith.constant 8 : i32
          %shift_right_logical3A_317 = vector.broadcast %shift_right_logical3A_316 : i32 to vector<16xi32>
          %shift_right_logical3A_318 = arith.shrui %add3A_315, %shift_right_logical3A_317 : vector<16xi32>
          %and3A_319 = arith.constant 255 : i32
          %and3A_320 = vector.broadcast %and3A_319 : i32 to vector<16xi32>
          %and3A_321 = arith.andi %add3A_315, %and3A_320 : vector<16xi32>
          %gather3A_322 = tpu.vector_load_idx %arg18[%shift_right_logical3A_318, %and3A_321] : memref<128x256xi32, #tpu.memory_space<vmem>>[vector<16xi32>, vector<16xi32>], vector<16xi32>,
          %swap3A_323 = arith.index_cast %add3A_263 : i32 to index
          %swap3A_324 = arith.constant 96 : index
          %swap3A_325 = tpu.vector_load %arg20[%swap3A_323, %swap3A_324] {strides = array<i32>} : memref<64x128xi32, #tpu.memory_space<vmem>>, vector<16xi32>,
          tpu.vector_store %arg20[%swap3A_323, %swap3A_324], %gather3A_322 {strides = array<i32>} : memref<64x128xi32, #tpu.memory_space<vmem>>, vector<16xi32>,
          %sub3A_326 = arith.subi %gather3A_261, %add3A_314 : vector<16xi32>
          %max3A_327 = arith.constant 0 : i32
          %max3A_328 = vector.broadcast %max3A_327 : i32 to vector<16xi32>
          %max3A_329 = arith.maxsi %sub3A_326, %max3A_328 : vector<16xi32>
          %min3A_330 = arith.constant 1 : i32
          %min3A_331 = vector.broadcast %min3A_330 : i32 to vector<16xi32>
          %min3A_332 = arith.minsi %max3A_329, %min3A_331 : vector<16xi32>
          %swap3A_333 = arith.index_cast %add3A_263 : i32 to index
          %swap3A_334 = arith.constant 96 : index
          %swap3A_335 = tpu.vector_load %arg22[%swap3A_333, %swap3A_334] {strides = array<i32>} : memref<64x128xi32, #tpu.memory_space<vmem>>, vector<16xi32>,
          tpu.vector_store %arg22[%swap3A_333, %swap3A_334], %min3A_332 {strides = array<i32>} : memref<64x128xi32, #tpu.memory_space<vmem>>, vector<16xi32>,
          %add3A_336 = arith.constant 48 : i32
          %add3A_337 = vector.broadcast %add3A_336 : i32 to vector<16xi32>
          %add3A_338 = arith.addi %iota3A, %add3A_337 : vector<16xi32>
          %add3A_339 = arith.addi %gather3A_257, %add3A_338 : vector<16xi32>
          %shift_right_logical3A_340 = arith.constant 8 : i32
          %shift_right_logical3A_341 = vector.broadcast %shift_right_logical3A_340 : i32 to vector<16xi32>
          %shift_right_logical3A_342 = arith.shrui %add3A_339, %shift_right_logical3A_341 : vector<16xi32>
          %and3A_343 = arith.constant 255 : i32
          %and3A_344 = vector.broadcast %and3A_343 : i32 to vector<16xi32>
          %and3A_345 = arith.andi %add3A_339, %and3A_344 : vector<16xi32>
          %gather3A_346 = tpu.vector_load_idx %arg18[%shift_right_logical3A_342, %and3A_345] : memref<128x256xi32, #tpu.memory_space<vmem>>[vector<16xi32>, vector<16xi32>], vector<16xi32>,
          %swap3A_347 = arith.index_cast %add3A_263 : i32 to index
          %swap3A_348 = arith.constant 112 : index
          %swap3A_349 = tpu.vector_load %arg20[%swap3A_347, %swap3A_348] {strides = array<i32>} : memref<64x128xi32, #tpu.memory_space<vmem>>, vector<16xi32>,
          tpu.vector_store %arg20[%swap3A_347, %swap3A_348], %gather3A_346 {strides = array<i32>} : memref<64x128xi32, #tpu.memory_space<vmem>>, vector<16xi32>,
          %sub3A_350 = arith.subi %gather3A_261, %add3A_338 : vector<16xi32>
          %max3A_351 = arith.constant 0 : i32
          %max3A_352 = vector.broadcast %max3A_351 : i32 to vector<16xi32>
          %max3A_353 = arith.maxsi %sub3A_350, %max3A_352 : vector<16xi32>
          %min3A_354 = arith.constant 1 : i32
          %min3A_355 = vector.broadcast %min3A_354 : i32 to vector<16xi32>
          %min3A_356 = arith.minsi %max3A_353, %min3A_355 : vector<16xi32>
          %swap3A_357 = arith.index_cast %add3A_263 : i32 to index
          %swap3A_358 = arith.constant 112 : index
          %swap3A_359 = tpu.vector_load %arg22[%swap3A_357, %swap3A_358] {strides = array<i32>} : memref<64x128xi32, #tpu.memory_space<vmem>>, vector<16xi32>,
          tpu.vector_store %arg22[%swap3A_357, %swap3A_358], %min3A_356 {strides = array<i32>} : memref<64x128xi32, #tpu.memory_space<vmem>>, vector<16xi32>,
          %broadcast_in_dim3A_360 = arith.constant 2 : i32
          %broadcast_in_dim3A_361 = vector.broadcast %broadcast_in_dim3A_360 : i32 to vector<16x1xi32>
          %gather3A_362 = vector.shape_cast %broadcast_in_dim3A_361 : vector<16x1xi32> to vector<16xi32>
          %gather3A_363 = tpu.dynamic_gather %add3A_151[%gather3A_362] in [0] : vector<16xi32>, vector<16xi32> -> vector<16xi32>
          %broadcast_in_dim3A_364 = arith.constant 2 : i32
          %broadcast_in_dim3A_365 = vector.broadcast %broadcast_in_dim3A_364 : i32 to vector<16x1xi32>
          %gather3A_366 = vector.shape_cast %broadcast_in_dim3A_365 : vector<16x1xi32> to vector<16xi32>
          %gather3A_367 = tpu.dynamic_gather %sub3A_142[%gather3A_366] in [0] : vector<16xi32>, vector<16xi32> -> vector<16xi32>
          %add3A_368 = arith.constant 1 : i32
          %add3A_369 = arith.addi %mul3A_153, %add3A_368 : i32
          %add3A_370 = arith.constant 0 : i32
          %add3A_371 = vector.broadcast %add3A_370 : i32 to vector<16xi32>
          %add3A_372 = arith.addi %iota3A, %add3A_371 : vector<16xi32>
          %add3A_373 = arith.addi %gather3A_363, %add3A_372 : vector<16xi32>
          %shift_right_logical3A_374 = arith.constant 8 : i32
          %shift_right_logical3A_375 = vector.broadcast %shift_right_logical3A_374 : i32 to vector<16xi32>
          %shift_right_logical3A_376 = arith.shrui %add3A_373, %shift_right_logical3A_375 : vector<16xi32>
          %and3A_377 = arith.constant 255 : i32
          %and3A_378 = vector.broadcast %and3A_377 : i32 to vector<16xi32>
          %and3A_379 = arith.andi %add3A_373, %and3A_378 : vector<16xi32>
          %gather3A_380 = tpu.vector_load_idx %arg18[%shift_right_logical3A_376, %and3A_379] : memref<128x256xi32, #tpu.memory_space<vmem>>[vector<16xi32>, vector<16xi32>], vector<16xi32>,
          %swap3A_381 = arith.index_cast %add3A_369 : i32 to index
          %swap3A_382 = arith.constant 0 : index
          %swap3A_383 = tpu.vector_load %arg20[%swap3A_381, %swap3A_382] {strides = array<i32>} : memref<64x128xi32, #tpu.memory_space<vmem>>, vector<16xi32>,
          tpu.vector_store %arg20[%swap3A_381, %swap3A_382], %gather3A_380 {strides = array<i32>} : memref<64x128xi32, #tpu.memory_space<vmem>>, vector<16xi32>,
          %sub3A_384 = arith.subi %gather3A_367, %add3A_372 : vector<16xi32>
          %max3A_385 = arith.constant 0 : i32
          %max3A_386 = vector.broadcast %max3A_385 : i32 to vector<16xi32>
          %max3A_387 = arith.maxsi %sub3A_384, %max3A_386 : vector<16xi32>
          %min3A_388 = arith.constant 1 : i32
          %min3A_389 = vector.broadcast %min3A_388 : i32 to vector<16xi32>
          %min3A_390 = arith.minsi %max3A_387, %min3A_389 : vector<16xi32>
          %swap3A_391 = arith.index_cast %add3A_369 : i32 to index
          %swap3A_392 = arith.constant 0 : index
          %swap3A_393 = tpu.vector_load %arg22[%swap3A_391, %swap3A_392] {strides = array<i32>} : memref<64x128xi32, #tpu.memory_space<vmem>>, vector<16xi32>,
          tpu.vector_store %arg22[%swap3A_391, %swap3A_392], %min3A_390 {strides = array<i32>} : memref<64x128xi32, #tpu.memory_space<vmem>>, vector<16xi32>,
          %add3A_394 = arith.constant 16 : i32
          %add3A_395 = vector.broadcast %add3A_394 : i32 to vector<16xi32>
          %add3A_396 = arith.addi %iota3A, %add3A_395 : vector<16xi32>
          %add3A_397 = arith.addi %gather3A_363, %add3A_396 : vector<16xi32>
          %shift_right_logical3A_398 = arith.constant 8 : i32
          %shift_right_logical3A_399 = vector.broadcast %shift_right_logical3A_398 : i32 to vector<16xi32>
          %shift_right_logical3A_400 = arith.shrui %add3A_397, %shift_right_logical3A_399 : vector<16xi32>
          %and3A_401 = arith.constant 255 : i32
          %and3A_402 = vector.broadcast %and3A_401 : i32 to vector<16xi32>
          %and3A_403 = arith.andi %add3A_397, %and3A_402 : vector<16xi32>
          %gather3A_404 = tpu.vector_load_idx %arg18[%shift_right_logical3A_400, %and3A_403] : memref<128x256xi32, #tpu.memory_space<vmem>>[vector<16xi32>, vector<16xi32>], vector<16xi32>,
          %swap3A_405 = arith.index_cast %add3A_369 : i32 to index
          %swap3A_406 = arith.constant 16 : index
          %swap3A_407 = tpu.vector_load %arg20[%swap3A_405, %swap3A_406] {strides = array<i32>} : memref<64x128xi32, #tpu.memory_space<vmem>>, vector<16xi32>,
          tpu.vector_store %arg20[%swap3A_405, %swap3A_406], %gather3A_404 {strides = array<i32>} : memref<64x128xi32, #tpu.memory_space<vmem>>, vector<16xi32>,
          %sub3A_408 = arith.subi %gather3A_367, %add3A_396 : vector<16xi32>
          %max3A_409 = arith.constant 0 : i32
          %max3A_410 = vector.broadcast %max3A_409 : i32 to vector<16xi32>
          %max3A_411 = arith.maxsi %sub3A_408, %max3A_410 : vector<16xi32>
          %min3A_412 = arith.constant 1 : i32
          %min3A_413 = vector.broadcast %min3A_412 : i32 to vector<16xi32>
          %min3A_414 = arith.minsi %max3A_411, %min3A_413 : vector<16xi32>
          %swap3A_415 = arith.index_cast %add3A_369 : i32 to index
          %swap3A_416 = arith.constant 16 : index
          %swap3A_417 = tpu.vector_load %arg22[%swap3A_415, %swap3A_416] {strides = array<i32>} : memref<64x128xi32, #tpu.memory_space<vmem>>, vector<16xi32>,
          tpu.vector_store %arg22[%swap3A_415, %swap3A_416], %min3A_414 {strides = array<i32>} : memref<64x128xi32, #tpu.memory_space<vmem>>, vector<16xi32>,
          %add3A_418 = arith.constant 32 : i32
          %add3A_419 = vector.broadcast %add3A_418 : i32 to vector<16xi32>
          %add3A_420 = arith.addi %iota3A, %add3A_419 : vector<16xi32>
          %add3A_421 = arith.addi %gather3A_363, %add3A_420 : vector<16xi32>
          %shift_right_logical3A_422 = arith.constant 8 : i32
          %shift_right_logical3A_423 = vector.broadcast %shift_right_logical3A_422 : i32 to vector<16xi32>
          %shift_right_logical3A_424 = arith.shrui %add3A_421, %shift_right_logical3A_423 : vector<16xi32>
          %and3A_425 = arith.constant 255 : i32
          %and3A_426 = vector.broadcast %and3A_425 : i32 to vector<16xi32>
          %and3A_427 = arith.andi %add3A_421, %and3A_426 : vector<16xi32>
          %gather3A_428 = tpu.vector_load_idx %arg18[%shift_right_logical3A_424, %and3A_427] : memref<128x256xi32, #tpu.memory_space<vmem>>[vector<16xi32>, vector<16xi32>], vector<16xi32>,
          %swap3A_429 = arith.index_cast %add3A_369 : i32 to index
          %swap3A_430 = arith.constant 32 : index
          %swap3A_431 = tpu.vector_load %arg20[%swap3A_429, %swap3A_430] {strides = array<i32>} : memref<64x128xi32, #tpu.memory_space<vmem>>, vector<16xi32>,
          tpu.vector_store %arg20[%swap3A_429, %swap3A_430], %gather3A_428 {strides = array<i32>} : memref<64x128xi32, #tpu.memory_space<vmem>>, vector<16xi32>,
          %sub3A_432 = arith.subi %gather3A_367, %add3A_420 : vector<16xi32>
          %max3A_433 = arith.constant 0 : i32
          %max3A_434 = vector.broadcast %max3A_433 : i32 to vector<16xi32>
          %max3A_435 = arith.maxsi %sub3A_432, %max3A_434 : vector<16xi32>
          %min3A_436 = arith.constant 1 : i32
          %min3A_437 = vector.broadcast %min3A_436 : i32 to vector<16xi32>
          %min3A_438 = arith.minsi %max3A_435, %min3A_437 : vector<16xi32>
          %swap3A_439 = arith.index_cast %add3A_369 : i32 to index
          %swap3A_440 = arith.constant 32 : index
          %swap3A_441 = tpu.vector_load %arg22[%swap3A_439, %swap3A_440] {strides = array<i32>} : memref<64x128xi32, #tpu.memory_space<vmem>>, vector<16xi32>,
          tpu.vector_store %arg22[%swap3A_439, %swap3A_440], %min3A_438 {strides = array<i32>} : memref<64x128xi32, #tpu.memory_space<vmem>>, vector<16xi32>,
          %add3A_442 = arith.constant 48 : i32
          %add3A_443 = vector.broadcast %add3A_442 : i32 to vector<16xi32>
          %add3A_444 = arith.addi %iota3A, %add3A_443 : vector<16xi32>
          %add3A_445 = arith.addi %gather3A_363, %add3A_444 : vector<16xi32>
          %shift_right_logical3A_446 = arith.constant 8 : i32
          %shift_right_logical3A_447 = vector.broadcast %shift_right_logical3A_446 : i32 to vector<16xi32>
          %shift_right_logical3A_448 = arith.shrui %add3A_445, %shift_right_logical3A_447 : vector<16xi32>
          %and3A_449 = arith.constant 255 : i32
          %and3A_450 = vector.broadcast %and3A_449 : i32 to vector<16xi32>
          %and3A_451 = arith.andi %add3A_445, %and3A_450 : vector<16xi32>
          %gather3A_452 = tpu.vector_load_idx %arg18[%shift_right_logical3A_448, %and3A_451] : memref<128x256xi32, #tpu.memory_space<vmem>>[vector<16xi32>, vector<16xi32>], vector<16xi32>,
          %swap3A_453 = arith.index_cast %add3A_369 : i32 to index
          %swap3A_454 = arith.constant 48 : index
          %swap3A_455 = tpu.vector_load %arg20[%swap3A_453, %swap3A_454] {strides = array<i32>} : memref<64x128xi32, #tpu.memory_space<vmem>>, vector<16xi32>,
          tpu.vector_store %arg20[%swap3A_453, %swap3A_454], %gather3A_452 {strides = array<i32>} : memref<64x128xi32, #tpu.memory_space<vmem>>, vector<16xi32>,
          %sub3A_456 = arith.subi %gather3A_367, %add3A_444 : vector<16xi32>
          %max3A_457 = arith.constant 0 : i32
          %max3A_458 = vector.broadcast %max3A_457 : i32 to vector<16xi32>
          %max3A_459 = arith.maxsi %sub3A_456, %max3A_458 : vector<16xi32>
          %min3A_460 = arith.constant 1 : i32
          %min3A_461 = vector.broadcast %min3A_460 : i32 to vector<16xi32>
          %min3A_462 = arith.minsi %max3A_459, %min3A_461 : vector<16xi32>
          %swap3A_463 = arith.index_cast %add3A_369 : i32 to index
          %swap3A_464 = arith.constant 48 : index
          %swap3A_465 = tpu.vector_load %arg22[%swap3A_463, %swap3A_464] {strides = array<i32>} : memref<64x128xi32, #tpu.memory_space<vmem>>, vector<16xi32>,
          tpu.vector_store %arg22[%swap3A_463, %swap3A_464], %min3A_462 {strides = array<i32>} : memref<64x128xi32, #tpu.memory_space<vmem>>, vector<16xi32>,
          %broadcast_in_dim3A_466 = arith.constant 3 : i32
          %broadcast_in_dim3A_467 = vector.broadcast %broadcast_in_dim3A_466 : i32 to vector<16x1xi32>
          %gather3A_468 = vector.shape_cast %broadcast_in_dim3A_467 : vector<16x1xi32> to vector<16xi32>
          %gather3A_469 = tpu.dynamic_gather %add3A_151[%gather3A_468] in [0] : vector<16xi32>, vector<16xi32> -> vector<16xi32>
          %broadcast_in_dim3A_470 = arith.constant 3 : i32
          %broadcast_in_dim3A_471 = vector.broadcast %broadcast_in_dim3A_470 : i32 to vector<16x1xi32>
          %gather3A_472 = vector.shape_cast %broadcast_in_dim3A_471 : vector<16x1xi32> to vector<16xi32>
          %gather3A_473 = tpu.dynamic_gather %sub3A_142[%gather3A_472] in [0] : vector<16xi32>, vector<16xi32> -> vector<16xi32>
          %add3A_474 = arith.constant 1 : i32
          %add3A_475 = arith.addi %mul3A_153, %add3A_474 : i32
          %add3A_476 = arith.constant 0 : i32
          %add3A_477 = vector.broadcast %add3A_476 : i32 to vector<16xi32>
          %add3A_478 = arith.addi %iota3A, %add3A_477 : vector<16xi32>
          %add3A_479 = arith.addi %gather3A_469, %add3A_478 : vector<16xi32>
          %shift_right_logical3A_480 = arith.constant 8 : i32
          %shift_right_logical3A_481 = vector.broadcast %shift_right_logical3A_480 : i32 to vector<16xi32>
          %shift_right_logical3A_482 = arith.shrui %add3A_479, %shift_right_logical3A_481 : vector<16xi32>
          %and3A_483 = arith.constant 255 : i32
          %and3A_484 = vector.broadcast %and3A_483 : i32 to vector<16xi32>
          %and3A_485 = arith.andi %add3A_479, %and3A_484 : vector<16xi32>
          %gather3A_486 = tpu.vector_load_idx %arg18[%shift_right_logical3A_482, %and3A_485] : memref<128x256xi32, #tpu.memory_space<vmem>>[vector<16xi32>, vector<16xi32>], vector<16xi32>,
          %swap3A_487 = arith.index_cast %add3A_475 : i32 to index
          %swap3A_488 = arith.constant 64 : index
          %swap3A_489 = tpu.vector_load %arg20[%swap3A_487, %swap3A_488] {strides = array<i32>} : memref<64x128xi32, #tpu.memory_space<vmem>>, vector<16xi32>,
          tpu.vector_store %arg20[%swap3A_487, %swap3A_488], %gather3A_486 {strides = array<i32>} : memref<64x128xi32, #tpu.memory_space<vmem>>, vector<16xi32>,
          %sub3A_490 = arith.subi %gather3A_473, %add3A_478 : vector<16xi32>
          %max3A_491 = arith.constant 0 : i32
          %max3A_492 = vector.broadcast %max3A_491 : i32 to vector<16xi32>
          %max3A_493 = arith.maxsi %sub3A_490, %max3A_492 : vector<16xi32>
          %min3A_494 = arith.constant 1 : i32
          %min3A_495 = vector.broadcast %min3A_494 : i32 to vector<16xi32>
          %min3A_496 = arith.minsi %max3A_493, %min3A_495 : vector<16xi32>
          %swap3A_497 = arith.index_cast %add3A_475 : i32 to index
          %swap3A_498 = arith.constant 64 : index
          %swap3A_499 = tpu.vector_load %arg22[%swap3A_497, %swap3A_498] {strides = array<i32>} : memref<64x128xi32, #tpu.memory_space<vmem>>, vector<16xi32>,
          tpu.vector_store %arg22[%swap3A_497, %swap3A_498], %min3A_496 {strides = array<i32>} : memref<64x128xi32, #tpu.memory_space<vmem>>, vector<16xi32>,
          %add3A_500 = arith.constant 16 : i32
          %add3A_501 = vector.broadcast %add3A_500 : i32 to vector<16xi32>
          %add3A_502 = arith.addi %iota3A, %add3A_501 : vector<16xi32>
          %add3A_503 = arith.addi %gather3A_469, %add3A_502 : vector<16xi32>
          %shift_right_logical3A_504 = arith.constant 8 : i32
          %shift_right_logical3A_505 = vector.broadcast %shift_right_logical3A_504 : i32 to vector<16xi32>
          %shift_right_logical3A_506 = arith.shrui %add3A_503, %shift_right_logical3A_505 : vector<16xi32>
          %and3A_507 = arith.constant 255 : i32
          %and3A_508 = vector.broadcast %and3A_507 : i32 to vector<16xi32>
          %and3A_509 = arith.andi %add3A_503, %and3A_508 : vector<16xi32>
          %gather3A_510 = tpu.vector_load_idx %arg18[%shift_right_logical3A_506, %and3A_509] : memref<128x256xi32, #tpu.memory_space<vmem>>[vector<16xi32>, vector<16xi32>], vector<16xi32>,
          %swap3A_511 = arith.index_cast %add3A_475 : i32 to index
          %swap3A_512 = arith.constant 80 : index
          %swap3A_513 = tpu.vector_load %arg20[%swap3A_511, %swap3A_512] {strides = array<i32>} : memref<64x128xi32, #tpu.memory_space<vmem>>, vector<16xi32>,
          tpu.vector_store %arg20[%swap3A_511, %swap3A_512], %gather3A_510 {strides = array<i32>} : memref<64x128xi32, #tpu.memory_space<vmem>>, vector<16xi32>,
          %sub3A_514 = arith.subi %gather3A_473, %add3A_502 : vector<16xi32>
          %max3A_515 = arith.constant 0 : i32
          %max3A_516 = vector.broadcast %max3A_515 : i32 to vector<16xi32>
          %max3A_517 = arith.maxsi %sub3A_514, %max3A_516 : vector<16xi32>
          %min3A_518 = arith.constant 1 : i32
          %min3A_519 = vector.broadcast %min3A_518 : i32 to vector<16xi32>
          %min3A_520 = arith.minsi %max3A_517, %min3A_519 : vector<16xi32>
          %swap3A_521 = arith.index_cast %add3A_475 : i32 to index
          %swap3A_522 = arith.constant 80 : index
          %swap3A_523 = tpu.vector_load %arg22[%swap3A_521, %swap3A_522] {strides = array<i32>} : memref<64x128xi32, #tpu.memory_space<vmem>>, vector<16xi32>,
          tpu.vector_store %arg22[%swap3A_521, %swap3A_522], %min3A_520 {strides = array<i32>} : memref<64x128xi32, #tpu.memory_space<vmem>>, vector<16xi32>,
          %add3A_524 = arith.constant 32 : i32
          %add3A_525 = vector.broadcast %add3A_524 : i32 to vector<16xi32>
          %add3A_526 = arith.addi %iota3A, %add3A_525 : vector<16xi32>
          %add3A_527 = arith.addi %gather3A_469, %add3A_526 : vector<16xi32>
          %shift_right_logical3A_528 = arith.constant 8 : i32
          %shift_right_logical3A_529 = vector.broadcast %shift_right_logical3A_528 : i32 to vector<16xi32>
          %shift_right_logical3A_530 = arith.shrui %add3A_527, %shift_right_logical3A_529 : vector<16xi32>
          %and3A_531 = arith.constant 255 : i32
          %and3A_532 = vector.broadcast %and3A_531 : i32 to vector<16xi32>
          %and3A_533 = arith.andi %add3A_527, %and3A_532 : vector<16xi32>
          %gather3A_534 = tpu.vector_load_idx %arg18[%shift_right_logical3A_530, %and3A_533] : memref<128x256xi32, #tpu.memory_space<vmem>>[vector<16xi32>, vector<16xi32>], vector<16xi32>,
          %swap3A_535 = arith.index_cast %add3A_475 : i32 to index
          %swap3A_536 = arith.constant 96 : index
          %swap3A_537 = tpu.vector_load %arg20[%swap3A_535, %swap3A_536] {strides = array<i32>} : memref<64x128xi32, #tpu.memory_space<vmem>>, vector<16xi32>,
          tpu.vector_store %arg20[%swap3A_535, %swap3A_536], %gather3A_534 {strides = array<i32>} : memref<64x128xi32, #tpu.memory_space<vmem>>, vector<16xi32>,
          %sub3A_538 = arith.subi %gather3A_473, %add3A_526 : vector<16xi32>
          %max3A_539 = arith.constant 0 : i32
          %max3A_540 = vector.broadcast %max3A_539 : i32 to vector<16xi32>
          %max3A_541 = arith.maxsi %sub3A_538, %max3A_540 : vector<16xi32>
          %min3A_542 = arith.constant 1 : i32
          %min3A_543 = vector.broadcast %min3A_542 : i32 to vector<16xi32>
          %min3A_544 = arith.minsi %max3A_541, %min3A_543 : vector<16xi32>
          %swap3A_545 = arith.index_cast %add3A_475 : i32 to index
          %swap3A_546 = arith.constant 96 : index
          %swap3A_547 = tpu.vector_load %arg22[%swap3A_545, %swap3A_546] {strides = array<i32>} : memref<64x128xi32, #tpu.memory_space<vmem>>, vector<16xi32>,
          tpu.vector_store %arg22[%swap3A_545, %swap3A_546], %min3A_544 {strides = array<i32>} : memref<64x128xi32, #tpu.memory_space<vmem>>, vector<16xi32>,
          %add3A_548 = arith.constant 48 : i32
          %add3A_549 = vector.broadcast %add3A_548 : i32 to vector<16xi32>
          %add3A_550 = arith.addi %iota3A, %add3A_549 : vector<16xi32>
          %add3A_551 = arith.addi %gather3A_469, %add3A_550 : vector<16xi32>
          %shift_right_logical3A_552 = arith.constant 8 : i32
          %shift_right_logical3A_553 = vector.broadcast %shift_right_logical3A_552 : i32 to vector<16xi32>
          %shift_right_logical3A_554 = arith.shrui %add3A_551, %shift_right_logical3A_553 : vector<16xi32>
          %and3A_555 = arith.constant 255 : i32
          %and3A_556 = vector.broadcast %and3A_555 : i32 to vector<16xi32>
          %and3A_557 = arith.andi %add3A_551, %and3A_556 : vector<16xi32>
          %gather3A_558 = tpu.vector_load_idx %arg18[%shift_right_logical3A_554, %and3A_557] : memref<128x256xi32, #tpu.memory_space<vmem>>[vector<16xi32>, vector<16xi32>], vector<16xi32>,
          %swap3A_559 = arith.index_cast %add3A_475 : i32 to index
          %swap3A_560 = arith.constant 112 : index
          %swap3A_561 = tpu.vector_load %arg20[%swap3A_559, %swap3A_560] {strides = array<i32>} : memref<64x128xi32, #tpu.memory_space<vmem>>, vector<16xi32>,
          tpu.vector_store %arg20[%swap3A_559, %swap3A_560], %gather3A_558 {strides = array<i32>} : memref<64x128xi32, #tpu.memory_space<vmem>>, vector<16xi32>,
          %sub3A_562 = arith.subi %gather3A_473, %add3A_550 : vector<16xi32>
          %max3A_563 = arith.constant 0 : i32
          %max3A_564 = vector.broadcast %max3A_563 : i32 to vector<16xi32>
          %max3A_565 = arith.maxsi %sub3A_562, %max3A_564 : vector<16xi32>
          %min3A_566 = arith.constant 1 : i32
          %min3A_567 = vector.broadcast %min3A_566 : i32 to vector<16xi32>
          %min3A_568 = arith.minsi %max3A_565, %min3A_567 : vector<16xi32>
          %swap3A_569 = arith.index_cast %add3A_475 : i32 to index
          %swap3A_570 = arith.constant 112 : index
          %swap3A_571 = tpu.vector_load %arg22[%swap3A_569, %swap3A_570] {strides = array<i32>} : memref<64x128xi32, #tpu.memory_space<vmem>>, vector<16xi32>,
          tpu.vector_store %arg22[%swap3A_569, %swap3A_570], %min3A_568 {strides = array<i32>} : memref<64x128xi32, #tpu.memory_space<vmem>>, vector<16xi32>,
          %broadcast_in_dim3A_572 = arith.constant 4 : i32
          %broadcast_in_dim3A_573 = vector.broadcast %broadcast_in_dim3A_572 : i32 to vector<16x1xi32>
          %gather3A_574 = vector.shape_cast %broadcast_in_dim3A_573 : vector<16x1xi32> to vector<16xi32>
          %gather3A_575 = tpu.dynamic_gather %add3A_151[%gather3A_574] in [0] : vector<16xi32>, vector<16xi32> -> vector<16xi32>
          %broadcast_in_dim3A_576 = arith.constant 4 : i32
          %broadcast_in_dim3A_577 = vector.broadcast %broadcast_in_dim3A_576 : i32 to vector<16x1xi32>
          %gather3A_578 = vector.shape_cast %broadcast_in_dim3A_577 : vector<16x1xi32> to vector<16xi32>
          %gather3A_579 = tpu.dynamic_gather %sub3A_142[%gather3A_578] in [0] : vector<16xi32>, vector<16xi32> -> vector<16xi32>
          %add3A_580 = arith.constant 2 : i32
          %add3A_581 = arith.addi %mul3A_153, %add3A_580 : i32
          %add3A_582 = arith.constant 0 : i32
          %add3A_583 = vector.broadcast %add3A_582 : i32 to vector<16xi32>
          %add3A_584 = arith.addi %iota3A, %add3A_583 : vector<16xi32>
          %add3A_585 = arith.addi %gather3A_575, %add3A_584 : vector<16xi32>
          %shift_right_logical3A_586 = arith.constant 8 : i32
          %shift_right_logical3A_587 = vector.broadcast %shift_right_logical3A_586 : i32 to vector<16xi32>
          %shift_right_logical3A_588 = arith.shrui %add3A_585, %shift_right_logical3A_587 : vector<16xi32>
          %and3A_589 = arith.constant 255 : i32
          %and3A_590 = vector.broadcast %and3A_589 : i32 to vector<16xi32>
          %and3A_591 = arith.andi %add3A_585, %and3A_590 : vector<16xi32>
          %gather3A_592 = tpu.vector_load_idx %arg18[%shift_right_logical3A_588, %and3A_591] : memref<128x256xi32, #tpu.memory_space<vmem>>[vector<16xi32>, vector<16xi32>], vector<16xi32>,
          %swap3A_593 = arith.index_cast %add3A_581 : i32 to index
          %swap3A_594 = arith.constant 0 : index
          %swap3A_595 = tpu.vector_load %arg20[%swap3A_593, %swap3A_594] {strides = array<i32>} : memref<64x128xi32, #tpu.memory_space<vmem>>, vector<16xi32>,
          tpu.vector_store %arg20[%swap3A_593, %swap3A_594], %gather3A_592 {strides = array<i32>} : memref<64x128xi32, #tpu.memory_space<vmem>>, vector<16xi32>,
          %sub3A_596 = arith.subi %gather3A_579, %add3A_584 : vector<16xi32>
          %max3A_597 = arith.constant 0 : i32
          %max3A_598 = vector.broadcast %max3A_597 : i32 to vector<16xi32>
          %max3A_599 = arith.maxsi %sub3A_596, %max3A_598 : vector<16xi32>
          %min3A_600 = arith.constant 1 : i32
          %min3A_601 = vector.broadcast %min3A_600 : i32 to vector<16xi32>
          %min3A_602 = arith.minsi %max3A_599, %min3A_601 : vector<16xi32>
          %swap3A_603 = arith.index_cast %add3A_581 : i32 to index
          %swap3A_604 = arith.constant 0 : index
          %swap3A_605 = tpu.vector_load %arg22[%swap3A_603, %swap3A_604] {strides = array<i32>} : memref<64x128xi32, #tpu.memory_space<vmem>>, vector<16xi32>,
          tpu.vector_store %arg22[%swap3A_603, %swap3A_604], %min3A_602 {strides = array<i32>} : memref<64x128xi32, #tpu.memory_space<vmem>>, vector<16xi32>,
          %add3A_606 = arith.constant 16 : i32
          %add3A_607 = vector.broadcast %add3A_606 : i32 to vector<16xi32>
          %add3A_608 = arith.addi %iota3A, %add3A_607 : vector<16xi32>
          %add3A_609 = arith.addi %gather3A_575, %add3A_608 : vector<16xi32>
          %shift_right_logical3A_610 = arith.constant 8 : i32
          %shift_right_logical3A_611 = vector.broadcast %shift_right_logical3A_610 : i32 to vector<16xi32>
          %shift_right_logical3A_612 = arith.shrui %add3A_609, %shift_right_logical3A_611 : vector<16xi32>
          %and3A_613 = arith.constant 255 : i32
          %and3A_614 = vector.broadcast %and3A_613 : i32 to vector<16xi32>
          %and3A_615 = arith.andi %add3A_609, %and3A_614 : vector<16xi32>
          %gather3A_616 = tpu.vector_load_idx %arg18[%shift_right_logical3A_612, %and3A_615] : memref<128x256xi32, #tpu.memory_space<vmem>>[vector<16xi32>, vector<16xi32>], vector<16xi32>,
          %swap3A_617 = arith.index_cast %add3A_581 : i32 to index
          %swap3A_618 = arith.constant 16 : index
          %swap3A_619 = tpu.vector_load %arg20[%swap3A_617, %swap3A_618] {strides = array<i32>} : memref<64x128xi32, #tpu.memory_space<vmem>>, vector<16xi32>,
          tpu.vector_store %arg20[%swap3A_617, %swap3A_618], %gather3A_616 {strides = array<i32>} : memref<64x128xi32, #tpu.memory_space<vmem>>, vector<16xi32>,
          %sub3A_620 = arith.subi %gather3A_579, %add3A_608 : vector<16xi32>
          %max3A_621 = arith.constant 0 : i32
          %max3A_622 = vector.broadcast %max3A_621 : i32 to vector<16xi32>
          %max3A_623 = arith.maxsi %sub3A_620, %max3A_622 : vector<16xi32>
          %min3A_624 = arith.constant 1 : i32
          %min3A_625 = vector.broadcast %min3A_624 : i32 to vector<16xi32>
          %min3A_626 = arith.minsi %max3A_623, %min3A_625 : vector<16xi32>
          %swap3A_627 = arith.index_cast %add3A_581 : i32 to index
          %swap3A_628 = arith.constant 16 : index
          %swap3A_629 = tpu.vector_load %arg22[%swap3A_627, %swap3A_628] {strides = array<i32>} : memref<64x128xi32, #tpu.memory_space<vmem>>, vector<16xi32>,
          tpu.vector_store %arg22[%swap3A_627, %swap3A_628], %min3A_626 {strides = array<i32>} : memref<64x128xi32, #tpu.memory_space<vmem>>, vector<16xi32>,
          %add3A_630 = arith.constant 32 : i32
          %add3A_631 = vector.broadcast %add3A_630 : i32 to vector<16xi32>
          %add3A_632 = arith.addi %iota3A, %add3A_631 : vector<16xi32>
          %add3A_633 = arith.addi %gather3A_575, %add3A_632 : vector<16xi32>
          %shift_right_logical3A_634 = arith.constant 8 : i32
          %shift_right_logical3A_635 = vector.broadcast %shift_right_logical3A_634 : i32 to vector<16xi32>
          %shift_right_logical3A_636 = arith.shrui %add3A_633, %shift_right_logical3A_635 : vector<16xi32>
          %and3A_637 = arith.constant 255 : i32
          %and3A_638 = vector.broadcast %and3A_637 : i32 to vector<16xi32>
          %and3A_639 = arith.andi %add3A_633, %and3A_638 : vector<16xi32>
          %gather3A_640 = tpu.vector_load_idx %arg18[%shift_right_logical3A_636, %and3A_639] : memref<128x256xi32, #tpu.memory_space<vmem>>[vector<16xi32>, vector<16xi32>], vector<16xi32>,
          %swap3A_641 = arith.index_cast %add3A_581 : i32 to index
          %swap3A_642 = arith.constant 32 : index
          %swap3A_643 = tpu.vector_load %arg20[%swap3A_641, %swap3A_642] {strides = array<i32>} : memref<64x128xi32, #tpu.memory_space<vmem>>, vector<16xi32>,
          tpu.vector_store %arg20[%swap3A_641, %swap3A_642], %gather3A_640 {strides = array<i32>} : memref<64x128xi32, #tpu.memory_space<vmem>>, vector<16xi32>,
          %sub3A_644 = arith.subi %gather3A_579, %add3A_632 : vector<16xi32>
          %max3A_645 = arith.constant 0 : i32
          %max3A_646 = vector.broadcast %max3A_645 : i32 to vector<16xi32>
          %max3A_647 = arith.maxsi %sub3A_644, %max3A_646 : vector<16xi32>
          %min3A_648 = arith.constant 1 : i32
          %min3A_649 = vector.broadcast %min3A_648 : i32 to vector<16xi32>
          %min3A_650 = arith.minsi %max3A_647, %min3A_649 : vector<16xi32>
          %swap3A_651 = arith.index_cast %add3A_581 : i32 to index
          %swap3A_652 = arith.constant 32 : index
          %swap3A_653 = tpu.vector_load %arg22[%swap3A_651, %swap3A_652] {strides = array<i32>} : memref<64x128xi32, #tpu.memory_space<vmem>>, vector<16xi32>,
          tpu.vector_store %arg22[%swap3A_651, %swap3A_652], %min3A_650 {strides = array<i32>} : memref<64x128xi32, #tpu.memory_space<vmem>>, vector<16xi32>,
          %add3A_654 = arith.constant 48 : i32
          %add3A_655 = vector.broadcast %add3A_654 : i32 to vector<16xi32>
          %add3A_656 = arith.addi %iota3A, %add3A_655 : vector<16xi32>
          %add3A_657 = arith.addi %gather3A_575, %add3A_656 : vector<16xi32>
          %shift_right_logical3A_658 = arith.constant 8 : i32
          %shift_right_logical3A_659 = vector.broadcast %shift_right_logical3A_658 : i32 to vector<16xi32>
          %shift_right_logical3A_660 = arith.shrui %add3A_657, %shift_right_logical3A_659 : vector<16xi32>
          %and3A_661 = arith.constant 255 : i32
          %and3A_662 = vector.broadcast %and3A_661 : i32 to vector<16xi32>
          %and3A_663 = arith.andi %add3A_657, %and3A_662 : vector<16xi32>
          %gather3A_664 = tpu.vector_load_idx %arg18[%shift_right_logical3A_660, %and3A_663] : memref<128x256xi32, #tpu.memory_space<vmem>>[vector<16xi32>, vector<16xi32>], vector<16xi32>,
          %swap3A_665 = arith.index_cast %add3A_581 : i32 to index
          %swap3A_666 = arith.constant 48 : index
          %swap3A_667 = tpu.vector_load %arg20[%swap3A_665, %swap3A_666] {strides = array<i32>} : memref<64x128xi32, #tpu.memory_space<vmem>>, vector<16xi32>,
          tpu.vector_store %arg20[%swap3A_665, %swap3A_666], %gather3A_664 {strides = array<i32>} : memref<64x128xi32, #tpu.memory_space<vmem>>, vector<16xi32>,
          %sub3A_668 = arith.subi %gather3A_579, %add3A_656 : vector<16xi32>
          %max3A_669 = arith.constant 0 : i32
          %max3A_670 = vector.broadcast %max3A_669 : i32 to vector<16xi32>
          %max3A_671 = arith.maxsi %sub3A_668, %max3A_670 : vector<16xi32>
          %min3A_672 = arith.constant 1 : i32
          %min3A_673 = vector.broadcast %min3A_672 : i32 to vector<16xi32>
          %min3A_674 = arith.minsi %max3A_671, %min3A_673 : vector<16xi32>
          %swap3A_675 = arith.index_cast %add3A_581 : i32 to index
          %swap3A_676 = arith.constant 48 : index
          %swap3A_677 = tpu.vector_load %arg22[%swap3A_675, %swap3A_676] {strides = array<i32>} : memref<64x128xi32, #tpu.memory_space<vmem>>, vector<16xi32>,
          tpu.vector_store %arg22[%swap3A_675, %swap3A_676], %min3A_674 {strides = array<i32>} : memref<64x128xi32, #tpu.memory_space<vmem>>, vector<16xi32>,
          %broadcast_in_dim3A_678 = arith.constant 5 : i32
          %broadcast_in_dim3A_679 = vector.broadcast %broadcast_in_dim3A_678 : i32 to vector<16x1xi32>
          %gather3A_680 = vector.shape_cast %broadcast_in_dim3A_679 : vector<16x1xi32> to vector<16xi32>
          %gather3A_681 = tpu.dynamic_gather %add3A_151[%gather3A_680] in [0] : vector<16xi32>, vector<16xi32> -> vector<16xi32>
          %broadcast_in_dim3A_682 = arith.constant 5 : i32
          %broadcast_in_dim3A_683 = vector.broadcast %broadcast_in_dim3A_682 : i32 to vector<16x1xi32>
          %gather3A_684 = vector.shape_cast %broadcast_in_dim3A_683 : vector<16x1xi32> to vector<16xi32>
          %gather3A_685 = tpu.dynamic_gather %sub3A_142[%gather3A_684] in [0] : vector<16xi32>, vector<16xi32> -> vector<16xi32>
          %add3A_686 = arith.constant 2 : i32
          %add3A_687 = arith.addi %mul3A_153, %add3A_686 : i32
          %add3A_688 = arith.constant 0 : i32
          %add3A_689 = vector.broadcast %add3A_688 : i32 to vector<16xi32>
          %add3A_690 = arith.addi %iota3A, %add3A_689 : vector<16xi32>
          %add3A_691 = arith.addi %gather3A_681, %add3A_690 : vector<16xi32>
          %shift_right_logical3A_692 = arith.constant 8 : i32
          %shift_right_logical3A_693 = vector.broadcast %shift_right_logical3A_692 : i32 to vector<16xi32>
          %shift_right_logical3A_694 = arith.shrui %add3A_691, %shift_right_logical3A_693 : vector<16xi32>
          %and3A_695 = arith.constant 255 : i32
          %and3A_696 = vector.broadcast %and3A_695 : i32 to vector<16xi32>
          %and3A_697 = arith.andi %add3A_691, %and3A_696 : vector<16xi32>
          %gather3A_698 = tpu.vector_load_idx %arg18[%shift_right_logical3A_694, %and3A_697] : memref<128x256xi32, #tpu.memory_space<vmem>>[vector<16xi32>, vector<16xi32>], vector<16xi32>,
          %swap3A_699 = arith.index_cast %add3A_687 : i32 to index
          %swap3A_700 = arith.constant 64 : index
          %swap3A_701 = tpu.vector_load %arg20[%swap3A_699, %swap3A_700] {strides = array<i32>} : memref<64x128xi32, #tpu.memory_space<vmem>>, vector<16xi32>,
          tpu.vector_store %arg20[%swap3A_699, %swap3A_700], %gather3A_698 {strides = array<i32>} : memref<64x128xi32, #tpu.memory_space<vmem>>, vector<16xi32>,
          %sub3A_702 = arith.subi %gather3A_685, %add3A_690 : vector<16xi32>
          %max3A_703 = arith.constant 0 : i32
          %max3A_704 = vector.broadcast %max3A_703 : i32 to vector<16xi32>
          %max3A_705 = arith.maxsi %sub3A_702, %max3A_704 : vector<16xi32>
          %min3A_706 = arith.constant 1 : i32
          %min3A_707 = vector.broadcast %min3A_706 : i32 to vector<16xi32>
          %min3A_708 = arith.minsi %max3A_705, %min3A_707 : vector<16xi32>
          %swap3A_709 = arith.index_cast %add3A_687 : i32 to index
          %swap3A_710 = arith.constant 64 : index
          %swap3A_711 = tpu.vector_load %arg22[%swap3A_709, %swap3A_710] {strides = array<i32>} : memref<64x128xi32, #tpu.memory_space<vmem>>, vector<16xi32>,
          tpu.vector_store %arg22[%swap3A_709, %swap3A_710], %min3A_708 {strides = array<i32>} : memref<64x128xi32, #tpu.memory_space<vmem>>, vector<16xi32>,
          %add3A_712 = arith.constant 16 : i32
          %add3A_713 = vector.broadcast %add3A_712 : i32 to vector<16xi32>
          %add3A_714 = arith.addi %iota3A, %add3A_713 : vector<16xi32>
          %add3A_715 = arith.addi %gather3A_681, %add3A_714 : vector<16xi32>
          %shift_right_logical3A_716 = arith.constant 8 : i32
          %shift_right_logical3A_717 = vector.broadcast %shift_right_logical3A_716 : i32 to vector<16xi32>
          %shift_right_logical3A_718 = arith.shrui %add3A_715, %shift_right_logical3A_717 : vector<16xi32>
          %and3A_719 = arith.constant 255 : i32
          %and3A_720 = vector.broadcast %and3A_719 : i32 to vector<16xi32>
          %and3A_721 = arith.andi %add3A_715, %and3A_720 : vector<16xi32>
          %gather3A_722 = tpu.vector_load_idx %arg18[%shift_right_logical3A_718, %and3A_721] : memref<128x256xi32, #tpu.memory_space<vmem>>[vector<16xi32>, vector<16xi32>], vector<16xi32>,
          %swap3A_723 = arith.index_cast %add3A_687 : i32 to index
          %swap3A_724 = arith.constant 80 : index
          %swap3A_725 = tpu.vector_load %arg20[%swap3A_723, %swap3A_724] {strides = array<i32>} : memref<64x128xi32, #tpu.memory_space<vmem>>, vector<16xi32>,
          tpu.vector_store %arg20[%swap3A_723, %swap3A_724], %gather3A_722 {strides = array<i32>} : memref<64x128xi32, #tpu.memory_space<vmem>>, vector<16xi32>,
          %sub3A_726 = arith.subi %gather3A_685, %add3A_714 : vector<16xi32>
          %max3A_727 = arith.constant 0 : i32
          %max3A_728 = vector.broadcast %max3A_727 : i32 to vector<16xi32>
          %max3A_729 = arith.maxsi %sub3A_726, %max3A_728 : vector<16xi32>
          %min3A_730 = arith.constant 1 : i32
          %min3A_731 = vector.broadcast %min3A_730 : i32 to vector<16xi32>
          %min3A_732 = arith.minsi %max3A_729, %min3A_731 : vector<16xi32>
          %swap3A_733 = arith.index_cast %add3A_687 : i32 to index
          %swap3A_734 = arith.constant 80 : index
          %swap3A_735 = tpu.vector_load %arg22[%swap3A_733, %swap3A_734] {strides = array<i32>} : memref<64x128xi32, #tpu.memory_space<vmem>>, vector<16xi32>,
          tpu.vector_store %arg22[%swap3A_733, %swap3A_734], %min3A_732 {strides = array<i32>} : memref<64x128xi32, #tpu.memory_space<vmem>>, vector<16xi32>,
          %add3A_736 = arith.constant 32 : i32
          %add3A_737 = vector.broadcast %add3A_736 : i32 to vector<16xi32>
          %add3A_738 = arith.addi %iota3A, %add3A_737 : vector<16xi32>
          %add3A_739 = arith.addi %gather3A_681, %add3A_738 : vector<16xi32>
          %shift_right_logical3A_740 = arith.constant 8 : i32
          %shift_right_logical3A_741 = vector.broadcast %shift_right_logical3A_740 : i32 to vector<16xi32>
          %shift_right_logical3A_742 = arith.shrui %add3A_739, %shift_right_logical3A_741 : vector<16xi32>
          %and3A_743 = arith.constant 255 : i32
          %and3A_744 = vector.broadcast %and3A_743 : i32 to vector<16xi32>
          %and3A_745 = arith.andi %add3A_739, %and3A_744 : vector<16xi32>
          %gather3A_746 = tpu.vector_load_idx %arg18[%shift_right_logical3A_742, %and3A_745] : memref<128x256xi32, #tpu.memory_space<vmem>>[vector<16xi32>, vector<16xi32>], vector<16xi32>,
          %swap3A_747 = arith.index_cast %add3A_687 : i32 to index
          %swap3A_748 = arith.constant 96 : index
          %swap3A_749 = tpu.vector_load %arg20[%swap3A_747, %swap3A_748] {strides = array<i32>} : memref<64x128xi32, #tpu.memory_space<vmem>>, vector<16xi32>,
          tpu.vector_store %arg20[%swap3A_747, %swap3A_748], %gather3A_746 {strides = array<i32>} : memref<64x128xi32, #tpu.memory_space<vmem>>, vector<16xi32>,
          %sub3A_750 = arith.subi %gather3A_685, %add3A_738 : vector<16xi32>
          %max3A_751 = arith.constant 0 : i32
          %max3A_752 = vector.broadcast %max3A_751 : i32 to vector<16xi32>
          %max3A_753 = arith.maxsi %sub3A_750, %max3A_752 : vector<16xi32>
          %min3A_754 = arith.constant 1 : i32
          %min3A_755 = vector.broadcast %min3A_754 : i32 to vector<16xi32>
          %min3A_756 = arith.minsi %max3A_753, %min3A_755 : vector<16xi32>
          %swap3A_757 = arith.index_cast %add3A_687 : i32 to index
          %swap3A_758 = arith.constant 96 : index
          %swap3A_759 = tpu.vector_load %arg22[%swap3A_757, %swap3A_758] {strides = array<i32>} : memref<64x128xi32, #tpu.memory_space<vmem>>, vector<16xi32>,
          tpu.vector_store %arg22[%swap3A_757, %swap3A_758], %min3A_756 {strides = array<i32>} : memref<64x128xi32, #tpu.memory_space<vmem>>, vector<16xi32>,
          %add3A_760 = arith.constant 48 : i32
          %add3A_761 = vector.broadcast %add3A_760 : i32 to vector<16xi32>
          %add3A_762 = arith.addi %iota3A, %add3A_761 : vector<16xi32>
          %add3A_763 = arith.addi %gather3A_681, %add3A_762 : vector<16xi32>
          %shift_right_logical3A_764 = arith.constant 8 : i32
          %shift_right_logical3A_765 = vector.broadcast %shift_right_logical3A_764 : i32 to vector<16xi32>
          %shift_right_logical3A_766 = arith.shrui %add3A_763, %shift_right_logical3A_765 : vector<16xi32>
          %and3A_767 = arith.constant 255 : i32
          %and3A_768 = vector.broadcast %and3A_767 : i32 to vector<16xi32>
          %and3A_769 = arith.andi %add3A_763, %and3A_768 : vector<16xi32>
          %gather3A_770 = tpu.vector_load_idx %arg18[%shift_right_logical3A_766, %and3A_769] : memref<128x256xi32, #tpu.memory_space<vmem>>[vector<16xi32>, vector<16xi32>], vector<16xi32>,
          %swap3A_771 = arith.index_cast %add3A_687 : i32 to index
          %swap3A_772 = arith.constant 112 : index
          %swap3A_773 = tpu.vector_load %arg20[%swap3A_771, %swap3A_772] {strides = array<i32>} : memref<64x128xi32, #tpu.memory_space<vmem>>, vector<16xi32>,
          tpu.vector_store %arg20[%swap3A_771, %swap3A_772], %gather3A_770 {strides = array<i32>} : memref<64x128xi32, #tpu.memory_space<vmem>>, vector<16xi32>,
          %sub3A_774 = arith.subi %gather3A_685, %add3A_762 : vector<16xi32>
          %max3A_775 = arith.constant 0 : i32
          %max3A_776 = vector.broadcast %max3A_775 : i32 to vector<16xi32>
          %max3A_777 = arith.maxsi %sub3A_774, %max3A_776 : vector<16xi32>
          %min3A_778 = arith.constant 1 : i32
          %min3A_779 = vector.broadcast %min3A_778 : i32 to vector<16xi32>
          %min3A_780 = arith.minsi %max3A_777, %min3A_779 : vector<16xi32>
          %swap3A_781 = arith.index_cast %add3A_687 : i32 to index
          %swap3A_782 = arith.constant 112 : index
          %swap3A_783 = tpu.vector_load %arg22[%swap3A_781, %swap3A_782] {strides = array<i32>} : memref<64x128xi32, #tpu.memory_space<vmem>>, vector<16xi32>,
          tpu.vector_store %arg22[%swap3A_781, %swap3A_782], %min3A_780 {strides = array<i32>} : memref<64x128xi32, #tpu.memory_space<vmem>>, vector<16xi32>,
          %broadcast_in_dim3A_784 = arith.constant 6 : i32
          %broadcast_in_dim3A_785 = vector.broadcast %broadcast_in_dim3A_784 : i32 to vector<16x1xi32>
          %gather3A_786 = vector.shape_cast %broadcast_in_dim3A_785 : vector<16x1xi32> to vector<16xi32>
          %gather3A_787 = tpu.dynamic_gather %add3A_151[%gather3A_786] in [0] : vector<16xi32>, vector<16xi32> -> vector<16xi32>
          %broadcast_in_dim3A_788 = arith.constant 6 : i32
          %broadcast_in_dim3A_789 = vector.broadcast %broadcast_in_dim3A_788 : i32 to vector<16x1xi32>
          %gather3A_790 = vector.shape_cast %broadcast_in_dim3A_789 : vector<16x1xi32> to vector<16xi32>
          %gather3A_791 = tpu.dynamic_gather %sub3A_142[%gather3A_790] in [0] : vector<16xi32>, vector<16xi32> -> vector<16xi32>
          %add3A_792 = arith.constant 3 : i32
          %add3A_793 = arith.addi %mul3A_153, %add3A_792 : i32
          %add3A_794 = arith.constant 0 : i32
          %add3A_795 = vector.broadcast %add3A_794 : i32 to vector<16xi32>
          %add3A_796 = arith.addi %iota3A, %add3A_795 : vector<16xi32>
          %add3A_797 = arith.addi %gather3A_787, %add3A_796 : vector<16xi32>
          %shift_right_logical3A_798 = arith.constant 8 : i32
          %shift_right_logical3A_799 = vector.broadcast %shift_right_logical3A_798 : i32 to vector<16xi32>
          %shift_right_logical3A_800 = arith.shrui %add3A_797, %shift_right_logical3A_799 : vector<16xi32>
          %and3A_801 = arith.constant 255 : i32
          %and3A_802 = vector.broadcast %and3A_801 : i32 to vector<16xi32>
          %and3A_803 = arith.andi %add3A_797, %and3A_802 : vector<16xi32>
          %gather3A_804 = tpu.vector_load_idx %arg18[%shift_right_logical3A_800, %and3A_803] : memref<128x256xi32, #tpu.memory_space<vmem>>[vector<16xi32>, vector<16xi32>], vector<16xi32>,
          %swap3A_805 = arith.index_cast %add3A_793 : i32 to index
          %swap3A_806 = arith.constant 0 : index
          %swap3A_807 = tpu.vector_load %arg20[%swap3A_805, %swap3A_806] {strides = array<i32>} : memref<64x128xi32, #tpu.memory_space<vmem>>, vector<16xi32>,
          tpu.vector_store %arg20[%swap3A_805, %swap3A_806], %gather3A_804 {strides = array<i32>} : memref<64x128xi32, #tpu.memory_space<vmem>>, vector<16xi32>,
          %sub3A_808 = arith.subi %gather3A_791, %add3A_796 : vector<16xi32>
          %max3A_809 = arith.constant 0 : i32
          %max3A_810 = vector.broadcast %max3A_809 : i32 to vector<16xi32>
          %max3A_811 = arith.maxsi %sub3A_808, %max3A_810 : vector<16xi32>
          %min3A_812 = arith.constant 1 : i32
          %min3A_813 = vector.broadcast %min3A_812 : i32 to vector<16xi32>
          %min3A_814 = arith.minsi %max3A_811, %min3A_813 : vector<16xi32>
          %swap3A_815 = arith.index_cast %add3A_793 : i32 to index
          %swap3A_816 = arith.constant 0 : index
          %swap3A_817 = tpu.vector_load %arg22[%swap3A_815, %swap3A_816] {strides = array<i32>} : memref<64x128xi32, #tpu.memory_space<vmem>>, vector<16xi32>,
          tpu.vector_store %arg22[%swap3A_815, %swap3A_816], %min3A_814 {strides = array<i32>} : memref<64x128xi32, #tpu.memory_space<vmem>>, vector<16xi32>,
          %add3A_818 = arith.constant 16 : i32
          %add3A_819 = vector.broadcast %add3A_818 : i32 to vector<16xi32>
          %add3A_820 = arith.addi %iota3A, %add3A_819 : vector<16xi32>
          %add3A_821 = arith.addi %gather3A_787, %add3A_820 : vector<16xi32>
          %shift_right_logical3A_822 = arith.constant 8 : i32
          %shift_right_logical3A_823 = vector.broadcast %shift_right_logical3A_822 : i32 to vector<16xi32>
          %shift_right_logical3A_824 = arith.shrui %add3A_821, %shift_right_logical3A_823 : vector<16xi32>
          %and3A_825 = arith.constant 255 : i32
          %and3A_826 = vector.broadcast %and3A_825 : i32 to vector<16xi32>
          %and3A_827 = arith.andi %add3A_821, %and3A_826 : vector<16xi32>
          %gather3A_828 = tpu.vector_load_idx %arg18[%shift_right_logical3A_824, %and3A_827] : memref<128x256xi32, #tpu.memory_space<vmem>>[vector<16xi32>, vector<16xi32>], vector<16xi32>,
          %swap3A_829 = arith.index_cast %add3A_793 : i32 to index
          %swap3A_830 = arith.constant 16 : index
          %swap3A_831 = tpu.vector_load %arg20[%swap3A_829, %swap3A_830] {strides = array<i32>} : memref<64x128xi32, #tpu.memory_space<vmem>>, vector<16xi32>,
          tpu.vector_store %arg20[%swap3A_829, %swap3A_830], %gather3A_828 {strides = array<i32>} : memref<64x128xi32, #tpu.memory_space<vmem>>, vector<16xi32>,
          %sub3A_832 = arith.subi %gather3A_791, %add3A_820 : vector<16xi32>
          %max3A_833 = arith.constant 0 : i32
          %max3A_834 = vector.broadcast %max3A_833 : i32 to vector<16xi32>
          %max3A_835 = arith.maxsi %sub3A_832, %max3A_834 : vector<16xi32>
          %min3A_836 = arith.constant 1 : i32
          %min3A_837 = vector.broadcast %min3A_836 : i32 to vector<16xi32>
          %min3A_838 = arith.minsi %max3A_835, %min3A_837 : vector<16xi32>
          %swap3A_839 = arith.index_cast %add3A_793 : i32 to index
          %swap3A_840 = arith.constant 16 : index
          %swap3A_841 = tpu.vector_load %arg22[%swap3A_839, %swap3A_840] {strides = array<i32>} : memref<64x128xi32, #tpu.memory_space<vmem>>, vector<16xi32>,
          tpu.vector_store %arg22[%swap3A_839, %swap3A_840], %min3A_838 {strides = array<i32>} : memref<64x128xi32, #tpu.memory_space<vmem>>, vector<16xi32>,
          %add3A_842 = arith.constant 32 : i32
          %add3A_843 = vector.broadcast %add3A_842 : i32 to vector<16xi32>
          %add3A_844 = arith.addi %iota3A, %add3A_843 : vector<16xi32>
          %add3A_845 = arith.addi %gather3A_787, %add3A_844 : vector<16xi32>
          %shift_right_logical3A_846 = arith.constant 8 : i32
          %shift_right_logical3A_847 = vector.broadcast %shift_right_logical3A_846 : i32 to vector<16xi32>
          %shift_right_logical3A_848 = arith.shrui %add3A_845, %shift_right_logical3A_847 : vector<16xi32>
          %and3A_849 = arith.constant 255 : i32
          %and3A_850 = vector.broadcast %and3A_849 : i32 to vector<16xi32>
          %and3A_851 = arith.andi %add3A_845, %and3A_850 : vector<16xi32>
          %gather3A_852 = tpu.vector_load_idx %arg18[%shift_right_logical3A_848, %and3A_851] : memref<128x256xi32, #tpu.memory_space<vmem>>[vector<16xi32>, vector<16xi32>], vector<16xi32>,
          %swap3A_853 = arith.index_cast %add3A_793 : i32 to index
          %swap3A_854 = arith.constant 32 : index
          %swap3A_855 = tpu.vector_load %arg20[%swap3A_853, %swap3A_854] {strides = array<i32>} : memref<64x128xi32, #tpu.memory_space<vmem>>, vector<16xi32>,
          tpu.vector_store %arg20[%swap3A_853, %swap3A_854], %gather3A_852 {strides = array<i32>} : memref<64x128xi32, #tpu.memory_space<vmem>>, vector<16xi32>,
          %sub3A_856 = arith.subi %gather3A_791, %add3A_844 : vector<16xi32>
          %max3A_857 = arith.constant 0 : i32
          %max3A_858 = vector.broadcast %max3A_857 : i32 to vector<16xi32>
          %max3A_859 = arith.maxsi %sub3A_856, %max3A_858 : vector<16xi32>
          %min3A_860 = arith.constant 1 : i32
          %min3A_861 = vector.broadcast %min3A_860 : i32 to vector<16xi32>
          %min3A_862 = arith.minsi %max3A_859, %min3A_861 : vector<16xi32>
          %swap3A_863 = arith.index_cast %add3A_793 : i32 to index
          %swap3A_864 = arith.constant 32 : index
          %swap3A_865 = tpu.vector_load %arg22[%swap3A_863, %swap3A_864] {strides = array<i32>} : memref<64x128xi32, #tpu.memory_space<vmem>>, vector<16xi32>,
          tpu.vector_store %arg22[%swap3A_863, %swap3A_864], %min3A_862 {strides = array<i32>} : memref<64x128xi32, #tpu.memory_space<vmem>>, vector<16xi32>,
          %add3A_866 = arith.constant 48 : i32
          %add3A_867 = vector.broadcast %add3A_866 : i32 to vector<16xi32>
          %add3A_868 = arith.addi %iota3A, %add3A_867 : vector<16xi32>
          %add3A_869 = arith.addi %gather3A_787, %add3A_868 : vector<16xi32>
          %shift_right_logical3A_870 = arith.constant 8 : i32
          %shift_right_logical3A_871 = vector.broadcast %shift_right_logical3A_870 : i32 to vector<16xi32>
          %shift_right_logical3A_872 = arith.shrui %add3A_869, %shift_right_logical3A_871 : vector<16xi32>
          %and3A_873 = arith.constant 255 : i32
          %and3A_874 = vector.broadcast %and3A_873 : i32 to vector<16xi32>
          %and3A_875 = arith.andi %add3A_869, %and3A_874 : vector<16xi32>
          %gather3A_876 = tpu.vector_load_idx %arg18[%shift_right_logical3A_872, %and3A_875] : memref<128x256xi32, #tpu.memory_space<vmem>>[vector<16xi32>, vector<16xi32>], vector<16xi32>,
          %swap3A_877 = arith.index_cast %add3A_793 : i32 to index
          %swap3A_878 = arith.constant 48 : index
          %swap3A_879 = tpu.vector_load %arg20[%swap3A_877, %swap3A_878] {strides = array<i32>} : memref<64x128xi32, #tpu.memory_space<vmem>>, vector<16xi32>,
          tpu.vector_store %arg20[%swap3A_877, %swap3A_878], %gather3A_876 {strides = array<i32>} : memref<64x128xi32, #tpu.memory_space<vmem>>, vector<16xi32>,
          %sub3A_880 = arith.subi %gather3A_791, %add3A_868 : vector<16xi32>
          %max3A_881 = arith.constant 0 : i32
          %max3A_882 = vector.broadcast %max3A_881 : i32 to vector<16xi32>
          %max3A_883 = arith.maxsi %sub3A_880, %max3A_882 : vector<16xi32>
          %min3A_884 = arith.constant 1 : i32
          %min3A_885 = vector.broadcast %min3A_884 : i32 to vector<16xi32>
          %min3A_886 = arith.minsi %max3A_883, %min3A_885 : vector<16xi32>
          %swap3A_887 = arith.index_cast %add3A_793 : i32 to index
          %swap3A_888 = arith.constant 48 : index
          %swap3A_889 = tpu.vector_load %arg22[%swap3A_887, %swap3A_888] {strides = array<i32>} : memref<64x128xi32, #tpu.memory_space<vmem>>, vector<16xi32>,
          tpu.vector_store %arg22[%swap3A_887, %swap3A_888], %min3A_886 {strides = array<i32>} : memref<64x128xi32, #tpu.memory_space<vmem>>, vector<16xi32>,
          %broadcast_in_dim3A_890 = arith.constant 7 : i32
          %broadcast_in_dim3A_891 = vector.broadcast %broadcast_in_dim3A_890 : i32 to vector<16x1xi32>
          %gather3A_892 = vector.shape_cast %broadcast_in_dim3A_891 : vector<16x1xi32> to vector<16xi32>
          %gather3A_893 = tpu.dynamic_gather %add3A_151[%gather3A_892] in [0] : vector<16xi32>, vector<16xi32> -> vector<16xi32>
          %broadcast_in_dim3A_894 = arith.constant 7 : i32
          %broadcast_in_dim3A_895 = vector.broadcast %broadcast_in_dim3A_894 : i32 to vector<16x1xi32>
          %gather3A_896 = vector.shape_cast %broadcast_in_dim3A_895 : vector<16x1xi32> to vector<16xi32>
          %gather3A_897 = tpu.dynamic_gather %sub3A_142[%gather3A_896] in [0] : vector<16xi32>, vector<16xi32> -> vector<16xi32>
          %add3A_898 = arith.constant 3 : i32
          %add3A_899 = arith.addi %mul3A_153, %add3A_898 : i32
          %add3A_900 = arith.constant 0 : i32
          %add3A_901 = vector.broadcast %add3A_900 : i32 to vector<16xi32>
          %add3A_902 = arith.addi %iota3A, %add3A_901 : vector<16xi32>
          %add3A_903 = arith.addi %gather3A_893, %add3A_902 : vector<16xi32>
          %shift_right_logical3A_904 = arith.constant 8 : i32
          %shift_right_logical3A_905 = vector.broadcast %shift_right_logical3A_904 : i32 to vector<16xi32>
          %shift_right_logical3A_906 = arith.shrui %add3A_903, %shift_right_logical3A_905 : vector<16xi32>
          %and3A_907 = arith.constant 255 : i32
          %and3A_908 = vector.broadcast %and3A_907 : i32 to vector<16xi32>
          %and3A_909 = arith.andi %add3A_903, %and3A_908 : vector<16xi32>
          %gather3A_910 = tpu.vector_load_idx %arg18[%shift_right_logical3A_906, %and3A_909] : memref<128x256xi32, #tpu.memory_space<vmem>>[vector<16xi32>, vector<16xi32>], vector<16xi32>,
          %swap3A_911 = arith.index_cast %add3A_899 : i32 to index
          %swap3A_912 = arith.constant 64 : index
          %swap3A_913 = tpu.vector_load %arg20[%swap3A_911, %swap3A_912] {strides = array<i32>} : memref<64x128xi32, #tpu.memory_space<vmem>>, vector<16xi32>,
          tpu.vector_store %arg20[%swap3A_911, %swap3A_912], %gather3A_910 {strides = array<i32>} : memref<64x128xi32, #tpu.memory_space<vmem>>, vector<16xi32>,
          %sub3A_914 = arith.subi %gather3A_897, %add3A_902 : vector<16xi32>
          %max3A_915 = arith.constant 0 : i32
          %max3A_916 = vector.broadcast %max3A_915 : i32 to vector<16xi32>
          %max3A_917 = arith.maxsi %sub3A_914, %max3A_916 : vector<16xi32>
          %min3A_918 = arith.constant 1 : i32
          %min3A_919 = vector.broadcast %min3A_918 : i32 to vector<16xi32>
          %min3A_920 = arith.minsi %max3A_917, %min3A_919 : vector<16xi32>
          %swap3A_921 = arith.index_cast %add3A_899 : i32 to index
          %swap3A_922 = arith.constant 64 : index
          %swap3A_923 = tpu.vector_load %arg22[%swap3A_921, %swap3A_922] {strides = array<i32>} : memref<64x128xi32, #tpu.memory_space<vmem>>, vector<16xi32>,
          tpu.vector_store %arg22[%swap3A_921, %swap3A_922], %min3A_920 {strides = array<i32>} : memref<64x128xi32, #tpu.memory_space<vmem>>, vector<16xi32>,
          %add3A_924 = arith.constant 16 : i32
          %add3A_925 = vector.broadcast %add3A_924 : i32 to vector<16xi32>
          %add3A_926 = arith.addi %iota3A, %add3A_925 : vector<16xi32>
          %add3A_927 = arith.addi %gather3A_893, %add3A_926 : vector<16xi32>
          %shift_right_logical3A_928 = arith.constant 8 : i32
          %shift_right_logical3A_929 = vector.broadcast %shift_right_logical3A_928 : i32 to vector<16xi32>
          %shift_right_logical3A_930 = arith.shrui %add3A_927, %shift_right_logical3A_929 : vector<16xi32>
          %and3A_931 = arith.constant 255 : i32
          %and3A_932 = vector.broadcast %and3A_931 : i32 to vector<16xi32>
          %and3A_933 = arith.andi %add3A_927, %and3A_932 : vector<16xi32>
          %gather3A_934 = tpu.vector_load_idx %arg18[%shift_right_logical3A_930, %and3A_933] : memref<128x256xi32, #tpu.memory_space<vmem>>[vector<16xi32>, vector<16xi32>], vector<16xi32>,
          %swap3A_935 = arith.index_cast %add3A_899 : i32 to index
          %swap3A_936 = arith.constant 80 : index
          %swap3A_937 = tpu.vector_load %arg20[%swap3A_935, %swap3A_936] {strides = array<i32>} : memref<64x128xi32, #tpu.memory_space<vmem>>, vector<16xi32>,
          tpu.vector_store %arg20[%swap3A_935, %swap3A_936], %gather3A_934 {strides = array<i32>} : memref<64x128xi32, #tpu.memory_space<vmem>>, vector<16xi32>,
          %sub3A_938 = arith.subi %gather3A_897, %add3A_926 : vector<16xi32>
          %max3A_939 = arith.constant 0 : i32
          %max3A_940 = vector.broadcast %max3A_939 : i32 to vector<16xi32>
          %max3A_941 = arith.maxsi %sub3A_938, %max3A_940 : vector<16xi32>
          %min3A_942 = arith.constant 1 : i32
          %min3A_943 = vector.broadcast %min3A_942 : i32 to vector<16xi32>
          %min3A_944 = arith.minsi %max3A_941, %min3A_943 : vector<16xi32>
          %swap3A_945 = arith.index_cast %add3A_899 : i32 to index
          %swap3A_946 = arith.constant 80 : index
          %swap3A_947 = tpu.vector_load %arg22[%swap3A_945, %swap3A_946] {strides = array<i32>} : memref<64x128xi32, #tpu.memory_space<vmem>>, vector<16xi32>,
          tpu.vector_store %arg22[%swap3A_945, %swap3A_946], %min3A_944 {strides = array<i32>} : memref<64x128xi32, #tpu.memory_space<vmem>>, vector<16xi32>,
          %add3A_948 = arith.constant 32 : i32
          %add3A_949 = vector.broadcast %add3A_948 : i32 to vector<16xi32>
          %add3A_950 = arith.addi %iota3A, %add3A_949 : vector<16xi32>
          %add3A_951 = arith.addi %gather3A_893, %add3A_950 : vector<16xi32>
          %shift_right_logical3A_952 = arith.constant 8 : i32
          %shift_right_logical3A_953 = vector.broadcast %shift_right_logical3A_952 : i32 to vector<16xi32>
          %shift_right_logical3A_954 = arith.shrui %add3A_951, %shift_right_logical3A_953 : vector<16xi32>
          %and3A_955 = arith.constant 255 : i32
          %and3A_956 = vector.broadcast %and3A_955 : i32 to vector<16xi32>
          %and3A_957 = arith.andi %add3A_951, %and3A_956 : vector<16xi32>
          %gather3A_958 = tpu.vector_load_idx %arg18[%shift_right_logical3A_954, %and3A_957] : memref<128x256xi32, #tpu.memory_space<vmem>>[vector<16xi32>, vector<16xi32>], vector<16xi32>,
          %swap3A_959 = arith.index_cast %add3A_899 : i32 to index
          %swap3A_960 = arith.constant 96 : index
          %swap3A_961 = tpu.vector_load %arg20[%swap3A_959, %swap3A_960] {strides = array<i32>} : memref<64x128xi32, #tpu.memory_space<vmem>>, vector<16xi32>,
          tpu.vector_store %arg20[%swap3A_959, %swap3A_960], %gather3A_958 {strides = array<i32>} : memref<64x128xi32, #tpu.memory_space<vmem>>, vector<16xi32>,
          %sub3A_962 = arith.subi %gather3A_897, %add3A_950 : vector<16xi32>
          %max3A_963 = arith.constant 0 : i32
          %max3A_964 = vector.broadcast %max3A_963 : i32 to vector<16xi32>
          %max3A_965 = arith.maxsi %sub3A_962, %max3A_964 : vector<16xi32>
          %min3A_966 = arith.constant 1 : i32
          %min3A_967 = vector.broadcast %min3A_966 : i32 to vector<16xi32>
          %min3A_968 = arith.minsi %max3A_965, %min3A_967 : vector<16xi32>
          %swap3A_969 = arith.index_cast %add3A_899 : i32 to index
          %swap3A_970 = arith.constant 96 : index
          %swap3A_971 = tpu.vector_load %arg22[%swap3A_969, %swap3A_970] {strides = array<i32>} : memref<64x128xi32, #tpu.memory_space<vmem>>, vector<16xi32>,
          tpu.vector_store %arg22[%swap3A_969, %swap3A_970], %min3A_968 {strides = array<i32>} : memref<64x128xi32, #tpu.memory_space<vmem>>, vector<16xi32>,
          %add3A_972 = arith.constant 48 : i32
          %add3A_973 = vector.broadcast %add3A_972 : i32 to vector<16xi32>
          %add3A_974 = arith.addi %iota3A, %add3A_973 : vector<16xi32>
          %add3A_975 = arith.addi %gather3A_893, %add3A_974 : vector<16xi32>
          %shift_right_logical3A_976 = arith.constant 8 : i32
          %shift_right_logical3A_977 = vector.broadcast %shift_right_logical3A_976 : i32 to vector<16xi32>
          %shift_right_logical3A_978 = arith.shrui %add3A_975, %shift_right_logical3A_977 : vector<16xi32>
          %and3A_979 = arith.constant 255 : i32
          %and3A_980 = vector.broadcast %and3A_979 : i32 to vector<16xi32>
          %and3A_981 = arith.andi %add3A_975, %and3A_980 : vector<16xi32>
          %gather3A_982 = tpu.vector_load_idx %arg18[%shift_right_logical3A_978, %and3A_981] : memref<128x256xi32, #tpu.memory_space<vmem>>[vector<16xi32>, vector<16xi32>], vector<16xi32>,
          %swap3A_983 = arith.index_cast %add3A_899 : i32 to index
          %swap3A_984 = arith.constant 112 : index
          %swap3A_985 = tpu.vector_load %arg20[%swap3A_983, %swap3A_984] {strides = array<i32>} : memref<64x128xi32, #tpu.memory_space<vmem>>, vector<16xi32>,
          tpu.vector_store %arg20[%swap3A_983, %swap3A_984], %gather3A_982 {strides = array<i32>} : memref<64x128xi32, #tpu.memory_space<vmem>>, vector<16xi32>,
          %sub3A_986 = arith.subi %gather3A_897, %add3A_974 : vector<16xi32>
          %max3A_987 = arith.constant 0 : i32
          %max3A_988 = vector.broadcast %max3A_987 : i32 to vector<16xi32>
          %max3A_989 = arith.maxsi %sub3A_986, %max3A_988 : vector<16xi32>
          %min3A_990 = arith.constant 1 : i32
          %min3A_991 = vector.broadcast %min3A_990 : i32 to vector<16xi32>
          %min3A_992 = arith.minsi %max3A_989, %min3A_991 : vector<16xi32>
          %swap3A_993 = arith.index_cast %add3A_899 : i32 to index
          %swap3A_994 = arith.constant 112 : index
          %swap3A_995 = tpu.vector_load %arg22[%swap3A_993, %swap3A_994] {strides = array<i32>} : memref<64x128xi32, #tpu.memory_space<vmem>>, vector<16xi32>,
          tpu.vector_store %arg22[%swap3A_993, %swap3A_994], %min3A_992 {strides = array<i32>} : memref<64x128xi32, #tpu.memory_space<vmem>>, vector<16xi32>,
          %broadcast_in_dim3A_996 = arith.constant 8 : i32
          %broadcast_in_dim3A_997 = vector.broadcast %broadcast_in_dim3A_996 : i32 to vector<16x1xi32>
          %gather3A_998 = vector.shape_cast %broadcast_in_dim3A_997 : vector<16x1xi32> to vector<16xi32>
          %gather3A_999 = tpu.dynamic_gather %add3A_151[%gather3A_998] in [0] : vector<16xi32>, vector<16xi32> -> vector<16xi32>
          %broadcast_in_dim3A_1000 = arith.constant 8 : i32
          %broadcast_in_dim3A_1001 = vector.broadcast %broadcast_in_dim3A_1000 : i32 to vector<16x1xi32>
          %gather3A_1002 = vector.shape_cast %broadcast_in_dim3A_1001 : vector<16x1xi32> to vector<16xi32>
          %gather3A_1003 = tpu.dynamic_gather %sub3A_142[%gather3A_1002] in [0] : vector<16xi32>, vector<16xi32> -> vector<16xi32>
          %add3A_1004 = arith.constant 4 : i32
          %add3A_1005 = arith.addi %mul3A_153, %add3A_1004 : i32
          %add3A_1006 = arith.constant 0 : i32
          %add3A_1007 = vector.broadcast %add3A_1006 : i32 to vector<16xi32>
          %add3A_1008 = arith.addi %iota3A, %add3A_1007 : vector<16xi32>
          %add3A_1009 = arith.addi %gather3A_999, %add3A_1008 : vector<16xi32>
          %shift_right_logical3A_1010 = arith.constant 8 : i32
          %shift_right_logical3A_1011 = vector.broadcast %shift_right_logical3A_1010 : i32 to vector<16xi32>
          %shift_right_logical3A_1012 = arith.shrui %add3A_1009, %shift_right_logical3A_1011 : vector<16xi32>
          %and3A_1013 = arith.constant 255 : i32
          %and3A_1014 = vector.broadcast %and3A_1013 : i32 to vector<16xi32>
          %and3A_1015 = arith.andi %add3A_1009, %and3A_1014 : vector<16xi32>
          %gather3A_1016 = tpu.vector_load_idx %arg18[%shift_right_logical3A_1012, %and3A_1015] : memref<128x256xi32, #tpu.memory_space<vmem>>[vector<16xi32>, vector<16xi32>], vector<16xi32>,
          %swap3A_1017 = arith.index_cast %add3A_1005 : i32 to index
          %swap3A_1018 = arith.constant 0 : index
          %swap3A_1019 = tpu.vector_load %arg20[%swap3A_1017, %swap3A_1018] {strides = array<i32>} : memref<64x128xi32, #tpu.memory_space<vmem>>, vector<16xi32>,
          tpu.vector_store %arg20[%swap3A_1017, %swap3A_1018], %gather3A_1016 {strides = array<i32>} : memref<64x128xi32, #tpu.memory_space<vmem>>, vector<16xi32>,
          %sub3A_1020 = arith.subi %gather3A_1003, %add3A_1008 : vector<16xi32>
          %max3A_1021 = arith.constant 0 : i32
          %max3A_1022 = vector.broadcast %max3A_1021 : i32 to vector<16xi32>
          %max3A_1023 = arith.maxsi %sub3A_1020, %max3A_1022 : vector<16xi32>
          %min3A_1024 = arith.constant 1 : i32
          %min3A_1025 = vector.broadcast %min3A_1024 : i32 to vector<16xi32>
          %min3A_1026 = arith.minsi %max3A_1023, %min3A_1025 : vector<16xi32>
          %swap3A_1027 = arith.index_cast %add3A_1005 : i32 to index
          %swap3A_1028 = arith.constant 0 : index
          %swap3A_1029 = tpu.vector_load %arg22[%swap3A_1027, %swap3A_1028] {strides = array<i32>} : memref<64x128xi32, #tpu.memory_space<vmem>>, vector<16xi32>,
          tpu.vector_store %arg22[%swap3A_1027, %swap3A_1028], %min3A_1026 {strides = array<i32>} : memref<64x128xi32, #tpu.memory_space<vmem>>, vector<16xi32>,
          %add3A_1030 = arith.constant 16 : i32
          %add3A_1031 = vector.broadcast %add3A_1030 : i32 to vector<16xi32>
          %add3A_1032 = arith.addi %iota3A, %add3A_1031 : vector<16xi32>
          %add3A_1033 = arith.addi %gather3A_999, %add3A_1032 : vector<16xi32>
          %shift_right_logical3A_1034 = arith.constant 8 : i32
          %shift_right_logical3A_1035 = vector.broadcast %shift_right_logical3A_1034 : i32 to vector<16xi32>
          %shift_right_logical3A_1036 = arith.shrui %add3A_1033, %shift_right_logical3A_1035 : vector<16xi32>
          %and3A_1037 = arith.constant 255 : i32
          %and3A_1038 = vector.broadcast %and3A_1037 : i32 to vector<16xi32>
          %and3A_1039 = arith.andi %add3A_1033, %and3A_1038 : vector<16xi32>
          %gather3A_1040 = tpu.vector_load_idx %arg18[%shift_right_logical3A_1036, %and3A_1039] : memref<128x256xi32, #tpu.memory_space<vmem>>[vector<16xi32>, vector<16xi32>], vector<16xi32>,
          %swap3A_1041 = arith.index_cast %add3A_1005 : i32 to index
          %swap3A_1042 = arith.constant 16 : index
          %swap3A_1043 = tpu.vector_load %arg20[%swap3A_1041, %swap3A_1042] {strides = array<i32>} : memref<64x128xi32, #tpu.memory_space<vmem>>, vector<16xi32>,
          tpu.vector_store %arg20[%swap3A_1041, %swap3A_1042], %gather3A_1040 {strides = array<i32>} : memref<64x128xi32, #tpu.memory_space<vmem>>, vector<16xi32>,
          %sub3A_1044 = arith.subi %gather3A_1003, %add3A_1032 : vector<16xi32>
          %max3A_1045 = arith.constant 0 : i32
          %max3A_1046 = vector.broadcast %max3A_1045 : i32 to vector<16xi32>
          %max3A_1047 = arith.maxsi %sub3A_1044, %max3A_1046 : vector<16xi32>
          %min3A_1048 = arith.constant 1 : i32
          %min3A_1049 = vector.broadcast %min3A_1048 : i32 to vector<16xi32>
          %min3A_1050 = arith.minsi %max3A_1047, %min3A_1049 : vector<16xi32>
          %swap3A_1051 = arith.index_cast %add3A_1005 : i32 to index
          %swap3A_1052 = arith.constant 16 : index
          %swap3A_1053 = tpu.vector_load %arg22[%swap3A_1051, %swap3A_1052] {strides = array<i32>} : memref<64x128xi32, #tpu.memory_space<vmem>>, vector<16xi32>,
          tpu.vector_store %arg22[%swap3A_1051, %swap3A_1052], %min3A_1050 {strides = array<i32>} : memref<64x128xi32, #tpu.memory_space<vmem>>, vector<16xi32>,
          %add3A_1054 = arith.constant 32 : i32
          %add3A_1055 = vector.broadcast %add3A_1054 : i32 to vector<16xi32>
          %add3A_1056 = arith.addi %iota3A, %add3A_1055 : vector<16xi32>
          %add3A_1057 = arith.addi %gather3A_999, %add3A_1056 : vector<16xi32>
          %shift_right_logical3A_1058 = arith.constant 8 : i32
          %shift_right_logical3A_1059 = vector.broadcast %shift_right_logical3A_1058 : i32 to vector<16xi32>
          %shift_right_logical3A_1060 = arith.shrui %add3A_1057, %shift_right_logical3A_1059 : vector<16xi32>
          %and3A_1061 = arith.constant 255 : i32
          %and3A_1062 = vector.broadcast %and3A_1061 : i32 to vector<16xi32>
          %and3A_1063 = arith.andi %add3A_1057, %and3A_1062 : vector<16xi32>
          %gather3A_1064 = tpu.vector_load_idx %arg18[%shift_right_logical3A_1060, %and3A_1063] : memref<128x256xi32, #tpu.memory_space<vmem>>[vector<16xi32>, vector<16xi32>], vector<16xi32>,
          %swap3A_1065 = arith.index_cast %add3A_1005 : i32 to index
          %swap3A_1066 = arith.constant 32 : index
          %swap3A_1067 = tpu.vector_load %arg20[%swap3A_1065, %swap3A_1066] {strides = array<i32>} : memref<64x128xi32, #tpu.memory_space<vmem>>, vector<16xi32>,
          tpu.vector_store %arg20[%swap3A_1065, %swap3A_1066], %gather3A_1064 {strides = array<i32>} : memref<64x128xi32, #tpu.memory_space<vmem>>, vector<16xi32>,
          %sub3A_1068 = arith.subi %gather3A_1003, %add3A_1056 : vector<16xi32>
          %max3A_1069 = arith.constant 0 : i32
          %max3A_1070 = vector.broadcast %max3A_1069 : i32 to vector<16xi32>
          %max3A_1071 = arith.maxsi %sub3A_1068, %max3A_1070 : vector<16xi32>
          %min3A_1072 = arith.constant 1 : i32
          %min3A_1073 = vector.broadcast %min3A_1072 : i32 to vector<16xi32>
          %min3A_1074 = arith.minsi %max3A_1071, %min3A_1073 : vector<16xi32>
          %swap3A_1075 = arith.index_cast %add3A_1005 : i32 to index
          %swap3A_1076 = arith.constant 32 : index
          %swap3A_1077 = tpu.vector_load %arg22[%swap3A_1075, %swap3A_1076] {strides = array<i32>} : memref<64x128xi32, #tpu.memory_space<vmem>>, vector<16xi32>,
          tpu.vector_store %arg22[%swap3A_1075, %swap3A_1076], %min3A_1074 {strides = array<i32>} : memref<64x128xi32, #tpu.memory_space<vmem>>, vector<16xi32>,
          %add3A_1078 = arith.constant 48 : i32
          %add3A_1079 = vector.broadcast %add3A_1078 : i32 to vector<16xi32>
          %add3A_1080 = arith.addi %iota3A, %add3A_1079 : vector<16xi32>
          %add3A_1081 = arith.addi %gather3A_999, %add3A_1080 : vector<16xi32>
          %shift_right_logical3A_1082 = arith.constant 8 : i32
          %shift_right_logical3A_1083 = vector.broadcast %shift_right_logical3A_1082 : i32 to vector<16xi32>
          %shift_right_logical3A_1084 = arith.shrui %add3A_1081, %shift_right_logical3A_1083 : vector<16xi32>
          %and3A_1085 = arith.constant 255 : i32
          %and3A_1086 = vector.broadcast %and3A_1085 : i32 to vector<16xi32>
          %and3A_1087 = arith.andi %add3A_1081, %and3A_1086 : vector<16xi32>
          %gather3A_1088 = tpu.vector_load_idx %arg18[%shift_right_logical3A_1084, %and3A_1087] : memref<128x256xi32, #tpu.memory_space<vmem>>[vector<16xi32>, vector<16xi32>], vector<16xi32>,
          %swap3A_1089 = arith.index_cast %add3A_1005 : i32 to index
          %swap3A_1090 = arith.constant 48 : index
          %swap3A_1091 = tpu.vector_load %arg20[%swap3A_1089, %swap3A_1090] {strides = array<i32>} : memref<64x128xi32, #tpu.memory_space<vmem>>, vector<16xi32>,
          tpu.vector_store %arg20[%swap3A_1089, %swap3A_1090], %gather3A_1088 {strides = array<i32>} : memref<64x128xi32, #tpu.memory_space<vmem>>, vector<16xi32>,
          %sub3A_1092 = arith.subi %gather3A_1003, %add3A_1080 : vector<16xi32>
          %max3A_1093 = arith.constant 0 : i32
          %max3A_1094 = vector.broadcast %max3A_1093 : i32 to vector<16xi32>
          %max3A_1095 = arith.maxsi %sub3A_1092, %max3A_1094 : vector<16xi32>
          %min3A_1096 = arith.constant 1 : i32
          %min3A_1097 = vector.broadcast %min3A_1096 : i32 to vector<16xi32>
          %min3A_1098 = arith.minsi %max3A_1095, %min3A_1097 : vector<16xi32>
          %swap3A_1099 = arith.index_cast %add3A_1005 : i32 to index
          %swap3A_1100 = arith.constant 48 : index
          %swap3A_1101 = tpu.vector_load %arg22[%swap3A_1099, %swap3A_1100] {strides = array<i32>} : memref<64x128xi32, #tpu.memory_space<vmem>>, vector<16xi32>,
          tpu.vector_store %arg22[%swap3A_1099, %swap3A_1100], %min3A_1098 {strides = array<i32>} : memref<64x128xi32, #tpu.memory_space<vmem>>, vector<16xi32>,
          %broadcast_in_dim3A_1102 = arith.constant 9 : i32
          %broadcast_in_dim3A_1103 = vector.broadcast %broadcast_in_dim3A_1102 : i32 to vector<16x1xi32>
          %gather3A_1104 = vector.shape_cast %broadcast_in_dim3A_1103 : vector<16x1xi32> to vector<16xi32>
          %gather3A_1105 = tpu.dynamic_gather %add3A_151[%gather3A_1104] in [0] : vector<16xi32>, vector<16xi32> -> vector<16xi32>
          %broadcast_in_dim3A_1106 = arith.constant 9 : i32
          %broadcast_in_dim3A_1107 = vector.broadcast %broadcast_in_dim3A_1106 : i32 to vector<16x1xi32>
          %gather3A_1108 = vector.shape_cast %broadcast_in_dim3A_1107 : vector<16x1xi32> to vector<16xi32>
          %gather3A_1109 = tpu.dynamic_gather %sub3A_142[%gather3A_1108] in [0] : vector<16xi32>, vector<16xi32> -> vector<16xi32>
          %add3A_1110 = arith.constant 4 : i32
          %add3A_1111 = arith.addi %mul3A_153, %add3A_1110 : i32
          %add3A_1112 = arith.constant 0 : i32
          %add3A_1113 = vector.broadcast %add3A_1112 : i32 to vector<16xi32>
          %add3A_1114 = arith.addi %iota3A, %add3A_1113 : vector<16xi32>
          %add3A_1115 = arith.addi %gather3A_1105, %add3A_1114 : vector<16xi32>
          %shift_right_logical3A_1116 = arith.constant 8 : i32
          %shift_right_logical3A_1117 = vector.broadcast %shift_right_logical3A_1116 : i32 to vector<16xi32>
          %shift_right_logical3A_1118 = arith.shrui %add3A_1115, %shift_right_logical3A_1117 : vector<16xi32>
          %and3A_1119 = arith.constant 255 : i32
          %and3A_1120 = vector.broadcast %and3A_1119 : i32 to vector<16xi32>
          %and3A_1121 = arith.andi %add3A_1115, %and3A_1120 : vector<16xi32>
          %gather3A_1122 = tpu.vector_load_idx %arg18[%shift_right_logical3A_1118, %and3A_1121] : memref<128x256xi32, #tpu.memory_space<vmem>>[vector<16xi32>, vector<16xi32>], vector<16xi32>,
          %swap3A_1123 = arith.index_cast %add3A_1111 : i32 to index
          %swap3A_1124 = arith.constant 64 : index
          %swap3A_1125 = tpu.vector_load %arg20[%swap3A_1123, %swap3A_1124] {strides = array<i32>} : memref<64x128xi32, #tpu.memory_space<vmem>>, vector<16xi32>,
          tpu.vector_store %arg20[%swap3A_1123, %swap3A_1124], %gather3A_1122 {strides = array<i32>} : memref<64x128xi32, #tpu.memory_space<vmem>>, vector<16xi32>,
          %sub3A_1126 = arith.subi %gather3A_1109, %add3A_1114 : vector<16xi32>
          %max3A_1127 = arith.constant 0 : i32
          %max3A_1128 = vector.broadcast %max3A_1127 : i32 to vector<16xi32>
          %max3A_1129 = arith.maxsi %sub3A_1126, %max3A_1128 : vector<16xi32>
          %min3A_1130 = arith.constant 1 : i32
          %min3A_1131 = vector.broadcast %min3A_1130 : i32 to vector<16xi32>
          %min3A_1132 = arith.minsi %max3A_1129, %min3A_1131 : vector<16xi32>
          %swap3A_1133 = arith.index_cast %add3A_1111 : i32 to index
          %swap3A_1134 = arith.constant 64 : index
          %swap3A_1135 = tpu.vector_load %arg22[%swap3A_1133, %swap3A_1134] {strides = array<i32>} : memref<64x128xi32, #tpu.memory_space<vmem>>, vector<16xi32>,
          tpu.vector_store %arg22[%swap3A_1133, %swap3A_1134], %min3A_1132 {strides = array<i32>} : memref<64x128xi32, #tpu.memory_space<vmem>>, vector<16xi32>,
          %add3A_1136 = arith.constant 16 : i32
          %add3A_1137 = vector.broadcast %add3A_1136 : i32 to vector<16xi32>
          %add3A_1138 = arith.addi %iota3A, %add3A_1137 : vector<16xi32>
          %add3A_1139 = arith.addi %gather3A_1105, %add3A_1138 : vector<16xi32>
          %shift_right_logical3A_1140 = arith.constant 8 : i32
          %shift_right_logical3A_1141 = vector.broadcast %shift_right_logical3A_1140 : i32 to vector<16xi32>
          %shift_right_logical3A_1142 = arith.shrui %add3A_1139, %shift_right_logical3A_1141 : vector<16xi32>
          %and3A_1143 = arith.constant 255 : i32
          %and3A_1144 = vector.broadcast %and3A_1143 : i32 to vector<16xi32>
          %and3A_1145 = arith.andi %add3A_1139, %and3A_1144 : vector<16xi32>
          %gather3A_1146 = tpu.vector_load_idx %arg18[%shift_right_logical3A_1142, %and3A_1145] : memref<128x256xi32, #tpu.memory_space<vmem>>[vector<16xi32>, vector<16xi32>], vector<16xi32>,
          %swap3A_1147 = arith.index_cast %add3A_1111 : i32 to index
          %swap3A_1148 = arith.constant 80 : index
          %swap3A_1149 = tpu.vector_load %arg20[%swap3A_1147, %swap3A_1148] {strides = array<i32>} : memref<64x128xi32, #tpu.memory_space<vmem>>, vector<16xi32>,
          tpu.vector_store %arg20[%swap3A_1147, %swap3A_1148], %gather3A_1146 {strides = array<i32>} : memref<64x128xi32, #tpu.memory_space<vmem>>, vector<16xi32>,
          %sub3A_1150 = arith.subi %gather3A_1109, %add3A_1138 : vector<16xi32>
          %max3A_1151 = arith.constant 0 : i32
          %max3A_1152 = vector.broadcast %max3A_1151 : i32 to vector<16xi32>
          %max3A_1153 = arith.maxsi %sub3A_1150, %max3A_1152 : vector<16xi32>
          %min3A_1154 = arith.constant 1 : i32
          %min3A_1155 = vector.broadcast %min3A_1154 : i32 to vector<16xi32>
          %min3A_1156 = arith.minsi %max3A_1153, %min3A_1155 : vector<16xi32>
          %swap3A_1157 = arith.index_cast %add3A_1111 : i32 to index
          %swap3A_1158 = arith.constant 80 : index
          %swap3A_1159 = tpu.vector_load %arg22[%swap3A_1157, %swap3A_1158] {strides = array<i32>} : memref<64x128xi32, #tpu.memory_space<vmem>>, vector<16xi32>,
          tpu.vector_store %arg22[%swap3A_1157, %swap3A_1158], %min3A_1156 {strides = array<i32>} : memref<64x128xi32, #tpu.memory_space<vmem>>, vector<16xi32>,
          %add3A_1160 = arith.constant 32 : i32
          %add3A_1161 = vector.broadcast %add3A_1160 : i32 to vector<16xi32>
          %add3A_1162 = arith.addi %iota3A, %add3A_1161 : vector<16xi32>
          %add3A_1163 = arith.addi %gather3A_1105, %add3A_1162 : vector<16xi32>
          %shift_right_logical3A_1164 = arith.constant 8 : i32
          %shift_right_logical3A_1165 = vector.broadcast %shift_right_logical3A_1164 : i32 to vector<16xi32>
          %shift_right_logical3A_1166 = arith.shrui %add3A_1163, %shift_right_logical3A_1165 : vector<16xi32>
          %and3A_1167 = arith.constant 255 : i32
          %and3A_1168 = vector.broadcast %and3A_1167 : i32 to vector<16xi32>
          %and3A_1169 = arith.andi %add3A_1163, %and3A_1168 : vector<16xi32>
          %gather3A_1170 = tpu.vector_load_idx %arg18[%shift_right_logical3A_1166, %and3A_1169] : memref<128x256xi32, #tpu.memory_space<vmem>>[vector<16xi32>, vector<16xi32>], vector<16xi32>,
          %swap3A_1171 = arith.index_cast %add3A_1111 : i32 to index
          %swap3A_1172 = arith.constant 96 : index
          %swap3A_1173 = tpu.vector_load %arg20[%swap3A_1171, %swap3A_1172] {strides = array<i32>} : memref<64x128xi32, #tpu.memory_space<vmem>>, vector<16xi32>,
          tpu.vector_store %arg20[%swap3A_1171, %swap3A_1172], %gather3A_1170 {strides = array<i32>} : memref<64x128xi32, #tpu.memory_space<vmem>>, vector<16xi32>,
          %sub3A_1174 = arith.subi %gather3A_1109, %add3A_1162 : vector<16xi32>
          %max3A_1175 = arith.constant 0 : i32
          %max3A_1176 = vector.broadcast %max3A_1175 : i32 to vector<16xi32>
          %max3A_1177 = arith.maxsi %sub3A_1174, %max3A_1176 : vector<16xi32>
          %min3A_1178 = arith.constant 1 : i32
          %min3A_1179 = vector.broadcast %min3A_1178 : i32 to vector<16xi32>
          %min3A_1180 = arith.minsi %max3A_1177, %min3A_1179 : vector<16xi32>
          %swap3A_1181 = arith.index_cast %add3A_1111 : i32 to index
          %swap3A_1182 = arith.constant 96 : index
          %swap3A_1183 = tpu.vector_load %arg22[%swap3A_1181, %swap3A_1182] {strides = array<i32>} : memref<64x128xi32, #tpu.memory_space<vmem>>, vector<16xi32>,
          tpu.vector_store %arg22[%swap3A_1181, %swap3A_1182], %min3A_1180 {strides = array<i32>} : memref<64x128xi32, #tpu.memory_space<vmem>>, vector<16xi32>,
          %add3A_1184 = arith.constant 48 : i32
          %add3A_1185 = vector.broadcast %add3A_1184 : i32 to vector<16xi32>
          %add3A_1186 = arith.addi %iota3A, %add3A_1185 : vector<16xi32>
          %add3A_1187 = arith.addi %gather3A_1105, %add3A_1186 : vector<16xi32>
          %shift_right_logical3A_1188 = arith.constant 8 : i32
          %shift_right_logical3A_1189 = vector.broadcast %shift_right_logical3A_1188 : i32 to vector<16xi32>
          %shift_right_logical3A_1190 = arith.shrui %add3A_1187, %shift_right_logical3A_1189 : vector<16xi32>
          %and3A_1191 = arith.constant 255 : i32
          %and3A_1192 = vector.broadcast %and3A_1191 : i32 to vector<16xi32>
          %and3A_1193 = arith.andi %add3A_1187, %and3A_1192 : vector<16xi32>
          %gather3A_1194 = tpu.vector_load_idx %arg18[%shift_right_logical3A_1190, %and3A_1193] : memref<128x256xi32, #tpu.memory_space<vmem>>[vector<16xi32>, vector<16xi32>], vector<16xi32>,
          %swap3A_1195 = arith.index_cast %add3A_1111 : i32 to index
          %swap3A_1196 = arith.constant 112 : index
          %swap3A_1197 = tpu.vector_load %arg20[%swap3A_1195, %swap3A_1196] {strides = array<i32>} : memref<64x128xi32, #tpu.memory_space<vmem>>, vector<16xi32>,
          tpu.vector_store %arg20[%swap3A_1195, %swap3A_1196], %gather3A_1194 {strides = array<i32>} : memref<64x128xi32, #tpu.memory_space<vmem>>, vector<16xi32>,
          %sub3A_1198 = arith.subi %gather3A_1109, %add3A_1186 : vector<16xi32>
          %max3A_1199 = arith.constant 0 : i32
          %max3A_1200 = vector.broadcast %max3A_1199 : i32 to vector<16xi32>
          %max3A_1201 = arith.maxsi %sub3A_1198, %max3A_1200 : vector<16xi32>
          %min3A_1202 = arith.constant 1 : i32
          %min3A_1203 = vector.broadcast %min3A_1202 : i32 to vector<16xi32>
          %min3A_1204 = arith.minsi %max3A_1201, %min3A_1203 : vector<16xi32>
          %swap3A_1205 = arith.index_cast %add3A_1111 : i32 to index
          %swap3A_1206 = arith.constant 112 : index
          %swap3A_1207 = tpu.vector_load %arg22[%swap3A_1205, %swap3A_1206] {strides = array<i32>} : memref<64x128xi32, #tpu.memory_space<vmem>>, vector<16xi32>,
          tpu.vector_store %arg22[%swap3A_1205, %swap3A_1206], %min3A_1204 {strides = array<i32>} : memref<64x128xi32, #tpu.memory_space<vmem>>, vector<16xi32>,
          %broadcast_in_dim3A_1208 = arith.constant 10 : i32
          %broadcast_in_dim3A_1209 = vector.broadcast %broadcast_in_dim3A_1208 : i32 to vector<16x1xi32>
          %gather3A_1210 = vector.shape_cast %broadcast_in_dim3A_1209 : vector<16x1xi32> to vector<16xi32>
          %gather3A_1211 = tpu.dynamic_gather %add3A_151[%gather3A_1210] in [0] : vector<16xi32>, vector<16xi32> -> vector<16xi32>
          %broadcast_in_dim3A_1212 = arith.constant 10 : i32
          %broadcast_in_dim3A_1213 = vector.broadcast %broadcast_in_dim3A_1212 : i32 to vector<16x1xi32>
          %gather3A_1214 = vector.shape_cast %broadcast_in_dim3A_1213 : vector<16x1xi32> to vector<16xi32>
          %gather3A_1215 = tpu.dynamic_gather %sub3A_142[%gather3A_1214] in [0] : vector<16xi32>, vector<16xi32> -> vector<16xi32>
          %add3A_1216 = arith.constant 5 : i32
          %add3A_1217 = arith.addi %mul3A_153, %add3A_1216 : i32
          %add3A_1218 = arith.constant 0 : i32
          %add3A_1219 = vector.broadcast %add3A_1218 : i32 to vector<16xi32>
          %add3A_1220 = arith.addi %iota3A, %add3A_1219 : vector<16xi32>
          %add3A_1221 = arith.addi %gather3A_1211, %add3A_1220 : vector<16xi32>
          %shift_right_logical3A_1222 = arith.constant 8 : i32
          %shift_right_logical3A_1223 = vector.broadcast %shift_right_logical3A_1222 : i32 to vector<16xi32>
          %shift_right_logical3A_1224 = arith.shrui %add3A_1221, %shift_right_logical3A_1223 : vector<16xi32>
          %and3A_1225 = arith.constant 255 : i32
          %and3A_1226 = vector.broadcast %and3A_1225 : i32 to vector<16xi32>
          %and3A_1227 = arith.andi %add3A_1221, %and3A_1226 : vector<16xi32>
          %gather3A_1228 = tpu.vector_load_idx %arg18[%shift_right_logical3A_1224, %and3A_1227] : memref<128x256xi32, #tpu.memory_space<vmem>>[vector<16xi32>, vector<16xi32>], vector<16xi32>,
          %swap3A_1229 = arith.index_cast %add3A_1217 : i32 to index
          %swap3A_1230 = arith.constant 0 : index
          %swap3A_1231 = tpu.vector_load %arg20[%swap3A_1229, %swap3A_1230] {strides = array<i32>} : memref<64x128xi32, #tpu.memory_space<vmem>>, vector<16xi32>,
          tpu.vector_store %arg20[%swap3A_1229, %swap3A_1230], %gather3A_1228 {strides = array<i32>} : memref<64x128xi32, #tpu.memory_space<vmem>>, vector<16xi32>,
          %sub3A_1232 = arith.subi %gather3A_1215, %add3A_1220 : vector<16xi32>
          %max3A_1233 = arith.constant 0 : i32
          %max3A_1234 = vector.broadcast %max3A_1233 : i32 to vector<16xi32>
          %max3A_1235 = arith.maxsi %sub3A_1232, %max3A_1234 : vector<16xi32>
          %min3A_1236 = arith.constant 1 : i32
          %min3A_1237 = vector.broadcast %min3A_1236 : i32 to vector<16xi32>
          %min3A_1238 = arith.minsi %max3A_1235, %min3A_1237 : vector<16xi32>
          %swap3A_1239 = arith.index_cast %add3A_1217 : i32 to index
          %swap3A_1240 = arith.constant 0 : index
          %swap3A_1241 = tpu.vector_load %arg22[%swap3A_1239, %swap3A_1240] {strides = array<i32>} : memref<64x128xi32, #tpu.memory_space<vmem>>, vector<16xi32>,
          tpu.vector_store %arg22[%swap3A_1239, %swap3A_1240], %min3A_1238 {strides = array<i32>} : memref<64x128xi32, #tpu.memory_space<vmem>>, vector<16xi32>,
          %add3A_1242 = arith.constant 16 : i32
          %add3A_1243 = vector.broadcast %add3A_1242 : i32 to vector<16xi32>
          %add3A_1244 = arith.addi %iota3A, %add3A_1243 : vector<16xi32>
          %add3A_1245 = arith.addi %gather3A_1211, %add3A_1244 : vector<16xi32>
          %shift_right_logical3A_1246 = arith.constant 8 : i32
          %shift_right_logical3A_1247 = vector.broadcast %shift_right_logical3A_1246 : i32 to vector<16xi32>
          %shift_right_logical3A_1248 = arith.shrui %add3A_1245, %shift_right_logical3A_1247 : vector<16xi32>
          %and3A_1249 = arith.constant 255 : i32
          %and3A_1250 = vector.broadcast %and3A_1249 : i32 to vector<16xi32>
          %and3A_1251 = arith.andi %add3A_1245, %and3A_1250 : vector<16xi32>
          %gather3A_1252 = tpu.vector_load_idx %arg18[%shift_right_logical3A_1248, %and3A_1251] : memref<128x256xi32, #tpu.memory_space<vmem>>[vector<16xi32>, vector<16xi32>], vector<16xi32>,
          %swap3A_1253 = arith.index_cast %add3A_1217 : i32 to index
          %swap3A_1254 = arith.constant 16 : index
          %swap3A_1255 = tpu.vector_load %arg20[%swap3A_1253, %swap3A_1254] {strides = array<i32>} : memref<64x128xi32, #tpu.memory_space<vmem>>, vector<16xi32>,
          tpu.vector_store %arg20[%swap3A_1253, %swap3A_1254], %gather3A_1252 {strides = array<i32>} : memref<64x128xi32, #tpu.memory_space<vmem>>, vector<16xi32>,
          %sub3A_1256 = arith.subi %gather3A_1215, %add3A_1244 : vector<16xi32>
          %max3A_1257 = arith.constant 0 : i32
          %max3A_1258 = vector.broadcast %max3A_1257 : i32 to vector<16xi32>
          %max3A_1259 = arith.maxsi %sub3A_1256, %max3A_1258 : vector<16xi32>
          %min3A_1260 = arith.constant 1 : i32
          %min3A_1261 = vector.broadcast %min3A_1260 : i32 to vector<16xi32>
          %min3A_1262 = arith.minsi %max3A_1259, %min3A_1261 : vector<16xi32>
          %swap3A_1263 = arith.index_cast %add3A_1217 : i32 to index
          %swap3A_1264 = arith.constant 16 : index
          %swap3A_1265 = tpu.vector_load %arg22[%swap3A_1263, %swap3A_1264] {strides = array<i32>} : memref<64x128xi32, #tpu.memory_space<vmem>>, vector<16xi32>,
          tpu.vector_store %arg22[%swap3A_1263, %swap3A_1264], %min3A_1262 {strides = array<i32>} : memref<64x128xi32, #tpu.memory_space<vmem>>, vector<16xi32>,
          %add3A_1266 = arith.constant 32 : i32
          %add3A_1267 = vector.broadcast %add3A_1266 : i32 to vector<16xi32>
          %add3A_1268 = arith.addi %iota3A, %add3A_1267 : vector<16xi32>
          %add3A_1269 = arith.addi %gather3A_1211, %add3A_1268 : vector<16xi32>
          %shift_right_logical3A_1270 = arith.constant 8 : i32
          %shift_right_logical3A_1271 = vector.broadcast %shift_right_logical3A_1270 : i32 to vector<16xi32>
          %shift_right_logical3A_1272 = arith.shrui %add3A_1269, %shift_right_logical3A_1271 : vector<16xi32>
          %and3A_1273 = arith.constant 255 : i32
          %and3A_1274 = vector.broadcast %and3A_1273 : i32 to vector<16xi32>
          %and3A_1275 = arith.andi %add3A_1269, %and3A_1274 : vector<16xi32>
          %gather3A_1276 = tpu.vector_load_idx %arg18[%shift_right_logical3A_1272, %and3A_1275] : memref<128x256xi32, #tpu.memory_space<vmem>>[vector<16xi32>, vector<16xi32>], vector<16xi32>,
          %swap3A_1277 = arith.index_cast %add3A_1217 : i32 to index
          %swap3A_1278 = arith.constant 32 : index
          %swap3A_1279 = tpu.vector_load %arg20[%swap3A_1277, %swap3A_1278] {strides = array<i32>} : memref<64x128xi32, #tpu.memory_space<vmem>>, vector<16xi32>,
          tpu.vector_store %arg20[%swap3A_1277, %swap3A_1278], %gather3A_1276 {strides = array<i32>} : memref<64x128xi32, #tpu.memory_space<vmem>>, vector<16xi32>,
          %sub3A_1280 = arith.subi %gather3A_1215, %add3A_1268 : vector<16xi32>
          %max3A_1281 = arith.constant 0 : i32
          %max3A_1282 = vector.broadcast %max3A_1281 : i32 to vector<16xi32>
          %max3A_1283 = arith.maxsi %sub3A_1280, %max3A_1282 : vector<16xi32>
          %min3A_1284 = arith.constant 1 : i32
          %min3A_1285 = vector.broadcast %min3A_1284 : i32 to vector<16xi32>
          %min3A_1286 = arith.minsi %max3A_1283, %min3A_1285 : vector<16xi32>
          %swap3A_1287 = arith.index_cast %add3A_1217 : i32 to index
          %swap3A_1288 = arith.constant 32 : index
          %swap3A_1289 = tpu.vector_load %arg22[%swap3A_1287, %swap3A_1288] {strides = array<i32>} : memref<64x128xi32, #tpu.memory_space<vmem>>, vector<16xi32>,
          tpu.vector_store %arg22[%swap3A_1287, %swap3A_1288], %min3A_1286 {strides = array<i32>} : memref<64x128xi32, #tpu.memory_space<vmem>>, vector<16xi32>,
          %add3A_1290 = arith.constant 48 : i32
          %add3A_1291 = vector.broadcast %add3A_1290 : i32 to vector<16xi32>
          %add3A_1292 = arith.addi %iota3A, %add3A_1291 : vector<16xi32>
          %add3A_1293 = arith.addi %gather3A_1211, %add3A_1292 : vector<16xi32>
          %shift_right_logical3A_1294 = arith.constant 8 : i32
          %shift_right_logical3A_1295 = vector.broadcast %shift_right_logical3A_1294 : i32 to vector<16xi32>
          %shift_right_logical3A_1296 = arith.shrui %add3A_1293, %shift_right_logical3A_1295 : vector<16xi32>
          %and3A_1297 = arith.constant 255 : i32
          %and3A_1298 = vector.broadcast %and3A_1297 : i32 to vector<16xi32>
          %and3A_1299 = arith.andi %add3A_1293, %and3A_1298 : vector<16xi32>
          %gather3A_1300 = tpu.vector_load_idx %arg18[%shift_right_logical3A_1296, %and3A_1299] : memref<128x256xi32, #tpu.memory_space<vmem>>[vector<16xi32>, vector<16xi32>], vector<16xi32>,
          %swap3A_1301 = arith.index_cast %add3A_1217 : i32 to index
          %swap3A_1302 = arith.constant 48 : index
          %swap3A_1303 = tpu.vector_load %arg20[%swap3A_1301, %swap3A_1302] {strides = array<i32>} : memref<64x128xi32, #tpu.memory_space<vmem>>, vector<16xi32>,
          tpu.vector_store %arg20[%swap3A_1301, %swap3A_1302], %gather3A_1300 {strides = array<i32>} : memref<64x128xi32, #tpu.memory_space<vmem>>, vector<16xi32>,
          %sub3A_1304 = arith.subi %gather3A_1215, %add3A_1292 : vector<16xi32>
          %max3A_1305 = arith.constant 0 : i32
          %max3A_1306 = vector.broadcast %max3A_1305 : i32 to vector<16xi32>
          %max3A_1307 = arith.maxsi %sub3A_1304, %max3A_1306 : vector<16xi32>
          %min3A_1308 = arith.constant 1 : i32
          %min3A_1309 = vector.broadcast %min3A_1308 : i32 to vector<16xi32>
          %min3A_1310 = arith.minsi %max3A_1307, %min3A_1309 : vector<16xi32>
          %swap3A_1311 = arith.index_cast %add3A_1217 : i32 to index
          %swap3A_1312 = arith.constant 48 : index
          %swap3A_1313 = tpu.vector_load %arg22[%swap3A_1311, %swap3A_1312] {strides = array<i32>} : memref<64x128xi32, #tpu.memory_space<vmem>>, vector<16xi32>,
          tpu.vector_store %arg22[%swap3A_1311, %swap3A_1312], %min3A_1310 {strides = array<i32>} : memref<64x128xi32, #tpu.memory_space<vmem>>, vector<16xi32>,
          %broadcast_in_dim3A_1314 = arith.constant 11 : i32
          %broadcast_in_dim3A_1315 = vector.broadcast %broadcast_in_dim3A_1314 : i32 to vector<16x1xi32>
          %gather3A_1316 = vector.shape_cast %broadcast_in_dim3A_1315 : vector<16x1xi32> to vector<16xi32>
          %gather3A_1317 = tpu.dynamic_gather %add3A_151[%gather3A_1316] in [0] : vector<16xi32>, vector<16xi32> -> vector<16xi32>
          %broadcast_in_dim3A_1318 = arith.constant 11 : i32
          %broadcast_in_dim3A_1319 = vector.broadcast %broadcast_in_dim3A_1318 : i32 to vector<16x1xi32>
          %gather3A_1320 = vector.shape_cast %broadcast_in_dim3A_1319 : vector<16x1xi32> to vector<16xi32>
          %gather3A_1321 = tpu.dynamic_gather %sub3A_142[%gather3A_1320] in [0] : vector<16xi32>, vector<16xi32> -> vector<16xi32>
          %add3A_1322 = arith.constant 5 : i32
          %add3A_1323 = arith.addi %mul3A_153, %add3A_1322 : i32
          %add3A_1324 = arith.constant 0 : i32
          %add3A_1325 = vector.broadcast %add3A_1324 : i32 to vector<16xi32>
          %add3A_1326 = arith.addi %iota3A, %add3A_1325 : vector<16xi32>
          %add3A_1327 = arith.addi %gather3A_1317, %add3A_1326 : vector<16xi32>
          %shift_right_logical3A_1328 = arith.constant 8 : i32
          %shift_right_logical3A_1329 = vector.broadcast %shift_right_logical3A_1328 : i32 to vector<16xi32>
          %shift_right_logical3A_1330 = arith.shrui %add3A_1327, %shift_right_logical3A_1329 : vector<16xi32>
          %and3A_1331 = arith.constant 255 : i32
          %and3A_1332 = vector.broadcast %and3A_1331 : i32 to vector<16xi32>
          %and3A_1333 = arith.andi %add3A_1327, %and3A_1332 : vector<16xi32>
          %gather3A_1334 = tpu.vector_load_idx %arg18[%shift_right_logical3A_1330, %and3A_1333] : memref<128x256xi32, #tpu.memory_space<vmem>>[vector<16xi32>, vector<16xi32>], vector<16xi32>,
          %swap3A_1335 = arith.index_cast %add3A_1323 : i32 to index
          %swap3A_1336 = arith.constant 64 : index
          %swap3A_1337 = tpu.vector_load %arg20[%swap3A_1335, %swap3A_1336] {strides = array<i32>} : memref<64x128xi32, #tpu.memory_space<vmem>>, vector<16xi32>,
          tpu.vector_store %arg20[%swap3A_1335, %swap3A_1336], %gather3A_1334 {strides = array<i32>} : memref<64x128xi32, #tpu.memory_space<vmem>>, vector<16xi32>,
          %sub3A_1338 = arith.subi %gather3A_1321, %add3A_1326 : vector<16xi32>
          %max3A_1339 = arith.constant 0 : i32
          %max3A_1340 = vector.broadcast %max3A_1339 : i32 to vector<16xi32>
          %max3A_1341 = arith.maxsi %sub3A_1338, %max3A_1340 : vector<16xi32>
          %min3A_1342 = arith.constant 1 : i32
          %min3A_1343 = vector.broadcast %min3A_1342 : i32 to vector<16xi32>
          %min3A_1344 = arith.minsi %max3A_1341, %min3A_1343 : vector<16xi32>
          %swap3A_1345 = arith.index_cast %add3A_1323 : i32 to index
          %swap3A_1346 = arith.constant 64 : index
          %swap3A_1347 = tpu.vector_load %arg22[%swap3A_1345, %swap3A_1346] {strides = array<i32>} : memref<64x128xi32, #tpu.memory_space<vmem>>, vector<16xi32>,
          tpu.vector_store %arg22[%swap3A_1345, %swap3A_1346], %min3A_1344 {strides = array<i32>} : memref<64x128xi32, #tpu.memory_space<vmem>>, vector<16xi32>,
          %add3A_1348 = arith.constant 16 : i32
          %add3A_1349 = vector.broadcast %add3A_1348 : i32 to vector<16xi32>
          %add3A_1350 = arith.addi %iota3A, %add3A_1349 : vector<16xi32>
          %add3A_1351 = arith.addi %gather3A_1317, %add3A_1350 : vector<16xi32>
          %shift_right_logical3A_1352 = arith.constant 8 : i32
          %shift_right_logical3A_1353 = vector.broadcast %shift_right_logical3A_1352 : i32 to vector<16xi32>
          %shift_right_logical3A_1354 = arith.shrui %add3A_1351, %shift_right_logical3A_1353 : vector<16xi32>
          %and3A_1355 = arith.constant 255 : i32
          %and3A_1356 = vector.broadcast %and3A_1355 : i32 to vector<16xi32>
          %and3A_1357 = arith.andi %add3A_1351, %and3A_1356 : vector<16xi32>
          %gather3A_1358 = tpu.vector_load_idx %arg18[%shift_right_logical3A_1354, %and3A_1357] : memref<128x256xi32, #tpu.memory_space<vmem>>[vector<16xi32>, vector<16xi32>], vector<16xi32>,
          %swap3A_1359 = arith.index_cast %add3A_1323 : i32 to index
          %swap3A_1360 = arith.constant 80 : index
          %swap3A_1361 = tpu.vector_load %arg20[%swap3A_1359, %swap3A_1360] {strides = array<i32>} : memref<64x128xi32, #tpu.memory_space<vmem>>, vector<16xi32>,
          tpu.vector_store %arg20[%swap3A_1359, %swap3A_1360], %gather3A_1358 {strides = array<i32>} : memref<64x128xi32, #tpu.memory_space<vmem>>, vector<16xi32>,
          %sub3A_1362 = arith.subi %gather3A_1321, %add3A_1350 : vector<16xi32>
          %max3A_1363 = arith.constant 0 : i32
          %max3A_1364 = vector.broadcast %max3A_1363 : i32 to vector<16xi32>
          %max3A_1365 = arith.maxsi %sub3A_1362, %max3A_1364 : vector<16xi32>
          %min3A_1366 = arith.constant 1 : i32
          %min3A_1367 = vector.broadcast %min3A_1366 : i32 to vector<16xi32>
          %min3A_1368 = arith.minsi %max3A_1365, %min3A_1367 : vector<16xi32>
          %swap3A_1369 = arith.index_cast %add3A_1323 : i32 to index
          %swap3A_1370 = arith.constant 80 : index
          %swap3A_1371 = tpu.vector_load %arg22[%swap3A_1369, %swap3A_1370] {strides = array<i32>} : memref<64x128xi32, #tpu.memory_space<vmem>>, vector<16xi32>,
          tpu.vector_store %arg22[%swap3A_1369, %swap3A_1370], %min3A_1368 {strides = array<i32>} : memref<64x128xi32, #tpu.memory_space<vmem>>, vector<16xi32>,
          %add3A_1372 = arith.constant 32 : i32
          %add3A_1373 = vector.broadcast %add3A_1372 : i32 to vector<16xi32>
          %add3A_1374 = arith.addi %iota3A, %add3A_1373 : vector<16xi32>
          %add3A_1375 = arith.addi %gather3A_1317, %add3A_1374 : vector<16xi32>
          %shift_right_logical3A_1376 = arith.constant 8 : i32
          %shift_right_logical3A_1377 = vector.broadcast %shift_right_logical3A_1376 : i32 to vector<16xi32>
          %shift_right_logical3A_1378 = arith.shrui %add3A_1375, %shift_right_logical3A_1377 : vector<16xi32>
          %and3A_1379 = arith.constant 255 : i32
          %and3A_1380 = vector.broadcast %and3A_1379 : i32 to vector<16xi32>
          %and3A_1381 = arith.andi %add3A_1375, %and3A_1380 : vector<16xi32>
          %gather3A_1382 = tpu.vector_load_idx %arg18[%shift_right_logical3A_1378, %and3A_1381] : memref<128x256xi32, #tpu.memory_space<vmem>>[vector<16xi32>, vector<16xi32>], vector<16xi32>,
          %swap3A_1383 = arith.index_cast %add3A_1323 : i32 to index
          %swap3A_1384 = arith.constant 96 : index
          %swap3A_1385 = tpu.vector_load %arg20[%swap3A_1383, %swap3A_1384] {strides = array<i32>} : memref<64x128xi32, #tpu.memory_space<vmem>>, vector<16xi32>,
          tpu.vector_store %arg20[%swap3A_1383, %swap3A_1384], %gather3A_1382 {strides = array<i32>} : memref<64x128xi32, #tpu.memory_space<vmem>>, vector<16xi32>,
          %sub3A_1386 = arith.subi %gather3A_1321, %add3A_1374 : vector<16xi32>
          %max3A_1387 = arith.constant 0 : i32
          %max3A_1388 = vector.broadcast %max3A_1387 : i32 to vector<16xi32>
          %max3A_1389 = arith.maxsi %sub3A_1386, %max3A_1388 : vector<16xi32>
          %min3A_1390 = arith.constant 1 : i32
          %min3A_1391 = vector.broadcast %min3A_1390 : i32 to vector<16xi32>
          %min3A_1392 = arith.minsi %max3A_1389, %min3A_1391 : vector<16xi32>
          %swap3A_1393 = arith.index_cast %add3A_1323 : i32 to index
          %swap3A_1394 = arith.constant 96 : index
          %swap3A_1395 = tpu.vector_load %arg22[%swap3A_1393, %swap3A_1394] {strides = array<i32>} : memref<64x128xi32, #tpu.memory_space<vmem>>, vector<16xi32>,
          tpu.vector_store %arg22[%swap3A_1393, %swap3A_1394], %min3A_1392 {strides = array<i32>} : memref<64x128xi32, #tpu.memory_space<vmem>>, vector<16xi32>,
          %add3A_1396 = arith.constant 48 : i32
          %add3A_1397 = vector.broadcast %add3A_1396 : i32 to vector<16xi32>
          %add3A_1398 = arith.addi %iota3A, %add3A_1397 : vector<16xi32>
          %add3A_1399 = arith.addi %gather3A_1317, %add3A_1398 : vector<16xi32>
          %shift_right_logical3A_1400 = arith.constant 8 : i32
          %shift_right_logical3A_1401 = vector.broadcast %shift_right_logical3A_1400 : i32 to vector<16xi32>
          %shift_right_logical3A_1402 = arith.shrui %add3A_1399, %shift_right_logical3A_1401 : vector<16xi32>
          %and3A_1403 = arith.constant 255 : i32
          %and3A_1404 = vector.broadcast %and3A_1403 : i32 to vector<16xi32>
          %and3A_1405 = arith.andi %add3A_1399, %and3A_1404 : vector<16xi32>
          %gather3A_1406 = tpu.vector_load_idx %arg18[%shift_right_logical3A_1402, %and3A_1405] : memref<128x256xi32, #tpu.memory_space<vmem>>[vector<16xi32>, vector<16xi32>], vector<16xi32>,
          %swap3A_1407 = arith.index_cast %add3A_1323 : i32 to index
          %swap3A_1408 = arith.constant 112 : index
          %swap3A_1409 = tpu.vector_load %arg20[%swap3A_1407, %swap3A_1408] {strides = array<i32>} : memref<64x128xi32, #tpu.memory_space<vmem>>, vector<16xi32>,
          tpu.vector_store %arg20[%swap3A_1407, %swap3A_1408], %gather3A_1406 {strides = array<i32>} : memref<64x128xi32, #tpu.memory_space<vmem>>, vector<16xi32>,
          %sub3A_1410 = arith.subi %gather3A_1321, %add3A_1398 : vector<16xi32>
          %max3A_1411 = arith.constant 0 : i32
          %max3A_1412 = vector.broadcast %max3A_1411 : i32 to vector<16xi32>
          %max3A_1413 = arith.maxsi %sub3A_1410, %max3A_1412 : vector<16xi32>
          %min3A_1414 = arith.constant 1 : i32
          %min3A_1415 = vector.broadcast %min3A_1414 : i32 to vector<16xi32>
          %min3A_1416 = arith.minsi %max3A_1413, %min3A_1415 : vector<16xi32>
          %swap3A_1417 = arith.index_cast %add3A_1323 : i32 to index
          %swap3A_1418 = arith.constant 112 : index
          %swap3A_1419 = tpu.vector_load %arg22[%swap3A_1417, %swap3A_1418] {strides = array<i32>} : memref<64x128xi32, #tpu.memory_space<vmem>>, vector<16xi32>,
          tpu.vector_store %arg22[%swap3A_1417, %swap3A_1418], %min3A_1416 {strides = array<i32>} : memref<64x128xi32, #tpu.memory_space<vmem>>, vector<16xi32>,
          %broadcast_in_dim3A_1420 = arith.constant 12 : i32
          %broadcast_in_dim3A_1421 = vector.broadcast %broadcast_in_dim3A_1420 : i32 to vector<16x1xi32>
          %gather3A_1422 = vector.shape_cast %broadcast_in_dim3A_1421 : vector<16x1xi32> to vector<16xi32>
          %gather3A_1423 = tpu.dynamic_gather %add3A_151[%gather3A_1422] in [0] : vector<16xi32>, vector<16xi32> -> vector<16xi32>
          %broadcast_in_dim3A_1424 = arith.constant 12 : i32
          %broadcast_in_dim3A_1425 = vector.broadcast %broadcast_in_dim3A_1424 : i32 to vector<16x1xi32>
          %gather3A_1426 = vector.shape_cast %broadcast_in_dim3A_1425 : vector<16x1xi32> to vector<16xi32>
          %gather3A_1427 = tpu.dynamic_gather %sub3A_142[%gather3A_1426] in [0] : vector<16xi32>, vector<16xi32> -> vector<16xi32>
          %add3A_1428 = arith.constant 6 : i32
          %add3A_1429 = arith.addi %mul3A_153, %add3A_1428 : i32
          %add3A_1430 = arith.constant 0 : i32
          %add3A_1431 = vector.broadcast %add3A_1430 : i32 to vector<16xi32>
          %add3A_1432 = arith.addi %iota3A, %add3A_1431 : vector<16xi32>
          %add3A_1433 = arith.addi %gather3A_1423, %add3A_1432 : vector<16xi32>
          %shift_right_logical3A_1434 = arith.constant 8 : i32
          %shift_right_logical3A_1435 = vector.broadcast %shift_right_logical3A_1434 : i32 to vector<16xi32>
          %shift_right_logical3A_1436 = arith.shrui %add3A_1433, %shift_right_logical3A_1435 : vector<16xi32>
          %and3A_1437 = arith.constant 255 : i32
          %and3A_1438 = vector.broadcast %and3A_1437 : i32 to vector<16xi32>
          %and3A_1439 = arith.andi %add3A_1433, %and3A_1438 : vector<16xi32>
          %gather3A_1440 = tpu.vector_load_idx %arg18[%shift_right_logical3A_1436, %and3A_1439] : memref<128x256xi32, #tpu.memory_space<vmem>>[vector<16xi32>, vector<16xi32>], vector<16xi32>,
          %swap3A_1441 = arith.index_cast %add3A_1429 : i32 to index
          %swap3A_1442 = arith.constant 0 : index
          %swap3A_1443 = tpu.vector_load %arg20[%swap3A_1441, %swap3A_1442] {strides = array<i32>} : memref<64x128xi32, #tpu.memory_space<vmem>>, vector<16xi32>,
          tpu.vector_store %arg20[%swap3A_1441, %swap3A_1442], %gather3A_1440 {strides = array<i32>} : memref<64x128xi32, #tpu.memory_space<vmem>>, vector<16xi32>,
          %sub3A_1444 = arith.subi %gather3A_1427, %add3A_1432 : vector<16xi32>
          %max3A_1445 = arith.constant 0 : i32
          %max3A_1446 = vector.broadcast %max3A_1445 : i32 to vector<16xi32>
          %max3A_1447 = arith.maxsi %sub3A_1444, %max3A_1446 : vector<16xi32>
          %min3A_1448 = arith.constant 1 : i32
          %min3A_1449 = vector.broadcast %min3A_1448 : i32 to vector<16xi32>
          %min3A_1450 = arith.minsi %max3A_1447, %min3A_1449 : vector<16xi32>
          %swap3A_1451 = arith.index_cast %add3A_1429 : i32 to index
          %swap3A_1452 = arith.constant 0 : index
          %swap3A_1453 = tpu.vector_load %arg22[%swap3A_1451, %swap3A_1452] {strides = array<i32>} : memref<64x128xi32, #tpu.memory_space<vmem>>, vector<16xi32>,
          tpu.vector_store %arg22[%swap3A_1451, %swap3A_1452], %min3A_1450 {strides = array<i32>} : memref<64x128xi32, #tpu.memory_space<vmem>>, vector<16xi32>,
          %add3A_1454 = arith.constant 16 : i32
          %add3A_1455 = vector.broadcast %add3A_1454 : i32 to vector<16xi32>
          %add3A_1456 = arith.addi %iota3A, %add3A_1455 : vector<16xi32>
          %add3A_1457 = arith.addi %gather3A_1423, %add3A_1456 : vector<16xi32>
          %shift_right_logical3A_1458 = arith.constant 8 : i32
          %shift_right_logical3A_1459 = vector.broadcast %shift_right_logical3A_1458 : i32 to vector<16xi32>
          %shift_right_logical3A_1460 = arith.shrui %add3A_1457, %shift_right_logical3A_1459 : vector<16xi32>
          %and3A_1461 = arith.constant 255 : i32
          %and3A_1462 = vector.broadcast %and3A_1461 : i32 to vector<16xi32>
          %and3A_1463 = arith.andi %add3A_1457, %and3A_1462 : vector<16xi32>
          %gather3A_1464 = tpu.vector_load_idx %arg18[%shift_right_logical3A_1460, %and3A_1463] : memref<128x256xi32, #tpu.memory_space<vmem>>[vector<16xi32>, vector<16xi32>], vector<16xi32>,
          %swap3A_1465 = arith.index_cast %add3A_1429 : i32 to index
          %swap3A_1466 = arith.constant 16 : index
          %swap3A_1467 = tpu.vector_load %arg20[%swap3A_1465, %swap3A_1466] {strides = array<i32>} : memref<64x128xi32, #tpu.memory_space<vmem>>, vector<16xi32>,
          tpu.vector_store %arg20[%swap3A_1465, %swap3A_1466], %gather3A_1464 {strides = array<i32>} : memref<64x128xi32, #tpu.memory_space<vmem>>, vector<16xi32>,
          %sub3A_1468 = arith.subi %gather3A_1427, %add3A_1456 : vector<16xi32>
          %max3A_1469 = arith.constant 0 : i32
          %max3A_1470 = vector.broadcast %max3A_1469 : i32 to vector<16xi32>
          %max3A_1471 = arith.maxsi %sub3A_1468, %max3A_1470 : vector<16xi32>
          %min3A_1472 = arith.constant 1 : i32
          %min3A_1473 = vector.broadcast %min3A_1472 : i32 to vector<16xi32>
          %min3A_1474 = arith.minsi %max3A_1471, %min3A_1473 : vector<16xi32>
          %swap3A_1475 = arith.index_cast %add3A_1429 : i32 to index
          %swap3A_1476 = arith.constant 16 : index
          %swap3A_1477 = tpu.vector_load %arg22[%swap3A_1475, %swap3A_1476] {strides = array<i32>} : memref<64x128xi32, #tpu.memory_space<vmem>>, vector<16xi32>,
          tpu.vector_store %arg22[%swap3A_1475, %swap3A_1476], %min3A_1474 {strides = array<i32>} : memref<64x128xi32, #tpu.memory_space<vmem>>, vector<16xi32>,
          %add3A_1478 = arith.constant 32 : i32
          %add3A_1479 = vector.broadcast %add3A_1478 : i32 to vector<16xi32>
          %add3A_1480 = arith.addi %iota3A, %add3A_1479 : vector<16xi32>
          %add3A_1481 = arith.addi %gather3A_1423, %add3A_1480 : vector<16xi32>
          %shift_right_logical3A_1482 = arith.constant 8 : i32
          %shift_right_logical3A_1483 = vector.broadcast %shift_right_logical3A_1482 : i32 to vector<16xi32>
          %shift_right_logical3A_1484 = arith.shrui %add3A_1481, %shift_right_logical3A_1483 : vector<16xi32>
          %and3A_1485 = arith.constant 255 : i32
          %and3A_1486 = vector.broadcast %and3A_1485 : i32 to vector<16xi32>
          %and3A_1487 = arith.andi %add3A_1481, %and3A_1486 : vector<16xi32>
          %gather3A_1488 = tpu.vector_load_idx %arg18[%shift_right_logical3A_1484, %and3A_1487] : memref<128x256xi32, #tpu.memory_space<vmem>>[vector<16xi32>, vector<16xi32>], vector<16xi32>,
          %swap3A_1489 = arith.index_cast %add3A_1429 : i32 to index
          %swap3A_1490 = arith.constant 32 : index
          %swap3A_1491 = tpu.vector_load %arg20[%swap3A_1489, %swap3A_1490] {strides = array<i32>} : memref<64x128xi32, #tpu.memory_space<vmem>>, vector<16xi32>,
          tpu.vector_store %arg20[%swap3A_1489, %swap3A_1490], %gather3A_1488 {strides = array<i32>} : memref<64x128xi32, #tpu.memory_space<vmem>>, vector<16xi32>,
          %sub3A_1492 = arith.subi %gather3A_1427, %add3A_1480 : vector<16xi32>
          %max3A_1493 = arith.constant 0 : i32
          %max3A_1494 = vector.broadcast %max3A_1493 : i32 to vector<16xi32>
          %max3A_1495 = arith.maxsi %sub3A_1492, %max3A_1494 : vector<16xi32>
          %min3A_1496 = arith.constant 1 : i32
          %min3A_1497 = vector.broadcast %min3A_1496 : i32 to vector<16xi32>
          %min3A_1498 = arith.minsi %max3A_1495, %min3A_1497 : vector<16xi32>
          %swap3A_1499 = arith.index_cast %add3A_1429 : i32 to index
          %swap3A_1500 = arith.constant 32 : index
          %swap3A_1501 = tpu.vector_load %arg22[%swap3A_1499, %swap3A_1500] {strides = array<i32>} : memref<64x128xi32, #tpu.memory_space<vmem>>, vector<16xi32>,
          tpu.vector_store %arg22[%swap3A_1499, %swap3A_1500], %min3A_1498 {strides = array<i32>} : memref<64x128xi32, #tpu.memory_space<vmem>>, vector<16xi32>,
          %add3A_1502 = arith.constant 48 : i32
          %add3A_1503 = vector.broadcast %add3A_1502 : i32 to vector<16xi32>
          %add3A_1504 = arith.addi %iota3A, %add3A_1503 : vector<16xi32>
          %add3A_1505 = arith.addi %gather3A_1423, %add3A_1504 : vector<16xi32>
          %shift_right_logical3A_1506 = arith.constant 8 : i32
          %shift_right_logical3A_1507 = vector.broadcast %shift_right_logical3A_1506 : i32 to vector<16xi32>
          %shift_right_logical3A_1508 = arith.shrui %add3A_1505, %shift_right_logical3A_1507 : vector<16xi32>
          %and3A_1509 = arith.constant 255 : i32
          %and3A_1510 = vector.broadcast %and3A_1509 : i32 to vector<16xi32>
          %and3A_1511 = arith.andi %add3A_1505, %and3A_1510 : vector<16xi32>
          %gather3A_1512 = tpu.vector_load_idx %arg18[%shift_right_logical3A_1508, %and3A_1511] : memref<128x256xi32, #tpu.memory_space<vmem>>[vector<16xi32>, vector<16xi32>], vector<16xi32>,
          %swap3A_1513 = arith.index_cast %add3A_1429 : i32 to index
          %swap3A_1514 = arith.constant 48 : index
          %swap3A_1515 = tpu.vector_load %arg20[%swap3A_1513, %swap3A_1514] {strides = array<i32>} : memref<64x128xi32, #tpu.memory_space<vmem>>, vector<16xi32>,
          tpu.vector_store %arg20[%swap3A_1513, %swap3A_1514], %gather3A_1512 {strides = array<i32>} : memref<64x128xi32, #tpu.memory_space<vmem>>, vector<16xi32>,
          %sub3A_1516 = arith.subi %gather3A_1427, %add3A_1504 : vector<16xi32>
          %max3A_1517 = arith.constant 0 : i32
          %max3A_1518 = vector.broadcast %max3A_1517 : i32 to vector<16xi32>
          %max3A_1519 = arith.maxsi %sub3A_1516, %max3A_1518 : vector<16xi32>
          %min3A_1520 = arith.constant 1 : i32
          %min3A_1521 = vector.broadcast %min3A_1520 : i32 to vector<16xi32>
          %min3A_1522 = arith.minsi %max3A_1519, %min3A_1521 : vector<16xi32>
          %swap3A_1523 = arith.index_cast %add3A_1429 : i32 to index
          %swap3A_1524 = arith.constant 48 : index
          %swap3A_1525 = tpu.vector_load %arg22[%swap3A_1523, %swap3A_1524] {strides = array<i32>} : memref<64x128xi32, #tpu.memory_space<vmem>>, vector<16xi32>,
          tpu.vector_store %arg22[%swap3A_1523, %swap3A_1524], %min3A_1522 {strides = array<i32>} : memref<64x128xi32, #tpu.memory_space<vmem>>, vector<16xi32>,
          %broadcast_in_dim3A_1526 = arith.constant 13 : i32
          %broadcast_in_dim3A_1527 = vector.broadcast %broadcast_in_dim3A_1526 : i32 to vector<16x1xi32>
          %gather3A_1528 = vector.shape_cast %broadcast_in_dim3A_1527 : vector<16x1xi32> to vector<16xi32>
          %gather3A_1529 = tpu.dynamic_gather %add3A_151[%gather3A_1528] in [0] : vector<16xi32>, vector<16xi32> -> vector<16xi32>
          %broadcast_in_dim3A_1530 = arith.constant 13 : i32
          %broadcast_in_dim3A_1531 = vector.broadcast %broadcast_in_dim3A_1530 : i32 to vector<16x1xi32>
          %gather3A_1532 = vector.shape_cast %broadcast_in_dim3A_1531 : vector<16x1xi32> to vector<16xi32>
          %gather3A_1533 = tpu.dynamic_gather %sub3A_142[%gather3A_1532] in [0] : vector<16xi32>, vector<16xi32> -> vector<16xi32>
          %add3A_1534 = arith.constant 6 : i32
          %add3A_1535 = arith.addi %mul3A_153, %add3A_1534 : i32
          %add3A_1536 = arith.constant 0 : i32
          %add3A_1537 = vector.broadcast %add3A_1536 : i32 to vector<16xi32>
          %add3A_1538 = arith.addi %iota3A, %add3A_1537 : vector<16xi32>
          %add3A_1539 = arith.addi %gather3A_1529, %add3A_1538 : vector<16xi32>
          %shift_right_logical3A_1540 = arith.constant 8 : i32
          %shift_right_logical3A_1541 = vector.broadcast %shift_right_logical3A_1540 : i32 to vector<16xi32>
          %shift_right_logical3A_1542 = arith.shrui %add3A_1539, %shift_right_logical3A_1541 : vector<16xi32>
          %and3A_1543 = arith.constant 255 : i32
          %and3A_1544 = vector.broadcast %and3A_1543 : i32 to vector<16xi32>
          %and3A_1545 = arith.andi %add3A_1539, %and3A_1544 : vector<16xi32>
          %gather3A_1546 = tpu.vector_load_idx %arg18[%shift_right_logical3A_1542, %and3A_1545] : memref<128x256xi32, #tpu.memory_space<vmem>>[vector<16xi32>, vector<16xi32>], vector<16xi32>,
          %swap3A_1547 = arith.index_cast %add3A_1535 : i32 to index
          %swap3A_1548 = arith.constant 64 : index
          %swap3A_1549 = tpu.vector_load %arg20[%swap3A_1547, %swap3A_1548] {strides = array<i32>} : memref<64x128xi32, #tpu.memory_space<vmem>>, vector<16xi32>,
          tpu.vector_store %arg20[%swap3A_1547, %swap3A_1548], %gather3A_1546 {strides = array<i32>} : memref<64x128xi32, #tpu.memory_space<vmem>>, vector<16xi32>,
          %sub3A_1550 = arith.subi %gather3A_1533, %add3A_1538 : vector<16xi32>
          %max3A_1551 = arith.constant 0 : i32
          %max3A_1552 = vector.broadcast %max3A_1551 : i32 to vector<16xi32>
          %max3A_1553 = arith.maxsi %sub3A_1550, %max3A_1552 : vector<16xi32>
          %min3A_1554 = arith.constant 1 : i32
          %min3A_1555 = vector.broadcast %min3A_1554 : i32 to vector<16xi32>
          %min3A_1556 = arith.minsi %max3A_1553, %min3A_1555 : vector<16xi32>
          %swap3A_1557 = arith.index_cast %add3A_1535 : i32 to index
          %swap3A_1558 = arith.constant 64 : index
          %swap3A_1559 = tpu.vector_load %arg22[%swap3A_1557, %swap3A_1558] {strides = array<i32>} : memref<64x128xi32, #tpu.memory_space<vmem>>, vector<16xi32>,
          tpu.vector_store %arg22[%swap3A_1557, %swap3A_1558], %min3A_1556 {strides = array<i32>} : memref<64x128xi32, #tpu.memory_space<vmem>>, vector<16xi32>,
          %add3A_1560 = arith.constant 16 : i32
          %add3A_1561 = vector.broadcast %add3A_1560 : i32 to vector<16xi32>
          %add3A_1562 = arith.addi %iota3A, %add3A_1561 : vector<16xi32>
          %add3A_1563 = arith.addi %gather3A_1529, %add3A_1562 : vector<16xi32>
          %shift_right_logical3A_1564 = arith.constant 8 : i32
          %shift_right_logical3A_1565 = vector.broadcast %shift_right_logical3A_1564 : i32 to vector<16xi32>
          %shift_right_logical3A_1566 = arith.shrui %add3A_1563, %shift_right_logical3A_1565 : vector<16xi32>
          %and3A_1567 = arith.constant 255 : i32
          %and3A_1568 = vector.broadcast %and3A_1567 : i32 to vector<16xi32>
          %and3A_1569 = arith.andi %add3A_1563, %and3A_1568 : vector<16xi32>
          %gather3A_1570 = tpu.vector_load_idx %arg18[%shift_right_logical3A_1566, %and3A_1569] : memref<128x256xi32, #tpu.memory_space<vmem>>[vector<16xi32>, vector<16xi32>], vector<16xi32>,
          %swap3A_1571 = arith.index_cast %add3A_1535 : i32 to index
          %swap3A_1572 = arith.constant 80 : index
          %swap3A_1573 = tpu.vector_load %arg20[%swap3A_1571, %swap3A_1572] {strides = array<i32>} : memref<64x128xi32, #tpu.memory_space<vmem>>, vector<16xi32>,
          tpu.vector_store %arg20[%swap3A_1571, %swap3A_1572], %gather3A_1570 {strides = array<i32>} : memref<64x128xi32, #tpu.memory_space<vmem>>, vector<16xi32>,
          %sub3A_1574 = arith.subi %gather3A_1533, %add3A_1562 : vector<16xi32>
          %max3A_1575 = arith.constant 0 : i32
          %max3A_1576 = vector.broadcast %max3A_1575 : i32 to vector<16xi32>
          %max3A_1577 = arith.maxsi %sub3A_1574, %max3A_1576 : vector<16xi32>
          %min3A_1578 = arith.constant 1 : i32
          %min3A_1579 = vector.broadcast %min3A_1578 : i32 to vector<16xi32>
          %min3A_1580 = arith.minsi %max3A_1577, %min3A_1579 : vector<16xi32>
          %swap3A_1581 = arith.index_cast %add3A_1535 : i32 to index
          %swap3A_1582 = arith.constant 80 : index
          %swap3A_1583 = tpu.vector_load %arg22[%swap3A_1581, %swap3A_1582] {strides = array<i32>} : memref<64x128xi32, #tpu.memory_space<vmem>>, vector<16xi32>,
          tpu.vector_store %arg22[%swap3A_1581, %swap3A_1582], %min3A_1580 {strides = array<i32>} : memref<64x128xi32, #tpu.memory_space<vmem>>, vector<16xi32>,
          %add3A_1584 = arith.constant 32 : i32
          %add3A_1585 = vector.broadcast %add3A_1584 : i32 to vector<16xi32>
          %add3A_1586 = arith.addi %iota3A, %add3A_1585 : vector<16xi32>
          %add3A_1587 = arith.addi %gather3A_1529, %add3A_1586 : vector<16xi32>
          %shift_right_logical3A_1588 = arith.constant 8 : i32
          %shift_right_logical3A_1589 = vector.broadcast %shift_right_logical3A_1588 : i32 to vector<16xi32>
          %shift_right_logical3A_1590 = arith.shrui %add3A_1587, %shift_right_logical3A_1589 : vector<16xi32>
          %and3A_1591 = arith.constant 255 : i32
          %and3A_1592 = vector.broadcast %and3A_1591 : i32 to vector<16xi32>
          %and3A_1593 = arith.andi %add3A_1587, %and3A_1592 : vector<16xi32>
          %gather3A_1594 = tpu.vector_load_idx %arg18[%shift_right_logical3A_1590, %and3A_1593] : memref<128x256xi32, #tpu.memory_space<vmem>>[vector<16xi32>, vector<16xi32>], vector<16xi32>,
          %swap3A_1595 = arith.index_cast %add3A_1535 : i32 to index
          %swap3A_1596 = arith.constant 96 : index
          %swap3A_1597 = tpu.vector_load %arg20[%swap3A_1595, %swap3A_1596] {strides = array<i32>} : memref<64x128xi32, #tpu.memory_space<vmem>>, vector<16xi32>,
          tpu.vector_store %arg20[%swap3A_1595, %swap3A_1596], %gather3A_1594 {strides = array<i32>} : memref<64x128xi32, #tpu.memory_space<vmem>>, vector<16xi32>,
          %sub3A_1598 = arith.subi %gather3A_1533, %add3A_1586 : vector<16xi32>
          %max3A_1599 = arith.constant 0 : i32
          %max3A_1600 = vector.broadcast %max3A_1599 : i32 to vector<16xi32>
          %max3A_1601 = arith.maxsi %sub3A_1598, %max3A_1600 : vector<16xi32>
          %min3A_1602 = arith.constant 1 : i32
          %min3A_1603 = vector.broadcast %min3A_1602 : i32 to vector<16xi32>
          %min3A_1604 = arith.minsi %max3A_1601, %min3A_1603 : vector<16xi32>
          %swap3A_1605 = arith.index_cast %add3A_1535 : i32 to index
          %swap3A_1606 = arith.constant 96 : index
          %swap3A_1607 = tpu.vector_load %arg22[%swap3A_1605, %swap3A_1606] {strides = array<i32>} : memref<64x128xi32, #tpu.memory_space<vmem>>, vector<16xi32>,
          tpu.vector_store %arg22[%swap3A_1605, %swap3A_1606], %min3A_1604 {strides = array<i32>} : memref<64x128xi32, #tpu.memory_space<vmem>>, vector<16xi32>,
          %add3A_1608 = arith.constant 48 : i32
          %add3A_1609 = vector.broadcast %add3A_1608 : i32 to vector<16xi32>
          %add3A_1610 = arith.addi %iota3A, %add3A_1609 : vector<16xi32>
          %add3A_1611 = arith.addi %gather3A_1529, %add3A_1610 : vector<16xi32>
          %shift_right_logical3A_1612 = arith.constant 8 : i32
          %shift_right_logical3A_1613 = vector.broadcast %shift_right_logical3A_1612 : i32 to vector<16xi32>
          %shift_right_logical3A_1614 = arith.shrui %add3A_1611, %shift_right_logical3A_1613 : vector<16xi32>
          %and3A_1615 = arith.constant 255 : i32
          %and3A_1616 = vector.broadcast %and3A_1615 : i32 to vector<16xi32>
          %and3A_1617 = arith.andi %add3A_1611, %and3A_1616 : vector<16xi32>
          %gather3A_1618 = tpu.vector_load_idx %arg18[%shift_right_logical3A_1614, %and3A_1617] : memref<128x256xi32, #tpu.memory_space<vmem>>[vector<16xi32>, vector<16xi32>], vector<16xi32>,
          %swap3A_1619 = arith.index_cast %add3A_1535 : i32 to index
          %swap3A_1620 = arith.constant 112 : index
          %swap3A_1621 = tpu.vector_load %arg20[%swap3A_1619, %swap3A_1620] {strides = array<i32>} : memref<64x128xi32, #tpu.memory_space<vmem>>, vector<16xi32>,
          tpu.vector_store %arg20[%swap3A_1619, %swap3A_1620], %gather3A_1618 {strides = array<i32>} : memref<64x128xi32, #tpu.memory_space<vmem>>, vector<16xi32>,
          %sub3A_1622 = arith.subi %gather3A_1533, %add3A_1610 : vector<16xi32>
          %max3A_1623 = arith.constant 0 : i32
          %max3A_1624 = vector.broadcast %max3A_1623 : i32 to vector<16xi32>
          %max3A_1625 = arith.maxsi %sub3A_1622, %max3A_1624 : vector<16xi32>
          %min3A_1626 = arith.constant 1 : i32
          %min3A_1627 = vector.broadcast %min3A_1626 : i32 to vector<16xi32>
          %min3A_1628 = arith.minsi %max3A_1625, %min3A_1627 : vector<16xi32>
          %swap3A_1629 = arith.index_cast %add3A_1535 : i32 to index
          %swap3A_1630 = arith.constant 112 : index
          %swap3A_1631 = tpu.vector_load %arg22[%swap3A_1629, %swap3A_1630] {strides = array<i32>} : memref<64x128xi32, #tpu.memory_space<vmem>>, vector<16xi32>,
          tpu.vector_store %arg22[%swap3A_1629, %swap3A_1630], %min3A_1628 {strides = array<i32>} : memref<64x128xi32, #tpu.memory_space<vmem>>, vector<16xi32>,
          %broadcast_in_dim3A_1632 = arith.constant 14 : i32
          %broadcast_in_dim3A_1633 = vector.broadcast %broadcast_in_dim3A_1632 : i32 to vector<16x1xi32>
          %gather3A_1634 = vector.shape_cast %broadcast_in_dim3A_1633 : vector<16x1xi32> to vector<16xi32>
          %gather3A_1635 = tpu.dynamic_gather %add3A_151[%gather3A_1634] in [0] : vector<16xi32>, vector<16xi32> -> vector<16xi32>
          %broadcast_in_dim3A_1636 = arith.constant 14 : i32
          %broadcast_in_dim3A_1637 = vector.broadcast %broadcast_in_dim3A_1636 : i32 to vector<16x1xi32>
          %gather3A_1638 = vector.shape_cast %broadcast_in_dim3A_1637 : vector<16x1xi32> to vector<16xi32>
          %gather3A_1639 = tpu.dynamic_gather %sub3A_142[%gather3A_1638] in [0] : vector<16xi32>, vector<16xi32> -> vector<16xi32>
          %add3A_1640 = arith.constant 7 : i32
          %add3A_1641 = arith.addi %mul3A_153, %add3A_1640 : i32
          %add3A_1642 = arith.constant 0 : i32
          %add3A_1643 = vector.broadcast %add3A_1642 : i32 to vector<16xi32>
          %add3A_1644 = arith.addi %iota3A, %add3A_1643 : vector<16xi32>
          %add3A_1645 = arith.addi %gather3A_1635, %add3A_1644 : vector<16xi32>
          %shift_right_logical3A_1646 = arith.constant 8 : i32
          %shift_right_logical3A_1647 = vector.broadcast %shift_right_logical3A_1646 : i32 to vector<16xi32>
          %shift_right_logical3A_1648 = arith.shrui %add3A_1645, %shift_right_logical3A_1647 : vector<16xi32>
          %and3A_1649 = arith.constant 255 : i32
          %and3A_1650 = vector.broadcast %and3A_1649 : i32 to vector<16xi32>
          %and3A_1651 = arith.andi %add3A_1645, %and3A_1650 : vector<16xi32>
          %gather3A_1652 = tpu.vector_load_idx %arg18[%shift_right_logical3A_1648, %and3A_1651] : memref<128x256xi32, #tpu.memory_space<vmem>>[vector<16xi32>, vector<16xi32>], vector<16xi32>,
          %swap3A_1653 = arith.index_cast %add3A_1641 : i32 to index
          %swap3A_1654 = arith.constant 0 : index
          %swap3A_1655 = tpu.vector_load %arg20[%swap3A_1653, %swap3A_1654] {strides = array<i32>} : memref<64x128xi32, #tpu.memory_space<vmem>>, vector<16xi32>,
          tpu.vector_store %arg20[%swap3A_1653, %swap3A_1654], %gather3A_1652 {strides = array<i32>} : memref<64x128xi32, #tpu.memory_space<vmem>>, vector<16xi32>,
          %sub3A_1656 = arith.subi %gather3A_1639, %add3A_1644 : vector<16xi32>
          %max3A_1657 = arith.constant 0 : i32
          %max3A_1658 = vector.broadcast %max3A_1657 : i32 to vector<16xi32>
          %max3A_1659 = arith.maxsi %sub3A_1656, %max3A_1658 : vector<16xi32>
          %min3A_1660 = arith.constant 1 : i32
          %min3A_1661 = vector.broadcast %min3A_1660 : i32 to vector<16xi32>
          %min3A_1662 = arith.minsi %max3A_1659, %min3A_1661 : vector<16xi32>
          %swap3A_1663 = arith.index_cast %add3A_1641 : i32 to index
          %swap3A_1664 = arith.constant 0 : index
          %swap3A_1665 = tpu.vector_load %arg22[%swap3A_1663, %swap3A_1664] {strides = array<i32>} : memref<64x128xi32, #tpu.memory_space<vmem>>, vector<16xi32>,
          tpu.vector_store %arg22[%swap3A_1663, %swap3A_1664], %min3A_1662 {strides = array<i32>} : memref<64x128xi32, #tpu.memory_space<vmem>>, vector<16xi32>,
          %add3A_1666 = arith.constant 16 : i32
          %add3A_1667 = vector.broadcast %add3A_1666 : i32 to vector<16xi32>
          %add3A_1668 = arith.addi %iota3A, %add3A_1667 : vector<16xi32>
          %add3A_1669 = arith.addi %gather3A_1635, %add3A_1668 : vector<16xi32>
          %shift_right_logical3A_1670 = arith.constant 8 : i32
          %shift_right_logical3A_1671 = vector.broadcast %shift_right_logical3A_1670 : i32 to vector<16xi32>
          %shift_right_logical3A_1672 = arith.shrui %add3A_1669, %shift_right_logical3A_1671 : vector<16xi32>
          %and3A_1673 = arith.constant 255 : i32
          %and3A_1674 = vector.broadcast %and3A_1673 : i32 to vector<16xi32>
          %and3A_1675 = arith.andi %add3A_1669, %and3A_1674 : vector<16xi32>
          %gather3A_1676 = tpu.vector_load_idx %arg18[%shift_right_logical3A_1672, %and3A_1675] : memref<128x256xi32, #tpu.memory_space<vmem>>[vector<16xi32>, vector<16xi32>], vector<16xi32>,
          %swap3A_1677 = arith.index_cast %add3A_1641 : i32 to index
          %swap3A_1678 = arith.constant 16 : index
          %swap3A_1679 = tpu.vector_load %arg20[%swap3A_1677, %swap3A_1678] {strides = array<i32>} : memref<64x128xi32, #tpu.memory_space<vmem>>, vector<16xi32>,
          tpu.vector_store %arg20[%swap3A_1677, %swap3A_1678], %gather3A_1676 {strides = array<i32>} : memref<64x128xi32, #tpu.memory_space<vmem>>, vector<16xi32>,
          %sub3A_1680 = arith.subi %gather3A_1639, %add3A_1668 : vector<16xi32>
          %max3A_1681 = arith.constant 0 : i32
          %max3A_1682 = vector.broadcast %max3A_1681 : i32 to vector<16xi32>
          %max3A_1683 = arith.maxsi %sub3A_1680, %max3A_1682 : vector<16xi32>
          %min3A_1684 = arith.constant 1 : i32
          %min3A_1685 = vector.broadcast %min3A_1684 : i32 to vector<16xi32>
          %min3A_1686 = arith.minsi %max3A_1683, %min3A_1685 : vector<16xi32>
          %swap3A_1687 = arith.index_cast %add3A_1641 : i32 to index
          %swap3A_1688 = arith.constant 16 : index
          %swap3A_1689 = tpu.vector_load %arg22[%swap3A_1687, %swap3A_1688] {strides = array<i32>} : memref<64x128xi32, #tpu.memory_space<vmem>>, vector<16xi32>,
          tpu.vector_store %arg22[%swap3A_1687, %swap3A_1688], %min3A_1686 {strides = array<i32>} : memref<64x128xi32, #tpu.memory_space<vmem>>, vector<16xi32>,
          %add3A_1690 = arith.constant 32 : i32
          %add3A_1691 = vector.broadcast %add3A_1690 : i32 to vector<16xi32>
          %add3A_1692 = arith.addi %iota3A, %add3A_1691 : vector<16xi32>
          %add3A_1693 = arith.addi %gather3A_1635, %add3A_1692 : vector<16xi32>
          %shift_right_logical3A_1694 = arith.constant 8 : i32
          %shift_right_logical3A_1695 = vector.broadcast %shift_right_logical3A_1694 : i32 to vector<16xi32>
          %shift_right_logical3A_1696 = arith.shrui %add3A_1693, %shift_right_logical3A_1695 : vector<16xi32>
          %and3A_1697 = arith.constant 255 : i32
          %and3A_1698 = vector.broadcast %and3A_1697 : i32 to vector<16xi32>
          %and3A_1699 = arith.andi %add3A_1693, %and3A_1698 : vector<16xi32>
          %gather3A_1700 = tpu.vector_load_idx %arg18[%shift_right_logical3A_1696, %and3A_1699] : memref<128x256xi32, #tpu.memory_space<vmem>>[vector<16xi32>, vector<16xi32>], vector<16xi32>,
          %swap3A_1701 = arith.index_cast %add3A_1641 : i32 to index
          %swap3A_1702 = arith.constant 32 : index
          %swap3A_1703 = tpu.vector_load %arg20[%swap3A_1701, %swap3A_1702] {strides = array<i32>} : memref<64x128xi32, #tpu.memory_space<vmem>>, vector<16xi32>,
          tpu.vector_store %arg20[%swap3A_1701, %swap3A_1702], %gather3A_1700 {strides = array<i32>} : memref<64x128xi32, #tpu.memory_space<vmem>>, vector<16xi32>,
          %sub3A_1704 = arith.subi %gather3A_1639, %add3A_1692 : vector<16xi32>
          %max3A_1705 = arith.constant 0 : i32
          %max3A_1706 = vector.broadcast %max3A_1705 : i32 to vector<16xi32>
          %max3A_1707 = arith.maxsi %sub3A_1704, %max3A_1706 : vector<16xi32>
          %min3A_1708 = arith.constant 1 : i32
          %min3A_1709 = vector.broadcast %min3A_1708 : i32 to vector<16xi32>
          %min3A_1710 = arith.minsi %max3A_1707, %min3A_1709 : vector<16xi32>
          %swap3A_1711 = arith.index_cast %add3A_1641 : i32 to index
          %swap3A_1712 = arith.constant 32 : index
          %swap3A_1713 = tpu.vector_load %arg22[%swap3A_1711, %swap3A_1712] {strides = array<i32>} : memref<64x128xi32, #tpu.memory_space<vmem>>, vector<16xi32>,
          tpu.vector_store %arg22[%swap3A_1711, %swap3A_1712], %min3A_1710 {strides = array<i32>} : memref<64x128xi32, #tpu.memory_space<vmem>>, vector<16xi32>,
          %add3A_1714 = arith.constant 48 : i32
          %add3A_1715 = vector.broadcast %add3A_1714 : i32 to vector<16xi32>
          %add3A_1716 = arith.addi %iota3A, %add3A_1715 : vector<16xi32>
          %add3A_1717 = arith.addi %gather3A_1635, %add3A_1716 : vector<16xi32>
          %shift_right_logical3A_1718 = arith.constant 8 : i32
          %shift_right_logical3A_1719 = vector.broadcast %shift_right_logical3A_1718 : i32 to vector<16xi32>
          %shift_right_logical3A_1720 = arith.shrui %add3A_1717, %shift_right_logical3A_1719 : vector<16xi32>
          %and3A_1721 = arith.constant 255 : i32
          %and3A_1722 = vector.broadcast %and3A_1721 : i32 to vector<16xi32>
          %and3A_1723 = arith.andi %add3A_1717, %and3A_1722 : vector<16xi32>
          %gather3A_1724 = tpu.vector_load_idx %arg18[%shift_right_logical3A_1720, %and3A_1723] : memref<128x256xi32, #tpu.memory_space<vmem>>[vector<16xi32>, vector<16xi32>], vector<16xi32>,
          %swap3A_1725 = arith.index_cast %add3A_1641 : i32 to index
          %swap3A_1726 = arith.constant 48 : index
          %swap3A_1727 = tpu.vector_load %arg20[%swap3A_1725, %swap3A_1726] {strides = array<i32>} : memref<64x128xi32, #tpu.memory_space<vmem>>, vector<16xi32>,
          tpu.vector_store %arg20[%swap3A_1725, %swap3A_1726], %gather3A_1724 {strides = array<i32>} : memref<64x128xi32, #tpu.memory_space<vmem>>, vector<16xi32>,
          %sub3A_1728 = arith.subi %gather3A_1639, %add3A_1716 : vector<16xi32>
          %max3A_1729 = arith.constant 0 : i32
          %max3A_1730 = vector.broadcast %max3A_1729 : i32 to vector<16xi32>
          %max3A_1731 = arith.maxsi %sub3A_1728, %max3A_1730 : vector<16xi32>
          %min3A_1732 = arith.constant 1 : i32
          %min3A_1733 = vector.broadcast %min3A_1732 : i32 to vector<16xi32>
          %min3A_1734 = arith.minsi %max3A_1731, %min3A_1733 : vector<16xi32>
          %swap3A_1735 = arith.index_cast %add3A_1641 : i32 to index
          %swap3A_1736 = arith.constant 48 : index
          %swap3A_1737 = tpu.vector_load %arg22[%swap3A_1735, %swap3A_1736] {strides = array<i32>} : memref<64x128xi32, #tpu.memory_space<vmem>>, vector<16xi32>,
          tpu.vector_store %arg22[%swap3A_1735, %swap3A_1736], %min3A_1734 {strides = array<i32>} : memref<64x128xi32, #tpu.memory_space<vmem>>, vector<16xi32>,
          %broadcast_in_dim3A_1738 = arith.constant 15 : i32
          %broadcast_in_dim3A_1739 = vector.broadcast %broadcast_in_dim3A_1738 : i32 to vector<16x1xi32>
          %gather3A_1740 = vector.shape_cast %broadcast_in_dim3A_1739 : vector<16x1xi32> to vector<16xi32>
          %gather3A_1741 = tpu.dynamic_gather %add3A_151[%gather3A_1740] in [0] : vector<16xi32>, vector<16xi32> -> vector<16xi32>
          %broadcast_in_dim3A_1742 = arith.constant 15 : i32
          %broadcast_in_dim3A_1743 = vector.broadcast %broadcast_in_dim3A_1742 : i32 to vector<16x1xi32>
          %gather3A_1744 = vector.shape_cast %broadcast_in_dim3A_1743 : vector<16x1xi32> to vector<16xi32>
          %gather3A_1745 = tpu.dynamic_gather %sub3A_142[%gather3A_1744] in [0] : vector<16xi32>, vector<16xi32> -> vector<16xi32>
          %add3A_1746 = arith.constant 7 : i32
          %add3A_1747 = arith.addi %mul3A_153, %add3A_1746 : i32
          %add3A_1748 = arith.constant 0 : i32
          %add3A_1749 = vector.broadcast %add3A_1748 : i32 to vector<16xi32>
          %add3A_1750 = arith.addi %iota3A, %add3A_1749 : vector<16xi32>
          %add3A_1751 = arith.addi %gather3A_1741, %add3A_1750 : vector<16xi32>
          %shift_right_logical3A_1752 = arith.constant 8 : i32
          %shift_right_logical3A_1753 = vector.broadcast %shift_right_logical3A_1752 : i32 to vector<16xi32>
          %shift_right_logical3A_1754 = arith.shrui %add3A_1751, %shift_right_logical3A_1753 : vector<16xi32>
          %and3A_1755 = arith.constant 255 : i32
          %and3A_1756 = vector.broadcast %and3A_1755 : i32 to vector<16xi32>
          %and3A_1757 = arith.andi %add3A_1751, %and3A_1756 : vector<16xi32>
          %gather3A_1758 = tpu.vector_load_idx %arg18[%shift_right_logical3A_1754, %and3A_1757] : memref<128x256xi32, #tpu.memory_space<vmem>>[vector<16xi32>, vector<16xi32>], vector<16xi32>,
          %swap3A_1759 = arith.index_cast %add3A_1747 : i32 to index
          %swap3A_1760 = arith.constant 64 : index
          %swap3A_1761 = tpu.vector_load %arg20[%swap3A_1759, %swap3A_1760] {strides = array<i32>} : memref<64x128xi32, #tpu.memory_space<vmem>>, vector<16xi32>,
          tpu.vector_store %arg20[%swap3A_1759, %swap3A_1760], %gather3A_1758 {strides = array<i32>} : memref<64x128xi32, #tpu.memory_space<vmem>>, vector<16xi32>,
          %sub3A_1762 = arith.subi %gather3A_1745, %add3A_1750 : vector<16xi32>
          %max3A_1763 = arith.constant 0 : i32
          %max3A_1764 = vector.broadcast %max3A_1763 : i32 to vector<16xi32>
          %max3A_1765 = arith.maxsi %sub3A_1762, %max3A_1764 : vector<16xi32>
          %min3A_1766 = arith.constant 1 : i32
          %min3A_1767 = vector.broadcast %min3A_1766 : i32 to vector<16xi32>
          %min3A_1768 = arith.minsi %max3A_1765, %min3A_1767 : vector<16xi32>
          %swap3A_1769 = arith.index_cast %add3A_1747 : i32 to index
          %swap3A_1770 = arith.constant 64 : index
          %swap3A_1771 = tpu.vector_load %arg22[%swap3A_1769, %swap3A_1770] {strides = array<i32>} : memref<64x128xi32, #tpu.memory_space<vmem>>, vector<16xi32>,
          tpu.vector_store %arg22[%swap3A_1769, %swap3A_1770], %min3A_1768 {strides = array<i32>} : memref<64x128xi32, #tpu.memory_space<vmem>>, vector<16xi32>,
          %add3A_1772 = arith.constant 16 : i32
          %add3A_1773 = vector.broadcast %add3A_1772 : i32 to vector<16xi32>
          %add3A_1774 = arith.addi %iota3A, %add3A_1773 : vector<16xi32>
          %add3A_1775 = arith.addi %gather3A_1741, %add3A_1774 : vector<16xi32>
          %shift_right_logical3A_1776 = arith.constant 8 : i32
          %shift_right_logical3A_1777 = vector.broadcast %shift_right_logical3A_1776 : i32 to vector<16xi32>
          %shift_right_logical3A_1778 = arith.shrui %add3A_1775, %shift_right_logical3A_1777 : vector<16xi32>
          %and3A_1779 = arith.constant 255 : i32
          %and3A_1780 = vector.broadcast %and3A_1779 : i32 to vector<16xi32>
          %and3A_1781 = arith.andi %add3A_1775, %and3A_1780 : vector<16xi32>
          %gather3A_1782 = tpu.vector_load_idx %arg18[%shift_right_logical3A_1778, %and3A_1781] : memref<128x256xi32, #tpu.memory_space<vmem>>[vector<16xi32>, vector<16xi32>], vector<16xi32>,
          %swap3A_1783 = arith.index_cast %add3A_1747 : i32 to index
          %swap3A_1784 = arith.constant 80 : index
          %swap3A_1785 = tpu.vector_load %arg20[%swap3A_1783, %swap3A_1784] {strides = array<i32>} : memref<64x128xi32, #tpu.memory_space<vmem>>, vector<16xi32>,
          tpu.vector_store %arg20[%swap3A_1783, %swap3A_1784], %gather3A_1782 {strides = array<i32>} : memref<64x128xi32, #tpu.memory_space<vmem>>, vector<16xi32>,
          %sub3A_1786 = arith.subi %gather3A_1745, %add3A_1774 : vector<16xi32>
          %max3A_1787 = arith.constant 0 : i32
          %max3A_1788 = vector.broadcast %max3A_1787 : i32 to vector<16xi32>
          %max3A_1789 = arith.maxsi %sub3A_1786, %max3A_1788 : vector<16xi32>
          %min3A_1790 = arith.constant 1 : i32
          %min3A_1791 = vector.broadcast %min3A_1790 : i32 to vector<16xi32>
          %min3A_1792 = arith.minsi %max3A_1789, %min3A_1791 : vector<16xi32>
          %swap3A_1793 = arith.index_cast %add3A_1747 : i32 to index
          %swap3A_1794 = arith.constant 80 : index
          %swap3A_1795 = tpu.vector_load %arg22[%swap3A_1793, %swap3A_1794] {strides = array<i32>} : memref<64x128xi32, #tpu.memory_space<vmem>>, vector<16xi32>,
          tpu.vector_store %arg22[%swap3A_1793, %swap3A_1794], %min3A_1792 {strides = array<i32>} : memref<64x128xi32, #tpu.memory_space<vmem>>, vector<16xi32>,
          %add3A_1796 = arith.constant 32 : i32
          %add3A_1797 = vector.broadcast %add3A_1796 : i32 to vector<16xi32>
          %add3A_1798 = arith.addi %iota3A, %add3A_1797 : vector<16xi32>
          %add3A_1799 = arith.addi %gather3A_1741, %add3A_1798 : vector<16xi32>
          %shift_right_logical3A_1800 = arith.constant 8 : i32
          %shift_right_logical3A_1801 = vector.broadcast %shift_right_logical3A_1800 : i32 to vector<16xi32>
          %shift_right_logical3A_1802 = arith.shrui %add3A_1799, %shift_right_logical3A_1801 : vector<16xi32>
          %and3A_1803 = arith.constant 255 : i32
          %and3A_1804 = vector.broadcast %and3A_1803 : i32 to vector<16xi32>
          %and3A_1805 = arith.andi %add3A_1799, %and3A_1804 : vector<16xi32>
          %gather3A_1806 = tpu.vector_load_idx %arg18[%shift_right_logical3A_1802, %and3A_1805] : memref<128x256xi32, #tpu.memory_space<vmem>>[vector<16xi32>, vector<16xi32>], vector<16xi32>,
          %swap3A_1807 = arith.index_cast %add3A_1747 : i32 to index
          %swap3A_1808 = arith.constant 96 : index
          %swap3A_1809 = tpu.vector_load %arg20[%swap3A_1807, %swap3A_1808] {strides = array<i32>} : memref<64x128xi32, #tpu.memory_space<vmem>>, vector<16xi32>,
          tpu.vector_store %arg20[%swap3A_1807, %swap3A_1808], %gather3A_1806 {strides = array<i32>} : memref<64x128xi32, #tpu.memory_space<vmem>>, vector<16xi32>,
          %sub3A_1810 = arith.subi %gather3A_1745, %add3A_1798 : vector<16xi32>
          %max3A_1811 = arith.constant 0 : i32
          %max3A_1812 = vector.broadcast %max3A_1811 : i32 to vector<16xi32>
          %max3A_1813 = arith.maxsi %sub3A_1810, %max3A_1812 : vector<16xi32>
          %min3A_1814 = arith.constant 1 : i32
          %min3A_1815 = vector.broadcast %min3A_1814 : i32 to vector<16xi32>
          %min3A_1816 = arith.minsi %max3A_1813, %min3A_1815 : vector<16xi32>
          %swap3A_1817 = arith.index_cast %add3A_1747 : i32 to index
          %swap3A_1818 = arith.constant 96 : index
          %swap3A_1819 = tpu.vector_load %arg22[%swap3A_1817, %swap3A_1818] {strides = array<i32>} : memref<64x128xi32, #tpu.memory_space<vmem>>, vector<16xi32>,
          tpu.vector_store %arg22[%swap3A_1817, %swap3A_1818], %min3A_1816 {strides = array<i32>} : memref<64x128xi32, #tpu.memory_space<vmem>>, vector<16xi32>,
          %add3A_1820 = arith.constant 48 : i32
          %add3A_1821 = vector.broadcast %add3A_1820 : i32 to vector<16xi32>
          %add3A_1822 = arith.addi %iota3A, %add3A_1821 : vector<16xi32>
          %add3A_1823 = arith.addi %gather3A_1741, %add3A_1822 : vector<16xi32>
          %shift_right_logical3A_1824 = arith.constant 8 : i32
          %shift_right_logical3A_1825 = vector.broadcast %shift_right_logical3A_1824 : i32 to vector<16xi32>
          %shift_right_logical3A_1826 = arith.shrui %add3A_1823, %shift_right_logical3A_1825 : vector<16xi32>
          %and3A_1827 = arith.constant 255 : i32
          %and3A_1828 = vector.broadcast %and3A_1827 : i32 to vector<16xi32>
          %and3A_1829 = arith.andi %add3A_1823, %and3A_1828 : vector<16xi32>
          %gather3A_1830 = tpu.vector_load_idx %arg18[%shift_right_logical3A_1826, %and3A_1829] : memref<128x256xi32, #tpu.memory_space<vmem>>[vector<16xi32>, vector<16xi32>], vector<16xi32>,
          %swap3A_1831 = arith.index_cast %add3A_1747 : i32 to index
          %swap3A_1832 = arith.constant 112 : index
          %swap3A_1833 = tpu.vector_load %arg20[%swap3A_1831, %swap3A_1832] {strides = array<i32>} : memref<64x128xi32, #tpu.memory_space<vmem>>, vector<16xi32>,
          tpu.vector_store %arg20[%swap3A_1831, %swap3A_1832], %gather3A_1830 {strides = array<i32>} : memref<64x128xi32, #tpu.memory_space<vmem>>, vector<16xi32>,
          %sub3A_1834 = arith.subi %gather3A_1745, %add3A_1822 : vector<16xi32>
          %max3A_1835 = arith.constant 0 : i32
          %max3A_1836 = vector.broadcast %max3A_1835 : i32 to vector<16xi32>
          %max3A_1837 = arith.maxsi %sub3A_1834, %max3A_1836 : vector<16xi32>
          %min3A_1838 = arith.constant 1 : i32
          %min3A_1839 = vector.broadcast %min3A_1838 : i32 to vector<16xi32>
          %min3A_1840 = arith.minsi %max3A_1837, %min3A_1839 : vector<16xi32>
          %swap3A_1841 = arith.index_cast %add3A_1747 : i32 to index
          %swap3A_1842 = arith.constant 112 : index
          %swap3A_1843 = tpu.vector_load %arg22[%swap3A_1841, %swap3A_1842] {strides = array<i32>} : memref<64x128xi32, #tpu.memory_space<vmem>>, vector<16xi32>,
          tpu.vector_store %arg22[%swap3A_1841, %swap3A_1842], %min3A_1840 {strides = array<i32>} : memref<64x128xi32, #tpu.memory_space<vmem>>, vector<16xi32>,
        }
        %scan3A_94 = arith.constant 8 : i32
        %sub3A = arith.constant 1 : i32
        %sub3A_95 = arith.subi %scan3A_31, %sub3A : i32
        %mul3A_96 = arith.constant 128 : i32
        %mul3A_97 = arith.muli %sub3A_95, %mul3A_96 : i32
        %add3A_98 = arith.addi %mul3A_2, %mul3A_97 : i32
        %multiple_of3A = tpu.assume_multiple %add3A_98, 128 : i32
        %jit3A = arith.constant 2 : i32
        %div3A = arith.divsi %multiple_of3A, %jit3A : i32
        %sign3A = arith.constant 0 : i32
        %sign3A_99 = arith.cmpi sgt, %multiple_of3A, %sign3A : i32
        %sign3A_100 = arith.extui %sign3A_99 : i1 to i32
        %sign3A_101 = arith.constant 0 : i32
        %sign3A_102 = arith.cmpi slt, %multiple_of3A, %sign3A_101 : i32
        %sign3A_103 = arith.extui %sign3A_102 : i1 to i32
        %sign3A_104 = arith.subi %sign3A_100, %sign3A_103 : i32
        %sign3A_105 = arith.constant 0 : i32
        %sign3A_106 = arith.cmpi sgt, %jit3A, %sign3A_105 : i32
        %sign3A_107 = arith.extui %sign3A_106 : i1 to i32
        %sign3A_108 = arith.constant 0 : i32
        %sign3A_109 = arith.cmpi slt, %jit3A, %sign3A_108 : i32
        %sign3A_110 = arith.extui %sign3A_109 : i1 to i32
        %sign3A_111 = arith.subi %sign3A_107, %sign3A_110 : i32
        %ne3A = arith.cmpi ne, %sign3A_104, %sign3A_111 : i32
        %rem3A_112 = arith.remsi %multiple_of3A, %jit3A : i32
        %ne3A_113 = arith.constant 0 : i32
        %ne3A_114 = arith.cmpi ne, %rem3A_112, %ne3A_113 : i32
        %and3A_115 = arith.andi %ne3A, %ne3A_114 : i1
        %sub3A_116 = arith.constant 1 : i32
        %sub3A_117 = arith.subi %div3A, %sub3A_116 : i32
        %select_n3A = arith.select %and3A_115, %sub3A_117, %div3A : i32
        %multiple_of3A_118 = tpu.assume_multiple %select_n3A, 64 : i32
        %dma_start3A = arith.constant 0 : i32
        %dma_start3A_119 = tpu.memref_slice %arg7[%multiple_of3A_118, %dma_start3A] : memref<102400x128xi32, #tpu.memory_space<hbm>> -> memref<64x128xi32, #tpu.memory_space<hbm>>
        %dma_start3A_120 = arith.constant 0 : i32
        %dma_start3A_121 = tpu.memref_slice %arg7[%multiple_of3A_118, %dma_start3A_120] : memref<102400x128xi32, #tpu.memory_space<hbm>> -> memref<64x128xi32, #tpu.memory_space<hbm>>
        tpu.enqueue_dma source(%arg20 : memref<64x128xi32, #tpu.memory_space<vmem>>) target(%dma_start3A_121 : memref<64x128xi32, #tpu.memory_space<hbm>>) target_semaphore(%arg27 : memref<!tpu.dma_semaphore, #tpu.memory_space<semaphore_mem>>)
        %dma_start3A_122 = arith.constant 0 : i32
        %dma_start3A_123 = tpu.memref_slice %arg8[%multiple_of3A_118, %dma_start3A_122] : memref<102400x128xi32, #tpu.memory_space<hbm>> -> memref<64x128xi32, #tpu.memory_space<hbm>>
        %dma_start3A_124 = arith.constant 0 : i32
        %dma_start3A_125 = tpu.memref_slice %arg8[%multiple_of3A_118, %dma_start3A_124] : memref<102400x128xi32, #tpu.memory_space<hbm>> -> memref<64x128xi32, #tpu.memory_space<hbm>>
        tpu.enqueue_dma source(%arg22 : memref<64x128xi32, #tpu.memory_space<vmem>>) target(%dma_start3A_125 : memref<64x128xi32, #tpu.memory_space<hbm>>) target_semaphore(%arg27 : memref<!tpu.dma_semaphore, #tpu.memory_space<semaphore_mem>>)
      } else {
      }
      %and3A_65 = arith.andi %ge3A_44, %eq3A_34 : i1
      %convert_element_type3A_66 = arith.extui %and3A_65 : i1 to i32
      %cond3A_67 = arith.constant 0 : i32
      %cond3A_68 = arith.cmpi ne, %convert_element_type3A_66, %cond3A_67 : i32
      scf.if %cond3A_68 {
        %dma_wait3A_69 = arith.constant 0 : i32
        %dma_wait3A_70 = arith.constant 0 : i32
        %dma_wait3A_71 = arith.constant 0 : i32
        %dma_wait3A_72 = tpu.memref_slice %arg19[%dma_wait3A_70, %dma_wait3A_71] : memref<128x256xi32, #tpu.memory_space<vmem>> -> memref<128x128xi32, #tpu.memory_space<vmem>>
        %dma_wait3A_73 = arith.constant 0 : i32
        %dma_wait3A_74 = tpu.memref_slice %arg17[%dma_wait3A_69, %dma_wait3A_73] : memref<2x128xi32, #tpu.memory_space<vmem>> -> memref<1x128xi32, #tpu.memory_space<vmem>>
        %dma_wait3A_75 = tpu.memref_squeeze %dma_wait3A_74 : memref<1x128xi32, #tpu.memory_space<vmem>> -> memref<128xi32, #tpu.memory_space<vmem>>
        %dma_wait3A_76 = arith.constant 0 : i32
        %dma_wait3A_77 = arith.constant 0 : i32
        %dma_wait3A_78 = tpu.memref_slice %arg6[%dma_wait3A_76, %dma_wait3A_77] : memref<78129x128xi32, #tpu.memory_space<hbm>> -> memref<78129x128xi32, #tpu.memory_space<hbm>>
        tpu.wait_indirect_dma semaphore(%arg26 : memref<!tpu.dma_semaphore, #tpu.memory_space<semaphore_mem>>) src(%dma_wait3A_78 : memref<78129x128xi32, #tpu.memory_space<hbm>>) dst(%dma_wait3A_72 : memref<128x128xi32, #tpu.memory_space<vmem>>)
        %dma_wait3A_79 = arith.constant 1 : i32
        %dma_wait3A_80 = arith.constant 0 : i32
        %dma_wait3A_81 = arith.constant 128 : i32
        %dma_wait3A_82 = tpu.memref_slice %arg19[%dma_wait3A_80, %dma_wait3A_81] : memref<128x256xi32, #tpu.memory_space<vmem>> -> memref<128x128xi32, #tpu.memory_space<vmem>>
        %dma_wait3A_83 = arith.constant 0 : i32
        %dma_wait3A_84 = tpu.memref_slice %arg17[%dma_wait3A_79, %dma_wait3A_83] : memref<2x128xi32, #tpu.memory_space<vmem>> -> memref<1x128xi32, #tpu.memory_space<vmem>>
        %dma_wait3A_85 = tpu.memref_squeeze %dma_wait3A_84 : memref<1x128xi32, #tpu.memory_space<vmem>> -> memref<128xi32, #tpu.memory_space<vmem>>
        %dma_wait3A_86 = arith.constant 0 : i32
        %dma_wait3A_87 = arith.constant 0 : i32
        %dma_wait3A_88 = tpu.memref_slice %arg6[%dma_wait3A_86, %dma_wait3A_87] : memref<78129x128xi32, #tpu.memory_space<hbm>> -> memref<78129x128xi32, #tpu.memory_space<hbm>>
        tpu.wait_indirect_dma semaphore(%arg26 : memref<!tpu.dma_semaphore, #tpu.memory_space<semaphore_mem>>) src(%dma_wait3A_88 : memref<78129x128xi32, #tpu.memory_space<hbm>>) dst(%dma_wait3A_82 : memref<128x128xi32, #tpu.memory_space<vmem>>)
        %scan3A_89 = arith.constant 0 : i32
        %scan3A_90 = arith.constant 0 : i32
        %scan3A_91 = arith.constant 8 : i32
        %scan3A_92 = arith.addi %scan3A_90, %scan3A_91 : i32
        %scan3A_93 = arith.constant 1 : i32
        scf.for %scan3A_126 = %scan3A_90 to %scan3A_92 step %scan3A_93  : i32 {
          %mul3A_127 = arith.constant 16 : i32
          %mul3A_128 = arith.muli %scan3A_126, %mul3A_127 : i32
          %get3A = arith.constant 0 : i32
          %get3A_129 = arith.index_cast %get3A : i32 to index
          %get3A_130 = arith.index_cast %mul3A_128 : i32 to index
          %get3A_131 = tpu.vector_load %arg15[%get3A_129, %get3A_130] {strides = array<i32>} : memref<2x128xi32, #tpu.memory_space<vmem>>, vector<16xi32>,
          %get3A_132 = arith.constant 1 : i32
          %get3A_133 = arith.index_cast %get3A_132 : i32 to index
          %get3A_134 = arith.index_cast %mul3A_128 : i32 to index
          %get3A_135 = tpu.vector_load %arg15[%get3A_133, %get3A_134] {strides = array<i32>} : memref<2x128xi32, #tpu.memory_space<vmem>>, vector<16xi32>,
          %get3A_136 = arith.index_cast %mul3A_128 : i32 to index
          %get3A_137 = tpu.vector_load %arg13[%get3A_136] {strides = array<i32>} : memref<128xi32, #tpu.memory_space<vmem>>, vector<16xi32>,
          %mul3A_138 = arith.constant 5000256 : i32
          %mul3A_139 = vector.broadcast %mul3A_138 : i32 to vector<16xi32>
          %mul3A_140 = arith.muli %get3A_137, %mul3A_139 : vector<16xi32>
          %add3A_141 = arith.addi %get3A_131, %mul3A_140 : vector<16xi32>
          %sub3A_142 = arith.subi %get3A_135, %get3A_131 : vector<16xi32>
          %add3A_143 = vector.broadcast %mul3A_128 : i32 to vector<16xi32>
          %add3A_144 = arith.addi %iota3A, %add3A_143 : vector<16xi32>
          %mul3A_145 = arith.constant 256 : i32
          %mul3A_146 = vector.broadcast %mul3A_145 : i32 to vector<16xi32>
          %mul3A_147 = arith.muli %add3A_144, %mul3A_146 : vector<16xi32>
          %and3A_148 = arith.constant 127 : i32
          %and3A_149 = vector.broadcast %and3A_148 : i32 to vector<16xi32>
          %and3A_150 = arith.andi %add3A_141, %and3A_149 : vector<16xi32>
          %add3A_151 = arith.addi %mul3A_147, %and3A_150 : vector<16xi32>
          %mul3A_152 = arith.constant 8 : i32
          %mul3A_153 = arith.muli %scan3A_126, %mul3A_152 : i32
          %broadcast_in_dim3A = arith.constant 0 : i32
          %broadcast_in_dim3A_154 = vector.broadcast %broadcast_in_dim3A : i32 to vector<16x1xi32>
          %gather3A = vector.shape_cast %broadcast_in_dim3A_154 : vector<16x1xi32> to vector<16xi32>
          %gather3A_155 = tpu.dynamic_gather %add3A_151[%gather3A] in [0] : vector<16xi32>, vector<16xi32> -> vector<16xi32>
          %broadcast_in_dim3A_156 = arith.constant 0 : i32
          %broadcast_in_dim3A_157 = vector.broadcast %broadcast_in_dim3A_156 : i32 to vector<16x1xi32>
          %gather3A_158 = vector.shape_cast %broadcast_in_dim3A_157 : vector<16x1xi32> to vector<16xi32>
          %gather3A_159 = tpu.dynamic_gather %sub3A_142[%gather3A_158] in [0] : vector<16xi32>, vector<16xi32> -> vector<16xi32>
          %add3A_160 = arith.constant 0 : i32
          %add3A_161 = arith.addi %mul3A_153, %add3A_160 : i32
          %add3A_162 = arith.constant 0 : i32
          %add3A_163 = vector.broadcast %add3A_162 : i32 to vector<16xi32>
          %add3A_164 = arith.addi %iota3A, %add3A_163 : vector<16xi32>
          %add3A_165 = arith.addi %gather3A_155, %add3A_164 : vector<16xi32>
          %shift_right_logical3A = arith.constant 8 : i32
          %shift_right_logical3A_166 = vector.broadcast %shift_right_logical3A : i32 to vector<16xi32>
          %shift_right_logical3A_167 = arith.shrui %add3A_165, %shift_right_logical3A_166 : vector<16xi32>
          %and3A_168 = arith.constant 255 : i32
          %and3A_169 = vector.broadcast %and3A_168 : i32 to vector<16xi32>
          %and3A_170 = arith.andi %add3A_165, %and3A_169 : vector<16xi32>
          %gather3A_171 = tpu.vector_load_idx %arg19[%shift_right_logical3A_167, %and3A_170] : memref<128x256xi32, #tpu.memory_space<vmem>>[vector<16xi32>, vector<16xi32>], vector<16xi32>,
          %swap3A = arith.index_cast %add3A_161 : i32 to index
          %swap3A_172 = arith.constant 0 : index
          %swap3A_173 = tpu.vector_load %arg21[%swap3A, %swap3A_172] {strides = array<i32>} : memref<64x128xi32, #tpu.memory_space<vmem>>, vector<16xi32>,
          tpu.vector_store %arg21[%swap3A, %swap3A_172], %gather3A_171 {strides = array<i32>} : memref<64x128xi32, #tpu.memory_space<vmem>>, vector<16xi32>,
          %sub3A_174 = arith.subi %gather3A_159, %add3A_164 : vector<16xi32>
          %max3A = arith.constant 0 : i32
          %max3A_175 = vector.broadcast %max3A : i32 to vector<16xi32>
          %max3A_176 = arith.maxsi %sub3A_174, %max3A_175 : vector<16xi32>
          %min3A = arith.constant 1 : i32
          %min3A_177 = vector.broadcast %min3A : i32 to vector<16xi32>
          %min3A_178 = arith.minsi %max3A_176, %min3A_177 : vector<16xi32>
          %swap3A_179 = arith.index_cast %add3A_161 : i32 to index
          %swap3A_180 = arith.constant 0 : index
          %swap3A_181 = tpu.vector_load %arg23[%swap3A_179, %swap3A_180] {strides = array<i32>} : memref<64x128xi32, #tpu.memory_space<vmem>>, vector<16xi32>,
          tpu.vector_store %arg23[%swap3A_179, %swap3A_180], %min3A_178 {strides = array<i32>} : memref<64x128xi32, #tpu.memory_space<vmem>>, vector<16xi32>,
          %add3A_182 = arith.constant 16 : i32
          %add3A_183 = vector.broadcast %add3A_182 : i32 to vector<16xi32>
          %add3A_184 = arith.addi %iota3A, %add3A_183 : vector<16xi32>
          %add3A_185 = arith.addi %gather3A_155, %add3A_184 : vector<16xi32>
          %shift_right_logical3A_186 = arith.constant 8 : i32
          %shift_right_logical3A_187 = vector.broadcast %shift_right_logical3A_186 : i32 to vector<16xi32>
          %shift_right_logical3A_188 = arith.shrui %add3A_185, %shift_right_logical3A_187 : vector<16xi32>
          %and3A_189 = arith.constant 255 : i32
          %and3A_190 = vector.broadcast %and3A_189 : i32 to vector<16xi32>
          %and3A_191 = arith.andi %add3A_185, %and3A_190 : vector<16xi32>
          %gather3A_192 = tpu.vector_load_idx %arg19[%shift_right_logical3A_188, %and3A_191] : memref<128x256xi32, #tpu.memory_space<vmem>>[vector<16xi32>, vector<16xi32>], vector<16xi32>,
          %swap3A_193 = arith.index_cast %add3A_161 : i32 to index
          %swap3A_194 = arith.constant 16 : index
          %swap3A_195 = tpu.vector_load %arg21[%swap3A_193, %swap3A_194] {strides = array<i32>} : memref<64x128xi32, #tpu.memory_space<vmem>>, vector<16xi32>,
          tpu.vector_store %arg21[%swap3A_193, %swap3A_194], %gather3A_192 {strides = array<i32>} : memref<64x128xi32, #tpu.memory_space<vmem>>, vector<16xi32>,
          %sub3A_196 = arith.subi %gather3A_159, %add3A_184 : vector<16xi32>
          %max3A_197 = arith.constant 0 : i32
          %max3A_198 = vector.broadcast %max3A_197 : i32 to vector<16xi32>
          %max3A_199 = arith.maxsi %sub3A_196, %max3A_198 : vector<16xi32>
          %min3A_200 = arith.constant 1 : i32
          %min3A_201 = vector.broadcast %min3A_200 : i32 to vector<16xi32>
          %min3A_202 = arith.minsi %max3A_199, %min3A_201 : vector<16xi32>
          %swap3A_203 = arith.index_cast %add3A_161 : i32 to index
          %swap3A_204 = arith.constant 16 : index
          %swap3A_205 = tpu.vector_load %arg23[%swap3A_203, %swap3A_204] {strides = array<i32>} : memref<64x128xi32, #tpu.memory_space<vmem>>, vector<16xi32>,
          tpu.vector_store %arg23[%swap3A_203, %swap3A_204], %min3A_202 {strides = array<i32>} : memref<64x128xi32, #tpu.memory_space<vmem>>, vector<16xi32>,
          %add3A_206 = arith.constant 32 : i32
          %add3A_207 = vector.broadcast %add3A_206 : i32 to vector<16xi32>
          %add3A_208 = arith.addi %iota3A, %add3A_207 : vector<16xi32>
          %add3A_209 = arith.addi %gather3A_155, %add3A_208 : vector<16xi32>
          %shift_right_logical3A_210 = arith.constant 8 : i32
          %shift_right_logical3A_211 = vector.broadcast %shift_right_logical3A_210 : i32 to vector<16xi32>
          %shift_right_logical3A_212 = arith.shrui %add3A_209, %shift_right_logical3A_211 : vector<16xi32>
          %and3A_213 = arith.constant 255 : i32
          %and3A_214 = vector.broadcast %and3A_213 : i32 to vector<16xi32>
          %and3A_215 = arith.andi %add3A_209, %and3A_214 : vector<16xi32>
          %gather3A_216 = tpu.vector_load_idx %arg19[%shift_right_logical3A_212, %and3A_215] : memref<128x256xi32, #tpu.memory_space<vmem>>[vector<16xi32>, vector<16xi32>], vector<16xi32>,
          %swap3A_217 = arith.index_cast %add3A_161 : i32 to index
          %swap3A_218 = arith.constant 32 : index
          %swap3A_219 = tpu.vector_load %arg21[%swap3A_217, %swap3A_218] {strides = array<i32>} : memref<64x128xi32, #tpu.memory_space<vmem>>, vector<16xi32>,
          tpu.vector_store %arg21[%swap3A_217, %swap3A_218], %gather3A_216 {strides = array<i32>} : memref<64x128xi32, #tpu.memory_space<vmem>>, vector<16xi32>,
          %sub3A_220 = arith.subi %gather3A_159, %add3A_208 : vector<16xi32>
          %max3A_221 = arith.constant 0 : i32
          %max3A_222 = vector.broadcast %max3A_221 : i32 to vector<16xi32>
          %max3A_223 = arith.maxsi %sub3A_220, %max3A_222 : vector<16xi32>
          %min3A_224 = arith.constant 1 : i32
          %min3A_225 = vector.broadcast %min3A_224 : i32 to vector<16xi32>
          %min3A_226 = arith.minsi %max3A_223, %min3A_225 : vector<16xi32>
          %swap3A_227 = arith.index_cast %add3A_161 : i32 to index
          %swap3A_228 = arith.constant 32 : index
          %swap3A_229 = tpu.vector_load %arg23[%swap3A_227, %swap3A_228] {strides = array<i32>} : memref<64x128xi32, #tpu.memory_space<vmem>>, vector<16xi32>,
          tpu.vector_store %arg23[%swap3A_227, %swap3A_228], %min3A_226 {strides = array<i32>} : memref<64x128xi32, #tpu.memory_space<vmem>>, vector<16xi32>,
          %add3A_230 = arith.constant 48 : i32
          %add3A_231 = vector.broadcast %add3A_230 : i32 to vector<16xi32>
          %add3A_232 = arith.addi %iota3A, %add3A_231 : vector<16xi32>
          %add3A_233 = arith.addi %gather3A_155, %add3A_232 : vector<16xi32>
          %shift_right_logical3A_234 = arith.constant 8 : i32
          %shift_right_logical3A_235 = vector.broadcast %shift_right_logical3A_234 : i32 to vector<16xi32>
          %shift_right_logical3A_236 = arith.shrui %add3A_233, %shift_right_logical3A_235 : vector<16xi32>
          %and3A_237 = arith.constant 255 : i32
          %and3A_238 = vector.broadcast %and3A_237 : i32 to vector<16xi32>
          %and3A_239 = arith.andi %add3A_233, %and3A_238 : vector<16xi32>
          %gather3A_240 = tpu.vector_load_idx %arg19[%shift_right_logical3A_236, %and3A_239] : memref<128x256xi32, #tpu.memory_space<vmem>>[vector<16xi32>, vector<16xi32>], vector<16xi32>,
          %swap3A_241 = arith.index_cast %add3A_161 : i32 to index
          %swap3A_242 = arith.constant 48 : index
          %swap3A_243 = tpu.vector_load %arg21[%swap3A_241, %swap3A_242] {strides = array<i32>} : memref<64x128xi32, #tpu.memory_space<vmem>>, vector<16xi32>,
          tpu.vector_store %arg21[%swap3A_241, %swap3A_242], %gather3A_240 {strides = array<i32>} : memref<64x128xi32, #tpu.memory_space<vmem>>, vector<16xi32>,
          %sub3A_244 = arith.subi %gather3A_159, %add3A_232 : vector<16xi32>
          %max3A_245 = arith.constant 0 : i32
          %max3A_246 = vector.broadcast %max3A_245 : i32 to vector<16xi32>
          %max3A_247 = arith.maxsi %sub3A_244, %max3A_246 : vector<16xi32>
          %min3A_248 = arith.constant 1 : i32
          %min3A_249 = vector.broadcast %min3A_248 : i32 to vector<16xi32>
          %min3A_250 = arith.minsi %max3A_247, %min3A_249 : vector<16xi32>
          %swap3A_251 = arith.index_cast %add3A_161 : i32 to index
          %swap3A_252 = arith.constant 48 : index
          %swap3A_253 = tpu.vector_load %arg23[%swap3A_251, %swap3A_252] {strides = array<i32>} : memref<64x128xi32, #tpu.memory_space<vmem>>, vector<16xi32>,
          tpu.vector_store %arg23[%swap3A_251, %swap3A_252], %min3A_250 {strides = array<i32>} : memref<64x128xi32, #tpu.memory_space<vmem>>, vector<16xi32>,
          %broadcast_in_dim3A_254 = arith.constant 1 : i32
          %broadcast_in_dim3A_255 = vector.broadcast %broadcast_in_dim3A_254 : i32 to vector<16x1xi32>
          %gather3A_256 = vector.shape_cast %broadcast_in_dim3A_255 : vector<16x1xi32> to vector<16xi32>
          %gather3A_257 = tpu.dynamic_gather %add3A_151[%gather3A_256] in [0] : vector<16xi32>, vector<16xi32> -> vector<16xi32>
          %broadcast_in_dim3A_258 = arith.constant 1 : i32
          %broadcast_in_dim3A_259 = vector.broadcast %broadcast_in_dim3A_258 : i32 to vector<16x1xi32>
          %gather3A_260 = vector.shape_cast %broadcast_in_dim3A_259 : vector<16x1xi32> to vector<16xi32>
          %gather3A_261 = tpu.dynamic_gather %sub3A_142[%gather3A_260] in [0] : vector<16xi32>, vector<16xi32> -> vector<16xi32>
          %add3A_262 = arith.constant 0 : i32
          %add3A_263 = arith.addi %mul3A_153, %add3A_262 : i32
          %add3A_264 = arith.constant 0 : i32
          %add3A_265 = vector.broadcast %add3A_264 : i32 to vector<16xi32>
          %add3A_266 = arith.addi %iota3A, %add3A_265 : vector<16xi32>
          %add3A_267 = arith.addi %gather3A_257, %add3A_266 : vector<16xi32>
          %shift_right_logical3A_268 = arith.constant 8 : i32
          %shift_right_logical3A_269 = vector.broadcast %shift_right_logical3A_268 : i32 to vector<16xi32>
          %shift_right_logical3A_270 = arith.shrui %add3A_267, %shift_right_logical3A_269 : vector<16xi32>
          %and3A_271 = arith.constant 255 : i32
          %and3A_272 = vector.broadcast %and3A_271 : i32 to vector<16xi32>
          %and3A_273 = arith.andi %add3A_267, %and3A_272 : vector<16xi32>
          %gather3A_274 = tpu.vector_load_idx %arg19[%shift_right_logical3A_270, %and3A_273] : memref<128x256xi32, #tpu.memory_space<vmem>>[vector<16xi32>, vector<16xi32>], vector<16xi32>,
          %swap3A_275 = arith.index_cast %add3A_263 : i32 to index
          %swap3A_276 = arith.constant 64 : index
          %swap3A_277 = tpu.vector_load %arg21[%swap3A_275, %swap3A_276] {strides = array<i32>} : memref<64x128xi32, #tpu.memory_space<vmem>>, vector<16xi32>,
          tpu.vector_store %arg21[%swap3A_275, %swap3A_276], %gather3A_274 {strides = array<i32>} : memref<64x128xi32, #tpu.memory_space<vmem>>, vector<16xi32>,
          %sub3A_278 = arith.subi %gather3A_261, %add3A_266 : vector<16xi32>
          %max3A_279 = arith.constant 0 : i32
          %max3A_280 = vector.broadcast %max3A_279 : i32 to vector<16xi32>
          %max3A_281 = arith.maxsi %sub3A_278, %max3A_280 : vector<16xi32>
          %min3A_282 = arith.constant 1 : i32
          %min3A_283 = vector.broadcast %min3A_282 : i32 to vector<16xi32>
          %min3A_284 = arith.minsi %max3A_281, %min3A_283 : vector<16xi32>
          %swap3A_285 = arith.index_cast %add3A_263 : i32 to index
          %swap3A_286 = arith.constant 64 : index
          %swap3A_287 = tpu.vector_load %arg23[%swap3A_285, %swap3A_286] {strides = array<i32>} : memref<64x128xi32, #tpu.memory_space<vmem>>, vector<16xi32>,
          tpu.vector_store %arg23[%swap3A_285, %swap3A_286], %min3A_284 {strides = array<i32>} : memref<64x128xi32, #tpu.memory_space<vmem>>, vector<16xi32>,
          %add3A_288 = arith.constant 16 : i32
          %add3A_289 = vector.broadcast %add3A_288 : i32 to vector<16xi32>
          %add3A_290 = arith.addi %iota3A, %add3A_289 : vector<16xi32>
          %add3A_291 = arith.addi %gather3A_257, %add3A_290 : vector<16xi32>
          %shift_right_logical3A_292 = arith.constant 8 : i32
          %shift_right_logical3A_293 = vector.broadcast %shift_right_logical3A_292 : i32 to vector<16xi32>
          %shift_right_logical3A_294 = arith.shrui %add3A_291, %shift_right_logical3A_293 : vector<16xi32>
          %and3A_295 = arith.constant 255 : i32
          %and3A_296 = vector.broadcast %and3A_295 : i32 to vector<16xi32>
          %and3A_297 = arith.andi %add3A_291, %and3A_296 : vector<16xi32>
          %gather3A_298 = tpu.vector_load_idx %arg19[%shift_right_logical3A_294, %and3A_297] : memref<128x256xi32, #tpu.memory_space<vmem>>[vector<16xi32>, vector<16xi32>], vector<16xi32>,
          %swap3A_299 = arith.index_cast %add3A_263 : i32 to index
          %swap3A_300 = arith.constant 80 : index
          %swap3A_301 = tpu.vector_load %arg21[%swap3A_299, %swap3A_300] {strides = array<i32>} : memref<64x128xi32, #tpu.memory_space<vmem>>, vector<16xi32>,
          tpu.vector_store %arg21[%swap3A_299, %swap3A_300], %gather3A_298 {strides = array<i32>} : memref<64x128xi32, #tpu.memory_space<vmem>>, vector<16xi32>,
          %sub3A_302 = arith.subi %gather3A_261, %add3A_290 : vector<16xi32>
          %max3A_303 = arith.constant 0 : i32
          %max3A_304 = vector.broadcast %max3A_303 : i32 to vector<16xi32>
          %max3A_305 = arith.maxsi %sub3A_302, %max3A_304 : vector<16xi32>
          %min3A_306 = arith.constant 1 : i32
          %min3A_307 = vector.broadcast %min3A_306 : i32 to vector<16xi32>
          %min3A_308 = arith.minsi %max3A_305, %min3A_307 : vector<16xi32>
          %swap3A_309 = arith.index_cast %add3A_263 : i32 to index
          %swap3A_310 = arith.constant 80 : index
          %swap3A_311 = tpu.vector_load %arg23[%swap3A_309, %swap3A_310] {strides = array<i32>} : memref<64x128xi32, #tpu.memory_space<vmem>>, vector<16xi32>,
          tpu.vector_store %arg23[%swap3A_309, %swap3A_310], %min3A_308 {strides = array<i32>} : memref<64x128xi32, #tpu.memory_space<vmem>>, vector<16xi32>,
          %add3A_312 = arith.constant 32 : i32
          %add3A_313 = vector.broadcast %add3A_312 : i32 to vector<16xi32>
          %add3A_314 = arith.addi %iota3A, %add3A_313 : vector<16xi32>
          %add3A_315 = arith.addi %gather3A_257, %add3A_314 : vector<16xi32>
          %shift_right_logical3A_316 = arith.constant 8 : i32
          %shift_right_logical3A_317 = vector.broadcast %shift_right_logical3A_316 : i32 to vector<16xi32>
          %shift_right_logical3A_318 = arith.shrui %add3A_315, %shift_right_logical3A_317 : vector<16xi32>
          %and3A_319 = arith.constant 255 : i32
          %and3A_320 = vector.broadcast %and3A_319 : i32 to vector<16xi32>
          %and3A_321 = arith.andi %add3A_315, %and3A_320 : vector<16xi32>
          %gather3A_322 = tpu.vector_load_idx %arg19[%shift_right_logical3A_318, %and3A_321] : memref<128x256xi32, #tpu.memory_space<vmem>>[vector<16xi32>, vector<16xi32>], vector<16xi32>,
          %swap3A_323 = arith.index_cast %add3A_263 : i32 to index
          %swap3A_324 = arith.constant 96 : index
          %swap3A_325 = tpu.vector_load %arg21[%swap3A_323, %swap3A_324] {strides = array<i32>} : memref<64x128xi32, #tpu.memory_space<vmem>>, vector<16xi32>,
          tpu.vector_store %arg21[%swap3A_323, %swap3A_324], %gather3A_322 {strides = array<i32>} : memref<64x128xi32, #tpu.memory_space<vmem>>, vector<16xi32>,
          %sub3A_326 = arith.subi %gather3A_261, %add3A_314 : vector<16xi32>
          %max3A_327 = arith.constant 0 : i32
          %max3A_328 = vector.broadcast %max3A_327 : i32 to vector<16xi32>
          %max3A_329 = arith.maxsi %sub3A_326, %max3A_328 : vector<16xi32>
          %min3A_330 = arith.constant 1 : i32
          %min3A_331 = vector.broadcast %min3A_330 : i32 to vector<16xi32>
          %min3A_332 = arith.minsi %max3A_329, %min3A_331 : vector<16xi32>
          %swap3A_333 = arith.index_cast %add3A_263 : i32 to index
          %swap3A_334 = arith.constant 96 : index
          %swap3A_335 = tpu.vector_load %arg23[%swap3A_333, %swap3A_334] {strides = array<i32>} : memref<64x128xi32, #tpu.memory_space<vmem>>, vector<16xi32>,
          tpu.vector_store %arg23[%swap3A_333, %swap3A_334], %min3A_332 {strides = array<i32>} : memref<64x128xi32, #tpu.memory_space<vmem>>, vector<16xi32>,
          %add3A_336 = arith.constant 48 : i32
          %add3A_337 = vector.broadcast %add3A_336 : i32 to vector<16xi32>
          %add3A_338 = arith.addi %iota3A, %add3A_337 : vector<16xi32>
          %add3A_339 = arith.addi %gather3A_257, %add3A_338 : vector<16xi32>
          %shift_right_logical3A_340 = arith.constant 8 : i32
          %shift_right_logical3A_341 = vector.broadcast %shift_right_logical3A_340 : i32 to vector<16xi32>
          %shift_right_logical3A_342 = arith.shrui %add3A_339, %shift_right_logical3A_341 : vector<16xi32>
          %and3A_343 = arith.constant 255 : i32
          %and3A_344 = vector.broadcast %and3A_343 : i32 to vector<16xi32>
          %and3A_345 = arith.andi %add3A_339, %and3A_344 : vector<16xi32>
          %gather3A_346 = tpu.vector_load_idx %arg19[%shift_right_logical3A_342, %and3A_345] : memref<128x256xi32, #tpu.memory_space<vmem>>[vector<16xi32>, vector<16xi32>], vector<16xi32>,
          %swap3A_347 = arith.index_cast %add3A_263 : i32 to index
          %swap3A_348 = arith.constant 112 : index
          %swap3A_349 = tpu.vector_load %arg21[%swap3A_347, %swap3A_348] {strides = array<i32>} : memref<64x128xi32, #tpu.memory_space<vmem>>, vector<16xi32>,
          tpu.vector_store %arg21[%swap3A_347, %swap3A_348], %gather3A_346 {strides = array<i32>} : memref<64x128xi32, #tpu.memory_space<vmem>>, vector<16xi32>,
          %sub3A_350 = arith.subi %gather3A_261, %add3A_338 : vector<16xi32>
          %max3A_351 = arith.constant 0 : i32
          %max3A_352 = vector.broadcast %max3A_351 : i32 to vector<16xi32>
          %max3A_353 = arith.maxsi %sub3A_350, %max3A_352 : vector<16xi32>
          %min3A_354 = arith.constant 1 : i32
          %min3A_355 = vector.broadcast %min3A_354 : i32 to vector<16xi32>
          %min3A_356 = arith.minsi %max3A_353, %min3A_355 : vector<16xi32>
          %swap3A_357 = arith.index_cast %add3A_263 : i32 to index
          %swap3A_358 = arith.constant 112 : index
          %swap3A_359 = tpu.vector_load %arg23[%swap3A_357, %swap3A_358] {strides = array<i32>} : memref<64x128xi32, #tpu.memory_space<vmem>>, vector<16xi32>,
          tpu.vector_store %arg23[%swap3A_357, %swap3A_358], %min3A_356 {strides = array<i32>} : memref<64x128xi32, #tpu.memory_space<vmem>>, vector<16xi32>,
          %broadcast_in_dim3A_360 = arith.constant 2 : i32
          %broadcast_in_dim3A_361 = vector.broadcast %broadcast_in_dim3A_360 : i32 to vector<16x1xi32>
          %gather3A_362 = vector.shape_cast %broadcast_in_dim3A_361 : vector<16x1xi32> to vector<16xi32>
          %gather3A_363 = tpu.dynamic_gather %add3A_151[%gather3A_362] in [0] : vector<16xi32>, vector<16xi32> -> vector<16xi32>
          %broadcast_in_dim3A_364 = arith.constant 2 : i32
          %broadcast_in_dim3A_365 = vector.broadcast %broadcast_in_dim3A_364 : i32 to vector<16x1xi32>
          %gather3A_366 = vector.shape_cast %broadcast_in_dim3A_365 : vector<16x1xi32> to vector<16xi32>
          %gather3A_367 = tpu.dynamic_gather %sub3A_142[%gather3A_366] in [0] : vector<16xi32>, vector<16xi32> -> vector<16xi32>
          %add3A_368 = arith.constant 1 : i32
          %add3A_369 = arith.addi %mul3A_153, %add3A_368 : i32
          %add3A_370 = arith.constant 0 : i32
          %add3A_371 = vector.broadcast %add3A_370 : i32 to vector<16xi32>
          %add3A_372 = arith.addi %iota3A, %add3A_371 : vector<16xi32>
          %add3A_373 = arith.addi %gather3A_363, %add3A_372 : vector<16xi32>
          %shift_right_logical3A_374 = arith.constant 8 : i32
          %shift_right_logical3A_375 = vector.broadcast %shift_right_logical3A_374 : i32 to vector<16xi32>
          %shift_right_logical3A_376 = arith.shrui %add3A_373, %shift_right_logical3A_375 : vector<16xi32>
          %and3A_377 = arith.constant 255 : i32
          %and3A_378 = vector.broadcast %and3A_377 : i32 to vector<16xi32>
          %and3A_379 = arith.andi %add3A_373, %and3A_378 : vector<16xi32>
          %gather3A_380 = tpu.vector_load_idx %arg19[%shift_right_logical3A_376, %and3A_379] : memref<128x256xi32, #tpu.memory_space<vmem>>[vector<16xi32>, vector<16xi32>], vector<16xi32>,
          %swap3A_381 = arith.index_cast %add3A_369 : i32 to index
          %swap3A_382 = arith.constant 0 : index
          %swap3A_383 = tpu.vector_load %arg21[%swap3A_381, %swap3A_382] {strides = array<i32>} : memref<64x128xi32, #tpu.memory_space<vmem>>, vector<16xi32>,
          tpu.vector_store %arg21[%swap3A_381, %swap3A_382], %gather3A_380 {strides = array<i32>} : memref<64x128xi32, #tpu.memory_space<vmem>>, vector<16xi32>,
          %sub3A_384 = arith.subi %gather3A_367, %add3A_372 : vector<16xi32>
          %max3A_385 = arith.constant 0 : i32
          %max3A_386 = vector.broadcast %max3A_385 : i32 to vector<16xi32>
          %max3A_387 = arith.maxsi %sub3A_384, %max3A_386 : vector<16xi32>
          %min3A_388 = arith.constant 1 : i32
          %min3A_389 = vector.broadcast %min3A_388 : i32 to vector<16xi32>
          %min3A_390 = arith.minsi %max3A_387, %min3A_389 : vector<16xi32>
          %swap3A_391 = arith.index_cast %add3A_369 : i32 to index
          %swap3A_392 = arith.constant 0 : index
          %swap3A_393 = tpu.vector_load %arg23[%swap3A_391, %swap3A_392] {strides = array<i32>} : memref<64x128xi32, #tpu.memory_space<vmem>>, vector<16xi32>,
          tpu.vector_store %arg23[%swap3A_391, %swap3A_392], %min3A_390 {strides = array<i32>} : memref<64x128xi32, #tpu.memory_space<vmem>>, vector<16xi32>,
          %add3A_394 = arith.constant 16 : i32
          %add3A_395 = vector.broadcast %add3A_394 : i32 to vector<16xi32>
          %add3A_396 = arith.addi %iota3A, %add3A_395 : vector<16xi32>
          %add3A_397 = arith.addi %gather3A_363, %add3A_396 : vector<16xi32>
          %shift_right_logical3A_398 = arith.constant 8 : i32
          %shift_right_logical3A_399 = vector.broadcast %shift_right_logical3A_398 : i32 to vector<16xi32>
          %shift_right_logical3A_400 = arith.shrui %add3A_397, %shift_right_logical3A_399 : vector<16xi32>
          %and3A_401 = arith.constant 255 : i32
          %and3A_402 = vector.broadcast %and3A_401 : i32 to vector<16xi32>
          %and3A_403 = arith.andi %add3A_397, %and3A_402 : vector<16xi32>
          %gather3A_404 = tpu.vector_load_idx %arg19[%shift_right_logical3A_400, %and3A_403] : memref<128x256xi32, #tpu.memory_space<vmem>>[vector<16xi32>, vector<16xi32>], vector<16xi32>,
          %swap3A_405 = arith.index_cast %add3A_369 : i32 to index
          %swap3A_406 = arith.constant 16 : index
          %swap3A_407 = tpu.vector_load %arg21[%swap3A_405, %swap3A_406] {strides = array<i32>} : memref<64x128xi32, #tpu.memory_space<vmem>>, vector<16xi32>,
          tpu.vector_store %arg21[%swap3A_405, %swap3A_406], %gather3A_404 {strides = array<i32>} : memref<64x128xi32, #tpu.memory_space<vmem>>, vector<16xi32>,
          %sub3A_408 = arith.subi %gather3A_367, %add3A_396 : vector<16xi32>
          %max3A_409 = arith.constant 0 : i32
          %max3A_410 = vector.broadcast %max3A_409 : i32 to vector<16xi32>
          %max3A_411 = arith.maxsi %sub3A_408, %max3A_410 : vector<16xi32>
          %min3A_412 = arith.constant 1 : i32
          %min3A_413 = vector.broadcast %min3A_412 : i32 to vector<16xi32>
          %min3A_414 = arith.minsi %max3A_411, %min3A_413 : vector<16xi32>
          %swap3A_415 = arith.index_cast %add3A_369 : i32 to index
          %swap3A_416 = arith.constant 16 : index
          %swap3A_417 = tpu.vector_load %arg23[%swap3A_415, %swap3A_416] {strides = array<i32>} : memref<64x128xi32, #tpu.memory_space<vmem>>, vector<16xi32>,
          tpu.vector_store %arg23[%swap3A_415, %swap3A_416], %min3A_414 {strides = array<i32>} : memref<64x128xi32, #tpu.memory_space<vmem>>, vector<16xi32>,
          %add3A_418 = arith.constant 32 : i32
          %add3A_419 = vector.broadcast %add3A_418 : i32 to vector<16xi32>
          %add3A_420 = arith.addi %iota3A, %add3A_419 : vector<16xi32>
          %add3A_421 = arith.addi %gather3A_363, %add3A_420 : vector<16xi32>
          %shift_right_logical3A_422 = arith.constant 8 : i32
          %shift_right_logical3A_423 = vector.broadcast %shift_right_logical3A_422 : i32 to vector<16xi32>
          %shift_right_logical3A_424 = arith.shrui %add3A_421, %shift_right_logical3A_423 : vector<16xi32>
          %and3A_425 = arith.constant 255 : i32
          %and3A_426 = vector.broadcast %and3A_425 : i32 to vector<16xi32>
          %and3A_427 = arith.andi %add3A_421, %and3A_426 : vector<16xi32>
          %gather3A_428 = tpu.vector_load_idx %arg19[%shift_right_logical3A_424, %and3A_427] : memref<128x256xi32, #tpu.memory_space<vmem>>[vector<16xi32>, vector<16xi32>], vector<16xi32>,
          %swap3A_429 = arith.index_cast %add3A_369 : i32 to index
          %swap3A_430 = arith.constant 32 : index
          %swap3A_431 = tpu.vector_load %arg21[%swap3A_429, %swap3A_430] {strides = array<i32>} : memref<64x128xi32, #tpu.memory_space<vmem>>, vector<16xi32>,
          tpu.vector_store %arg21[%swap3A_429, %swap3A_430], %gather3A_428 {strides = array<i32>} : memref<64x128xi32, #tpu.memory_space<vmem>>, vector<16xi32>,
          %sub3A_432 = arith.subi %gather3A_367, %add3A_420 : vector<16xi32>
          %max3A_433 = arith.constant 0 : i32
          %max3A_434 = vector.broadcast %max3A_433 : i32 to vector<16xi32>
          %max3A_435 = arith.maxsi %sub3A_432, %max3A_434 : vector<16xi32>
          %min3A_436 = arith.constant 1 : i32
          %min3A_437 = vector.broadcast %min3A_436 : i32 to vector<16xi32>
          %min3A_438 = arith.minsi %max3A_435, %min3A_437 : vector<16xi32>
          %swap3A_439 = arith.index_cast %add3A_369 : i32 to index
          %swap3A_440 = arith.constant 32 : index
          %swap3A_441 = tpu.vector_load %arg23[%swap3A_439, %swap3A_440] {strides = array<i32>} : memref<64x128xi32, #tpu.memory_space<vmem>>, vector<16xi32>,
          tpu.vector_store %arg23[%swap3A_439, %swap3A_440], %min3A_438 {strides = array<i32>} : memref<64x128xi32, #tpu.memory_space<vmem>>, vector<16xi32>,
          %add3A_442 = arith.constant 48 : i32
          %add3A_443 = vector.broadcast %add3A_442 : i32 to vector<16xi32>
          %add3A_444 = arith.addi %iota3A, %add3A_443 : vector<16xi32>
          %add3A_445 = arith.addi %gather3A_363, %add3A_444 : vector<16xi32>
          %shift_right_logical3A_446 = arith.constant 8 : i32
          %shift_right_logical3A_447 = vector.broadcast %shift_right_logical3A_446 : i32 to vector<16xi32>
          %shift_right_logical3A_448 = arith.shrui %add3A_445, %shift_right_logical3A_447 : vector<16xi32>
          %and3A_449 = arith.constant 255 : i32
          %and3A_450 = vector.broadcast %and3A_449 : i32 to vector<16xi32>
          %and3A_451 = arith.andi %add3A_445, %and3A_450 : vector<16xi32>
          %gather3A_452 = tpu.vector_load_idx %arg19[%shift_right_logical3A_448, %and3A_451] : memref<128x256xi32, #tpu.memory_space<vmem>>[vector<16xi32>, vector<16xi32>], vector<16xi32>,
          %swap3A_453 = arith.index_cast %add3A_369 : i32 to index
          %swap3A_454 = arith.constant 48 : index
          %swap3A_455 = tpu.vector_load %arg21[%swap3A_453, %swap3A_454] {strides = array<i32>} : memref<64x128xi32, #tpu.memory_space<vmem>>, vector<16xi32>,
          tpu.vector_store %arg21[%swap3A_453, %swap3A_454], %gather3A_452 {strides = array<i32>} : memref<64x128xi32, #tpu.memory_space<vmem>>, vector<16xi32>,
          %sub3A_456 = arith.subi %gather3A_367, %add3A_444 : vector<16xi32>
          %max3A_457 = arith.constant 0 : i32
          %max3A_458 = vector.broadcast %max3A_457 : i32 to vector<16xi32>
          %max3A_459 = arith.maxsi %sub3A_456, %max3A_458 : vector<16xi32>
          %min3A_460 = arith.constant 1 : i32
          %min3A_461 = vector.broadcast %min3A_460 : i32 to vector<16xi32>
          %min3A_462 = arith.minsi %max3A_459, %min3A_461 : vector<16xi32>
          %swap3A_463 = arith.index_cast %add3A_369 : i32 to index
          %swap3A_464 = arith.constant 48 : index
          %swap3A_465 = tpu.vector_load %arg23[%swap3A_463, %swap3A_464] {strides = array<i32>} : memref<64x128xi32, #tpu.memory_space<vmem>>, vector<16xi32>,
          tpu.vector_store %arg23[%swap3A_463, %swap3A_464], %min3A_462 {strides = array<i32>} : memref<64x128xi32, #tpu.memory_space<vmem>>, vector<16xi32>,
          %broadcast_in_dim3A_466 = arith.constant 3 : i32
          %broadcast_in_dim3A_467 = vector.broadcast %broadcast_in_dim3A_466 : i32 to vector<16x1xi32>
          %gather3A_468 = vector.shape_cast %broadcast_in_dim3A_467 : vector<16x1xi32> to vector<16xi32>
          %gather3A_469 = tpu.dynamic_gather %add3A_151[%gather3A_468] in [0] : vector<16xi32>, vector<16xi32> -> vector<16xi32>
          %broadcast_in_dim3A_470 = arith.constant 3 : i32
          %broadcast_in_dim3A_471 = vector.broadcast %broadcast_in_dim3A_470 : i32 to vector<16x1xi32>
          %gather3A_472 = vector.shape_cast %broadcast_in_dim3A_471 : vector<16x1xi32> to vector<16xi32>
          %gather3A_473 = tpu.dynamic_gather %sub3A_142[%gather3A_472] in [0] : vector<16xi32>, vector<16xi32> -> vector<16xi32>
          %add3A_474 = arith.constant 1 : i32
          %add3A_475 = arith.addi %mul3A_153, %add3A_474 : i32
          %add3A_476 = arith.constant 0 : i32
          %add3A_477 = vector.broadcast %add3A_476 : i32 to vector<16xi32>
          %add3A_478 = arith.addi %iota3A, %add3A_477 : vector<16xi32>
          %add3A_479 = arith.addi %gather3A_469, %add3A_478 : vector<16xi32>
          %shift_right_logical3A_480 = arith.constant 8 : i32
          %shift_right_logical3A_481 = vector.broadcast %shift_right_logical3A_480 : i32 to vector<16xi32>
          %shift_right_logical3A_482 = arith.shrui %add3A_479, %shift_right_logical3A_481 : vector<16xi32>
          %and3A_483 = arith.constant 255 : i32
          %and3A_484 = vector.broadcast %and3A_483 : i32 to vector<16xi32>
          %and3A_485 = arith.andi %add3A_479, %and3A_484 : vector<16xi32>
          %gather3A_486 = tpu.vector_load_idx %arg19[%shift_right_logical3A_482, %and3A_485] : memref<128x256xi32, #tpu.memory_space<vmem>>[vector<16xi32>, vector<16xi32>], vector<16xi32>,
          %swap3A_487 = arith.index_cast %add3A_475 : i32 to index
          %swap3A_488 = arith.constant 64 : index
          %swap3A_489 = tpu.vector_load %arg21[%swap3A_487, %swap3A_488] {strides = array<i32>} : memref<64x128xi32, #tpu.memory_space<vmem>>, vector<16xi32>,
          tpu.vector_store %arg21[%swap3A_487, %swap3A_488], %gather3A_486 {strides = array<i32>} : memref<64x128xi32, #tpu.memory_space<vmem>>, vector<16xi32>,
          %sub3A_490 = arith.subi %gather3A_473, %add3A_478 : vector<16xi32>
          %max3A_491 = arith.constant 0 : i32
          %max3A_492 = vector.broadcast %max3A_491 : i32 to vector<16xi32>
          %max3A_493 = arith.maxsi %sub3A_490, %max3A_492 : vector<16xi32>
          %min3A_494 = arith.constant 1 : i32
          %min3A_495 = vector.broadcast %min3A_494 : i32 to vector<16xi32>
          %min3A_496 = arith.minsi %max3A_493, %min3A_495 : vector<16xi32>
          %swap3A_497 = arith.index_cast %add3A_475 : i32 to index
          %swap3A_498 = arith.constant 64 : index
          %swap3A_499 = tpu.vector_load %arg23[%swap3A_497, %swap3A_498] {strides = array<i32>} : memref<64x128xi32, #tpu.memory_space<vmem>>, vector<16xi32>,
          tpu.vector_store %arg23[%swap3A_497, %swap3A_498], %min3A_496 {strides = array<i32>} : memref<64x128xi32, #tpu.memory_space<vmem>>, vector<16xi32>,
          %add3A_500 = arith.constant 16 : i32
          %add3A_501 = vector.broadcast %add3A_500 : i32 to vector<16xi32>
          %add3A_502 = arith.addi %iota3A, %add3A_501 : vector<16xi32>
          %add3A_503 = arith.addi %gather3A_469, %add3A_502 : vector<16xi32>
          %shift_right_logical3A_504 = arith.constant 8 : i32
          %shift_right_logical3A_505 = vector.broadcast %shift_right_logical3A_504 : i32 to vector<16xi32>
          %shift_right_logical3A_506 = arith.shrui %add3A_503, %shift_right_logical3A_505 : vector<16xi32>
          %and3A_507 = arith.constant 255 : i32
          %and3A_508 = vector.broadcast %and3A_507 : i32 to vector<16xi32>
          %and3A_509 = arith.andi %add3A_503, %and3A_508 : vector<16xi32>
          %gather3A_510 = tpu.vector_load_idx %arg19[%shift_right_logical3A_506, %and3A_509] : memref<128x256xi32, #tpu.memory_space<vmem>>[vector<16xi32>, vector<16xi32>], vector<16xi32>,
          %swap3A_511 = arith.index_cast %add3A_475 : i32 to index
          %swap3A_512 = arith.constant 80 : index
          %swap3A_513 = tpu.vector_load %arg21[%swap3A_511, %swap3A_512] {strides = array<i32>} : memref<64x128xi32, #tpu.memory_space<vmem>>, vector<16xi32>,
          tpu.vector_store %arg21[%swap3A_511, %swap3A_512], %gather3A_510 {strides = array<i32>} : memref<64x128xi32, #tpu.memory_space<vmem>>, vector<16xi32>,
          %sub3A_514 = arith.subi %gather3A_473, %add3A_502 : vector<16xi32>
          %max3A_515 = arith.constant 0 : i32
          %max3A_516 = vector.broadcast %max3A_515 : i32 to vector<16xi32>
          %max3A_517 = arith.maxsi %sub3A_514, %max3A_516 : vector<16xi32>
          %min3A_518 = arith.constant 1 : i32
          %min3A_519 = vector.broadcast %min3A_518 : i32 to vector<16xi32>
          %min3A_520 = arith.minsi %max3A_517, %min3A_519 : vector<16xi32>
          %swap3A_521 = arith.index_cast %add3A_475 : i32 to index
          %swap3A_522 = arith.constant 80 : index
          %swap3A_523 = tpu.vector_load %arg23[%swap3A_521, %swap3A_522] {strides = array<i32>} : memref<64x128xi32, #tpu.memory_space<vmem>>, vector<16xi32>,
          tpu.vector_store %arg23[%swap3A_521, %swap3A_522], %min3A_520 {strides = array<i32>} : memref<64x128xi32, #tpu.memory_space<vmem>>, vector<16xi32>,
          %add3A_524 = arith.constant 32 : i32
          %add3A_525 = vector.broadcast %add3A_524 : i32 to vector<16xi32>
          %add3A_526 = arith.addi %iota3A, %add3A_525 : vector<16xi32>
          %add3A_527 = arith.addi %gather3A_469, %add3A_526 : vector<16xi32>
          %shift_right_logical3A_528 = arith.constant 8 : i32
          %shift_right_logical3A_529 = vector.broadcast %shift_right_logical3A_528 : i32 to vector<16xi32>
          %shift_right_logical3A_530 = arith.shrui %add3A_527, %shift_right_logical3A_529 : vector<16xi32>
          %and3A_531 = arith.constant 255 : i32
          %and3A_532 = vector.broadcast %and3A_531 : i32 to vector<16xi32>
          %and3A_533 = arith.andi %add3A_527, %and3A_532 : vector<16xi32>
          %gather3A_534 = tpu.vector_load_idx %arg19[%shift_right_logical3A_530, %and3A_533] : memref<128x256xi32, #tpu.memory_space<vmem>>[vector<16xi32>, vector<16xi32>], vector<16xi32>,
          %swap3A_535 = arith.index_cast %add3A_475 : i32 to index
          %swap3A_536 = arith.constant 96 : index
          %swap3A_537 = tpu.vector_load %arg21[%swap3A_535, %swap3A_536] {strides = array<i32>} : memref<64x128xi32, #tpu.memory_space<vmem>>, vector<16xi32>,
          tpu.vector_store %arg21[%swap3A_535, %swap3A_536], %gather3A_534 {strides = array<i32>} : memref<64x128xi32, #tpu.memory_space<vmem>>, vector<16xi32>,
          %sub3A_538 = arith.subi %gather3A_473, %add3A_526 : vector<16xi32>
          %max3A_539 = arith.constant 0 : i32
          %max3A_540 = vector.broadcast %max3A_539 : i32 to vector<16xi32>
          %max3A_541 = arith.maxsi %sub3A_538, %max3A_540 : vector<16xi32>
          %min3A_542 = arith.constant 1 : i32
          %min3A_543 = vector.broadcast %min3A_542 : i32 to vector<16xi32>
          %min3A_544 = arith.minsi %max3A_541, %min3A_543 : vector<16xi32>
          %swap3A_545 = arith.index_cast %add3A_475 : i32 to index
          %swap3A_546 = arith.constant 96 : index
          %swap3A_547 = tpu.vector_load %arg23[%swap3A_545, %swap3A_546] {strides = array<i32>} : memref<64x128xi32, #tpu.memory_space<vmem>>, vector<16xi32>,
          tpu.vector_store %arg23[%swap3A_545, %swap3A_546], %min3A_544 {strides = array<i32>} : memref<64x128xi32, #tpu.memory_space<vmem>>, vector<16xi32>,
          %add3A_548 = arith.constant 48 : i32
          %add3A_549 = vector.broadcast %add3A_548 : i32 to vector<16xi32>
          %add3A_550 = arith.addi %iota3A, %add3A_549 : vector<16xi32>
          %add3A_551 = arith.addi %gather3A_469, %add3A_550 : vector<16xi32>
          %shift_right_logical3A_552 = arith.constant 8 : i32
          %shift_right_logical3A_553 = vector.broadcast %shift_right_logical3A_552 : i32 to vector<16xi32>
          %shift_right_logical3A_554 = arith.shrui %add3A_551, %shift_right_logical3A_553 : vector<16xi32>
          %and3A_555 = arith.constant 255 : i32
          %and3A_556 = vector.broadcast %and3A_555 : i32 to vector<16xi32>
          %and3A_557 = arith.andi %add3A_551, %and3A_556 : vector<16xi32>
          %gather3A_558 = tpu.vector_load_idx %arg19[%shift_right_logical3A_554, %and3A_557] : memref<128x256xi32, #tpu.memory_space<vmem>>[vector<16xi32>, vector<16xi32>], vector<16xi32>,
          %swap3A_559 = arith.index_cast %add3A_475 : i32 to index
          %swap3A_560 = arith.constant 112 : index
          %swap3A_561 = tpu.vector_load %arg21[%swap3A_559, %swap3A_560] {strides = array<i32>} : memref<64x128xi32, #tpu.memory_space<vmem>>, vector<16xi32>,
          tpu.vector_store %arg21[%swap3A_559, %swap3A_560], %gather3A_558 {strides = array<i32>} : memref<64x128xi32, #tpu.memory_space<vmem>>, vector<16xi32>,
          %sub3A_562 = arith.subi %gather3A_473, %add3A_550 : vector<16xi32>
          %max3A_563 = arith.constant 0 : i32
          %max3A_564 = vector.broadcast %max3A_563 : i32 to vector<16xi32>
          %max3A_565 = arith.maxsi %sub3A_562, %max3A_564 : vector<16xi32>
          %min3A_566 = arith.constant 1 : i32
          %min3A_567 = vector.broadcast %min3A_566 : i32 to vector<16xi32>
          %min3A_568 = arith.minsi %max3A_565, %min3A_567 : vector<16xi32>
          %swap3A_569 = arith.index_cast %add3A_475 : i32 to index
          %swap3A_570 = arith.constant 112 : index
          %swap3A_571 = tpu.vector_load %arg23[%swap3A_569, %swap3A_570] {strides = array<i32>} : memref<64x128xi32, #tpu.memory_space<vmem>>, vector<16xi32>,
          tpu.vector_store %arg23[%swap3A_569, %swap3A_570], %min3A_568 {strides = array<i32>} : memref<64x128xi32, #tpu.memory_space<vmem>>, vector<16xi32>,
          %broadcast_in_dim3A_572 = arith.constant 4 : i32
          %broadcast_in_dim3A_573 = vector.broadcast %broadcast_in_dim3A_572 : i32 to vector<16x1xi32>
          %gather3A_574 = vector.shape_cast %broadcast_in_dim3A_573 : vector<16x1xi32> to vector<16xi32>
          %gather3A_575 = tpu.dynamic_gather %add3A_151[%gather3A_574] in [0] : vector<16xi32>, vector<16xi32> -> vector<16xi32>
          %broadcast_in_dim3A_576 = arith.constant 4 : i32
          %broadcast_in_dim3A_577 = vector.broadcast %broadcast_in_dim3A_576 : i32 to vector<16x1xi32>
          %gather3A_578 = vector.shape_cast %broadcast_in_dim3A_577 : vector<16x1xi32> to vector<16xi32>
          %gather3A_579 = tpu.dynamic_gather %sub3A_142[%gather3A_578] in [0] : vector<16xi32>, vector<16xi32> -> vector<16xi32>
          %add3A_580 = arith.constant 2 : i32
          %add3A_581 = arith.addi %mul3A_153, %add3A_580 : i32
          %add3A_582 = arith.constant 0 : i32
          %add3A_583 = vector.broadcast %add3A_582 : i32 to vector<16xi32>
          %add3A_584 = arith.addi %iota3A, %add3A_583 : vector<16xi32>
          %add3A_585 = arith.addi %gather3A_575, %add3A_584 : vector<16xi32>
          %shift_right_logical3A_586 = arith.constant 8 : i32
          %shift_right_logical3A_587 = vector.broadcast %shift_right_logical3A_586 : i32 to vector<16xi32>
          %shift_right_logical3A_588 = arith.shrui %add3A_585, %shift_right_logical3A_587 : vector<16xi32>
          %and3A_589 = arith.constant 255 : i32
          %and3A_590 = vector.broadcast %and3A_589 : i32 to vector<16xi32>
          %and3A_591 = arith.andi %add3A_585, %and3A_590 : vector<16xi32>
          %gather3A_592 = tpu.vector_load_idx %arg19[%shift_right_logical3A_588, %and3A_591] : memref<128x256xi32, #tpu.memory_space<vmem>>[vector<16xi32>, vector<16xi32>], vector<16xi32>,
          %swap3A_593 = arith.index_cast %add3A_581 : i32 to index
          %swap3A_594 = arith.constant 0 : index
          %swap3A_595 = tpu.vector_load %arg21[%swap3A_593, %swap3A_594] {strides = array<i32>} : memref<64x128xi32, #tpu.memory_space<vmem>>, vector<16xi32>,
          tpu.vector_store %arg21[%swap3A_593, %swap3A_594], %gather3A_592 {strides = array<i32>} : memref<64x128xi32, #tpu.memory_space<vmem>>, vector<16xi32>,
          %sub3A_596 = arith.subi %gather3A_579, %add3A_584 : vector<16xi32>
          %max3A_597 = arith.constant 0 : i32
          %max3A_598 = vector.broadcast %max3A_597 : i32 to vector<16xi32>
          %max3A_599 = arith.maxsi %sub3A_596, %max3A_598 : vector<16xi32>
          %min3A_600 = arith.constant 1 : i32
          %min3A_601 = vector.broadcast %min3A_600 : i32 to vector<16xi32>
          %min3A_602 = arith.minsi %max3A_599, %min3A_601 : vector<16xi32>
          %swap3A_603 = arith.index_cast %add3A_581 : i32 to index
          %swap3A_604 = arith.constant 0 : index
          %swap3A_605 = tpu.vector_load %arg23[%swap3A_603, %swap3A_604] {strides = array<i32>} : memref<64x128xi32, #tpu.memory_space<vmem>>, vector<16xi32>,
          tpu.vector_store %arg23[%swap3A_603, %swap3A_604], %min3A_602 {strides = array<i32>} : memref<64x128xi32, #tpu.memory_space<vmem>>, vector<16xi32>,
          %add3A_606 = arith.constant 16 : i32
          %add3A_607 = vector.broadcast %add3A_606 : i32 to vector<16xi32>
          %add3A_608 = arith.addi %iota3A, %add3A_607 : vector<16xi32>
          %add3A_609 = arith.addi %gather3A_575, %add3A_608 : vector<16xi32>
          %shift_right_logical3A_610 = arith.constant 8 : i32
          %shift_right_logical3A_611 = vector.broadcast %shift_right_logical3A_610 : i32 to vector<16xi32>
          %shift_right_logical3A_612 = arith.shrui %add3A_609, %shift_right_logical3A_611 : vector<16xi32>
          %and3A_613 = arith.constant 255 : i32
          %and3A_614 = vector.broadcast %and3A_613 : i32 to vector<16xi32>
          %and3A_615 = arith.andi %add3A_609, %and3A_614 : vector<16xi32>
          %gather3A_616 = tpu.vector_load_idx %arg19[%shift_right_logical3A_612, %and3A_615] : memref<128x256xi32, #tpu.memory_space<vmem>>[vector<16xi32>, vector<16xi32>], vector<16xi32>,
          %swap3A_617 = arith.index_cast %add3A_581 : i32 to index
          %swap3A_618 = arith.constant 16 : index
          %swap3A_619 = tpu.vector_load %arg21[%swap3A_617, %swap3A_618] {strides = array<i32>} : memref<64x128xi32, #tpu.memory_space<vmem>>, vector<16xi32>,
          tpu.vector_store %arg21[%swap3A_617, %swap3A_618], %gather3A_616 {strides = array<i32>} : memref<64x128xi32, #tpu.memory_space<vmem>>, vector<16xi32>,
          %sub3A_620 = arith.subi %gather3A_579, %add3A_608 : vector<16xi32>
          %max3A_621 = arith.constant 0 : i32
          %max3A_622 = vector.broadcast %max3A_621 : i32 to vector<16xi32>
          %max3A_623 = arith.maxsi %sub3A_620, %max3A_622 : vector<16xi32>
          %min3A_624 = arith.constant 1 : i32
          %min3A_625 = vector.broadcast %min3A_624 : i32 to vector<16xi32>
          %min3A_626 = arith.minsi %max3A_623, %min3A_625 : vector<16xi32>
          %swap3A_627 = arith.index_cast %add3A_581 : i32 to index
          %swap3A_628 = arith.constant 16 : index
          %swap3A_629 = tpu.vector_load %arg23[%swap3A_627, %swap3A_628] {strides = array<i32>} : memref<64x128xi32, #tpu.memory_space<vmem>>, vector<16xi32>,
          tpu.vector_store %arg23[%swap3A_627, %swap3A_628], %min3A_626 {strides = array<i32>} : memref<64x128xi32, #tpu.memory_space<vmem>>, vector<16xi32>,
          %add3A_630 = arith.constant 32 : i32
          %add3A_631 = vector.broadcast %add3A_630 : i32 to vector<16xi32>
          %add3A_632 = arith.addi %iota3A, %add3A_631 : vector<16xi32>
          %add3A_633 = arith.addi %gather3A_575, %add3A_632 : vector<16xi32>
          %shift_right_logical3A_634 = arith.constant 8 : i32
          %shift_right_logical3A_635 = vector.broadcast %shift_right_logical3A_634 : i32 to vector<16xi32>
          %shift_right_logical3A_636 = arith.shrui %add3A_633, %shift_right_logical3A_635 : vector<16xi32>
          %and3A_637 = arith.constant 255 : i32
          %and3A_638 = vector.broadcast %and3A_637 : i32 to vector<16xi32>
          %and3A_639 = arith.andi %add3A_633, %and3A_638 : vector<16xi32>
          %gather3A_640 = tpu.vector_load_idx %arg19[%shift_right_logical3A_636, %and3A_639] : memref<128x256xi32, #tpu.memory_space<vmem>>[vector<16xi32>, vector<16xi32>], vector<16xi32>,
          %swap3A_641 = arith.index_cast %add3A_581 : i32 to index
          %swap3A_642 = arith.constant 32 : index
          %swap3A_643 = tpu.vector_load %arg21[%swap3A_641, %swap3A_642] {strides = array<i32>} : memref<64x128xi32, #tpu.memory_space<vmem>>, vector<16xi32>,
          tpu.vector_store %arg21[%swap3A_641, %swap3A_642], %gather3A_640 {strides = array<i32>} : memref<64x128xi32, #tpu.memory_space<vmem>>, vector<16xi32>,
          %sub3A_644 = arith.subi %gather3A_579, %add3A_632 : vector<16xi32>
          %max3A_645 = arith.constant 0 : i32
          %max3A_646 = vector.broadcast %max3A_645 : i32 to vector<16xi32>
          %max3A_647 = arith.maxsi %sub3A_644, %max3A_646 : vector<16xi32>
          %min3A_648 = arith.constant 1 : i32
          %min3A_649 = vector.broadcast %min3A_648 : i32 to vector<16xi32>
          %min3A_650 = arith.minsi %max3A_647, %min3A_649 : vector<16xi32>
          %swap3A_651 = arith.index_cast %add3A_581 : i32 to index
          %swap3A_652 = arith.constant 32 : index
          %swap3A_653 = tpu.vector_load %arg23[%swap3A_651, %swap3A_652] {strides = array<i32>} : memref<64x128xi32, #tpu.memory_space<vmem>>, vector<16xi32>,
          tpu.vector_store %arg23[%swap3A_651, %swap3A_652], %min3A_650 {strides = array<i32>} : memref<64x128xi32, #tpu.memory_space<vmem>>, vector<16xi32>,
          %add3A_654 = arith.constant 48 : i32
          %add3A_655 = vector.broadcast %add3A_654 : i32 to vector<16xi32>
          %add3A_656 = arith.addi %iota3A, %add3A_655 : vector<16xi32>
          %add3A_657 = arith.addi %gather3A_575, %add3A_656 : vector<16xi32>
          %shift_right_logical3A_658 = arith.constant 8 : i32
          %shift_right_logical3A_659 = vector.broadcast %shift_right_logical3A_658 : i32 to vector<16xi32>
          %shift_right_logical3A_660 = arith.shrui %add3A_657, %shift_right_logical3A_659 : vector<16xi32>
          %and3A_661 = arith.constant 255 : i32
          %and3A_662 = vector.broadcast %and3A_661 : i32 to vector<16xi32>
          %and3A_663 = arith.andi %add3A_657, %and3A_662 : vector<16xi32>
          %gather3A_664 = tpu.vector_load_idx %arg19[%shift_right_logical3A_660, %and3A_663] : memref<128x256xi32, #tpu.memory_space<vmem>>[vector<16xi32>, vector<16xi32>], vector<16xi32>,
          %swap3A_665 = arith.index_cast %add3A_581 : i32 to index
          %swap3A_666 = arith.constant 48 : index
          %swap3A_667 = tpu.vector_load %arg21[%swap3A_665, %swap3A_666] {strides = array<i32>} : memref<64x128xi32, #tpu.memory_space<vmem>>, vector<16xi32>,
          tpu.vector_store %arg21[%swap3A_665, %swap3A_666], %gather3A_664 {strides = array<i32>} : memref<64x128xi32, #tpu.memory_space<vmem>>, vector<16xi32>,
          %sub3A_668 = arith.subi %gather3A_579, %add3A_656 : vector<16xi32>
          %max3A_669 = arith.constant 0 : i32
          %max3A_670 = vector.broadcast %max3A_669 : i32 to vector<16xi32>
          %max3A_671 = arith.maxsi %sub3A_668, %max3A_670 : vector<16xi32>
          %min3A_672 = arith.constant 1 : i32
          %min3A_673 = vector.broadcast %min3A_672 : i32 to vector<16xi32>
          %min3A_674 = arith.minsi %max3A_671, %min3A_673 : vector<16xi32>
          %swap3A_675 = arith.index_cast %add3A_581 : i32 to index
          %swap3A_676 = arith.constant 48 : index
          %swap3A_677 = tpu.vector_load %arg23[%swap3A_675, %swap3A_676] {strides = array<i32>} : memref<64x128xi32, #tpu.memory_space<vmem>>, vector<16xi32>,
          tpu.vector_store %arg23[%swap3A_675, %swap3A_676], %min3A_674 {strides = array<i32>} : memref<64x128xi32, #tpu.memory_space<vmem>>, vector<16xi32>,
          %broadcast_in_dim3A_678 = arith.constant 5 : i32
          %broadcast_in_dim3A_679 = vector.broadcast %broadcast_in_dim3A_678 : i32 to vector<16x1xi32>
          %gather3A_680 = vector.shape_cast %broadcast_in_dim3A_679 : vector<16x1xi32> to vector<16xi32>
          %gather3A_681 = tpu.dynamic_gather %add3A_151[%gather3A_680] in [0] : vector<16xi32>, vector<16xi32> -> vector<16xi32>
          %broadcast_in_dim3A_682 = arith.constant 5 : i32
          %broadcast_in_dim3A_683 = vector.broadcast %broadcast_in_dim3A_682 : i32 to vector<16x1xi32>
          %gather3A_684 = vector.shape_cast %broadcast_in_dim3A_683 : vector<16x1xi32> to vector<16xi32>
          %gather3A_685 = tpu.dynamic_gather %sub3A_142[%gather3A_684] in [0] : vector<16xi32>, vector<16xi32> -> vector<16xi32>
          %add3A_686 = arith.constant 2 : i32
          %add3A_687 = arith.addi %mul3A_153, %add3A_686 : i32
          %add3A_688 = arith.constant 0 : i32
          %add3A_689 = vector.broadcast %add3A_688 : i32 to vector<16xi32>
          %add3A_690 = arith.addi %iota3A, %add3A_689 : vector<16xi32>
          %add3A_691 = arith.addi %gather3A_681, %add3A_690 : vector<16xi32>
          %shift_right_logical3A_692 = arith.constant 8 : i32
          %shift_right_logical3A_693 = vector.broadcast %shift_right_logical3A_692 : i32 to vector<16xi32>
          %shift_right_logical3A_694 = arith.shrui %add3A_691, %shift_right_logical3A_693 : vector<16xi32>
          %and3A_695 = arith.constant 255 : i32
          %and3A_696 = vector.broadcast %and3A_695 : i32 to vector<16xi32>
          %and3A_697 = arith.andi %add3A_691, %and3A_696 : vector<16xi32>
          %gather3A_698 = tpu.vector_load_idx %arg19[%shift_right_logical3A_694, %and3A_697] : memref<128x256xi32, #tpu.memory_space<vmem>>[vector<16xi32>, vector<16xi32>], vector<16xi32>,
          %swap3A_699 = arith.index_cast %add3A_687 : i32 to index
          %swap3A_700 = arith.constant 64 : index
          %swap3A_701 = tpu.vector_load %arg21[%swap3A_699, %swap3A_700] {strides = array<i32>} : memref<64x128xi32, #tpu.memory_space<vmem>>, vector<16xi32>,
          tpu.vector_store %arg21[%swap3A_699, %swap3A_700], %gather3A_698 {strides = array<i32>} : memref<64x128xi32, #tpu.memory_space<vmem>>, vector<16xi32>,
          %sub3A_702 = arith.subi %gather3A_685, %add3A_690 : vector<16xi32>
          %max3A_703 = arith.constant 0 : i32
          %max3A_704 = vector.broadcast %max3A_703 : i32 to vector<16xi32>
          %max3A_705 = arith.maxsi %sub3A_702, %max3A_704 : vector<16xi32>
          %min3A_706 = arith.constant 1 : i32
          %min3A_707 = vector.broadcast %min3A_706 : i32 to vector<16xi32>
          %min3A_708 = arith.minsi %max3A_705, %min3A_707 : vector<16xi32>
          %swap3A_709 = arith.index_cast %add3A_687 : i32 to index
          %swap3A_710 = arith.constant 64 : index
          %swap3A_711 = tpu.vector_load %arg23[%swap3A_709, %swap3A_710] {strides = array<i32>} : memref<64x128xi32, #tpu.memory_space<vmem>>, vector<16xi32>,
          tpu.vector_store %arg23[%swap3A_709, %swap3A_710], %min3A_708 {strides = array<i32>} : memref<64x128xi32, #tpu.memory_space<vmem>>, vector<16xi32>,
          %add3A_712 = arith.constant 16 : i32
          %add3A_713 = vector.broadcast %add3A_712 : i32 to vector<16xi32>
          %add3A_714 = arith.addi %iota3A, %add3A_713 : vector<16xi32>
          %add3A_715 = arith.addi %gather3A_681, %add3A_714 : vector<16xi32>
          %shift_right_logical3A_716 = arith.constant 8 : i32
          %shift_right_logical3A_717 = vector.broadcast %shift_right_logical3A_716 : i32 to vector<16xi32>
          %shift_right_logical3A_718 = arith.shrui %add3A_715, %shift_right_logical3A_717 : vector<16xi32>
          %and3A_719 = arith.constant 255 : i32
          %and3A_720 = vector.broadcast %and3A_719 : i32 to vector<16xi32>
          %and3A_721 = arith.andi %add3A_715, %and3A_720 : vector<16xi32>
          %gather3A_722 = tpu.vector_load_idx %arg19[%shift_right_logical3A_718, %and3A_721] : memref<128x256xi32, #tpu.memory_space<vmem>>[vector<16xi32>, vector<16xi32>], vector<16xi32>,
          %swap3A_723 = arith.index_cast %add3A_687 : i32 to index
          %swap3A_724 = arith.constant 80 : index
          %swap3A_725 = tpu.vector_load %arg21[%swap3A_723, %swap3A_724] {strides = array<i32>} : memref<64x128xi32, #tpu.memory_space<vmem>>, vector<16xi32>,
          tpu.vector_store %arg21[%swap3A_723, %swap3A_724], %gather3A_722 {strides = array<i32>} : memref<64x128xi32, #tpu.memory_space<vmem>>, vector<16xi32>,
          %sub3A_726 = arith.subi %gather3A_685, %add3A_714 : vector<16xi32>
          %max3A_727 = arith.constant 0 : i32
          %max3A_728 = vector.broadcast %max3A_727 : i32 to vector<16xi32>
          %max3A_729 = arith.maxsi %sub3A_726, %max3A_728 : vector<16xi32>
          %min3A_730 = arith.constant 1 : i32
          %min3A_731 = vector.broadcast %min3A_730 : i32 to vector<16xi32>
          %min3A_732 = arith.minsi %max3A_729, %min3A_731 : vector<16xi32>
          %swap3A_733 = arith.index_cast %add3A_687 : i32 to index
          %swap3A_734 = arith.constant 80 : index
          %swap3A_735 = tpu.vector_load %arg23[%swap3A_733, %swap3A_734] {strides = array<i32>} : memref<64x128xi32, #tpu.memory_space<vmem>>, vector<16xi32>,
          tpu.vector_store %arg23[%swap3A_733, %swap3A_734], %min3A_732 {strides = array<i32>} : memref<64x128xi32, #tpu.memory_space<vmem>>, vector<16xi32>,
          %add3A_736 = arith.constant 32 : i32
          %add3A_737 = vector.broadcast %add3A_736 : i32 to vector<16xi32>
          %add3A_738 = arith.addi %iota3A, %add3A_737 : vector<16xi32>
          %add3A_739 = arith.addi %gather3A_681, %add3A_738 : vector<16xi32>
          %shift_right_logical3A_740 = arith.constant 8 : i32
          %shift_right_logical3A_741 = vector.broadcast %shift_right_logical3A_740 : i32 to vector<16xi32>
          %shift_right_logical3A_742 = arith.shrui %add3A_739, %shift_right_logical3A_741 : vector<16xi32>
          %and3A_743 = arith.constant 255 : i32
          %and3A_744 = vector.broadcast %and3A_743 : i32 to vector<16xi32>
          %and3A_745 = arith.andi %add3A_739, %and3A_744 : vector<16xi32>
          %gather3A_746 = tpu.vector_load_idx %arg19[%shift_right_logical3A_742, %and3A_745] : memref<128x256xi32, #tpu.memory_space<vmem>>[vector<16xi32>, vector<16xi32>], vector<16xi32>,
          %swap3A_747 = arith.index_cast %add3A_687 : i32 to index
          %swap3A_748 = arith.constant 96 : index
          %swap3A_749 = tpu.vector_load %arg21[%swap3A_747, %swap3A_748] {strides = array<i32>} : memref<64x128xi32, #tpu.memory_space<vmem>>, vector<16xi32>,
          tpu.vector_store %arg21[%swap3A_747, %swap3A_748], %gather3A_746 {strides = array<i32>} : memref<64x128xi32, #tpu.memory_space<vmem>>, vector<16xi32>,
          %sub3A_750 = arith.subi %gather3A_685, %add3A_738 : vector<16xi32>
          %max3A_751 = arith.constant 0 : i32
          %max3A_752 = vector.broadcast %max3A_751 : i32 to vector<16xi32>
          %max3A_753 = arith.maxsi %sub3A_750, %max3A_752 : vector<16xi32>
          %min3A_754 = arith.constant 1 : i32
          %min3A_755 = vector.broadcast %min3A_754 : i32 to vector<16xi32>
          %min3A_756 = arith.minsi %max3A_753, %min3A_755 : vector<16xi32>
          %swap3A_757 = arith.index_cast %add3A_687 : i32 to index
          %swap3A_758 = arith.constant 96 : index
          %swap3A_759 = tpu.vector_load %arg23[%swap3A_757, %swap3A_758] {strides = array<i32>} : memref<64x128xi32, #tpu.memory_space<vmem>>, vector<16xi32>,
          tpu.vector_store %arg23[%swap3A_757, %swap3A_758], %min3A_756 {strides = array<i32>} : memref<64x128xi32, #tpu.memory_space<vmem>>, vector<16xi32>,
          %add3A_760 = arith.constant 48 : i32
          %add3A_761 = vector.broadcast %add3A_760 : i32 to vector<16xi32>
          %add3A_762 = arith.addi %iota3A, %add3A_761 : vector<16xi32>
          %add3A_763 = arith.addi %gather3A_681, %add3A_762 : vector<16xi32>
          %shift_right_logical3A_764 = arith.constant 8 : i32
          %shift_right_logical3A_765 = vector.broadcast %shift_right_logical3A_764 : i32 to vector<16xi32>
          %shift_right_logical3A_766 = arith.shrui %add3A_763, %shift_right_logical3A_765 : vector<16xi32>
          %and3A_767 = arith.constant 255 : i32
          %and3A_768 = vector.broadcast %and3A_767 : i32 to vector<16xi32>
          %and3A_769 = arith.andi %add3A_763, %and3A_768 : vector<16xi32>
          %gather3A_770 = tpu.vector_load_idx %arg19[%shift_right_logical3A_766, %and3A_769] : memref<128x256xi32, #tpu.memory_space<vmem>>[vector<16xi32>, vector<16xi32>], vector<16xi32>,
          %swap3A_771 = arith.index_cast %add3A_687 : i32 to index
          %swap3A_772 = arith.constant 112 : index
          %swap3A_773 = tpu.vector_load %arg21[%swap3A_771, %swap3A_772] {strides = array<i32>} : memref<64x128xi32, #tpu.memory_space<vmem>>, vector<16xi32>,
          tpu.vector_store %arg21[%swap3A_771, %swap3A_772], %gather3A_770 {strides = array<i32>} : memref<64x128xi32, #tpu.memory_space<vmem>>, vector<16xi32>,
          %sub3A_774 = arith.subi %gather3A_685, %add3A_762 : vector<16xi32>
          %max3A_775 = arith.constant 0 : i32
          %max3A_776 = vector.broadcast %max3A_775 : i32 to vector<16xi32>
          %max3A_777 = arith.maxsi %sub3A_774, %max3A_776 : vector<16xi32>
          %min3A_778 = arith.constant 1 : i32
          %min3A_779 = vector.broadcast %min3A_778 : i32 to vector<16xi32>
          %min3A_780 = arith.minsi %max3A_777, %min3A_779 : vector<16xi32>
          %swap3A_781 = arith.index_cast %add3A_687 : i32 to index
          %swap3A_782 = arith.constant 112 : index
          %swap3A_783 = tpu.vector_load %arg23[%swap3A_781, %swap3A_782] {strides = array<i32>} : memref<64x128xi32, #tpu.memory_space<vmem>>, vector<16xi32>,
          tpu.vector_store %arg23[%swap3A_781, %swap3A_782], %min3A_780 {strides = array<i32>} : memref<64x128xi32, #tpu.memory_space<vmem>>, vector<16xi32>,
          %broadcast_in_dim3A_784 = arith.constant 6 : i32
          %broadcast_in_dim3A_785 = vector.broadcast %broadcast_in_dim3A_784 : i32 to vector<16x1xi32>
          %gather3A_786 = vector.shape_cast %broadcast_in_dim3A_785 : vector<16x1xi32> to vector<16xi32>
          %gather3A_787 = tpu.dynamic_gather %add3A_151[%gather3A_786] in [0] : vector<16xi32>, vector<16xi32> -> vector<16xi32>
          %broadcast_in_dim3A_788 = arith.constant 6 : i32
          %broadcast_in_dim3A_789 = vector.broadcast %broadcast_in_dim3A_788 : i32 to vector<16x1xi32>
          %gather3A_790 = vector.shape_cast %broadcast_in_dim3A_789 : vector<16x1xi32> to vector<16xi32>
          %gather3A_791 = tpu.dynamic_gather %sub3A_142[%gather3A_790] in [0] : vector<16xi32>, vector<16xi32> -> vector<16xi32>
          %add3A_792 = arith.constant 3 : i32
          %add3A_793 = arith.addi %mul3A_153, %add3A_792 : i32
          %add3A_794 = arith.constant 0 : i32
          %add3A_795 = vector.broadcast %add3A_794 : i32 to vector<16xi32>
          %add3A_796 = arith.addi %iota3A, %add3A_795 : vector<16xi32>
          %add3A_797 = arith.addi %gather3A_787, %add3A_796 : vector<16xi32>
          %shift_right_logical3A_798 = arith.constant 8 : i32
          %shift_right_logical3A_799 = vector.broadcast %shift_right_logical3A_798 : i32 to vector<16xi32>
          %shift_right_logical3A_800 = arith.shrui %add3A_797, %shift_right_logical3A_799 : vector<16xi32>
          %and3A_801 = arith.constant 255 : i32
          %and3A_802 = vector.broadcast %and3A_801 : i32 to vector<16xi32>
          %and3A_803 = arith.andi %add3A_797, %and3A_802 : vector<16xi32>
          %gather3A_804 = tpu.vector_load_idx %arg19[%shift_right_logical3A_800, %and3A_803] : memref<128x256xi32, #tpu.memory_space<vmem>>[vector<16xi32>, vector<16xi32>], vector<16xi32>,
          %swap3A_805 = arith.index_cast %add3A_793 : i32 to index
          %swap3A_806 = arith.constant 0 : index
          %swap3A_807 = tpu.vector_load %arg21[%swap3A_805, %swap3A_806] {strides = array<i32>} : memref<64x128xi32, #tpu.memory_space<vmem>>, vector<16xi32>,
          tpu.vector_store %arg21[%swap3A_805, %swap3A_806], %gather3A_804 {strides = array<i32>} : memref<64x128xi32, #tpu.memory_space<vmem>>, vector<16xi32>,
          %sub3A_808 = arith.subi %gather3A_791, %add3A_796 : vector<16xi32>
          %max3A_809 = arith.constant 0 : i32
          %max3A_810 = vector.broadcast %max3A_809 : i32 to vector<16xi32>
          %max3A_811 = arith.maxsi %sub3A_808, %max3A_810 : vector<16xi32>
          %min3A_812 = arith.constant 1 : i32
          %min3A_813 = vector.broadcast %min3A_812 : i32 to vector<16xi32>
          %min3A_814 = arith.minsi %max3A_811, %min3A_813 : vector<16xi32>
          %swap3A_815 = arith.index_cast %add3A_793 : i32 to index
          %swap3A_816 = arith.constant 0 : index
          %swap3A_817 = tpu.vector_load %arg23[%swap3A_815, %swap3A_816] {strides = array<i32>} : memref<64x128xi32, #tpu.memory_space<vmem>>, vector<16xi32>,
          tpu.vector_store %arg23[%swap3A_815, %swap3A_816], %min3A_814 {strides = array<i32>} : memref<64x128xi32, #tpu.memory_space<vmem>>, vector<16xi32>,
          %add3A_818 = arith.constant 16 : i32
          %add3A_819 = vector.broadcast %add3A_818 : i32 to vector<16xi32>
          %add3A_820 = arith.addi %iota3A, %add3A_819 : vector<16xi32>
          %add3A_821 = arith.addi %gather3A_787, %add3A_820 : vector<16xi32>
          %shift_right_logical3A_822 = arith.constant 8 : i32
          %shift_right_logical3A_823 = vector.broadcast %shift_right_logical3A_822 : i32 to vector<16xi32>
          %shift_right_logical3A_824 = arith.shrui %add3A_821, %shift_right_logical3A_823 : vector<16xi32>
          %and3A_825 = arith.constant 255 : i32
          %and3A_826 = vector.broadcast %and3A_825 : i32 to vector<16xi32>
          %and3A_827 = arith.andi %add3A_821, %and3A_826 : vector<16xi32>
          %gather3A_828 = tpu.vector_load_idx %arg19[%shift_right_logical3A_824, %and3A_827] : memref<128x256xi32, #tpu.memory_space<vmem>>[vector<16xi32>, vector<16xi32>], vector<16xi32>,
          %swap3A_829 = arith.index_cast %add3A_793 : i32 to index
          %swap3A_830 = arith.constant 16 : index
          %swap3A_831 = tpu.vector_load %arg21[%swap3A_829, %swap3A_830] {strides = array<i32>} : memref<64x128xi32, #tpu.memory_space<vmem>>, vector<16xi32>,
          tpu.vector_store %arg21[%swap3A_829, %swap3A_830], %gather3A_828 {strides = array<i32>} : memref<64x128xi32, #tpu.memory_space<vmem>>, vector<16xi32>,
          %sub3A_832 = arith.subi %gather3A_791, %add3A_820 : vector<16xi32>
          %max3A_833 = arith.constant 0 : i32
          %max3A_834 = vector.broadcast %max3A_833 : i32 to vector<16xi32>
          %max3A_835 = arith.maxsi %sub3A_832, %max3A_834 : vector<16xi32>
          %min3A_836 = arith.constant 1 : i32
          %min3A_837 = vector.broadcast %min3A_836 : i32 to vector<16xi32>
          %min3A_838 = arith.minsi %max3A_835, %min3A_837 : vector<16xi32>
          %swap3A_839 = arith.index_cast %add3A_793 : i32 to index
          %swap3A_840 = arith.constant 16 : index
          %swap3A_841 = tpu.vector_load %arg23[%swap3A_839, %swap3A_840] {strides = array<i32>} : memref<64x128xi32, #tpu.memory_space<vmem>>, vector<16xi32>,
          tpu.vector_store %arg23[%swap3A_839, %swap3A_840], %min3A_838 {strides = array<i32>} : memref<64x128xi32, #tpu.memory_space<vmem>>, vector<16xi32>,
          %add3A_842 = arith.constant 32 : i32
          %add3A_843 = vector.broadcast %add3A_842 : i32 to vector<16xi32>
          %add3A_844 = arith.addi %iota3A, %add3A_843 : vector<16xi32>
          %add3A_845 = arith.addi %gather3A_787, %add3A_844 : vector<16xi32>
          %shift_right_logical3A_846 = arith.constant 8 : i32
          %shift_right_logical3A_847 = vector.broadcast %shift_right_logical3A_846 : i32 to vector<16xi32>
          %shift_right_logical3A_848 = arith.shrui %add3A_845, %shift_right_logical3A_847 : vector<16xi32>
          %and3A_849 = arith.constant 255 : i32
          %and3A_850 = vector.broadcast %and3A_849 : i32 to vector<16xi32>
          %and3A_851 = arith.andi %add3A_845, %and3A_850 : vector<16xi32>
          %gather3A_852 = tpu.vector_load_idx %arg19[%shift_right_logical3A_848, %and3A_851] : memref<128x256xi32, #tpu.memory_space<vmem>>[vector<16xi32>, vector<16xi32>], vector<16xi32>,
          %swap3A_853 = arith.index_cast %add3A_793 : i32 to index
          %swap3A_854 = arith.constant 32 : index
          %swap3A_855 = tpu.vector_load %arg21[%swap3A_853, %swap3A_854] {strides = array<i32>} : memref<64x128xi32, #tpu.memory_space<vmem>>, vector<16xi32>,
          tpu.vector_store %arg21[%swap3A_853, %swap3A_854], %gather3A_852 {strides = array<i32>} : memref<64x128xi32, #tpu.memory_space<vmem>>, vector<16xi32>,
          %sub3A_856 = arith.subi %gather3A_791, %add3A_844 : vector<16xi32>
          %max3A_857 = arith.constant 0 : i32
          %max3A_858 = vector.broadcast %max3A_857 : i32 to vector<16xi32>
          %max3A_859 = arith.maxsi %sub3A_856, %max3A_858 : vector<16xi32>
          %min3A_860 = arith.constant 1 : i32
          %min3A_861 = vector.broadcast %min3A_860 : i32 to vector<16xi32>
          %min3A_862 = arith.minsi %max3A_859, %min3A_861 : vector<16xi32>
          %swap3A_863 = arith.index_cast %add3A_793 : i32 to index
          %swap3A_864 = arith.constant 32 : index
          %swap3A_865 = tpu.vector_load %arg23[%swap3A_863, %swap3A_864] {strides = array<i32>} : memref<64x128xi32, #tpu.memory_space<vmem>>, vector<16xi32>,
          tpu.vector_store %arg23[%swap3A_863, %swap3A_864], %min3A_862 {strides = array<i32>} : memref<64x128xi32, #tpu.memory_space<vmem>>, vector<16xi32>,
          %add3A_866 = arith.constant 48 : i32
          %add3A_867 = vector.broadcast %add3A_866 : i32 to vector<16xi32>
          %add3A_868 = arith.addi %iota3A, %add3A_867 : vector<16xi32>
          %add3A_869 = arith.addi %gather3A_787, %add3A_868 : vector<16xi32>
          %shift_right_logical3A_870 = arith.constant 8 : i32
          %shift_right_logical3A_871 = vector.broadcast %shift_right_logical3A_870 : i32 to vector<16xi32>
          %shift_right_logical3A_872 = arith.shrui %add3A_869, %shift_right_logical3A_871 : vector<16xi32>
          %and3A_873 = arith.constant 255 : i32
          %and3A_874 = vector.broadcast %and3A_873 : i32 to vector<16xi32>
          %and3A_875 = arith.andi %add3A_869, %and3A_874 : vector<16xi32>
          %gather3A_876 = tpu.vector_load_idx %arg19[%shift_right_logical3A_872, %and3A_875] : memref<128x256xi32, #tpu.memory_space<vmem>>[vector<16xi32>, vector<16xi32>], vector<16xi32>,
          %swap3A_877 = arith.index_cast %add3A_793 : i32 to index
          %swap3A_878 = arith.constant 48 : index
          %swap3A_879 = tpu.vector_load %arg21[%swap3A_877, %swap3A_878] {strides = array<i32>} : memref<64x128xi32, #tpu.memory_space<vmem>>, vector<16xi32>,
          tpu.vector_store %arg21[%swap3A_877, %swap3A_878], %gather3A_876 {strides = array<i32>} : memref<64x128xi32, #tpu.memory_space<vmem>>, vector<16xi32>,
          %sub3A_880 = arith.subi %gather3A_791, %add3A_868 : vector<16xi32>
          %max3A_881 = arith.constant 0 : i32
          %max3A_882 = vector.broadcast %max3A_881 : i32 to vector<16xi32>
          %max3A_883 = arith.maxsi %sub3A_880, %max3A_882 : vector<16xi32>
          %min3A_884 = arith.constant 1 : i32
          %min3A_885 = vector.broadcast %min3A_884 : i32 to vector<16xi32>
          %min3A_886 = arith.minsi %max3A_883, %min3A_885 : vector<16xi32>
          %swap3A_887 = arith.index_cast %add3A_793 : i32 to index
          %swap3A_888 = arith.constant 48 : index
          %swap3A_889 = tpu.vector_load %arg23[%swap3A_887, %swap3A_888] {strides = array<i32>} : memref<64x128xi32, #tpu.memory_space<vmem>>, vector<16xi32>,
          tpu.vector_store %arg23[%swap3A_887, %swap3A_888], %min3A_886 {strides = array<i32>} : memref<64x128xi32, #tpu.memory_space<vmem>>, vector<16xi32>,
          %broadcast_in_dim3A_890 = arith.constant 7 : i32
          %broadcast_in_dim3A_891 = vector.broadcast %broadcast_in_dim3A_890 : i32 to vector<16x1xi32>
          %gather3A_892 = vector.shape_cast %broadcast_in_dim3A_891 : vector<16x1xi32> to vector<16xi32>
          %gather3A_893 = tpu.dynamic_gather %add3A_151[%gather3A_892] in [0] : vector<16xi32>, vector<16xi32> -> vector<16xi32>
          %broadcast_in_dim3A_894 = arith.constant 7 : i32
          %broadcast_in_dim3A_895 = vector.broadcast %broadcast_in_dim3A_894 : i32 to vector<16x1xi32>
          %gather3A_896 = vector.shape_cast %broadcast_in_dim3A_895 : vector<16x1xi32> to vector<16xi32>
          %gather3A_897 = tpu.dynamic_gather %sub3A_142[%gather3A_896] in [0] : vector<16xi32>, vector<16xi32> -> vector<16xi32>
          %add3A_898 = arith.constant 3 : i32
          %add3A_899 = arith.addi %mul3A_153, %add3A_898 : i32
          %add3A_900 = arith.constant 0 : i32
          %add3A_901 = vector.broadcast %add3A_900 : i32 to vector<16xi32>
          %add3A_902 = arith.addi %iota3A, %add3A_901 : vector<16xi32>
          %add3A_903 = arith.addi %gather3A_893, %add3A_902 : vector<16xi32>
          %shift_right_logical3A_904 = arith.constant 8 : i32
          %shift_right_logical3A_905 = vector.broadcast %shift_right_logical3A_904 : i32 to vector<16xi32>
          %shift_right_logical3A_906 = arith.shrui %add3A_903, %shift_right_logical3A_905 : vector<16xi32>
          %and3A_907 = arith.constant 255 : i32
          %and3A_908 = vector.broadcast %and3A_907 : i32 to vector<16xi32>
          %and3A_909 = arith.andi %add3A_903, %and3A_908 : vector<16xi32>
          %gather3A_910 = tpu.vector_load_idx %arg19[%shift_right_logical3A_906, %and3A_909] : memref<128x256xi32, #tpu.memory_space<vmem>>[vector<16xi32>, vector<16xi32>], vector<16xi32>,
          %swap3A_911 = arith.index_cast %add3A_899 : i32 to index
          %swap3A_912 = arith.constant 64 : index
          %swap3A_913 = tpu.vector_load %arg21[%swap3A_911, %swap3A_912] {strides = array<i32>} : memref<64x128xi32, #tpu.memory_space<vmem>>, vector<16xi32>,
          tpu.vector_store %arg21[%swap3A_911, %swap3A_912], %gather3A_910 {strides = array<i32>} : memref<64x128xi32, #tpu.memory_space<vmem>>, vector<16xi32>,
          %sub3A_914 = arith.subi %gather3A_897, %add3A_902 : vector<16xi32>
          %max3A_915 = arith.constant 0 : i32
          %max3A_916 = vector.broadcast %max3A_915 : i32 to vector<16xi32>
          %max3A_917 = arith.maxsi %sub3A_914, %max3A_916 : vector<16xi32>
          %min3A_918 = arith.constant 1 : i32
          %min3A_919 = vector.broadcast %min3A_918 : i32 to vector<16xi32>
          %min3A_920 = arith.minsi %max3A_917, %min3A_919 : vector<16xi32>
          %swap3A_921 = arith.index_cast %add3A_899 : i32 to index
          %swap3A_922 = arith.constant 64 : index
          %swap3A_923 = tpu.vector_load %arg23[%swap3A_921, %swap3A_922] {strides = array<i32>} : memref<64x128xi32, #tpu.memory_space<vmem>>, vector<16xi32>,
          tpu.vector_store %arg23[%swap3A_921, %swap3A_922], %min3A_920 {strides = array<i32>} : memref<64x128xi32, #tpu.memory_space<vmem>>, vector<16xi32>,
          %add3A_924 = arith.constant 16 : i32
          %add3A_925 = vector.broadcast %add3A_924 : i32 to vector<16xi32>
          %add3A_926 = arith.addi %iota3A, %add3A_925 : vector<16xi32>
          %add3A_927 = arith.addi %gather3A_893, %add3A_926 : vector<16xi32>
          %shift_right_logical3A_928 = arith.constant 8 : i32
          %shift_right_logical3A_929 = vector.broadcast %shift_right_logical3A_928 : i32 to vector<16xi32>
          %shift_right_logical3A_930 = arith.shrui %add3A_927, %shift_right_logical3A_929 : vector<16xi32>
          %and3A_931 = arith.constant 255 : i32
          %and3A_932 = vector.broadcast %and3A_931 : i32 to vector<16xi32>
          %and3A_933 = arith.andi %add3A_927, %and3A_932 : vector<16xi32>
          %gather3A_934 = tpu.vector_load_idx %arg19[%shift_right_logical3A_930, %and3A_933] : memref<128x256xi32, #tpu.memory_space<vmem>>[vector<16xi32>, vector<16xi32>], vector<16xi32>,
          %swap3A_935 = arith.index_cast %add3A_899 : i32 to index
          %swap3A_936 = arith.constant 80 : index
          %swap3A_937 = tpu.vector_load %arg21[%swap3A_935, %swap3A_936] {strides = array<i32>} : memref<64x128xi32, #tpu.memory_space<vmem>>, vector<16xi32>,
          tpu.vector_store %arg21[%swap3A_935, %swap3A_936], %gather3A_934 {strides = array<i32>} : memref<64x128xi32, #tpu.memory_space<vmem>>, vector<16xi32>,
          %sub3A_938 = arith.subi %gather3A_897, %add3A_926 : vector<16xi32>
          %max3A_939 = arith.constant 0 : i32
          %max3A_940 = vector.broadcast %max3A_939 : i32 to vector<16xi32>
          %max3A_941 = arith.maxsi %sub3A_938, %max3A_940 : vector<16xi32>
          %min3A_942 = arith.constant 1 : i32
          %min3A_943 = vector.broadcast %min3A_942 : i32 to vector<16xi32>
          %min3A_944 = arith.minsi %max3A_941, %min3A_943 : vector<16xi32>
          %swap3A_945 = arith.index_cast %add3A_899 : i32 to index
          %swap3A_946 = arith.constant 80 : index
          %swap3A_947 = tpu.vector_load %arg23[%swap3A_945, %swap3A_946] {strides = array<i32>} : memref<64x128xi32, #tpu.memory_space<vmem>>, vector<16xi32>,
          tpu.vector_store %arg23[%swap3A_945, %swap3A_946], %min3A_944 {strides = array<i32>} : memref<64x128xi32, #tpu.memory_space<vmem>>, vector<16xi32>,
          %add3A_948 = arith.constant 32 : i32
          %add3A_949 = vector.broadcast %add3A_948 : i32 to vector<16xi32>
          %add3A_950 = arith.addi %iota3A, %add3A_949 : vector<16xi32>
          %add3A_951 = arith.addi %gather3A_893, %add3A_950 : vector<16xi32>
          %shift_right_logical3A_952 = arith.constant 8 : i32
          %shift_right_logical3A_953 = vector.broadcast %shift_right_logical3A_952 : i32 to vector<16xi32>
          %shift_right_logical3A_954 = arith.shrui %add3A_951, %shift_right_logical3A_953 : vector<16xi32>
          %and3A_955 = arith.constant 255 : i32
          %and3A_956 = vector.broadcast %and3A_955 : i32 to vector<16xi32>
          %and3A_957 = arith.andi %add3A_951, %and3A_956 : vector<16xi32>
          %gather3A_958 = tpu.vector_load_idx %arg19[%shift_right_logical3A_954, %and3A_957] : memref<128x256xi32, #tpu.memory_space<vmem>>[vector<16xi32>, vector<16xi32>], vector<16xi32>,
          %swap3A_959 = arith.index_cast %add3A_899 : i32 to index
          %swap3A_960 = arith.constant 96 : index
          %swap3A_961 = tpu.vector_load %arg21[%swap3A_959, %swap3A_960] {strides = array<i32>} : memref<64x128xi32, #tpu.memory_space<vmem>>, vector<16xi32>,
          tpu.vector_store %arg21[%swap3A_959, %swap3A_960], %gather3A_958 {strides = array<i32>} : memref<64x128xi32, #tpu.memory_space<vmem>>, vector<16xi32>,
          %sub3A_962 = arith.subi %gather3A_897, %add3A_950 : vector<16xi32>
          %max3A_963 = arith.constant 0 : i32
          %max3A_964 = vector.broadcast %max3A_963 : i32 to vector<16xi32>
          %max3A_965 = arith.maxsi %sub3A_962, %max3A_964 : vector<16xi32>
          %min3A_966 = arith.constant 1 : i32
          %min3A_967 = vector.broadcast %min3A_966 : i32 to vector<16xi32>
          %min3A_968 = arith.minsi %max3A_965, %min3A_967 : vector<16xi32>
          %swap3A_969 = arith.index_cast %add3A_899 : i32 to index
          %swap3A_970 = arith.constant 96 : index
          %swap3A_971 = tpu.vector_load %arg23[%swap3A_969, %swap3A_970] {strides = array<i32>} : memref<64x128xi32, #tpu.memory_space<vmem>>, vector<16xi32>,
          tpu.vector_store %arg23[%swap3A_969, %swap3A_970], %min3A_968 {strides = array<i32>} : memref<64x128xi32, #tpu.memory_space<vmem>>, vector<16xi32>,
          %add3A_972 = arith.constant 48 : i32
          %add3A_973 = vector.broadcast %add3A_972 : i32 to vector<16xi32>
          %add3A_974 = arith.addi %iota3A, %add3A_973 : vector<16xi32>
          %add3A_975 = arith.addi %gather3A_893, %add3A_974 : vector<16xi32>
          %shift_right_logical3A_976 = arith.constant 8 : i32
          %shift_right_logical3A_977 = vector.broadcast %shift_right_logical3A_976 : i32 to vector<16xi32>
          %shift_right_logical3A_978 = arith.shrui %add3A_975, %shift_right_logical3A_977 : vector<16xi32>
          %and3A_979 = arith.constant 255 : i32
          %and3A_980 = vector.broadcast %and3A_979 : i32 to vector<16xi32>
          %and3A_981 = arith.andi %add3A_975, %and3A_980 : vector<16xi32>
          %gather3A_982 = tpu.vector_load_idx %arg19[%shift_right_logical3A_978, %and3A_981] : memref<128x256xi32, #tpu.memory_space<vmem>>[vector<16xi32>, vector<16xi32>], vector<16xi32>,
          %swap3A_983 = arith.index_cast %add3A_899 : i32 to index
          %swap3A_984 = arith.constant 112 : index
          %swap3A_985 = tpu.vector_load %arg21[%swap3A_983, %swap3A_984] {strides = array<i32>} : memref<64x128xi32, #tpu.memory_space<vmem>>, vector<16xi32>,
          tpu.vector_store %arg21[%swap3A_983, %swap3A_984], %gather3A_982 {strides = array<i32>} : memref<64x128xi32, #tpu.memory_space<vmem>>, vector<16xi32>,
          %sub3A_986 = arith.subi %gather3A_897, %add3A_974 : vector<16xi32>
          %max3A_987 = arith.constant 0 : i32
          %max3A_988 = vector.broadcast %max3A_987 : i32 to vector<16xi32>
          %max3A_989 = arith.maxsi %sub3A_986, %max3A_988 : vector<16xi32>
          %min3A_990 = arith.constant 1 : i32
          %min3A_991 = vector.broadcast %min3A_990 : i32 to vector<16xi32>
          %min3A_992 = arith.minsi %max3A_989, %min3A_991 : vector<16xi32>
          %swap3A_993 = arith.index_cast %add3A_899 : i32 to index
          %swap3A_994 = arith.constant 112 : index
          %swap3A_995 = tpu.vector_load %arg23[%swap3A_993, %swap3A_994] {strides = array<i32>} : memref<64x128xi32, #tpu.memory_space<vmem>>, vector<16xi32>,
          tpu.vector_store %arg23[%swap3A_993, %swap3A_994], %min3A_992 {strides = array<i32>} : memref<64x128xi32, #tpu.memory_space<vmem>>, vector<16xi32>,
          %broadcast_in_dim3A_996 = arith.constant 8 : i32
          %broadcast_in_dim3A_997 = vector.broadcast %broadcast_in_dim3A_996 : i32 to vector<16x1xi32>
          %gather3A_998 = vector.shape_cast %broadcast_in_dim3A_997 : vector<16x1xi32> to vector<16xi32>
          %gather3A_999 = tpu.dynamic_gather %add3A_151[%gather3A_998] in [0] : vector<16xi32>, vector<16xi32> -> vector<16xi32>
          %broadcast_in_dim3A_1000 = arith.constant 8 : i32
          %broadcast_in_dim3A_1001 = vector.broadcast %broadcast_in_dim3A_1000 : i32 to vector<16x1xi32>
          %gather3A_1002 = vector.shape_cast %broadcast_in_dim3A_1001 : vector<16x1xi32> to vector<16xi32>
          %gather3A_1003 = tpu.dynamic_gather %sub3A_142[%gather3A_1002] in [0] : vector<16xi32>, vector<16xi32> -> vector<16xi32>
          %add3A_1004 = arith.constant 4 : i32
          %add3A_1005 = arith.addi %mul3A_153, %add3A_1004 : i32
          %add3A_1006 = arith.constant 0 : i32
          %add3A_1007 = vector.broadcast %add3A_1006 : i32 to vector<16xi32>
          %add3A_1008 = arith.addi %iota3A, %add3A_1007 : vector<16xi32>
          %add3A_1009 = arith.addi %gather3A_999, %add3A_1008 : vector<16xi32>
          %shift_right_logical3A_1010 = arith.constant 8 : i32
          %shift_right_logical3A_1011 = vector.broadcast %shift_right_logical3A_1010 : i32 to vector<16xi32>
          %shift_right_logical3A_1012 = arith.shrui %add3A_1009, %shift_right_logical3A_1011 : vector<16xi32>
          %and3A_1013 = arith.constant 255 : i32
          %and3A_1014 = vector.broadcast %and3A_1013 : i32 to vector<16xi32>
          %and3A_1015 = arith.andi %add3A_1009, %and3A_1014 : vector<16xi32>
          %gather3A_1016 = tpu.vector_load_idx %arg19[%shift_right_logical3A_1012, %and3A_1015] : memref<128x256xi32, #tpu.memory_space<vmem>>[vector<16xi32>, vector<16xi32>], vector<16xi32>,
          %swap3A_1017 = arith.index_cast %add3A_1005 : i32 to index
          %swap3A_1018 = arith.constant 0 : index
          %swap3A_1019 = tpu.vector_load %arg21[%swap3A_1017, %swap3A_1018] {strides = array<i32>} : memref<64x128xi32, #tpu.memory_space<vmem>>, vector<16xi32>,
          tpu.vector_store %arg21[%swap3A_1017, %swap3A_1018], %gather3A_1016 {strides = array<i32>} : memref<64x128xi32, #tpu.memory_space<vmem>>, vector<16xi32>,
          %sub3A_1020 = arith.subi %gather3A_1003, %add3A_1008 : vector<16xi32>
          %max3A_1021 = arith.constant 0 : i32
          %max3A_1022 = vector.broadcast %max3A_1021 : i32 to vector<16xi32>
          %max3A_1023 = arith.maxsi %sub3A_1020, %max3A_1022 : vector<16xi32>
          %min3A_1024 = arith.constant 1 : i32
          %min3A_1025 = vector.broadcast %min3A_1024 : i32 to vector<16xi32>
          %min3A_1026 = arith.minsi %max3A_1023, %min3A_1025 : vector<16xi32>
          %swap3A_1027 = arith.index_cast %add3A_1005 : i32 to index
          %swap3A_1028 = arith.constant 0 : index
          %swap3A_1029 = tpu.vector_load %arg23[%swap3A_1027, %swap3A_1028] {strides = array<i32>} : memref<64x128xi32, #tpu.memory_space<vmem>>, vector<16xi32>,
          tpu.vector_store %arg23[%swap3A_1027, %swap3A_1028], %min3A_1026 {strides = array<i32>} : memref<64x128xi32, #tpu.memory_space<vmem>>, vector<16xi32>,
          %add3A_1030 = arith.constant 16 : i32
          %add3A_1031 = vector.broadcast %add3A_1030 : i32 to vector<16xi32>
          %add3A_1032 = arith.addi %iota3A, %add3A_1031 : vector<16xi32>
          %add3A_1033 = arith.addi %gather3A_999, %add3A_1032 : vector<16xi32>
          %shift_right_logical3A_1034 = arith.constant 8 : i32
          %shift_right_logical3A_1035 = vector.broadcast %shift_right_logical3A_1034 : i32 to vector<16xi32>
          %shift_right_logical3A_1036 = arith.shrui %add3A_1033, %shift_right_logical3A_1035 : vector<16xi32>
          %and3A_1037 = arith.constant 255 : i32
          %and3A_1038 = vector.broadcast %and3A_1037 : i32 to vector<16xi32>
          %and3A_1039 = arith.andi %add3A_1033, %and3A_1038 : vector<16xi32>
          %gather3A_1040 = tpu.vector_load_idx %arg19[%shift_right_logical3A_1036, %and3A_1039] : memref<128x256xi32, #tpu.memory_space<vmem>>[vector<16xi32>, vector<16xi32>], vector<16xi32>,
          %swap3A_1041 = arith.index_cast %add3A_1005 : i32 to index
          %swap3A_1042 = arith.constant 16 : index
          %swap3A_1043 = tpu.vector_load %arg21[%swap3A_1041, %swap3A_1042] {strides = array<i32>} : memref<64x128xi32, #tpu.memory_space<vmem>>, vector<16xi32>,
          tpu.vector_store %arg21[%swap3A_1041, %swap3A_1042], %gather3A_1040 {strides = array<i32>} : memref<64x128xi32, #tpu.memory_space<vmem>>, vector<16xi32>,
          %sub3A_1044 = arith.subi %gather3A_1003, %add3A_1032 : vector<16xi32>
          %max3A_1045 = arith.constant 0 : i32
          %max3A_1046 = vector.broadcast %max3A_1045 : i32 to vector<16xi32>
          %max3A_1047 = arith.maxsi %sub3A_1044, %max3A_1046 : vector<16xi32>
          %min3A_1048 = arith.constant 1 : i32
          %min3A_1049 = vector.broadcast %min3A_1048 : i32 to vector<16xi32>
          %min3A_1050 = arith.minsi %max3A_1047, %min3A_1049 : vector<16xi32>
          %swap3A_1051 = arith.index_cast %add3A_1005 : i32 to index
          %swap3A_1052 = arith.constant 16 : index
          %swap3A_1053 = tpu.vector_load %arg23[%swap3A_1051, %swap3A_1052] {strides = array<i32>} : memref<64x128xi32, #tpu.memory_space<vmem>>, vector<16xi32>,
          tpu.vector_store %arg23[%swap3A_1051, %swap3A_1052], %min3A_1050 {strides = array<i32>} : memref<64x128xi32, #tpu.memory_space<vmem>>, vector<16xi32>,
          %add3A_1054 = arith.constant 32 : i32
          %add3A_1055 = vector.broadcast %add3A_1054 : i32 to vector<16xi32>
          %add3A_1056 = arith.addi %iota3A, %add3A_1055 : vector<16xi32>
          %add3A_1057 = arith.addi %gather3A_999, %add3A_1056 : vector<16xi32>
          %shift_right_logical3A_1058 = arith.constant 8 : i32
          %shift_right_logical3A_1059 = vector.broadcast %shift_right_logical3A_1058 : i32 to vector<16xi32>
          %shift_right_logical3A_1060 = arith.shrui %add3A_1057, %shift_right_logical3A_1059 : vector<16xi32>
          %and3A_1061 = arith.constant 255 : i32
          %and3A_1062 = vector.broadcast %and3A_1061 : i32 to vector<16xi32>
          %and3A_1063 = arith.andi %add3A_1057, %and3A_1062 : vector<16xi32>
          %gather3A_1064 = tpu.vector_load_idx %arg19[%shift_right_logical3A_1060, %and3A_1063] : memref<128x256xi32, #tpu.memory_space<vmem>>[vector<16xi32>, vector<16xi32>], vector<16xi32>,
          %swap3A_1065 = arith.index_cast %add3A_1005 : i32 to index
          %swap3A_1066 = arith.constant 32 : index
          %swap3A_1067 = tpu.vector_load %arg21[%swap3A_1065, %swap3A_1066] {strides = array<i32>} : memref<64x128xi32, #tpu.memory_space<vmem>>, vector<16xi32>,
          tpu.vector_store %arg21[%swap3A_1065, %swap3A_1066], %gather3A_1064 {strides = array<i32>} : memref<64x128xi32, #tpu.memory_space<vmem>>, vector<16xi32>,
          %sub3A_1068 = arith.subi %gather3A_1003, %add3A_1056 : vector<16xi32>
          %max3A_1069 = arith.constant 0 : i32
          %max3A_1070 = vector.broadcast %max3A_1069 : i32 to vector<16xi32>
          %max3A_1071 = arith.maxsi %sub3A_1068, %max3A_1070 : vector<16xi32>
          %min3A_1072 = arith.constant 1 : i32
          %min3A_1073 = vector.broadcast %min3A_1072 : i32 to vector<16xi32>
          %min3A_1074 = arith.minsi %max3A_1071, %min3A_1073 : vector<16xi32>
          %swap3A_1075 = arith.index_cast %add3A_1005 : i32 to index
          %swap3A_1076 = arith.constant 32 : index
          %swap3A_1077 = tpu.vector_load %arg23[%swap3A_1075, %swap3A_1076] {strides = array<i32>} : memref<64x128xi32, #tpu.memory_space<vmem>>, vector<16xi32>,
          tpu.vector_store %arg23[%swap3A_1075, %swap3A_1076], %min3A_1074 {strides = array<i32>} : memref<64x128xi32, #tpu.memory_space<vmem>>, vector<16xi32>,
          %add3A_1078 = arith.constant 48 : i32
          %add3A_1079 = vector.broadcast %add3A_1078 : i32 to vector<16xi32>
          %add3A_1080 = arith.addi %iota3A, %add3A_1079 : vector<16xi32>
          %add3A_1081 = arith.addi %gather3A_999, %add3A_1080 : vector<16xi32>
          %shift_right_logical3A_1082 = arith.constant 8 : i32
          %shift_right_logical3A_1083 = vector.broadcast %shift_right_logical3A_1082 : i32 to vector<16xi32>
          %shift_right_logical3A_1084 = arith.shrui %add3A_1081, %shift_right_logical3A_1083 : vector<16xi32>
          %and3A_1085 = arith.constant 255 : i32
          %and3A_1086 = vector.broadcast %and3A_1085 : i32 to vector<16xi32>
          %and3A_1087 = arith.andi %add3A_1081, %and3A_1086 : vector<16xi32>
          %gather3A_1088 = tpu.vector_load_idx %arg19[%shift_right_logical3A_1084, %and3A_1087] : memref<128x256xi32, #tpu.memory_space<vmem>>[vector<16xi32>, vector<16xi32>], vector<16xi32>,
          %swap3A_1089 = arith.index_cast %add3A_1005 : i32 to index
          %swap3A_1090 = arith.constant 48 : index
          %swap3A_1091 = tpu.vector_load %arg21[%swap3A_1089, %swap3A_1090] {strides = array<i32>} : memref<64x128xi32, #tpu.memory_space<vmem>>, vector<16xi32>,
          tpu.vector_store %arg21[%swap3A_1089, %swap3A_1090], %gather3A_1088 {strides = array<i32>} : memref<64x128xi32, #tpu.memory_space<vmem>>, vector<16xi32>,
          %sub3A_1092 = arith.subi %gather3A_1003, %add3A_1080 : vector<16xi32>
          %max3A_1093 = arith.constant 0 : i32
          %max3A_1094 = vector.broadcast %max3A_1093 : i32 to vector<16xi32>
          %max3A_1095 = arith.maxsi %sub3A_1092, %max3A_1094 : vector<16xi32>
          %min3A_1096 = arith.constant 1 : i32
          %min3A_1097 = vector.broadcast %min3A_1096 : i32 to vector<16xi32>
          %min3A_1098 = arith.minsi %max3A_1095, %min3A_1097 : vector<16xi32>
          %swap3A_1099 = arith.index_cast %add3A_1005 : i32 to index
          %swap3A_1100 = arith.constant 48 : index
          %swap3A_1101 = tpu.vector_load %arg23[%swap3A_1099, %swap3A_1100] {strides = array<i32>} : memref<64x128xi32, #tpu.memory_space<vmem>>, vector<16xi32>,
          tpu.vector_store %arg23[%swap3A_1099, %swap3A_1100], %min3A_1098 {strides = array<i32>} : memref<64x128xi32, #tpu.memory_space<vmem>>, vector<16xi32>,
          %broadcast_in_dim3A_1102 = arith.constant 9 : i32
          %broadcast_in_dim3A_1103 = vector.broadcast %broadcast_in_dim3A_1102 : i32 to vector<16x1xi32>
          %gather3A_1104 = vector.shape_cast %broadcast_in_dim3A_1103 : vector<16x1xi32> to vector<16xi32>
          %gather3A_1105 = tpu.dynamic_gather %add3A_151[%gather3A_1104] in [0] : vector<16xi32>, vector<16xi32> -> vector<16xi32>
          %broadcast_in_dim3A_1106 = arith.constant 9 : i32
          %broadcast_in_dim3A_1107 = vector.broadcast %broadcast_in_dim3A_1106 : i32 to vector<16x1xi32>
          %gather3A_1108 = vector.shape_cast %broadcast_in_dim3A_1107 : vector<16x1xi32> to vector<16xi32>
          %gather3A_1109 = tpu.dynamic_gather %sub3A_142[%gather3A_1108] in [0] : vector<16xi32>, vector<16xi32> -> vector<16xi32>
          %add3A_1110 = arith.constant 4 : i32
          %add3A_1111 = arith.addi %mul3A_153, %add3A_1110 : i32
          %add3A_1112 = arith.constant 0 : i32
          %add3A_1113 = vector.broadcast %add3A_1112 : i32 to vector<16xi32>
          %add3A_1114 = arith.addi %iota3A, %add3A_1113 : vector<16xi32>
          %add3A_1115 = arith.addi %gather3A_1105, %add3A_1114 : vector<16xi32>
          %shift_right_logical3A_1116 = arith.constant 8 : i32
          %shift_right_logical3A_1117 = vector.broadcast %shift_right_logical3A_1116 : i32 to vector<16xi32>
          %shift_right_logical3A_1118 = arith.shrui %add3A_1115, %shift_right_logical3A_1117 : vector<16xi32>
          %and3A_1119 = arith.constant 255 : i32
          %and3A_1120 = vector.broadcast %and3A_1119 : i32 to vector<16xi32>
          %and3A_1121 = arith.andi %add3A_1115, %and3A_1120 : vector<16xi32>
          %gather3A_1122 = tpu.vector_load_idx %arg19[%shift_right_logical3A_1118, %and3A_1121] : memref<128x256xi32, #tpu.memory_space<vmem>>[vector<16xi32>, vector<16xi32>], vector<16xi32>,
          %swap3A_1123 = arith.index_cast %add3A_1111 : i32 to index
          %swap3A_1124 = arith.constant 64 : index
          %swap3A_1125 = tpu.vector_load %arg21[%swap3A_1123, %swap3A_1124] {strides = array<i32>} : memref<64x128xi32, #tpu.memory_space<vmem>>, vector<16xi32>,
          tpu.vector_store %arg21[%swap3A_1123, %swap3A_1124], %gather3A_1122 {strides = array<i32>} : memref<64x128xi32, #tpu.memory_space<vmem>>, vector<16xi32>,
          %sub3A_1126 = arith.subi %gather3A_1109, %add3A_1114 : vector<16xi32>
          %max3A_1127 = arith.constant 0 : i32
          %max3A_1128 = vector.broadcast %max3A_1127 : i32 to vector<16xi32>
          %max3A_1129 = arith.maxsi %sub3A_1126, %max3A_1128 : vector<16xi32>
          %min3A_1130 = arith.constant 1 : i32
          %min3A_1131 = vector.broadcast %min3A_1130 : i32 to vector<16xi32>
          %min3A_1132 = arith.minsi %max3A_1129, %min3A_1131 : vector<16xi32>
          %swap3A_1133 = arith.index_cast %add3A_1111 : i32 to index
          %swap3A_1134 = arith.constant 64 : index
          %swap3A_1135 = tpu.vector_load %arg23[%swap3A_1133, %swap3A_1134] {strides = array<i32>} : memref<64x128xi32, #tpu.memory_space<vmem>>, vector<16xi32>,
          tpu.vector_store %arg23[%swap3A_1133, %swap3A_1134], %min3A_1132 {strides = array<i32>} : memref<64x128xi32, #tpu.memory_space<vmem>>, vector<16xi32>,
          %add3A_1136 = arith.constant 16 : i32
          %add3A_1137 = vector.broadcast %add3A_1136 : i32 to vector<16xi32>
          %add3A_1138 = arith.addi %iota3A, %add3A_1137 : vector<16xi32>
          %add3A_1139 = arith.addi %gather3A_1105, %add3A_1138 : vector<16xi32>
          %shift_right_logical3A_1140 = arith.constant 8 : i32
          %shift_right_logical3A_1141 = vector.broadcast %shift_right_logical3A_1140 : i32 to vector<16xi32>
          %shift_right_logical3A_1142 = arith.shrui %add3A_1139, %shift_right_logical3A_1141 : vector<16xi32>
          %and3A_1143 = arith.constant 255 : i32
          %and3A_1144 = vector.broadcast %and3A_1143 : i32 to vector<16xi32>
          %and3A_1145 = arith.andi %add3A_1139, %and3A_1144 : vector<16xi32>
          %gather3A_1146 = tpu.vector_load_idx %arg19[%shift_right_logical3A_1142, %and3A_1145] : memref<128x256xi32, #tpu.memory_space<vmem>>[vector<16xi32>, vector<16xi32>], vector<16xi32>,
          %swap3A_1147 = arith.index_cast %add3A_1111 : i32 to index
          %swap3A_1148 = arith.constant 80 : index
          %swap3A_1149 = tpu.vector_load %arg21[%swap3A_1147, %swap3A_1148] {strides = array<i32>} : memref<64x128xi32, #tpu.memory_space<vmem>>, vector<16xi32>,
          tpu.vector_store %arg21[%swap3A_1147, %swap3A_1148], %gather3A_1146 {strides = array<i32>} : memref<64x128xi32, #tpu.memory_space<vmem>>, vector<16xi32>,
          %sub3A_1150 = arith.subi %gather3A_1109, %add3A_1138 : vector<16xi32>
          %max3A_1151 = arith.constant 0 : i32
          %max3A_1152 = vector.broadcast %max3A_1151 : i32 to vector<16xi32>
          %max3A_1153 = arith.maxsi %sub3A_1150, %max3A_1152 : vector<16xi32>
          %min3A_1154 = arith.constant 1 : i32
          %min3A_1155 = vector.broadcast %min3A_1154 : i32 to vector<16xi32>
          %min3A_1156 = arith.minsi %max3A_1153, %min3A_1155 : vector<16xi32>
          %swap3A_1157 = arith.index_cast %add3A_1111 : i32 to index
          %swap3A_1158 = arith.constant 80 : index
          %swap3A_1159 = tpu.vector_load %arg23[%swap3A_1157, %swap3A_1158] {strides = array<i32>} : memref<64x128xi32, #tpu.memory_space<vmem>>, vector<16xi32>,
          tpu.vector_store %arg23[%swap3A_1157, %swap3A_1158], %min3A_1156 {strides = array<i32>} : memref<64x128xi32, #tpu.memory_space<vmem>>, vector<16xi32>,
          %add3A_1160 = arith.constant 32 : i32
          %add3A_1161 = vector.broadcast %add3A_1160 : i32 to vector<16xi32>
          %add3A_1162 = arith.addi %iota3A, %add3A_1161 : vector<16xi32>
          %add3A_1163 = arith.addi %gather3A_1105, %add3A_1162 : vector<16xi32>
          %shift_right_logical3A_1164 = arith.constant 8 : i32
          %shift_right_logical3A_1165 = vector.broadcast %shift_right_logical3A_1164 : i32 to vector<16xi32>
          %shift_right_logical3A_1166 = arith.shrui %add3A_1163, %shift_right_logical3A_1165 : vector<16xi32>
          %and3A_1167 = arith.constant 255 : i32
          %and3A_1168 = vector.broadcast %and3A_1167 : i32 to vector<16xi32>
          %and3A_1169 = arith.andi %add3A_1163, %and3A_1168 : vector<16xi32>
          %gather3A_1170 = tpu.vector_load_idx %arg19[%shift_right_logical3A_1166, %and3A_1169] : memref<128x256xi32, #tpu.memory_space<vmem>>[vector<16xi32>, vector<16xi32>], vector<16xi32>,
          %swap3A_1171 = arith.index_cast %add3A_1111 : i32 to index
          %swap3A_1172 = arith.constant 96 : index
          %swap3A_1173 = tpu.vector_load %arg21[%swap3A_1171, %swap3A_1172] {strides = array<i32>} : memref<64x128xi32, #tpu.memory_space<vmem>>, vector<16xi32>,
          tpu.vector_store %arg21[%swap3A_1171, %swap3A_1172], %gather3A_1170 {strides = array<i32>} : memref<64x128xi32, #tpu.memory_space<vmem>>, vector<16xi32>,
          %sub3A_1174 = arith.subi %gather3A_1109, %add3A_1162 : vector<16xi32>
          %max3A_1175 = arith.constant 0 : i32
          %max3A_1176 = vector.broadcast %max3A_1175 : i32 to vector<16xi32>
          %max3A_1177 = arith.maxsi %sub3A_1174, %max3A_1176 : vector<16xi32>
          %min3A_1178 = arith.constant 1 : i32
          %min3A_1179 = vector.broadcast %min3A_1178 : i32 to vector<16xi32>
          %min3A_1180 = arith.minsi %max3A_1177, %min3A_1179 : vector<16xi32>
          %swap3A_1181 = arith.index_cast %add3A_1111 : i32 to index
          %swap3A_1182 = arith.constant 96 : index
          %swap3A_1183 = tpu.vector_load %arg23[%swap3A_1181, %swap3A_1182] {strides = array<i32>} : memref<64x128xi32, #tpu.memory_space<vmem>>, vector<16xi32>,
          tpu.vector_store %arg23[%swap3A_1181, %swap3A_1182], %min3A_1180 {strides = array<i32>} : memref<64x128xi32, #tpu.memory_space<vmem>>, vector<16xi32>,
          %add3A_1184 = arith.constant 48 : i32
          %add3A_1185 = vector.broadcast %add3A_1184 : i32 to vector<16xi32>
          %add3A_1186 = arith.addi %iota3A, %add3A_1185 : vector<16xi32>
          %add3A_1187 = arith.addi %gather3A_1105, %add3A_1186 : vector<16xi32>
          %shift_right_logical3A_1188 = arith.constant 8 : i32
          %shift_right_logical3A_1189 = vector.broadcast %shift_right_logical3A_1188 : i32 to vector<16xi32>
          %shift_right_logical3A_1190 = arith.shrui %add3A_1187, %shift_right_logical3A_1189 : vector<16xi32>
          %and3A_1191 = arith.constant 255 : i32
          %and3A_1192 = vector.broadcast %and3A_1191 : i32 to vector<16xi32>
          %and3A_1193 = arith.andi %add3A_1187, %and3A_1192 : vector<16xi32>
          %gather3A_1194 = tpu.vector_load_idx %arg19[%shift_right_logical3A_1190, %and3A_1193] : memref<128x256xi32, #tpu.memory_space<vmem>>[vector<16xi32>, vector<16xi32>], vector<16xi32>,
          %swap3A_1195 = arith.index_cast %add3A_1111 : i32 to index
          %swap3A_1196 = arith.constant 112 : index
          %swap3A_1197 = tpu.vector_load %arg21[%swap3A_1195, %swap3A_1196] {strides = array<i32>} : memref<64x128xi32, #tpu.memory_space<vmem>>, vector<16xi32>,
          tpu.vector_store %arg21[%swap3A_1195, %swap3A_1196], %gather3A_1194 {strides = array<i32>} : memref<64x128xi32, #tpu.memory_space<vmem>>, vector<16xi32>,
          %sub3A_1198 = arith.subi %gather3A_1109, %add3A_1186 : vector<16xi32>
          %max3A_1199 = arith.constant 0 : i32
          %max3A_1200 = vector.broadcast %max3A_1199 : i32 to vector<16xi32>
          %max3A_1201 = arith.maxsi %sub3A_1198, %max3A_1200 : vector<16xi32>
          %min3A_1202 = arith.constant 1 : i32
          %min3A_1203 = vector.broadcast %min3A_1202 : i32 to vector<16xi32>
          %min3A_1204 = arith.minsi %max3A_1201, %min3A_1203 : vector<16xi32>
          %swap3A_1205 = arith.index_cast %add3A_1111 : i32 to index
          %swap3A_1206 = arith.constant 112 : index
          %swap3A_1207 = tpu.vector_load %arg23[%swap3A_1205, %swap3A_1206] {strides = array<i32>} : memref<64x128xi32, #tpu.memory_space<vmem>>, vector<16xi32>,
          tpu.vector_store %arg23[%swap3A_1205, %swap3A_1206], %min3A_1204 {strides = array<i32>} : memref<64x128xi32, #tpu.memory_space<vmem>>, vector<16xi32>,
          %broadcast_in_dim3A_1208 = arith.constant 10 : i32
          %broadcast_in_dim3A_1209 = vector.broadcast %broadcast_in_dim3A_1208 : i32 to vector<16x1xi32>
          %gather3A_1210 = vector.shape_cast %broadcast_in_dim3A_1209 : vector<16x1xi32> to vector<16xi32>
          %gather3A_1211 = tpu.dynamic_gather %add3A_151[%gather3A_1210] in [0] : vector<16xi32>, vector<16xi32> -> vector<16xi32>
          %broadcast_in_dim3A_1212 = arith.constant 10 : i32
          %broadcast_in_dim3A_1213 = vector.broadcast %broadcast_in_dim3A_1212 : i32 to vector<16x1xi32>
          %gather3A_1214 = vector.shape_cast %broadcast_in_dim3A_1213 : vector<16x1xi32> to vector<16xi32>
          %gather3A_1215 = tpu.dynamic_gather %sub3A_142[%gather3A_1214] in [0] : vector<16xi32>, vector<16xi32> -> vector<16xi32>
          %add3A_1216 = arith.constant 5 : i32
          %add3A_1217 = arith.addi %mul3A_153, %add3A_1216 : i32
          %add3A_1218 = arith.constant 0 : i32
          %add3A_1219 = vector.broadcast %add3A_1218 : i32 to vector<16xi32>
          %add3A_1220 = arith.addi %iota3A, %add3A_1219 : vector<16xi32>
          %add3A_1221 = arith.addi %gather3A_1211, %add3A_1220 : vector<16xi32>
          %shift_right_logical3A_1222 = arith.constant 8 : i32
          %shift_right_logical3A_1223 = vector.broadcast %shift_right_logical3A_1222 : i32 to vector<16xi32>
          %shift_right_logical3A_1224 = arith.shrui %add3A_1221, %shift_right_logical3A_1223 : vector<16xi32>
          %and3A_1225 = arith.constant 255 : i32
          %and3A_1226 = vector.broadcast %and3A_1225 : i32 to vector<16xi32>
          %and3A_1227 = arith.andi %add3A_1221, %and3A_1226 : vector<16xi32>
          %gather3A_1228 = tpu.vector_load_idx %arg19[%shift_right_logical3A_1224, %and3A_1227] : memref<128x256xi32, #tpu.memory_space<vmem>>[vector<16xi32>, vector<16xi32>], vector<16xi32>,
          %swap3A_1229 = arith.index_cast %add3A_1217 : i32 to index
          %swap3A_1230 = arith.constant 0 : index
          %swap3A_1231 = tpu.vector_load %arg21[%swap3A_1229, %swap3A_1230] {strides = array<i32>} : memref<64x128xi32, #tpu.memory_space<vmem>>, vector<16xi32>,
          tpu.vector_store %arg21[%swap3A_1229, %swap3A_1230], %gather3A_1228 {strides = array<i32>} : memref<64x128xi32, #tpu.memory_space<vmem>>, vector<16xi32>,
          %sub3A_1232 = arith.subi %gather3A_1215, %add3A_1220 : vector<16xi32>
          %max3A_1233 = arith.constant 0 : i32
          %max3A_1234 = vector.broadcast %max3A_1233 : i32 to vector<16xi32>
          %max3A_1235 = arith.maxsi %sub3A_1232, %max3A_1234 : vector<16xi32>
          %min3A_1236 = arith.constant 1 : i32
          %min3A_1237 = vector.broadcast %min3A_1236 : i32 to vector<16xi32>
          %min3A_1238 = arith.minsi %max3A_1235, %min3A_1237 : vector<16xi32>
          %swap3A_1239 = arith.index_cast %add3A_1217 : i32 to index
          %swap3A_1240 = arith.constant 0 : index
          %swap3A_1241 = tpu.vector_load %arg23[%swap3A_1239, %swap3A_1240] {strides = array<i32>} : memref<64x128xi32, #tpu.memory_space<vmem>>, vector<16xi32>,
          tpu.vector_store %arg23[%swap3A_1239, %swap3A_1240], %min3A_1238 {strides = array<i32>} : memref<64x128xi32, #tpu.memory_space<vmem>>, vector<16xi32>,
          %add3A_1242 = arith.constant 16 : i32
          %add3A_1243 = vector.broadcast %add3A_1242 : i32 to vector<16xi32>
          %add3A_1244 = arith.addi %iota3A, %add3A_1243 : vector<16xi32>
          %add3A_1245 = arith.addi %gather3A_1211, %add3A_1244 : vector<16xi32>
          %shift_right_logical3A_1246 = arith.constant 8 : i32
          %shift_right_logical3A_1247 = vector.broadcast %shift_right_logical3A_1246 : i32 to vector<16xi32>
          %shift_right_logical3A_1248 = arith.shrui %add3A_1245, %shift_right_logical3A_1247 : vector<16xi32>
          %and3A_1249 = arith.constant 255 : i32
          %and3A_1250 = vector.broadcast %and3A_1249 : i32 to vector<16xi32>
          %and3A_1251 = arith.andi %add3A_1245, %and3A_1250 : vector<16xi32>
          %gather3A_1252 = tpu.vector_load_idx %arg19[%shift_right_logical3A_1248, %and3A_1251] : memref<128x256xi32, #tpu.memory_space<vmem>>[vector<16xi32>, vector<16xi32>], vector<16xi32>,
          %swap3A_1253 = arith.index_cast %add3A_1217 : i32 to index
          %swap3A_1254 = arith.constant 16 : index
          %swap3A_1255 = tpu.vector_load %arg21[%swap3A_1253, %swap3A_1254] {strides = array<i32>} : memref<64x128xi32, #tpu.memory_space<vmem>>, vector<16xi32>,
          tpu.vector_store %arg21[%swap3A_1253, %swap3A_1254], %gather3A_1252 {strides = array<i32>} : memref<64x128xi32, #tpu.memory_space<vmem>>, vector<16xi32>,
          %sub3A_1256 = arith.subi %gather3A_1215, %add3A_1244 : vector<16xi32>
          %max3A_1257 = arith.constant 0 : i32
          %max3A_1258 = vector.broadcast %max3A_1257 : i32 to vector<16xi32>
          %max3A_1259 = arith.maxsi %sub3A_1256, %max3A_1258 : vector<16xi32>
          %min3A_1260 = arith.constant 1 : i32
          %min3A_1261 = vector.broadcast %min3A_1260 : i32 to vector<16xi32>
          %min3A_1262 = arith.minsi %max3A_1259, %min3A_1261 : vector<16xi32>
          %swap3A_1263 = arith.index_cast %add3A_1217 : i32 to index
          %swap3A_1264 = arith.constant 16 : index
          %swap3A_1265 = tpu.vector_load %arg23[%swap3A_1263, %swap3A_1264] {strides = array<i32>} : memref<64x128xi32, #tpu.memory_space<vmem>>, vector<16xi32>,
          tpu.vector_store %arg23[%swap3A_1263, %swap3A_1264], %min3A_1262 {strides = array<i32>} : memref<64x128xi32, #tpu.memory_space<vmem>>, vector<16xi32>,
          %add3A_1266 = arith.constant 32 : i32
          %add3A_1267 = vector.broadcast %add3A_1266 : i32 to vector<16xi32>
          %add3A_1268 = arith.addi %iota3A, %add3A_1267 : vector<16xi32>
          %add3A_1269 = arith.addi %gather3A_1211, %add3A_1268 : vector<16xi32>
          %shift_right_logical3A_1270 = arith.constant 8 : i32
          %shift_right_logical3A_1271 = vector.broadcast %shift_right_logical3A_1270 : i32 to vector<16xi32>
          %shift_right_logical3A_1272 = arith.shrui %add3A_1269, %shift_right_logical3A_1271 : vector<16xi32>
          %and3A_1273 = arith.constant 255 : i32
          %and3A_1274 = vector.broadcast %and3A_1273 : i32 to vector<16xi32>
          %and3A_1275 = arith.andi %add3A_1269, %and3A_1274 : vector<16xi32>
          %gather3A_1276 = tpu.vector_load_idx %arg19[%shift_right_logical3A_1272, %and3A_1275] : memref<128x256xi32, #tpu.memory_space<vmem>>[vector<16xi32>, vector<16xi32>], vector<16xi32>,
          %swap3A_1277 = arith.index_cast %add3A_1217 : i32 to index
          %swap3A_1278 = arith.constant 32 : index
          %swap3A_1279 = tpu.vector_load %arg21[%swap3A_1277, %swap3A_1278] {strides = array<i32>} : memref<64x128xi32, #tpu.memory_space<vmem>>, vector<16xi32>,
          tpu.vector_store %arg21[%swap3A_1277, %swap3A_1278], %gather3A_1276 {strides = array<i32>} : memref<64x128xi32, #tpu.memory_space<vmem>>, vector<16xi32>,
          %sub3A_1280 = arith.subi %gather3A_1215, %add3A_1268 : vector<16xi32>
          %max3A_1281 = arith.constant 0 : i32
          %max3A_1282 = vector.broadcast %max3A_1281 : i32 to vector<16xi32>
          %max3A_1283 = arith.maxsi %sub3A_1280, %max3A_1282 : vector<16xi32>
          %min3A_1284 = arith.constant 1 : i32
          %min3A_1285 = vector.broadcast %min3A_1284 : i32 to vector<16xi32>
          %min3A_1286 = arith.minsi %max3A_1283, %min3A_1285 : vector<16xi32>
          %swap3A_1287 = arith.index_cast %add3A_1217 : i32 to index
          %swap3A_1288 = arith.constant 32 : index
          %swap3A_1289 = tpu.vector_load %arg23[%swap3A_1287, %swap3A_1288] {strides = array<i32>} : memref<64x128xi32, #tpu.memory_space<vmem>>, vector<16xi32>,
          tpu.vector_store %arg23[%swap3A_1287, %swap3A_1288], %min3A_1286 {strides = array<i32>} : memref<64x128xi32, #tpu.memory_space<vmem>>, vector<16xi32>,
          %add3A_1290 = arith.constant 48 : i32
          %add3A_1291 = vector.broadcast %add3A_1290 : i32 to vector<16xi32>
          %add3A_1292 = arith.addi %iota3A, %add3A_1291 : vector<16xi32>
          %add3A_1293 = arith.addi %gather3A_1211, %add3A_1292 : vector<16xi32>
          %shift_right_logical3A_1294 = arith.constant 8 : i32
          %shift_right_logical3A_1295 = vector.broadcast %shift_right_logical3A_1294 : i32 to vector<16xi32>
          %shift_right_logical3A_1296 = arith.shrui %add3A_1293, %shift_right_logical3A_1295 : vector<16xi32>
          %and3A_1297 = arith.constant 255 : i32
          %and3A_1298 = vector.broadcast %and3A_1297 : i32 to vector<16xi32>
          %and3A_1299 = arith.andi %add3A_1293, %and3A_1298 : vector<16xi32>
          %gather3A_1300 = tpu.vector_load_idx %arg19[%shift_right_logical3A_1296, %and3A_1299] : memref<128x256xi32, #tpu.memory_space<vmem>>[vector<16xi32>, vector<16xi32>], vector<16xi32>,
          %swap3A_1301 = arith.index_cast %add3A_1217 : i32 to index
          %swap3A_1302 = arith.constant 48 : index
          %swap3A_1303 = tpu.vector_load %arg21[%swap3A_1301, %swap3A_1302] {strides = array<i32>} : memref<64x128xi32, #tpu.memory_space<vmem>>, vector<16xi32>,
          tpu.vector_store %arg21[%swap3A_1301, %swap3A_1302], %gather3A_1300 {strides = array<i32>} : memref<64x128xi32, #tpu.memory_space<vmem>>, vector<16xi32>,
          %sub3A_1304 = arith.subi %gather3A_1215, %add3A_1292 : vector<16xi32>
          %max3A_1305 = arith.constant 0 : i32
          %max3A_1306 = vector.broadcast %max3A_1305 : i32 to vector<16xi32>
          %max3A_1307 = arith.maxsi %sub3A_1304, %max3A_1306 : vector<16xi32>
          %min3A_1308 = arith.constant 1 : i32
          %min3A_1309 = vector.broadcast %min3A_1308 : i32 to vector<16xi32>
          %min3A_1310 = arith.minsi %max3A_1307, %min3A_1309 : vector<16xi32>
          %swap3A_1311 = arith.index_cast %add3A_1217 : i32 to index
          %swap3A_1312 = arith.constant 48 : index
          %swap3A_1313 = tpu.vector_load %arg23[%swap3A_1311, %swap3A_1312] {strides = array<i32>} : memref<64x128xi32, #tpu.memory_space<vmem>>, vector<16xi32>,
          tpu.vector_store %arg23[%swap3A_1311, %swap3A_1312], %min3A_1310 {strides = array<i32>} : memref<64x128xi32, #tpu.memory_space<vmem>>, vector<16xi32>,
          %broadcast_in_dim3A_1314 = arith.constant 11 : i32
          %broadcast_in_dim3A_1315 = vector.broadcast %broadcast_in_dim3A_1314 : i32 to vector<16x1xi32>
          %gather3A_1316 = vector.shape_cast %broadcast_in_dim3A_1315 : vector<16x1xi32> to vector<16xi32>
          %gather3A_1317 = tpu.dynamic_gather %add3A_151[%gather3A_1316] in [0] : vector<16xi32>, vector<16xi32> -> vector<16xi32>
          %broadcast_in_dim3A_1318 = arith.constant 11 : i32
          %broadcast_in_dim3A_1319 = vector.broadcast %broadcast_in_dim3A_1318 : i32 to vector<16x1xi32>
          %gather3A_1320 = vector.shape_cast %broadcast_in_dim3A_1319 : vector<16x1xi32> to vector<16xi32>
          %gather3A_1321 = tpu.dynamic_gather %sub3A_142[%gather3A_1320] in [0] : vector<16xi32>, vector<16xi32> -> vector<16xi32>
          %add3A_1322 = arith.constant 5 : i32
          %add3A_1323 = arith.addi %mul3A_153, %add3A_1322 : i32
          %add3A_1324 = arith.constant 0 : i32
          %add3A_1325 = vector.broadcast %add3A_1324 : i32 to vector<16xi32>
          %add3A_1326 = arith.addi %iota3A, %add3A_1325 : vector<16xi32>
          %add3A_1327 = arith.addi %gather3A_1317, %add3A_1326 : vector<16xi32>
          %shift_right_logical3A_1328 = arith.constant 8 : i32
          %shift_right_logical3A_1329 = vector.broadcast %shift_right_logical3A_1328 : i32 to vector<16xi32>
          %shift_right_logical3A_1330 = arith.shrui %add3A_1327, %shift_right_logical3A_1329 : vector<16xi32>
          %and3A_1331 = arith.constant 255 : i32
          %and3A_1332 = vector.broadcast %and3A_1331 : i32 to vector<16xi32>
          %and3A_1333 = arith.andi %add3A_1327, %and3A_1332 : vector<16xi32>
          %gather3A_1334 = tpu.vector_load_idx %arg19[%shift_right_logical3A_1330, %and3A_1333] : memref<128x256xi32, #tpu.memory_space<vmem>>[vector<16xi32>, vector<16xi32>], vector<16xi32>,
          %swap3A_1335 = arith.index_cast %add3A_1323 : i32 to index
          %swap3A_1336 = arith.constant 64 : index
          %swap3A_1337 = tpu.vector_load %arg21[%swap3A_1335, %swap3A_1336] {strides = array<i32>} : memref<64x128xi32, #tpu.memory_space<vmem>>, vector<16xi32>,
          tpu.vector_store %arg21[%swap3A_1335, %swap3A_1336], %gather3A_1334 {strides = array<i32>} : memref<64x128xi32, #tpu.memory_space<vmem>>, vector<16xi32>,
          %sub3A_1338 = arith.subi %gather3A_1321, %add3A_1326 : vector<16xi32>
          %max3A_1339 = arith.constant 0 : i32
          %max3A_1340 = vector.broadcast %max3A_1339 : i32 to vector<16xi32>
          %max3A_1341 = arith.maxsi %sub3A_1338, %max3A_1340 : vector<16xi32>
          %min3A_1342 = arith.constant 1 : i32
          %min3A_1343 = vector.broadcast %min3A_1342 : i32 to vector<16xi32>
          %min3A_1344 = arith.minsi %max3A_1341, %min3A_1343 : vector<16xi32>
          %swap3A_1345 = arith.index_cast %add3A_1323 : i32 to index
          %swap3A_1346 = arith.constant 64 : index
          %swap3A_1347 = tpu.vector_load %arg23[%swap3A_1345, %swap3A_1346] {strides = array<i32>} : memref<64x128xi32, #tpu.memory_space<vmem>>, vector<16xi32>,
          tpu.vector_store %arg23[%swap3A_1345, %swap3A_1346], %min3A_1344 {strides = array<i32>} : memref<64x128xi32, #tpu.memory_space<vmem>>, vector<16xi32>,
          %add3A_1348 = arith.constant 16 : i32
          %add3A_1349 = vector.broadcast %add3A_1348 : i32 to vector<16xi32>
          %add3A_1350 = arith.addi %iota3A, %add3A_1349 : vector<16xi32>
          %add3A_1351 = arith.addi %gather3A_1317, %add3A_1350 : vector<16xi32>
          %shift_right_logical3A_1352 = arith.constant 8 : i32
          %shift_right_logical3A_1353 = vector.broadcast %shift_right_logical3A_1352 : i32 to vector<16xi32>
          %shift_right_logical3A_1354 = arith.shrui %add3A_1351, %shift_right_logical3A_1353 : vector<16xi32>
          %and3A_1355 = arith.constant 255 : i32
          %and3A_1356 = vector.broadcast %and3A_1355 : i32 to vector<16xi32>
          %and3A_1357 = arith.andi %add3A_1351, %and3A_1356 : vector<16xi32>
          %gather3A_1358 = tpu.vector_load_idx %arg19[%shift_right_logical3A_1354, %and3A_1357] : memref<128x256xi32, #tpu.memory_space<vmem>>[vector<16xi32>, vector<16xi32>], vector<16xi32>,
          %swap3A_1359 = arith.index_cast %add3A_1323 : i32 to index
          %swap3A_1360 = arith.constant 80 : index
          %swap3A_1361 = tpu.vector_load %arg21[%swap3A_1359, %swap3A_1360] {strides = array<i32>} : memref<64x128xi32, #tpu.memory_space<vmem>>, vector<16xi32>,
          tpu.vector_store %arg21[%swap3A_1359, %swap3A_1360], %gather3A_1358 {strides = array<i32>} : memref<64x128xi32, #tpu.memory_space<vmem>>, vector<16xi32>,
          %sub3A_1362 = arith.subi %gather3A_1321, %add3A_1350 : vector<16xi32>
          %max3A_1363 = arith.constant 0 : i32
          %max3A_1364 = vector.broadcast %max3A_1363 : i32 to vector<16xi32>
          %max3A_1365 = arith.maxsi %sub3A_1362, %max3A_1364 : vector<16xi32>
          %min3A_1366 = arith.constant 1 : i32
          %min3A_1367 = vector.broadcast %min3A_1366 : i32 to vector<16xi32>
          %min3A_1368 = arith.minsi %max3A_1365, %min3A_1367 : vector<16xi32>
          %swap3A_1369 = arith.index_cast %add3A_1323 : i32 to index
          %swap3A_1370 = arith.constant 80 : index
          %swap3A_1371 = tpu.vector_load %arg23[%swap3A_1369, %swap3A_1370] {strides = array<i32>} : memref<64x128xi32, #tpu.memory_space<vmem>>, vector<16xi32>,
          tpu.vector_store %arg23[%swap3A_1369, %swap3A_1370], %min3A_1368 {strides = array<i32>} : memref<64x128xi32, #tpu.memory_space<vmem>>, vector<16xi32>,
          %add3A_1372 = arith.constant 32 : i32
          %add3A_1373 = vector.broadcast %add3A_1372 : i32 to vector<16xi32>
          %add3A_1374 = arith.addi %iota3A, %add3A_1373 : vector<16xi32>
          %add3A_1375 = arith.addi %gather3A_1317, %add3A_1374 : vector<16xi32>
          %shift_right_logical3A_1376 = arith.constant 8 : i32
          %shift_right_logical3A_1377 = vector.broadcast %shift_right_logical3A_1376 : i32 to vector<16xi32>
          %shift_right_logical3A_1378 = arith.shrui %add3A_1375, %shift_right_logical3A_1377 : vector<16xi32>
          %and3A_1379 = arith.constant 255 : i32
          %and3A_1380 = vector.broadcast %and3A_1379 : i32 to vector<16xi32>
          %and3A_1381 = arith.andi %add3A_1375, %and3A_1380 : vector<16xi32>
          %gather3A_1382 = tpu.vector_load_idx %arg19[%shift_right_logical3A_1378, %and3A_1381] : memref<128x256xi32, #tpu.memory_space<vmem>>[vector<16xi32>, vector<16xi32>], vector<16xi32>,
          %swap3A_1383 = arith.index_cast %add3A_1323 : i32 to index
          %swap3A_1384 = arith.constant 96 : index
          %swap3A_1385 = tpu.vector_load %arg21[%swap3A_1383, %swap3A_1384] {strides = array<i32>} : memref<64x128xi32, #tpu.memory_space<vmem>>, vector<16xi32>,
          tpu.vector_store %arg21[%swap3A_1383, %swap3A_1384], %gather3A_1382 {strides = array<i32>} : memref<64x128xi32, #tpu.memory_space<vmem>>, vector<16xi32>,
          %sub3A_1386 = arith.subi %gather3A_1321, %add3A_1374 : vector<16xi32>
          %max3A_1387 = arith.constant 0 : i32
          %max3A_1388 = vector.broadcast %max3A_1387 : i32 to vector<16xi32>
          %max3A_1389 = arith.maxsi %sub3A_1386, %max3A_1388 : vector<16xi32>
          %min3A_1390 = arith.constant 1 : i32
          %min3A_1391 = vector.broadcast %min3A_1390 : i32 to vector<16xi32>
          %min3A_1392 = arith.minsi %max3A_1389, %min3A_1391 : vector<16xi32>
          %swap3A_1393 = arith.index_cast %add3A_1323 : i32 to index
          %swap3A_1394 = arith.constant 96 : index
          %swap3A_1395 = tpu.vector_load %arg23[%swap3A_1393, %swap3A_1394] {strides = array<i32>} : memref<64x128xi32, #tpu.memory_space<vmem>>, vector<16xi32>,
          tpu.vector_store %arg23[%swap3A_1393, %swap3A_1394], %min3A_1392 {strides = array<i32>} : memref<64x128xi32, #tpu.memory_space<vmem>>, vector<16xi32>,
          %add3A_1396 = arith.constant 48 : i32
          %add3A_1397 = vector.broadcast %add3A_1396 : i32 to vector<16xi32>
          %add3A_1398 = arith.addi %iota3A, %add3A_1397 : vector<16xi32>
          %add3A_1399 = arith.addi %gather3A_1317, %add3A_1398 : vector<16xi32>
          %shift_right_logical3A_1400 = arith.constant 8 : i32
          %shift_right_logical3A_1401 = vector.broadcast %shift_right_logical3A_1400 : i32 to vector<16xi32>
          %shift_right_logical3A_1402 = arith.shrui %add3A_1399, %shift_right_logical3A_1401 : vector<16xi32>
          %and3A_1403 = arith.constant 255 : i32
          %and3A_1404 = vector.broadcast %and3A_1403 : i32 to vector<16xi32>
          %and3A_1405 = arith.andi %add3A_1399, %and3A_1404 : vector<16xi32>
          %gather3A_1406 = tpu.vector_load_idx %arg19[%shift_right_logical3A_1402, %and3A_1405] : memref<128x256xi32, #tpu.memory_space<vmem>>[vector<16xi32>, vector<16xi32>], vector<16xi32>,
          %swap3A_1407 = arith.index_cast %add3A_1323 : i32 to index
          %swap3A_1408 = arith.constant 112 : index
          %swap3A_1409 = tpu.vector_load %arg21[%swap3A_1407, %swap3A_1408] {strides = array<i32>} : memref<64x128xi32, #tpu.memory_space<vmem>>, vector<16xi32>,
          tpu.vector_store %arg21[%swap3A_1407, %swap3A_1408], %gather3A_1406 {strides = array<i32>} : memref<64x128xi32, #tpu.memory_space<vmem>>, vector<16xi32>,
          %sub3A_1410 = arith.subi %gather3A_1321, %add3A_1398 : vector<16xi32>
          %max3A_1411 = arith.constant 0 : i32
          %max3A_1412 = vector.broadcast %max3A_1411 : i32 to vector<16xi32>
          %max3A_1413 = arith.maxsi %sub3A_1410, %max3A_1412 : vector<16xi32>
          %min3A_1414 = arith.constant 1 : i32
          %min3A_1415 = vector.broadcast %min3A_1414 : i32 to vector<16xi32>
          %min3A_1416 = arith.minsi %max3A_1413, %min3A_1415 : vector<16xi32>
          %swap3A_1417 = arith.index_cast %add3A_1323 : i32 to index
          %swap3A_1418 = arith.constant 112 : index
          %swap3A_1419 = tpu.vector_load %arg23[%swap3A_1417, %swap3A_1418] {strides = array<i32>} : memref<64x128xi32, #tpu.memory_space<vmem>>, vector<16xi32>,
          tpu.vector_store %arg23[%swap3A_1417, %swap3A_1418], %min3A_1416 {strides = array<i32>} : memref<64x128xi32, #tpu.memory_space<vmem>>, vector<16xi32>,
          %broadcast_in_dim3A_1420 = arith.constant 12 : i32
          %broadcast_in_dim3A_1421 = vector.broadcast %broadcast_in_dim3A_1420 : i32 to vector<16x1xi32>
          %gather3A_1422 = vector.shape_cast %broadcast_in_dim3A_1421 : vector<16x1xi32> to vector<16xi32>
          %gather3A_1423 = tpu.dynamic_gather %add3A_151[%gather3A_1422] in [0] : vector<16xi32>, vector<16xi32> -> vector<16xi32>
          %broadcast_in_dim3A_1424 = arith.constant 12 : i32
          %broadcast_in_dim3A_1425 = vector.broadcast %broadcast_in_dim3A_1424 : i32 to vector<16x1xi32>
          %gather3A_1426 = vector.shape_cast %broadcast_in_dim3A_1425 : vector<16x1xi32> to vector<16xi32>
          %gather3A_1427 = tpu.dynamic_gather %sub3A_142[%gather3A_1426] in [0] : vector<16xi32>, vector<16xi32> -> vector<16xi32>
          %add3A_1428 = arith.constant 6 : i32
          %add3A_1429 = arith.addi %mul3A_153, %add3A_1428 : i32
          %add3A_1430 = arith.constant 0 : i32
          %add3A_1431 = vector.broadcast %add3A_1430 : i32 to vector<16xi32>
          %add3A_1432 = arith.addi %iota3A, %add3A_1431 : vector<16xi32>
          %add3A_1433 = arith.addi %gather3A_1423, %add3A_1432 : vector<16xi32>
          %shift_right_logical3A_1434 = arith.constant 8 : i32
          %shift_right_logical3A_1435 = vector.broadcast %shift_right_logical3A_1434 : i32 to vector<16xi32>
          %shift_right_logical3A_1436 = arith.shrui %add3A_1433, %shift_right_logical3A_1435 : vector<16xi32>
          %and3A_1437 = arith.constant 255 : i32
          %and3A_1438 = vector.broadcast %and3A_1437 : i32 to vector<16xi32>
          %and3A_1439 = arith.andi %add3A_1433, %and3A_1438 : vector<16xi32>
          %gather3A_1440 = tpu.vector_load_idx %arg19[%shift_right_logical3A_1436, %and3A_1439] : memref<128x256xi32, #tpu.memory_space<vmem>>[vector<16xi32>, vector<16xi32>], vector<16xi32>,
          %swap3A_1441 = arith.index_cast %add3A_1429 : i32 to index
          %swap3A_1442 = arith.constant 0 : index
          %swap3A_1443 = tpu.vector_load %arg21[%swap3A_1441, %swap3A_1442] {strides = array<i32>} : memref<64x128xi32, #tpu.memory_space<vmem>>, vector<16xi32>,
          tpu.vector_store %arg21[%swap3A_1441, %swap3A_1442], %gather3A_1440 {strides = array<i32>} : memref<64x128xi32, #tpu.memory_space<vmem>>, vector<16xi32>,
          %sub3A_1444 = arith.subi %gather3A_1427, %add3A_1432 : vector<16xi32>
          %max3A_1445 = arith.constant 0 : i32
          %max3A_1446 = vector.broadcast %max3A_1445 : i32 to vector<16xi32>
          %max3A_1447 = arith.maxsi %sub3A_1444, %max3A_1446 : vector<16xi32>
          %min3A_1448 = arith.constant 1 : i32
          %min3A_1449 = vector.broadcast %min3A_1448 : i32 to vector<16xi32>
          %min3A_1450 = arith.minsi %max3A_1447, %min3A_1449 : vector<16xi32>
          %swap3A_1451 = arith.index_cast %add3A_1429 : i32 to index
          %swap3A_1452 = arith.constant 0 : index
          %swap3A_1453 = tpu.vector_load %arg23[%swap3A_1451, %swap3A_1452] {strides = array<i32>} : memref<64x128xi32, #tpu.memory_space<vmem>>, vector<16xi32>,
          tpu.vector_store %arg23[%swap3A_1451, %swap3A_1452], %min3A_1450 {strides = array<i32>} : memref<64x128xi32, #tpu.memory_space<vmem>>, vector<16xi32>,
          %add3A_1454 = arith.constant 16 : i32
          %add3A_1455 = vector.broadcast %add3A_1454 : i32 to vector<16xi32>
          %add3A_1456 = arith.addi %iota3A, %add3A_1455 : vector<16xi32>
          %add3A_1457 = arith.addi %gather3A_1423, %add3A_1456 : vector<16xi32>
          %shift_right_logical3A_1458 = arith.constant 8 : i32
          %shift_right_logical3A_1459 = vector.broadcast %shift_right_logical3A_1458 : i32 to vector<16xi32>
          %shift_right_logical3A_1460 = arith.shrui %add3A_1457, %shift_right_logical3A_1459 : vector<16xi32>
          %and3A_1461 = arith.constant 255 : i32
          %and3A_1462 = vector.broadcast %and3A_1461 : i32 to vector<16xi32>
          %and3A_1463 = arith.andi %add3A_1457, %and3A_1462 : vector<16xi32>
          %gather3A_1464 = tpu.vector_load_idx %arg19[%shift_right_logical3A_1460, %and3A_1463] : memref<128x256xi32, #tpu.memory_space<vmem>>[vector<16xi32>, vector<16xi32>], vector<16xi32>,
          %swap3A_1465 = arith.index_cast %add3A_1429 : i32 to index
          %swap3A_1466 = arith.constant 16 : index
          %swap3A_1467 = tpu.vector_load %arg21[%swap3A_1465, %swap3A_1466] {strides = array<i32>} : memref<64x128xi32, #tpu.memory_space<vmem>>, vector<16xi32>,
          tpu.vector_store %arg21[%swap3A_1465, %swap3A_1466], %gather3A_1464 {strides = array<i32>} : memref<64x128xi32, #tpu.memory_space<vmem>>, vector<16xi32>,
          %sub3A_1468 = arith.subi %gather3A_1427, %add3A_1456 : vector<16xi32>
          %max3A_1469 = arith.constant 0 : i32
          %max3A_1470 = vector.broadcast %max3A_1469 : i32 to vector<16xi32>
          %max3A_1471 = arith.maxsi %sub3A_1468, %max3A_1470 : vector<16xi32>
          %min3A_1472 = arith.constant 1 : i32
          %min3A_1473 = vector.broadcast %min3A_1472 : i32 to vector<16xi32>
          %min3A_1474 = arith.minsi %max3A_1471, %min3A_1473 : vector<16xi32>
          %swap3A_1475 = arith.index_cast %add3A_1429 : i32 to index
          %swap3A_1476 = arith.constant 16 : index
          %swap3A_1477 = tpu.vector_load %arg23[%swap3A_1475, %swap3A_1476] {strides = array<i32>} : memref<64x128xi32, #tpu.memory_space<vmem>>, vector<16xi32>,
          tpu.vector_store %arg23[%swap3A_1475, %swap3A_1476], %min3A_1474 {strides = array<i32>} : memref<64x128xi32, #tpu.memory_space<vmem>>, vector<16xi32>,
          %add3A_1478 = arith.constant 32 : i32
          %add3A_1479 = vector.broadcast %add3A_1478 : i32 to vector<16xi32>
          %add3A_1480 = arith.addi %iota3A, %add3A_1479 : vector<16xi32>
          %add3A_1481 = arith.addi %gather3A_1423, %add3A_1480 : vector<16xi32>
          %shift_right_logical3A_1482 = arith.constant 8 : i32
          %shift_right_logical3A_1483 = vector.broadcast %shift_right_logical3A_1482 : i32 to vector<16xi32>
          %shift_right_logical3A_1484 = arith.shrui %add3A_1481, %shift_right_logical3A_1483 : vector<16xi32>
          %and3A_1485 = arith.constant 255 : i32
          %and3A_1486 = vector.broadcast %and3A_1485 : i32 to vector<16xi32>
          %and3A_1487 = arith.andi %add3A_1481, %and3A_1486 : vector<16xi32>
          %gather3A_1488 = tpu.vector_load_idx %arg19[%shift_right_logical3A_1484, %and3A_1487] : memref<128x256xi32, #tpu.memory_space<vmem>>[vector<16xi32>, vector<16xi32>], vector<16xi32>,
          %swap3A_1489 = arith.index_cast %add3A_1429 : i32 to index
          %swap3A_1490 = arith.constant 32 : index
          %swap3A_1491 = tpu.vector_load %arg21[%swap3A_1489, %swap3A_1490] {strides = array<i32>} : memref<64x128xi32, #tpu.memory_space<vmem>>, vector<16xi32>,
          tpu.vector_store %arg21[%swap3A_1489, %swap3A_1490], %gather3A_1488 {strides = array<i32>} : memref<64x128xi32, #tpu.memory_space<vmem>>, vector<16xi32>,
          %sub3A_1492 = arith.subi %gather3A_1427, %add3A_1480 : vector<16xi32>
          %max3A_1493 = arith.constant 0 : i32
          %max3A_1494 = vector.broadcast %max3A_1493 : i32 to vector<16xi32>
          %max3A_1495 = arith.maxsi %sub3A_1492, %max3A_1494 : vector<16xi32>
          %min3A_1496 = arith.constant 1 : i32
          %min3A_1497 = vector.broadcast %min3A_1496 : i32 to vector<16xi32>
          %min3A_1498 = arith.minsi %max3A_1495, %min3A_1497 : vector<16xi32>
          %swap3A_1499 = arith.index_cast %add3A_1429 : i32 to index
          %swap3A_1500 = arith.constant 32 : index
          %swap3A_1501 = tpu.vector_load %arg23[%swap3A_1499, %swap3A_1500] {strides = array<i32>} : memref<64x128xi32, #tpu.memory_space<vmem>>, vector<16xi32>,
          tpu.vector_store %arg23[%swap3A_1499, %swap3A_1500], %min3A_1498 {strides = array<i32>} : memref<64x128xi32, #tpu.memory_space<vmem>>, vector<16xi32>,
          %add3A_1502 = arith.constant 48 : i32
          %add3A_1503 = vector.broadcast %add3A_1502 : i32 to vector<16xi32>
          %add3A_1504 = arith.addi %iota3A, %add3A_1503 : vector<16xi32>
          %add3A_1505 = arith.addi %gather3A_1423, %add3A_1504 : vector<16xi32>
          %shift_right_logical3A_1506 = arith.constant 8 : i32
          %shift_right_logical3A_1507 = vector.broadcast %shift_right_logical3A_1506 : i32 to vector<16xi32>
          %shift_right_logical3A_1508 = arith.shrui %add3A_1505, %shift_right_logical3A_1507 : vector<16xi32>
          %and3A_1509 = arith.constant 255 : i32
          %and3A_1510 = vector.broadcast %and3A_1509 : i32 to vector<16xi32>
          %and3A_1511 = arith.andi %add3A_1505, %and3A_1510 : vector<16xi32>
          %gather3A_1512 = tpu.vector_load_idx %arg19[%shift_right_logical3A_1508, %and3A_1511] : memref<128x256xi32, #tpu.memory_space<vmem>>[vector<16xi32>, vector<16xi32>], vector<16xi32>,
          %swap3A_1513 = arith.index_cast %add3A_1429 : i32 to index
          %swap3A_1514 = arith.constant 48 : index
          %swap3A_1515 = tpu.vector_load %arg21[%swap3A_1513, %swap3A_1514] {strides = array<i32>} : memref<64x128xi32, #tpu.memory_space<vmem>>, vector<16xi32>,
          tpu.vector_store %arg21[%swap3A_1513, %swap3A_1514], %gather3A_1512 {strides = array<i32>} : memref<64x128xi32, #tpu.memory_space<vmem>>, vector<16xi32>,
          %sub3A_1516 = arith.subi %gather3A_1427, %add3A_1504 : vector<16xi32>
          %max3A_1517 = arith.constant 0 : i32
          %max3A_1518 = vector.broadcast %max3A_1517 : i32 to vector<16xi32>
          %max3A_1519 = arith.maxsi %sub3A_1516, %max3A_1518 : vector<16xi32>
          %min3A_1520 = arith.constant 1 : i32
          %min3A_1521 = vector.broadcast %min3A_1520 : i32 to vector<16xi32>
          %min3A_1522 = arith.minsi %max3A_1519, %min3A_1521 : vector<16xi32>
          %swap3A_1523 = arith.index_cast %add3A_1429 : i32 to index
          %swap3A_1524 = arith.constant 48 : index
          %swap3A_1525 = tpu.vector_load %arg23[%swap3A_1523, %swap3A_1524] {strides = array<i32>} : memref<64x128xi32, #tpu.memory_space<vmem>>, vector<16xi32>,
          tpu.vector_store %arg23[%swap3A_1523, %swap3A_1524], %min3A_1522 {strides = array<i32>} : memref<64x128xi32, #tpu.memory_space<vmem>>, vector<16xi32>,
          %broadcast_in_dim3A_1526 = arith.constant 13 : i32
          %broadcast_in_dim3A_1527 = vector.broadcast %broadcast_in_dim3A_1526 : i32 to vector<16x1xi32>
          %gather3A_1528 = vector.shape_cast %broadcast_in_dim3A_1527 : vector<16x1xi32> to vector<16xi32>
          %gather3A_1529 = tpu.dynamic_gather %add3A_151[%gather3A_1528] in [0] : vector<16xi32>, vector<16xi32> -> vector<16xi32>
          %broadcast_in_dim3A_1530 = arith.constant 13 : i32
          %broadcast_in_dim3A_1531 = vector.broadcast %broadcast_in_dim3A_1530 : i32 to vector<16x1xi32>
          %gather3A_1532 = vector.shape_cast %broadcast_in_dim3A_1531 : vector<16x1xi32> to vector<16xi32>
          %gather3A_1533 = tpu.dynamic_gather %sub3A_142[%gather3A_1532] in [0] : vector<16xi32>, vector<16xi32> -> vector<16xi32>
          %add3A_1534 = arith.constant 6 : i32
          %add3A_1535 = arith.addi %mul3A_153, %add3A_1534 : i32
          %add3A_1536 = arith.constant 0 : i32
          %add3A_1537 = vector.broadcast %add3A_1536 : i32 to vector<16xi32>
          %add3A_1538 = arith.addi %iota3A, %add3A_1537 : vector<16xi32>
          %add3A_1539 = arith.addi %gather3A_1529, %add3A_1538 : vector<16xi32>
          %shift_right_logical3A_1540 = arith.constant 8 : i32
          %shift_right_logical3A_1541 = vector.broadcast %shift_right_logical3A_1540 : i32 to vector<16xi32>
          %shift_right_logical3A_1542 = arith.shrui %add3A_1539, %shift_right_logical3A_1541 : vector<16xi32>
          %and3A_1543 = arith.constant 255 : i32
          %and3A_1544 = vector.broadcast %and3A_1543 : i32 to vector<16xi32>
          %and3A_1545 = arith.andi %add3A_1539, %and3A_1544 : vector<16xi32>
          %gather3A_1546 = tpu.vector_load_idx %arg19[%shift_right_logical3A_1542, %and3A_1545] : memref<128x256xi32, #tpu.memory_space<vmem>>[vector<16xi32>, vector<16xi32>], vector<16xi32>,
          %swap3A_1547 = arith.index_cast %add3A_1535 : i32 to index
          %swap3A_1548 = arith.constant 64 : index
          %swap3A_1549 = tpu.vector_load %arg21[%swap3A_1547, %swap3A_1548] {strides = array<i32>} : memref<64x128xi32, #tpu.memory_space<vmem>>, vector<16xi32>,
          tpu.vector_store %arg21[%swap3A_1547, %swap3A_1548], %gather3A_1546 {strides = array<i32>} : memref<64x128xi32, #tpu.memory_space<vmem>>, vector<16xi32>,
          %sub3A_1550 = arith.subi %gather3A_1533, %add3A_1538 : vector<16xi32>
          %max3A_1551 = arith.constant 0 : i32
          %max3A_1552 = vector.broadcast %max3A_1551 : i32 to vector<16xi32>
          %max3A_1553 = arith.maxsi %sub3A_1550, %max3A_1552 : vector<16xi32>
          %min3A_1554 = arith.constant 1 : i32
          %min3A_1555 = vector.broadcast %min3A_1554 : i32 to vector<16xi32>
          %min3A_1556 = arith.minsi %max3A_1553, %min3A_1555 : vector<16xi32>
          %swap3A_1557 = arith.index_cast %add3A_1535 : i32 to index
          %swap3A_1558 = arith.constant 64 : index
          %swap3A_1559 = tpu.vector_load %arg23[%swap3A_1557, %swap3A_1558] {strides = array<i32>} : memref<64x128xi32, #tpu.memory_space<vmem>>, vector<16xi32>,
          tpu.vector_store %arg23[%swap3A_1557, %swap3A_1558], %min3A_1556 {strides = array<i32>} : memref<64x128xi32, #tpu.memory_space<vmem>>, vector<16xi32>,
          %add3A_1560 = arith.constant 16 : i32
          %add3A_1561 = vector.broadcast %add3A_1560 : i32 to vector<16xi32>
          %add3A_1562 = arith.addi %iota3A, %add3A_1561 : vector<16xi32>
          %add3A_1563 = arith.addi %gather3A_1529, %add3A_1562 : vector<16xi32>
          %shift_right_logical3A_1564 = arith.constant 8 : i32
          %shift_right_logical3A_1565 = vector.broadcast %shift_right_logical3A_1564 : i32 to vector<16xi32>
          %shift_right_logical3A_1566 = arith.shrui %add3A_1563, %shift_right_logical3A_1565 : vector<16xi32>
          %and3A_1567 = arith.constant 255 : i32
          %and3A_1568 = vector.broadcast %and3A_1567 : i32 to vector<16xi32>
          %and3A_1569 = arith.andi %add3A_1563, %and3A_1568 : vector<16xi32>
          %gather3A_1570 = tpu.vector_load_idx %arg19[%shift_right_logical3A_1566, %and3A_1569] : memref<128x256xi32, #tpu.memory_space<vmem>>[vector<16xi32>, vector<16xi32>], vector<16xi32>,
          %swap3A_1571 = arith.index_cast %add3A_1535 : i32 to index
          %swap3A_1572 = arith.constant 80 : index
          %swap3A_1573 = tpu.vector_load %arg21[%swap3A_1571, %swap3A_1572] {strides = array<i32>} : memref<64x128xi32, #tpu.memory_space<vmem>>, vector<16xi32>,
          tpu.vector_store %arg21[%swap3A_1571, %swap3A_1572], %gather3A_1570 {strides = array<i32>} : memref<64x128xi32, #tpu.memory_space<vmem>>, vector<16xi32>,
          %sub3A_1574 = arith.subi %gather3A_1533, %add3A_1562 : vector<16xi32>
          %max3A_1575 = arith.constant 0 : i32
          %max3A_1576 = vector.broadcast %max3A_1575 : i32 to vector<16xi32>
          %max3A_1577 = arith.maxsi %sub3A_1574, %max3A_1576 : vector<16xi32>
          %min3A_1578 = arith.constant 1 : i32
          %min3A_1579 = vector.broadcast %min3A_1578 : i32 to vector<16xi32>
          %min3A_1580 = arith.minsi %max3A_1577, %min3A_1579 : vector<16xi32>
          %swap3A_1581 = arith.index_cast %add3A_1535 : i32 to index
          %swap3A_1582 = arith.constant 80 : index
          %swap3A_1583 = tpu.vector_load %arg23[%swap3A_1581, %swap3A_1582] {strides = array<i32>} : memref<64x128xi32, #tpu.memory_space<vmem>>, vector<16xi32>,
          tpu.vector_store %arg23[%swap3A_1581, %swap3A_1582], %min3A_1580 {strides = array<i32>} : memref<64x128xi32, #tpu.memory_space<vmem>>, vector<16xi32>,
          %add3A_1584 = arith.constant 32 : i32
          %add3A_1585 = vector.broadcast %add3A_1584 : i32 to vector<16xi32>
          %add3A_1586 = arith.addi %iota3A, %add3A_1585 : vector<16xi32>
          %add3A_1587 = arith.addi %gather3A_1529, %add3A_1586 : vector<16xi32>
          %shift_right_logical3A_1588 = arith.constant 8 : i32
          %shift_right_logical3A_1589 = vector.broadcast %shift_right_logical3A_1588 : i32 to vector<16xi32>
          %shift_right_logical3A_1590 = arith.shrui %add3A_1587, %shift_right_logical3A_1589 : vector<16xi32>
          %and3A_1591 = arith.constant 255 : i32
          %and3A_1592 = vector.broadcast %and3A_1591 : i32 to vector<16xi32>
          %and3A_1593 = arith.andi %add3A_1587, %and3A_1592 : vector<16xi32>
          %gather3A_1594 = tpu.vector_load_idx %arg19[%shift_right_logical3A_1590, %and3A_1593] : memref<128x256xi32, #tpu.memory_space<vmem>>[vector<16xi32>, vector<16xi32>], vector<16xi32>,
          %swap3A_1595 = arith.index_cast %add3A_1535 : i32 to index
          %swap3A_1596 = arith.constant 96 : index
          %swap3A_1597 = tpu.vector_load %arg21[%swap3A_1595, %swap3A_1596] {strides = array<i32>} : memref<64x128xi32, #tpu.memory_space<vmem>>, vector<16xi32>,
          tpu.vector_store %arg21[%swap3A_1595, %swap3A_1596], %gather3A_1594 {strides = array<i32>} : memref<64x128xi32, #tpu.memory_space<vmem>>, vector<16xi32>,
          %sub3A_1598 = arith.subi %gather3A_1533, %add3A_1586 : vector<16xi32>
          %max3A_1599 = arith.constant 0 : i32
          %max3A_1600 = vector.broadcast %max3A_1599 : i32 to vector<16xi32>
          %max3A_1601 = arith.maxsi %sub3A_1598, %max3A_1600 : vector<16xi32>
          %min3A_1602 = arith.constant 1 : i32
          %min3A_1603 = vector.broadcast %min3A_1602 : i32 to vector<16xi32>
          %min3A_1604 = arith.minsi %max3A_1601, %min3A_1603 : vector<16xi32>
          %swap3A_1605 = arith.index_cast %add3A_1535 : i32 to index
          %swap3A_1606 = arith.constant 96 : index
          %swap3A_1607 = tpu.vector_load %arg23[%swap3A_1605, %swap3A_1606] {strides = array<i32>} : memref<64x128xi32, #tpu.memory_space<vmem>>, vector<16xi32>,
          tpu.vector_store %arg23[%swap3A_1605, %swap3A_1606], %min3A_1604 {strides = array<i32>} : memref<64x128xi32, #tpu.memory_space<vmem>>, vector<16xi32>,
          %add3A_1608 = arith.constant 48 : i32
          %add3A_1609 = vector.broadcast %add3A_1608 : i32 to vector<16xi32>
          %add3A_1610 = arith.addi %iota3A, %add3A_1609 : vector<16xi32>
          %add3A_1611 = arith.addi %gather3A_1529, %add3A_1610 : vector<16xi32>
          %shift_right_logical3A_1612 = arith.constant 8 : i32
          %shift_right_logical3A_1613 = vector.broadcast %shift_right_logical3A_1612 : i32 to vector<16xi32>
          %shift_right_logical3A_1614 = arith.shrui %add3A_1611, %shift_right_logical3A_1613 : vector<16xi32>
          %and3A_1615 = arith.constant 255 : i32
          %and3A_1616 = vector.broadcast %and3A_1615 : i32 to vector<16xi32>
          %and3A_1617 = arith.andi %add3A_1611, %and3A_1616 : vector<16xi32>
          %gather3A_1618 = tpu.vector_load_idx %arg19[%shift_right_logical3A_1614, %and3A_1617] : memref<128x256xi32, #tpu.memory_space<vmem>>[vector<16xi32>, vector<16xi32>], vector<16xi32>,
          %swap3A_1619 = arith.index_cast %add3A_1535 : i32 to index
          %swap3A_1620 = arith.constant 112 : index
          %swap3A_1621 = tpu.vector_load %arg21[%swap3A_1619, %swap3A_1620] {strides = array<i32>} : memref<64x128xi32, #tpu.memory_space<vmem>>, vector<16xi32>,
          tpu.vector_store %arg21[%swap3A_1619, %swap3A_1620], %gather3A_1618 {strides = array<i32>} : memref<64x128xi32, #tpu.memory_space<vmem>>, vector<16xi32>,
          %sub3A_1622 = arith.subi %gather3A_1533, %add3A_1610 : vector<16xi32>
          %max3A_1623 = arith.constant 0 : i32
          %max3A_1624 = vector.broadcast %max3A_1623 : i32 to vector<16xi32>
          %max3A_1625 = arith.maxsi %sub3A_1622, %max3A_1624 : vector<16xi32>
          %min3A_1626 = arith.constant 1 : i32
          %min3A_1627 = vector.broadcast %min3A_1626 : i32 to vector<16xi32>
          %min3A_1628 = arith.minsi %max3A_1625, %min3A_1627 : vector<16xi32>
          %swap3A_1629 = arith.index_cast %add3A_1535 : i32 to index
          %swap3A_1630 = arith.constant 112 : index
          %swap3A_1631 = tpu.vector_load %arg23[%swap3A_1629, %swap3A_1630] {strides = array<i32>} : memref<64x128xi32, #tpu.memory_space<vmem>>, vector<16xi32>,
          tpu.vector_store %arg23[%swap3A_1629, %swap3A_1630], %min3A_1628 {strides = array<i32>} : memref<64x128xi32, #tpu.memory_space<vmem>>, vector<16xi32>,
          %broadcast_in_dim3A_1632 = arith.constant 14 : i32
          %broadcast_in_dim3A_1633 = vector.broadcast %broadcast_in_dim3A_1632 : i32 to vector<16x1xi32>
          %gather3A_1634 = vector.shape_cast %broadcast_in_dim3A_1633 : vector<16x1xi32> to vector<16xi32>
          %gather3A_1635 = tpu.dynamic_gather %add3A_151[%gather3A_1634] in [0] : vector<16xi32>, vector<16xi32> -> vector<16xi32>
          %broadcast_in_dim3A_1636 = arith.constant 14 : i32
          %broadcast_in_dim3A_1637 = vector.broadcast %broadcast_in_dim3A_1636 : i32 to vector<16x1xi32>
          %gather3A_1638 = vector.shape_cast %broadcast_in_dim3A_1637 : vector<16x1xi32> to vector<16xi32>
          %gather3A_1639 = tpu.dynamic_gather %sub3A_142[%gather3A_1638] in [0] : vector<16xi32>, vector<16xi32> -> vector<16xi32>
          %add3A_1640 = arith.constant 7 : i32
          %add3A_1641 = arith.addi %mul3A_153, %add3A_1640 : i32
          %add3A_1642 = arith.constant 0 : i32
          %add3A_1643 = vector.broadcast %add3A_1642 : i32 to vector<16xi32>
          %add3A_1644 = arith.addi %iota3A, %add3A_1643 : vector<16xi32>
          %add3A_1645 = arith.addi %gather3A_1635, %add3A_1644 : vector<16xi32>
          %shift_right_logical3A_1646 = arith.constant 8 : i32
          %shift_right_logical3A_1647 = vector.broadcast %shift_right_logical3A_1646 : i32 to vector<16xi32>
          %shift_right_logical3A_1648 = arith.shrui %add3A_1645, %shift_right_logical3A_1647 : vector<16xi32>
          %and3A_1649 = arith.constant 255 : i32
          %and3A_1650 = vector.broadcast %and3A_1649 : i32 to vector<16xi32>
          %and3A_1651 = arith.andi %add3A_1645, %and3A_1650 : vector<16xi32>
          %gather3A_1652 = tpu.vector_load_idx %arg19[%shift_right_logical3A_1648, %and3A_1651] : memref<128x256xi32, #tpu.memory_space<vmem>>[vector<16xi32>, vector<16xi32>], vector<16xi32>,
          %swap3A_1653 = arith.index_cast %add3A_1641 : i32 to index
          %swap3A_1654 = arith.constant 0 : index
          %swap3A_1655 = tpu.vector_load %arg21[%swap3A_1653, %swap3A_1654] {strides = array<i32>} : memref<64x128xi32, #tpu.memory_space<vmem>>, vector<16xi32>,
          tpu.vector_store %arg21[%swap3A_1653, %swap3A_1654], %gather3A_1652 {strides = array<i32>} : memref<64x128xi32, #tpu.memory_space<vmem>>, vector<16xi32>,
          %sub3A_1656 = arith.subi %gather3A_1639, %add3A_1644 : vector<16xi32>
          %max3A_1657 = arith.constant 0 : i32
          %max3A_1658 = vector.broadcast %max3A_1657 : i32 to vector<16xi32>
          %max3A_1659 = arith.maxsi %sub3A_1656, %max3A_1658 : vector<16xi32>
          %min3A_1660 = arith.constant 1 : i32
          %min3A_1661 = vector.broadcast %min3A_1660 : i32 to vector<16xi32>
          %min3A_1662 = arith.minsi %max3A_1659, %min3A_1661 : vector<16xi32>
          %swap3A_1663 = arith.index_cast %add3A_1641 : i32 to index
          %swap3A_1664 = arith.constant 0 : index
          %swap3A_1665 = tpu.vector_load %arg23[%swap3A_1663, %swap3A_1664] {strides = array<i32>} : memref<64x128xi32, #tpu.memory_space<vmem>>, vector<16xi32>,
          tpu.vector_store %arg23[%swap3A_1663, %swap3A_1664], %min3A_1662 {strides = array<i32>} : memref<64x128xi32, #tpu.memory_space<vmem>>, vector<16xi32>,
          %add3A_1666 = arith.constant 16 : i32
          %add3A_1667 = vector.broadcast %add3A_1666 : i32 to vector<16xi32>
          %add3A_1668 = arith.addi %iota3A, %add3A_1667 : vector<16xi32>
          %add3A_1669 = arith.addi %gather3A_1635, %add3A_1668 : vector<16xi32>
          %shift_right_logical3A_1670 = arith.constant 8 : i32
          %shift_right_logical3A_1671 = vector.broadcast %shift_right_logical3A_1670 : i32 to vector<16xi32>
          %shift_right_logical3A_1672 = arith.shrui %add3A_1669, %shift_right_logical3A_1671 : vector<16xi32>
          %and3A_1673 = arith.constant 255 : i32
          %and3A_1674 = vector.broadcast %and3A_1673 : i32 to vector<16xi32>
          %and3A_1675 = arith.andi %add3A_1669, %and3A_1674 : vector<16xi32>
          %gather3A_1676 = tpu.vector_load_idx %arg19[%shift_right_logical3A_1672, %and3A_1675] : memref<128x256xi32, #tpu.memory_space<vmem>>[vector<16xi32>, vector<16xi32>], vector<16xi32>,
          %swap3A_1677 = arith.index_cast %add3A_1641 : i32 to index
          %swap3A_1678 = arith.constant 16 : index
          %swap3A_1679 = tpu.vector_load %arg21[%swap3A_1677, %swap3A_1678] {strides = array<i32>} : memref<64x128xi32, #tpu.memory_space<vmem>>, vector<16xi32>,
          tpu.vector_store %arg21[%swap3A_1677, %swap3A_1678], %gather3A_1676 {strides = array<i32>} : memref<64x128xi32, #tpu.memory_space<vmem>>, vector<16xi32>,
          %sub3A_1680 = arith.subi %gather3A_1639, %add3A_1668 : vector<16xi32>
          %max3A_1681 = arith.constant 0 : i32
          %max3A_1682 = vector.broadcast %max3A_1681 : i32 to vector<16xi32>
          %max3A_1683 = arith.maxsi %sub3A_1680, %max3A_1682 : vector<16xi32>
          %min3A_1684 = arith.constant 1 : i32
          %min3A_1685 = vector.broadcast %min3A_1684 : i32 to vector<16xi32>
          %min3A_1686 = arith.minsi %max3A_1683, %min3A_1685 : vector<16xi32>
          %swap3A_1687 = arith.index_cast %add3A_1641 : i32 to index
          %swap3A_1688 = arith.constant 16 : index
          %swap3A_1689 = tpu.vector_load %arg23[%swap3A_1687, %swap3A_1688] {strides = array<i32>} : memref<64x128xi32, #tpu.memory_space<vmem>>, vector<16xi32>,
          tpu.vector_store %arg23[%swap3A_1687, %swap3A_1688], %min3A_1686 {strides = array<i32>} : memref<64x128xi32, #tpu.memory_space<vmem>>, vector<16xi32>,
          %add3A_1690 = arith.constant 32 : i32
          %add3A_1691 = vector.broadcast %add3A_1690 : i32 to vector<16xi32>
          %add3A_1692 = arith.addi %iota3A, %add3A_1691 : vector<16xi32>
          %add3A_1693 = arith.addi %gather3A_1635, %add3A_1692 : vector<16xi32>
          %shift_right_logical3A_1694 = arith.constant 8 : i32
          %shift_right_logical3A_1695 = vector.broadcast %shift_right_logical3A_1694 : i32 to vector<16xi32>
          %shift_right_logical3A_1696 = arith.shrui %add3A_1693, %shift_right_logical3A_1695 : vector<16xi32>
          %and3A_1697 = arith.constant 255 : i32
          %and3A_1698 = vector.broadcast %and3A_1697 : i32 to vector<16xi32>
          %and3A_1699 = arith.andi %add3A_1693, %and3A_1698 : vector<16xi32>
          %gather3A_1700 = tpu.vector_load_idx %arg19[%shift_right_logical3A_1696, %and3A_1699] : memref<128x256xi32, #tpu.memory_space<vmem>>[vector<16xi32>, vector<16xi32>], vector<16xi32>,
          %swap3A_1701 = arith.index_cast %add3A_1641 : i32 to index
          %swap3A_1702 = arith.constant 32 : index
          %swap3A_1703 = tpu.vector_load %arg21[%swap3A_1701, %swap3A_1702] {strides = array<i32>} : memref<64x128xi32, #tpu.memory_space<vmem>>, vector<16xi32>,
          tpu.vector_store %arg21[%swap3A_1701, %swap3A_1702], %gather3A_1700 {strides = array<i32>} : memref<64x128xi32, #tpu.memory_space<vmem>>, vector<16xi32>,
          %sub3A_1704 = arith.subi %gather3A_1639, %add3A_1692 : vector<16xi32>
          %max3A_1705 = arith.constant 0 : i32
          %max3A_1706 = vector.broadcast %max3A_1705 : i32 to vector<16xi32>
          %max3A_1707 = arith.maxsi %sub3A_1704, %max3A_1706 : vector<16xi32>
          %min3A_1708 = arith.constant 1 : i32
          %min3A_1709 = vector.broadcast %min3A_1708 : i32 to vector<16xi32>
          %min3A_1710 = arith.minsi %max3A_1707, %min3A_1709 : vector<16xi32>
          %swap3A_1711 = arith.index_cast %add3A_1641 : i32 to index
          %swap3A_1712 = arith.constant 32 : index
          %swap3A_1713 = tpu.vector_load %arg23[%swap3A_1711, %swap3A_1712] {strides = array<i32>} : memref<64x128xi32, #tpu.memory_space<vmem>>, vector<16xi32>,
          tpu.vector_store %arg23[%swap3A_1711, %swap3A_1712], %min3A_1710 {strides = array<i32>} : memref<64x128xi32, #tpu.memory_space<vmem>>, vector<16xi32>,
          %add3A_1714 = arith.constant 48 : i32
          %add3A_1715 = vector.broadcast %add3A_1714 : i32 to vector<16xi32>
          %add3A_1716 = arith.addi %iota3A, %add3A_1715 : vector<16xi32>
          %add3A_1717 = arith.addi %gather3A_1635, %add3A_1716 : vector<16xi32>
          %shift_right_logical3A_1718 = arith.constant 8 : i32
          %shift_right_logical3A_1719 = vector.broadcast %shift_right_logical3A_1718 : i32 to vector<16xi32>
          %shift_right_logical3A_1720 = arith.shrui %add3A_1717, %shift_right_logical3A_1719 : vector<16xi32>
          %and3A_1721 = arith.constant 255 : i32
          %and3A_1722 = vector.broadcast %and3A_1721 : i32 to vector<16xi32>
          %and3A_1723 = arith.andi %add3A_1717, %and3A_1722 : vector<16xi32>
          %gather3A_1724 = tpu.vector_load_idx %arg19[%shift_right_logical3A_1720, %and3A_1723] : memref<128x256xi32, #tpu.memory_space<vmem>>[vector<16xi32>, vector<16xi32>], vector<16xi32>,
          %swap3A_1725 = arith.index_cast %add3A_1641 : i32 to index
          %swap3A_1726 = arith.constant 48 : index
          %swap3A_1727 = tpu.vector_load %arg21[%swap3A_1725, %swap3A_1726] {strides = array<i32>} : memref<64x128xi32, #tpu.memory_space<vmem>>, vector<16xi32>,
          tpu.vector_store %arg21[%swap3A_1725, %swap3A_1726], %gather3A_1724 {strides = array<i32>} : memref<64x128xi32, #tpu.memory_space<vmem>>, vector<16xi32>,
          %sub3A_1728 = arith.subi %gather3A_1639, %add3A_1716 : vector<16xi32>
          %max3A_1729 = arith.constant 0 : i32
          %max3A_1730 = vector.broadcast %max3A_1729 : i32 to vector<16xi32>
          %max3A_1731 = arith.maxsi %sub3A_1728, %max3A_1730 : vector<16xi32>
          %min3A_1732 = arith.constant 1 : i32
          %min3A_1733 = vector.broadcast %min3A_1732 : i32 to vector<16xi32>
          %min3A_1734 = arith.minsi %max3A_1731, %min3A_1733 : vector<16xi32>
          %swap3A_1735 = arith.index_cast %add3A_1641 : i32 to index
          %swap3A_1736 = arith.constant 48 : index
          %swap3A_1737 = tpu.vector_load %arg23[%swap3A_1735, %swap3A_1736] {strides = array<i32>} : memref<64x128xi32, #tpu.memory_space<vmem>>, vector<16xi32>,
          tpu.vector_store %arg23[%swap3A_1735, %swap3A_1736], %min3A_1734 {strides = array<i32>} : memref<64x128xi32, #tpu.memory_space<vmem>>, vector<16xi32>,
          %broadcast_in_dim3A_1738 = arith.constant 15 : i32
          %broadcast_in_dim3A_1739 = vector.broadcast %broadcast_in_dim3A_1738 : i32 to vector<16x1xi32>
          %gather3A_1740 = vector.shape_cast %broadcast_in_dim3A_1739 : vector<16x1xi32> to vector<16xi32>
          %gather3A_1741 = tpu.dynamic_gather %add3A_151[%gather3A_1740] in [0] : vector<16xi32>, vector<16xi32> -> vector<16xi32>
          %broadcast_in_dim3A_1742 = arith.constant 15 : i32
          %broadcast_in_dim3A_1743 = vector.broadcast %broadcast_in_dim3A_1742 : i32 to vector<16x1xi32>
          %gather3A_1744 = vector.shape_cast %broadcast_in_dim3A_1743 : vector<16x1xi32> to vector<16xi32>
          %gather3A_1745 = tpu.dynamic_gather %sub3A_142[%gather3A_1744] in [0] : vector<16xi32>, vector<16xi32> -> vector<16xi32>
          %add3A_1746 = arith.constant 7 : i32
          %add3A_1747 = arith.addi %mul3A_153, %add3A_1746 : i32
          %add3A_1748 = arith.constant 0 : i32
          %add3A_1749 = vector.broadcast %add3A_1748 : i32 to vector<16xi32>
          %add3A_1750 = arith.addi %iota3A, %add3A_1749 : vector<16xi32>
          %add3A_1751 = arith.addi %gather3A_1741, %add3A_1750 : vector<16xi32>
          %shift_right_logical3A_1752 = arith.constant 8 : i32
          %shift_right_logical3A_1753 = vector.broadcast %shift_right_logical3A_1752 : i32 to vector<16xi32>
          %shift_right_logical3A_1754 = arith.shrui %add3A_1751, %shift_right_logical3A_1753 : vector<16xi32>
          %and3A_1755 = arith.constant 255 : i32
          %and3A_1756 = vector.broadcast %and3A_1755 : i32 to vector<16xi32>
          %and3A_1757 = arith.andi %add3A_1751, %and3A_1756 : vector<16xi32>
          %gather3A_1758 = tpu.vector_load_idx %arg19[%shift_right_logical3A_1754, %and3A_1757] : memref<128x256xi32, #tpu.memory_space<vmem>>[vector<16xi32>, vector<16xi32>], vector<16xi32>,
          %swap3A_1759 = arith.index_cast %add3A_1747 : i32 to index
          %swap3A_1760 = arith.constant 64 : index
          %swap3A_1761 = tpu.vector_load %arg21[%swap3A_1759, %swap3A_1760] {strides = array<i32>} : memref<64x128xi32, #tpu.memory_space<vmem>>, vector<16xi32>,
          tpu.vector_store %arg21[%swap3A_1759, %swap3A_1760], %gather3A_1758 {strides = array<i32>} : memref<64x128xi32, #tpu.memory_space<vmem>>, vector<16xi32>,
          %sub3A_1762 = arith.subi %gather3A_1745, %add3A_1750 : vector<16xi32>
          %max3A_1763 = arith.constant 0 : i32
          %max3A_1764 = vector.broadcast %max3A_1763 : i32 to vector<16xi32>
          %max3A_1765 = arith.maxsi %sub3A_1762, %max3A_1764 : vector<16xi32>
          %min3A_1766 = arith.constant 1 : i32
          %min3A_1767 = vector.broadcast %min3A_1766 : i32 to vector<16xi32>
          %min3A_1768 = arith.minsi %max3A_1765, %min3A_1767 : vector<16xi32>
          %swap3A_1769 = arith.index_cast %add3A_1747 : i32 to index
          %swap3A_1770 = arith.constant 64 : index
          %swap3A_1771 = tpu.vector_load %arg23[%swap3A_1769, %swap3A_1770] {strides = array<i32>} : memref<64x128xi32, #tpu.memory_space<vmem>>, vector<16xi32>,
          tpu.vector_store %arg23[%swap3A_1769, %swap3A_1770], %min3A_1768 {strides = array<i32>} : memref<64x128xi32, #tpu.memory_space<vmem>>, vector<16xi32>,
          %add3A_1772 = arith.constant 16 : i32
          %add3A_1773 = vector.broadcast %add3A_1772 : i32 to vector<16xi32>
          %add3A_1774 = arith.addi %iota3A, %add3A_1773 : vector<16xi32>
          %add3A_1775 = arith.addi %gather3A_1741, %add3A_1774 : vector<16xi32>
          %shift_right_logical3A_1776 = arith.constant 8 : i32
          %shift_right_logical3A_1777 = vector.broadcast %shift_right_logical3A_1776 : i32 to vector<16xi32>
          %shift_right_logical3A_1778 = arith.shrui %add3A_1775, %shift_right_logical3A_1777 : vector<16xi32>
          %and3A_1779 = arith.constant 255 : i32
          %and3A_1780 = vector.broadcast %and3A_1779 : i32 to vector<16xi32>
          %and3A_1781 = arith.andi %add3A_1775, %and3A_1780 : vector<16xi32>
          %gather3A_1782 = tpu.vector_load_idx %arg19[%shift_right_logical3A_1778, %and3A_1781] : memref<128x256xi32, #tpu.memory_space<vmem>>[vector<16xi32>, vector<16xi32>], vector<16xi32>,
          %swap3A_1783 = arith.index_cast %add3A_1747 : i32 to index
          %swap3A_1784 = arith.constant 80 : index
          %swap3A_1785 = tpu.vector_load %arg21[%swap3A_1783, %swap3A_1784] {strides = array<i32>} : memref<64x128xi32, #tpu.memory_space<vmem>>, vector<16xi32>,
          tpu.vector_store %arg21[%swap3A_1783, %swap3A_1784], %gather3A_1782 {strides = array<i32>} : memref<64x128xi32, #tpu.memory_space<vmem>>, vector<16xi32>,
          %sub3A_1786 = arith.subi %gather3A_1745, %add3A_1774 : vector<16xi32>
          %max3A_1787 = arith.constant 0 : i32
          %max3A_1788 = vector.broadcast %max3A_1787 : i32 to vector<16xi32>
          %max3A_1789 = arith.maxsi %sub3A_1786, %max3A_1788 : vector<16xi32>
          %min3A_1790 = arith.constant 1 : i32
          %min3A_1791 = vector.broadcast %min3A_1790 : i32 to vector<16xi32>
          %min3A_1792 = arith.minsi %max3A_1789, %min3A_1791 : vector<16xi32>
          %swap3A_1793 = arith.index_cast %add3A_1747 : i32 to index
          %swap3A_1794 = arith.constant 80 : index
          %swap3A_1795 = tpu.vector_load %arg23[%swap3A_1793, %swap3A_1794] {strides = array<i32>} : memref<64x128xi32, #tpu.memory_space<vmem>>, vector<16xi32>,
          tpu.vector_store %arg23[%swap3A_1793, %swap3A_1794], %min3A_1792 {strides = array<i32>} : memref<64x128xi32, #tpu.memory_space<vmem>>, vector<16xi32>,
          %add3A_1796 = arith.constant 32 : i32
          %add3A_1797 = vector.broadcast %add3A_1796 : i32 to vector<16xi32>
          %add3A_1798 = arith.addi %iota3A, %add3A_1797 : vector<16xi32>
          %add3A_1799 = arith.addi %gather3A_1741, %add3A_1798 : vector<16xi32>
          %shift_right_logical3A_1800 = arith.constant 8 : i32
          %shift_right_logical3A_1801 = vector.broadcast %shift_right_logical3A_1800 : i32 to vector<16xi32>
          %shift_right_logical3A_1802 = arith.shrui %add3A_1799, %shift_right_logical3A_1801 : vector<16xi32>
          %and3A_1803 = arith.constant 255 : i32
          %and3A_1804 = vector.broadcast %and3A_1803 : i32 to vector<16xi32>
          %and3A_1805 = arith.andi %add3A_1799, %and3A_1804 : vector<16xi32>
          %gather3A_1806 = tpu.vector_load_idx %arg19[%shift_right_logical3A_1802, %and3A_1805] : memref<128x256xi32, #tpu.memory_space<vmem>>[vector<16xi32>, vector<16xi32>], vector<16xi32>,
          %swap3A_1807 = arith.index_cast %add3A_1747 : i32 to index
          %swap3A_1808 = arith.constant 96 : index
          %swap3A_1809 = tpu.vector_load %arg21[%swap3A_1807, %swap3A_1808] {strides = array<i32>} : memref<64x128xi32, #tpu.memory_space<vmem>>, vector<16xi32>,
          tpu.vector_store %arg21[%swap3A_1807, %swap3A_1808], %gather3A_1806 {strides = array<i32>} : memref<64x128xi32, #tpu.memory_space<vmem>>, vector<16xi32>,
          %sub3A_1810 = arith.subi %gather3A_1745, %add3A_1798 : vector<16xi32>
          %max3A_1811 = arith.constant 0 : i32
          %max3A_1812 = vector.broadcast %max3A_1811 : i32 to vector<16xi32>
          %max3A_1813 = arith.maxsi %sub3A_1810, %max3A_1812 : vector<16xi32>
          %min3A_1814 = arith.constant 1 : i32
          %min3A_1815 = vector.broadcast %min3A_1814 : i32 to vector<16xi32>
          %min3A_1816 = arith.minsi %max3A_1813, %min3A_1815 : vector<16xi32>
          %swap3A_1817 = arith.index_cast %add3A_1747 : i32 to index
          %swap3A_1818 = arith.constant 96 : index
          %swap3A_1819 = tpu.vector_load %arg23[%swap3A_1817, %swap3A_1818] {strides = array<i32>} : memref<64x128xi32, #tpu.memory_space<vmem>>, vector<16xi32>,
          tpu.vector_store %arg23[%swap3A_1817, %swap3A_1818], %min3A_1816 {strides = array<i32>} : memref<64x128xi32, #tpu.memory_space<vmem>>, vector<16xi32>,
          %add3A_1820 = arith.constant 48 : i32
          %add3A_1821 = vector.broadcast %add3A_1820 : i32 to vector<16xi32>
          %add3A_1822 = arith.addi %iota3A, %add3A_1821 : vector<16xi32>
          %add3A_1823 = arith.addi %gather3A_1741, %add3A_1822 : vector<16xi32>
          %shift_right_logical3A_1824 = arith.constant 8 : i32
          %shift_right_logical3A_1825 = vector.broadcast %shift_right_logical3A_1824 : i32 to vector<16xi32>
          %shift_right_logical3A_1826 = arith.shrui %add3A_1823, %shift_right_logical3A_1825 : vector<16xi32>
          %and3A_1827 = arith.constant 255 : i32
          %and3A_1828 = vector.broadcast %and3A_1827 : i32 to vector<16xi32>
          %and3A_1829 = arith.andi %add3A_1823, %and3A_1828 : vector<16xi32>
          %gather3A_1830 = tpu.vector_load_idx %arg19[%shift_right_logical3A_1826, %and3A_1829] : memref<128x256xi32, #tpu.memory_space<vmem>>[vector<16xi32>, vector<16xi32>], vector<16xi32>,
          %swap3A_1831 = arith.index_cast %add3A_1747 : i32 to index
          %swap3A_1832 = arith.constant 112 : index
          %swap3A_1833 = tpu.vector_load %arg21[%swap3A_1831, %swap3A_1832] {strides = array<i32>} : memref<64x128xi32, #tpu.memory_space<vmem>>, vector<16xi32>,
          tpu.vector_store %arg21[%swap3A_1831, %swap3A_1832], %gather3A_1830 {strides = array<i32>} : memref<64x128xi32, #tpu.memory_space<vmem>>, vector<16xi32>,
          %sub3A_1834 = arith.subi %gather3A_1745, %add3A_1822 : vector<16xi32>
          %max3A_1835 = arith.constant 0 : i32
          %max3A_1836 = vector.broadcast %max3A_1835 : i32 to vector<16xi32>
          %max3A_1837 = arith.maxsi %sub3A_1834, %max3A_1836 : vector<16xi32>
          %min3A_1838 = arith.constant 1 : i32
          %min3A_1839 = vector.broadcast %min3A_1838 : i32 to vector<16xi32>
          %min3A_1840 = arith.minsi %max3A_1837, %min3A_1839 : vector<16xi32>
          %swap3A_1841 = arith.index_cast %add3A_1747 : i32 to index
          %swap3A_1842 = arith.constant 112 : index
          %swap3A_1843 = tpu.vector_load %arg23[%swap3A_1841, %swap3A_1842] {strides = array<i32>} : memref<64x128xi32, #tpu.memory_space<vmem>>, vector<16xi32>,
          tpu.vector_store %arg23[%swap3A_1841, %swap3A_1842], %min3A_1840 {strides = array<i32>} : memref<64x128xi32, #tpu.memory_space<vmem>>, vector<16xi32>,
        }
        %scan3A_94 = arith.constant 8 : i32
        %sub3A = arith.constant 1 : i32
        %sub3A_95 = arith.subi %scan3A_31, %sub3A : i32
        %mul3A_96 = arith.constant 128 : i32
        %mul3A_97 = arith.muli %sub3A_95, %mul3A_96 : i32
        %add3A_98 = arith.addi %mul3A_2, %mul3A_97 : i32
        %multiple_of3A = tpu.assume_multiple %add3A_98, 128 : i32
        %jit3A = arith.constant 2 : i32
        %div3A = arith.divsi %multiple_of3A, %jit3A : i32
        %sign3A = arith.constant 0 : i32
        %sign3A_99 = arith.cmpi sgt, %multiple_of3A, %sign3A : i32
        %sign3A_100 = arith.extui %sign3A_99 : i1 to i32
        %sign3A_101 = arith.constant 0 : i32
        %sign3A_102 = arith.cmpi slt, %multiple_of3A, %sign3A_101 : i32
        %sign3A_103 = arith.extui %sign3A_102 : i1 to i32
        %sign3A_104 = arith.subi %sign3A_100, %sign3A_103 : i32
        %sign3A_105 = arith.constant 0 : i32
        %sign3A_106 = arith.cmpi sgt, %jit3A, %sign3A_105 : i32
        %sign3A_107 = arith.extui %sign3A_106 : i1 to i32
        %sign3A_108 = arith.constant 0 : i32
        %sign3A_109 = arith.cmpi slt, %jit3A, %sign3A_108 : i32
        %sign3A_110 = arith.extui %sign3A_109 : i1 to i32
        %sign3A_111 = arith.subi %sign3A_107, %sign3A_110 : i32
        %ne3A = arith.cmpi ne, %sign3A_104, %sign3A_111 : i32
        %rem3A_112 = arith.remsi %multiple_of3A, %jit3A : i32
        %ne3A_113 = arith.constant 0 : i32
        %ne3A_114 = arith.cmpi ne, %rem3A_112, %ne3A_113 : i32
        %and3A_115 = arith.andi %ne3A, %ne3A_114 : i1
        %sub3A_116 = arith.constant 1 : i32
        %sub3A_117 = arith.subi %div3A, %sub3A_116 : i32
        %select_n3A = arith.select %and3A_115, %sub3A_117, %div3A : i32
        %multiple_of3A_118 = tpu.assume_multiple %select_n3A, 64 : i32
        %dma_start3A = arith.constant 0 : i32
        %dma_start3A_119 = tpu.memref_slice %arg7[%multiple_of3A_118, %dma_start3A] : memref<102400x128xi32, #tpu.memory_space<hbm>> -> memref<64x128xi32, #tpu.memory_space<hbm>>
        %dma_start3A_120 = arith.constant 0 : i32
        %dma_start3A_121 = tpu.memref_slice %arg7[%multiple_of3A_118, %dma_start3A_120] : memref<102400x128xi32, #tpu.memory_space<hbm>> -> memref<64x128xi32, #tpu.memory_space<hbm>>
        tpu.enqueue_dma source(%arg21 : memref<64x128xi32, #tpu.memory_space<vmem>>) target(%dma_start3A_121 : memref<64x128xi32, #tpu.memory_space<hbm>>) target_semaphore(%arg28 : memref<!tpu.dma_semaphore, #tpu.memory_space<semaphore_mem>>)
        %dma_start3A_122 = arith.constant 0 : i32
        %dma_start3A_123 = tpu.memref_slice %arg8[%multiple_of3A_118, %dma_start3A_122] : memref<102400x128xi32, #tpu.memory_space<hbm>> -> memref<64x128xi32, #tpu.memory_space<hbm>>
        %dma_start3A_124 = arith.constant 0 : i32
        %dma_start3A_125 = tpu.memref_slice %arg8[%multiple_of3A_118, %dma_start3A_124] : memref<102400x128xi32, #tpu.memory_space<hbm>> -> memref<64x128xi32, #tpu.memory_space<hbm>>
        tpu.enqueue_dma source(%arg23 : memref<64x128xi32, #tpu.memory_space<vmem>>) target(%dma_start3A_125 : memref<64x128xi32, #tpu.memory_space<hbm>>) target_semaphore(%arg28 : memref<!tpu.dma_semaphore, #tpu.memory_space<semaphore_mem>>)
      } else {
      }
    }
    %scan3A_7 = arith.constant 51 : i32
    %dma_wait3A = arith.constant 0 : i32
    %dma_wait3A_8 = arith.constant 0 : i32
    %dma_wait3A_9 = tpu.memref_slice %arg7[%dma_wait3A, %dma_wait3A_8] : memref<102400x128xi32, #tpu.memory_space<hbm>> -> memref<64x128xi32, #tpu.memory_space<hbm>>
    %dma_wait3A_10 = arith.constant 0 : i32
    %dma_wait3A_11 = arith.constant 0 : i32
    %dma_wait3A_12 = tpu.memref_slice %arg7[%dma_wait3A_10, %dma_wait3A_11] : memref<102400x128xi32, #tpu.memory_space<hbm>> -> memref<64x128xi32, #tpu.memory_space<hbm>>
    tpu.wait_dma2 semaphore(%arg27 : memref<!tpu.dma_semaphore, #tpu.memory_space<semaphore_mem>>) src(%arg20 : memref<64x128xi32, #tpu.memory_space<vmem>>) dst(%dma_wait3A_12 : memref<64x128xi32, #tpu.memory_space<hbm>>)
    %dma_wait3A_13 = arith.constant 0 : i32
    %dma_wait3A_14 = arith.constant 0 : i32
    %dma_wait3A_15 = tpu.memref_slice %arg8[%dma_wait3A_13, %dma_wait3A_14] : memref<102400x128xi32, #tpu.memory_space<hbm>> -> memref<64x128xi32, #tpu.memory_space<hbm>>
    %dma_wait3A_16 = arith.constant 0 : i32
    %dma_wait3A_17 = arith.constant 0 : i32
    %dma_wait3A_18 = tpu.memref_slice %arg8[%dma_wait3A_16, %dma_wait3A_17] : memref<102400x128xi32, #tpu.memory_space<hbm>> -> memref<64x128xi32, #tpu.memory_space<hbm>>
    tpu.wait_dma2 semaphore(%arg27 : memref<!tpu.dma_semaphore, #tpu.memory_space<semaphore_mem>>) src(%arg22 : memref<64x128xi32, #tpu.memory_space<vmem>>) dst(%dma_wait3A_18 : memref<64x128xi32, #tpu.memory_space<hbm>>)
    %dma_wait3A_19 = arith.constant 0 : i32
    %dma_wait3A_20 = arith.constant 0 : i32
    %dma_wait3A_21 = tpu.memref_slice %arg7[%dma_wait3A_19, %dma_wait3A_20] : memref<102400x128xi32, #tpu.memory_space<hbm>> -> memref<64x128xi32, #tpu.memory_space<hbm>>
    %dma_wait3A_22 = arith.constant 0 : i32
    %dma_wait3A_23 = arith.constant 0 : i32
    %dma_wait3A_24 = tpu.memref_slice %arg7[%dma_wait3A_22, %dma_wait3A_23] : memref<102400x128xi32, #tpu.memory_space<hbm>> -> memref<64x128xi32, #tpu.memory_space<hbm>>
    tpu.wait_dma2 semaphore(%arg28 : memref<!tpu.dma_semaphore, #tpu.memory_space<semaphore_mem>>) src(%arg21 : memref<64x128xi32, #tpu.memory_space<vmem>>) dst(%dma_wait3A_24 : memref<64x128xi32, #tpu.memory_space<hbm>>)
    %dma_wait3A_25 = arith.constant 0 : i32
    %dma_wait3A_26 = arith.constant 0 : i32
    %dma_wait3A_27 = tpu.memref_slice %arg8[%dma_wait3A_25, %dma_wait3A_26] : memref<102400x128xi32, #tpu.memory_space<hbm>> -> memref<64x128xi32, #tpu.memory_space<hbm>>
    %dma_wait3A_28 = arith.constant 0 : i32
    %dma_wait3A_29 = arith.constant 0 : i32
    %dma_wait3A_30 = tpu.memref_slice %arg8[%dma_wait3A_28, %dma_wait3A_29] : memref<102400x128xi32, #tpu.memory_space<hbm>> -> memref<64x128xi32, #tpu.memory_space<hbm>>
    tpu.wait_dma2 semaphore(%arg28 : memref<!tpu.dma_semaphore, #tpu.memory_space<semaphore_mem>>) src(%arg23 : memref<64x128xi32, #tpu.memory_space<vmem>>) dst(%dma_wait3A_30 : memref<64x128xi32, #tpu.memory_space<hbm>>)
    return
  }
}

</mosaic_0001>

<sc_bundles>
// kernel: kernel.3.cloned.1.call-start
scs
__scs_entry_jumppad:
0x0: {  	(pc) =	sbr.rel $0x88, $3  }
0x1: {  	(tag) =	ssettag $0x0;
	lr =	simm.s32 $0x1  }
0x2: {  	[smem:$0x3F9A] =	sst lr;
	_ =	strace $0xD0000000  }
0x3: {  	_ = 	snop  }
0x4: {  	_ = 	snop  }
0x5: {  	_ = 	snop  }
0x6: {  	_ = 	snop  }
0x7: {  	_ = 	snop  }
__scs_overlays_trampoline_lowered:
0x8: {  	[smem:$0x3FA9] =	sst s0  }
0x9: {  	[smem:$0x3FAA] =	sst s1  }
0xa: {  	[smem:$0x3FAB] =	sst s2  }
0xb: {  	[smem:$0x3FAC] =	sst s3  }
0xc: {  	[smem:$0x3FAD] =	sst s4  }
0xd: {  	[smem:$0x3FAE] =	sst s5  }
0xe: {  	[smem:$0x3FAF] =	sst s6  }
0xf: {  	[smem:$0x3FB0] =	sst s7  }
0x10: {  	[smem:$0x3FB1] =	sst s8  }
0x11: {  	[smem:$0x3FB2] =	sst s9;
	s0 =	simm.s32 @!p0 $0x0  }
0x12: {  	s1 =	sld [smem:$0x3F98];
	s0 =	simm.s32 @p0 $0x1  }
0x13: {  	[smem:$0x3FB3] =	sst s0;
	s0 =	simm.s32 @!p1 $0x0  }
0x14: {  	s2 =	sld [smem:$0x3F97];
	s0 =	simm.s32 @p1 $0x1  }
0x15: {  	[smem:$0x3FB4] =	sst s0;
	s0 =	simm.s32 @!p2 $0x0  }
0x16: {  	s3 =	sld [smem:$0x3FDB];
	s0 =	simm.s32 @p2 $0x1  }
0x17: {  	s4 =	simm.s32 $0x1BF5;
	[smem:$0x3FB6] =	sst s0  }
0x18: {  	s0 =	sld [smem:$0x3F99];
	_ =	swait.ge [sflag:s4], $0x0  }
0x19: {  	s7 =	sld [smem:$0x3F9A]  }
0x1a: {  	s8 =	sadd.s32 $0xFFFFE003, lr  }
0x1b: {  	s9 =	sadd.s32 $0xFFFFFEF7, lr;
	s5 =	simm.s32 $0xFFFFFFFF;
	p2 =	slt.u32 s8, $0xFFFFF086  }
0x1c: {  	p1 =	slt.u32 s9, $0xF7A;
	s5 =	simm.s32 @!p2 $0x0  }
0x1d: {  	s5 =	simm.s32 @p1 $0x1;
	p0 =	seq.s32 s7, s2  }
0x1e: {  	s7 =	smul.u32 @!p0 $0xF7A, s2;
	p2 =	seq.s32 @!p0 s5, $0x0  }
0x1f: {  	s9 =	smul.u32 $0xF7A, s1;
	s8 =	simm.s32 @!p0 $0x1BF5;
	p2 =	por !p2, p0  }
0x20: {  	[sflag:s8] =	ssyncset.s32 @!p0 $0xFFFFF086;
	s6 =	sadd.s32 @!p0 s3, s7;
	s7 =	simm.s32 @!p0 $0x108  }
0x21: {  	s3 =	sadd.s32 s3, s9;
	s6 =	sadd.s32 @!p0 $0x88, s6;
	s7 =	simm.s32 @p2 $0x1082  }
0x22: {  	[simem:s7], [sflag:s8] =	dma.local @!p0 [hbm:s6], $0xF7A  }
0x23: {  	s9 =	sor.u32 $0xD0000000, s2;
	s6 =	simm.s32 $0x108;
	_ =	swait.ge @!p0 [sflag:s8], $0x0  }
0x24: {  	s3 =	sadd.s32 $0x88, s3;
	s6 =	simm.s32 @!p1 $0x1082;
	[sflag:s4] =	ssyncset.s32 $0xFFFFF086  }
0x25: {  	[simem:s6], [sflag:s4] =	dma.local [hbm:s3], $0xF7A  }
0x26: {  	[smem:$0x3F9A] =	sst s1;
	(tag) =	ssettag s2;
	_ =	strace s9  }
0x27: {  	s1 =	sld [smem:$0x3FAA]  }
0x28: {  	s2 =	sld [smem:$0x3FAB]  }
0x29: {  	s4 =	sld [smem:$0x3FAD]  }
0x2a: {  	p0 =	seq.s32 s5, $0x0;
	s5 =	sld [smem:$0x3FAE]  }
0x2b: {  	s6 =	sld [smem:$0x3FAF]  }
0x2c: {  	s7 =	sld [smem:$0x3FB0]  }
0x2d: {  	s3 =	simm.s32 $0x108;
	s8 =	sld [smem:$0x3FB1]  }
0x2e: {  	s3 =	simm.s32 @!p0 $0x1082;
	s9 =	sld [smem:$0x3FB2]  }
0x2f: {  	lr =	sadd.s32 s0, s3;
	s0 =	sld [smem:$0x3FA9]  }
0x30: {  	s3 =	sld [smem:$0x3FAC]  }
0x31: {  	[smem:$0x3FB5] =	sst s10  }
0x32: {  	s10 =	sld [smem:$0x3FB3];
	_ =	sdelay $0x3  }
0x33: {  	p0 =	seq.s32 s10, $0x1;
	s10 =	sld [smem:$0x3FB5];
	_ =	sdelay $0x3  }
0x34: {  	[smem:$0x3FB5] =	sst s10  }
0x35: {  	s10 =	sld [smem:$0x3FB4];
	_ =	sdelay $0x3  }
0x36: {  	p1 =	seq.s32 s10, $0x1;
	s10 =	sld [smem:$0x3FB5];
	_ =	sdelay $0x3  }
0x37: {  	[smem:$0x3FB5] =	sst s10  }
0x38: {  	s10 =	sld [smem:$0x3FB6]  }
0x39: {  	_ = 	snop;
	(pc) =	sbr.ind lr, $3  }
0x3a: {  	_ = 	snop  }
0x3b: {  	_ = 	snop  }
0x3c: {  	p2 =	seq.s32 s10, $0x1;
	s10 =	sld [smem:$0x3FB5]  }
0x3d: {  	_ =	shalt  }
0x3e: {  	_ =	shalt  }
0x3f: {  	_ =	shalt  }
0x40: {  	_ =	shalt  }
0x41: {  	_ =	shalt  }
0x42: {  	_ =	shalt  }
0x43: {  	_ =	shalt  }
0x44: {  	_ =	shalt  }
0x45: {  	_ =	shalt  }
0x46: {  	_ =	shalt  }
0x47: {  	_ =	shalt  }
0x48: {  	_ =	shalt  }
0x49: {  	_ =	shalt  }
0x4a: {  	_ =	shalt  }
0x4b: {  	_ =	shalt  }
0x4c: {  	_ =	shalt  }
0x4d: {  	_ =	shalt  }
0x4e: {  	_ =	shalt  }
0x4f: {  	_ =	shalt  }
0x50: {  	_ =	shalt  }
0x51: {  	_ =	shalt  }
0x52: {  	_ =	shalt  }
0x53: {  	_ =	shalt  }
0x54: {  	_ =	shalt  }
0x55: {  	_ =	shalt  }
0x56: {  	_ =	shalt  }
0x57: {  	_ =	shalt  }
0x58: {  	_ =	shalt  }
0x59: {  	_ =	shalt  }
0x5a: {  	_ =	shalt  }
0x5b: {  	_ =	shalt  }
0x5c: {  	_ =	shalt  }
0x5d: {  	_ =	shalt  }
0x5e: {  	_ =	shalt  }
0x5f: {  	_ =	shalt  }
0x60: {  	_ =	shalt  }
0x61: {  	_ =	shalt  }
0x62: {  	_ =	shalt  }
0x63: {  	_ =	shalt  }
0x64: {  	_ =	shalt  }
0x65: {  	_ =	shalt  }
0x66: {  	_ =	shalt  }
0x67: {  	_ =	shalt  }
0x68: {  	_ =	shalt  }
0x69: {  	_ =	shalt  }
0x6a: {  	_ =	shalt  }
0x6b: {  	_ =	shalt  }
0x6c: {  	_ =	shalt  }
0x6d: {  	_ =	shalt  }
0x6e: {  	_ =	shalt  }
0x6f: {  	_ =	shalt  }
0x70: {  	_ =	shalt  }
0x71: {  	_ =	shalt  }
0x72: {  	_ =	shalt  }
0x73: {  	_ =	shalt  }
0x74: {  	_ =	shalt  }
0x75: {  	_ =	shalt  }
0x76: {  	_ =	shalt  }
0x77: {  	_ =	shalt  }
0x78: {  	_ =	shalt  }
0x79: {  	_ =	shalt  }
0x7a: {  	_ =	shalt  }
0x7b: {  	_ =	shalt  }
0x7c: {  	_ =	shalt  }
0x7d: {  	_ =	shalt  }
0x7e: {  	_ =	shalt  }
0x7f: {  	_ =	shalt  }
0x80: {  	_ =	shalt  }
0x81: {  	_ =	shalt  }
0x82: {  	_ =	shalt  }
0x83: {  	_ =	shalt  }
0x84: {  	_ =	shalt  }
0x85: {  	_ =	shalt  }
0x86: {  	_ =	shalt  }
0x87: {  	_ =	shalt  }
.Lfunc_end0:
.L_simem_size_0:
called_computation.1_lowered:
.L_overlay_start_0:
0x88: {  	s2 =	sld [smem:$0x3FD9]  }
0x89: {  	s3 =	sld [smem:$0x3FFE];
	_ =	sdelay $0x1  }
0x8a: {  	s1 =	srdreg.scid  }
0x8b: {  	s0 =	sand.u32 $0x1, s1  }
0x8c: {  	s14 =	sshll.u32 s0, $0xA;
	s2 =	sadd.s32 s3, s2  }
0x8d: {  	s2 =	sadd.s32 s2, s14  }
0x8e: {  	[smem:$0x3FC1] =	sst s2  }
0x8f: {  	_ = 	snop  }
0x90: {  	s2 =	sld [smem:$0x3FD0];
	_ =	sdelay $0x2  }
0x91: {  	s15 =	simm.s32 $0xA;
	s4 =	simm.s32 $0x10  }
0x92: {  	[smem:s4], [sflag:s15] =	dma.local [hbm:s2], $0x1  }
0x93: {  	_ =	swait.eq [sflag:s15], $0x1  }
0x94: {  	[sflag:s15] =	ssyncset.done $0x0  }
0x95: {  	s16 =	sld [smem:$0x10];
	[sflag:s15] =	ssyncadd.s32 $0xFFFFFFFF  }
0x96: {  	s17 =	sld [smem:$0x11];
	(tm) =	ssettm $0x1  }
0x97: {  	s18 =	sld [smem:$0x3FFB];
	_ =	sdelay $0x3  }
0x98: {  	_ =	strace s18  }
0x99: {  	s4 =	sld [smem:$0x3FFC];
	_ =	sdelay $0x3  }
0x9a: {  	_ =	strace s4  }
0x9b: {  	s4 =	sld [smem:$0x3FFD];
	_ =	sdelay $0x3  }
0x9c: {  	_ =	strace s4  }
0x9d: {  	_ =	strace $0x8FFFFFFF  }
0x9e: {  	s19 =	sld [smem:$0x3FDB];
	_ =	sdelay $0x1  }
0x9f: {  	s5 =	simm.s32 $_scs_section_size  }
0xa0: {  	s6 =	simm.s32 $_size__tile_overlayer_lowered;
	s7 =	simm.s32 $_tile_overlayer_lowered  }
0xa1: {  	s22 =	simm.s32 $0x1BFF;
	s21 =	sshll.u32 s7, $0x1;
	s4 =	sadd.s32 s5, s19  }
0xa2: {  	s8 =	simm.s32 $0x0;
	s20 =	sshll.u32 s6, $0x1;
	s6 =	sadd.s32 s21, s4  }
0xa3: {  	[timem:s8], [sflag:s22] =	dma.local [hbm:s6], s20  }
0xa4: {  	_ =	swait.ge [sflag:s22], s20  }
0xa5: {  	s5 =	ssub.s32 $0x0, s20;
	[sflag:s22] =	ssyncset.done $0x0  }
0xa6: {  	[sflag:s22] =	ssyncadd.s32 s5;
	_ =	sdelay $0x1  }
0xa7: {  	s23 =	simm.s32 $0x1B8B  }
0xa8: {  	_ =	swait.ge [sflag:s23], $0x1  }
0xa9: {  	[sflag:s23] =	ssyncset.done $0x0  }
0xaa: {  	s25 =	simm.s32 $0x1B8E;
	s24 =	sld [smem:$0x3FFE];
	[sflag:s23] =	ssyncadd.s32 $0xFFFFFFFF  }
0xab: {  	s26 =	simm.s32 $execute0_lowered;
	[smem:$0x3FD2] =	sst s25  }
0xac: {  	s6 =	sshll.u32 s26, $0x1;
	_ =	strace $0x80000046;
	[dreg:$0x1] =	wrdreg $0xFFFFFFFF  }
0xad: {  	s28 =	simm.s32 $_size_execute0_lowered;
	s4 =	sadd.s32 s4, s6;
	[dreg:$0x0] =	wrdreg $0x0  }
0xae: {  	s6 =	sshll.u32 s28, $0x1;
	[dreg:$0x2] =	wrdreg s4  }
0xaf: {  	[dreg:$0x3] =	wrdreg s6  }
0xb0: {  	[dreg:$0x4] =	wrdreg $0xC0  }
0xb1: {  	_ =	task [dreg:s8], $0x5FFFF  }
0xb2: {  	[dreg:$0x1] =	wrdreg $0xFFFFFFFF  }
0xb3: {  	[dreg:$0x0] =	wrdreg $0x60  }
0xb4: {  	[dreg:$0x2] =	wrdreg s17  }
0xb5: {  	[dreg:$0x3] =	wrdreg s24  }
0xb6: {  	[dreg:$0x4] =	wrdreg s16  }
0xb7: {  	[dreg:$0x5] =	wrdreg $0x9  }
0xb8: {  	_ =	task.clear_ibuf [dreg:s8], $0x6FFFF;
	_ =	strace $0x90000046  }
0xb9: {  	s29 =	simm.s32 $0x9;
	_ =	strace $0x80000048  }
0xba: {  	_ =	swait.ge [sflag:s29], $0x1  }
0xbb: {  	[sflag:s29] =	ssyncadd.s32 $0xFFFFFFFF  }
0xbc: {  	_ =	strace $0x90000048  }
0xbd: {  	_ =	sfence  }
0xbe: {  	s30 =	sld [smem:$0x0];
	_ =	sdelay $0x2  }
0xbf: {  	s31 =	sshll.u32 s1, $0xD;
	s1 =	sshrl.u32 s1, $0x2  }
0xc0: {  	s3 =	sand.u32 $0x4000, s31;
	s1 =	sadd.s32 s1, s30  }
0xc1: {  	s0 =	sor.u32 s3, s0;
	s1 =	sshll.u32 s1, $0x11  }
0xc2: {  	s0 =	sor.u32 s1, s0  }
0xc3: {  	s0 =	sadd.s32 $0x8F2B, s0  }
0xc4: {  	[sflag:s0] =	ssyncadd.remote.s32 $0x1  }
0xc5: {  	_ =	sfence.sel $0xFFFF  }
0xc6: {  	[dreg:$0x0] =	wrdreg $0xFFFFFFFF;
	(pc) =	sbr.abs _section_cstart, $3  }
0xc7: {  	[dreg:$0x1] =	wrdreg $0xFFFFFFFF  }
0xc8: {  	_ =	task.clear_ibuf [dreg:s8], $0x2FFFF;
	_ =	strace $0x9FFFFFFF  }
0xc9: {  	(tm) =	ssettm $0x7FFFFFFF  }
tec
execute0_lowered:
.L_overlay_start_1:
0x0: {  	(tag) =	ssettag $0x1  }
0x1: {  	s1 =	rddreg [dreg:$0x0]  }
0x2: {  	s0 =	rddreg [dreg:$0x1]  }
0x3: {  	s2 =	rddreg [dreg:$0x2];
	s4 =	simm.s32 $0x0  }
0x4: {  	s3 =	srdreg.scid;
	s6 =	stileid.u32;
	s13 =	simm.s32 $0x5  }
0x5: {  	s14 =	simm.s32 $0x2;
	s15 =	simm.s32 $0x700;
	s17 =	simm.s32 $0x14700  }
0x6: {  	s18 =	simm.s32 $0x3;
	s19 =	simm.s32 $0x8700;
	s20 =	simm.s32 $0x12700  }
0x7: {  	s21 =	simm.s32 $0x16700;
	s22 =	simm.s32 $0x4;
	s23 =	simm.s32 $0x6;
	v0 =	vlaneseq.u32  }
0x8: {  	s24 =	simm.s32 $0x80;
	s26 =	simm.s32 $0x100;
	s29 =	simm.s32 $0x180;
	v1 =	vimm.s32 $0x6;
	v4 =	vimm.s32 $0x8;
	v5 =	vimm.s32 $0x0  }
0x9: {  	s31 =	simm.s32 $0x1;
	v6 =	vimm.s32 $0x3;
	v7 =	vimm.s32 $0x1;
	v14 =	vimm.s32 $0x2;
	[smem:$0x7FF] =	sst s4;
	s5 =	sadd.s32 $0x2200, s0  }
0xa: {  	v15 =	vimm.s32 $0x4;
	v16 =	vimm.s32 $0x5;
	v17 =	vimm.s32 $0x7;
	s3 =	sand.u32 $0x1, s3;
	s7 =	sshll.u32 s6, $0x1;
	s6 =	sadd.s32 $0x8600, s0  }
.Ltmp0:
0xb: {  	v18 =	vimm.s32 $0x9;
	v19 =	vimm.s32 $0xA;
	v20 =	vimm.s32 $0xB;
	s8 =	sadd.s32 $0x13FE00, s0;
	s10 =	ssub.s32 $0x2, s3;
	(pc) =	sbr.rel .LBB2_1-.Ltmp0, $4  }
0xc: {  	v21 =	vimm.s32 $0xC;
	v22 =	vimm.s32 $0xD;
	v23 =	vimm.s32 $0xE;
	s9 =	sadd.s32 $0x2CFE00, s0;
	s3 =	sor.u32 s3, s7;
	s11 =	sshrl.u32 s10, $0x1  }
0xd: {  	v24 =	vimm.s32 $0xF;
	v2 =	vmul.u32 $0x100, v0;
	v3 =	vmul.u32 $0xFFFFFFFF, v0;
	_ =	strace $0x80000047;
	s12 =	smul.u32 $0xC800, s3;
	s30 =	ssub.s32 s10, s11  }
0xe: {  	v8 =	vor.u32 $0x10, v0;
	v10 =	vor.u32 $0x20, v0;
	v12 =	vor.u32 $0x30, v0;
	s7 =	sadd.s32 $0xEA00, s0;
	s10 =	smul.u32 $0x1900, s3;
	s0 =	smax.u32 s30, $0x1  }
0xf: {  	v9 =	vadd.s32 $0xFFFFFFF0, v3;
	v11 =	vadd.s32 $0xFFFFFFE0, v3;
	v13 =	vadd.s32 $0xFFFFFFD0, v3;
	s3 =	simm.s32 $0x0;
	s12 =	sadd.s32 $0xFFFFFC00, s12;
	[dreg:$0x4] =	wrdreg s0  }
.LBB2_20:
0x10: {  	_ =	swait.ge [sflag:s22], $0x2000  }
0x11: {  	[sflag:s22] =	ssyncset.done $0x0  }
0x12: {  	[sflag:s22] =	ssyncadd.s32 $0xFFFFE000  }
0x13: {  	_ =	swait.ge [sflag:s22], $0x2000  }
0x14: {  	[sflag:s22] =	ssyncset.done $0x0  }
0x15: {  	[sflag:s22] =	ssyncadd.s32 $0xFFFFE000  }
0x16: {  	_ =	swait.ge [sflag:s13], $0x2000  }
0x17: {  	[sflag:s13] =	ssyncset.done $0x0  }
0x18: {  	[sflag:s13] =	ssyncadd.s32 $0xFFFFE000  }
0x19: {  	_ =	swait.ge [sflag:s13], $0x2000  }
0x1a: {  	s3 =	rddreg [dreg:$0x5]  }
0x1b: {  	s0 =	rddreg [dreg:$0x4];
	s3 =	sadd.s32 $0x1, s3  }
0x1c: {  	p0 =	sne.s32 s3, s0  }
.Ltmp1:
0x1d: {  	_ = 	snop;
	(pc) =	sbr.rel @!p0 .LBB2_21-.Ltmp1, $3  }
0x1e: {  	_ =	sdelay $0x1  }
0x1f: {  	[sflag:s13] =	ssyncset.done $0x0  }
0x20: {  	[sflag:s13] =	ssyncadd.s32 $0xFFFFE000  }
.LBB2_1:
.Ltmp2:
0x21: {  	(pc) =	sbr.rel .LBB2_2-.Ltmp2, $2  }
0x22: {  	_ =	sdelay $0x2  }
0x23: {  	[dreg:$0x5] =	wrdreg s3;
	s0 =	simm.s32 $0x0  }
.LBB2_19:
0x24: {  	s0 =	sadd.s32 $0x1, s0  }
0x25: {  	p0 =	sne.s32 s0, $0x33  }
.Ltmp3:
0x26: {  	_ = 	snop;
	(pc) =	sbr.rel @!p0 .LBB2_20-.Ltmp3, $1  }
0x27: {  	_ =	sdelay $0x3  }
.LBB2_2:
0x28: {  	p0 =	seq.s32 s0, $0x32  }
.Ltmp4:
0x29: {  	_ = 	snop;
	(pc) =	sbr.rel @p0 .LBB2_8-.Ltmp4, $2  }
0x2a: {  	_ =	sdelay $0x2  }
0x2b: {  	s3 =	sand.u32 $0x1, s0  }
0x2c: {  	s11 =	sshll.u32 s0, $0x7  }
0x2d: {  	s11 =	sadd.s32 s10, s11  }
0x2e: {  	s11 =	sshrl.u32 s11, $0x3  }
0x2f: {  	s16 =	sadd.s32 s1, s11  }
0x30: {  	[tilespmem:s4], [sflag:$0x6] =	stream.linear.gather [hbm4b:s16+s4], $0x80, $0x38;
	[tilespmem:$0x18700] =	vst v63  }
0x31: {  	_ =	swait.ge [sflag:s23], $0x80  }
0x32: {  	p1 =	sne.s32 s3, $0x0;
	[sflag:s23] =	ssyncset.done $0x0  }
.Ltmp5:
0x33: {  	s30 =	sadd.s32 s5, s11;
	[sflag:s23] =	ssyncadd.s32 $0xFFFFFF80;
	(pc) =	sbr.rel @p1 .LBB2_5-.Ltmp5, $4  }
0x34: {  	[tilespmem:s24], [sflag:$0x6] =	stream.linear.gather [hbm4b:s30+s4], $0x80, $0x38;
	[tilespmem:$0x18700] =	vst v63  }
0x35: {  	_ =	swait.ge [sflag:s23], $0x80  }
0x36: {  	[sflag:s23] =	ssyncset.done $0x0  }
0x37: {  	s11 =	sadd.s32 s6, s11;
	[sflag:s23] =	ssyncadd.s32 $0xFFFFFF80  }
0x38: {  	s16 =	simm.s32 $0x200  }
0x39: {  	[tilespmem:s16], [sflag:$0x6] =	stream.linear.gather [hbm4b:s11+s4], $0x80, $0x38;
	[tilespmem:$0x18700] =	vst v63  }
0x3a: {  	_ =	swait.ge [sflag:s23], $0x80  }
0x3b: {  	[sflag:s23] =	ssyncset.done $0x0  }
0x3c: {  	[sflag:s23] =	ssyncadd.s32 $0xFFFFFF80  }
0x3d: {  	v25 =	vld [tilespmem:$0x0]  }
0x3e: {  	v26 =	vld [tilespmem:$0x80]  }
0x3f: {  	v27 =	vld [tilespmem:$0x200]  }
0x40: {  	v28 =	vld [tilespmem:$0x10]  }
0x41: {  	v29 =	vld [tilespmem:$0x90]  }
0x42: {  	v30 =	vld [tilespmem:$0x210]  }
0x43: {  	v31 =	vld [tilespmem:$0x20]  }
0x44: {  	v32 =	vld [tilespmem:$0xA0]  }
0x45: {  	v33 =	vld [tilespmem:$0x220]  }
0x46: {  	v34 =	vld [tilespmem:$0x30]  }
0x47: {  	v35 =	vld [tilespmem:$0xB0]  }
0x48: {  	v36 =	vld [tilespmem:$0x230]  }
0x49: {  	v37 =	vld [tilespmem:$0x40];
	v25 =	vmul.u32 $0xC350, v25  }
0x4a: {  	v38 =	vld [tilespmem:$0xC0];
	v27 =	vmul.u32 $0x4C4B41, v27  }
0x4b: {  	v57 =	vld [tilespmem:$0x240];
	v25 =	vadd.s32 v26, v25;
	v26 =	vmul.u32 $0xC350, v28  }
0x4c: {  	v58 =	vld [tilespmem:$0x50];
	v25 =	vadd.s32 v27, v25;
	v27 =	vmul.u32 $0x4C4B41, v30  }
0x4d: {  	v60 =	vld [tilespmem:$0xD0];
	v59 =	vmul.u32 $0xC350, v31;
	[tilespmem:$0x100] =	vst v25;
	v25 =	vadd.s32 $0x1, v25;
	v26 =	vadd.s32 v29, v26  }
0x4e: {  	v62 =	vld [tilespmem:$0x60];
	[tilespmem:$0x180] =	vst v25;
	v25 =	vadd.s32 v27, v26;
	v26 =	vmul.u32 $0x4C4B41, v33  }
0x4f: {  	v61 =	vmul.u32 $0xC350, v34;
	v29 =	vadd.s32 v32, v59;
	v27 =	vld [tilespmem:$0x250];
	[tilespmem:$0x110] =	vst v25;
	v25 =	vadd.s32 $0x1, v25  }
0x50: {  	v63 =	vld [tilespmem:$0xE0];
	[tilespmem:$0x190] =	vst v25;
	v25 =	vadd.s32 v26, v29;
	v26 =	vmul.u32 $0x4C4B41, v36  }
0x51: {  	v32 =	vadd.s32 v35, v61;
	v36 =	vmul.u32 $0xC350, v37;
	v37 =	vld [tilespmem:$0x260];
	[tilespmem:$0x120] =	vst v25;
	v25 =	vadd.s32 $0x1, v25  }
0x52: {  	v39 =	vld [tilespmem:$0x70];
	[tilespmem:$0x1A0] =	vst v25;
	v25 =	vadd.s32 v26, v32;
	v26 =	vmul.u32 $0x4C4B41, v57  }
0x53: {  	v41 =	vld [tilespmem:$0x270];
	v30 =	vmul.u32 $0xC350, v58;
	v40 =	vadd.s32 v38, v36;
	[tilespmem:$0x130] =	vst v25;
	v25 =	vadd.s32 $0x1, v25  }
0x54: {  	[tilespmem:$0x1B0] =	vst v25;
	v25 =	vadd.s32 v26, v40;
	v26 =	vmul.u32 $0x4C4B41, v27;
	v27 =	vld [tilespmem:$0xF0]  }
0x55: {  	v42 =	vmul.u32 $0xC350, v62;
	v30 =	vadd.s32 v60, v30;
	[tilespmem:$0x140] =	vst v25;
	v25 =	vadd.s32 $0x1, v25  }
0x56: {  	[tilespmem:$0x1C0] =	vst v25;
	v25 =	vadd.s32 v26, v30;
	v26 =	vmul.u32 $0x4C4B41, v37  }
0x57: {  	v28 =	vmul.u32 $0xC350, v39;
	v29 =	vadd.s32 v63, v42;
	[tilespmem:$0x150] =	vst v25;
	v25 =	vadd.s32 $0x1, v25  }
0x58: {  	[tilespmem:$0x1D0] =	vst v25;
	v25 =	vadd.s32 v26, v29;
	v26 =	vmul.u32 $0x4C4B41, v41  }
0x59: {  	[tilespmem:$0x160] =	vst v25;
	v25 =	vadd.s32 $0x1, v25;
	v27 =	vadd.s32 v27, v28  }
0x5a: {  	[tilespmem:$0x1E0] =	vst v25;
	v25 =	vadd.s32 v26, v27  }
0x5b: {  	[tilespmem:$0x170] =	vst v25;
	v25 =	vadd.s32 $0x1, v25  }
0x5c: {  	s25 =	simm.s32 $0x300;
	[tilespmem:$0x1F0] =	vst v25  }
0x5d: {  	[tilespmem:s25], [sflag:$0x1] =	stream.indirect.gather [hbm4b:s7+s24], $0x1, s26, s24, $0xb8;
	[tilespmem:$0x18700] =	vst v63  }
0x5e: {  	s28 =	simm.s32 $0x380  }
0x5f: {  	[tilespmem:s28], [sflag:$0x1] =	stream.indirect.gather [hbm4b:s7+s24], $0x1, s29, s24, $0xb8;
	[tilespmem:$0x18700] =	vst v63  }
0x60: {  	_ =	swait.ge [sflag:s31], $0x80  }
0x61: {  	[sflag:s31] =	ssyncset.done $0x0  }
0x62: {  	[sflag:s31] =	ssyncadd.s32 $0xFFFFFF80  }
0x63: {  	_ =	swait.ge [sflag:s31], $0x80  }
0x64: {  	[sflag:s31] =	ssyncset.done $0x0  }
0x65: {  	[sflag:s31] =	ssyncadd.s32 $0xFFFFFF80  }
0x66: {  	v25 =	vld [tilespmem:$0x200]  }
0x67: {  	v26 =	vld [tilespmem:$0x300]  }
0x68: {  	v27 =	vld [tilespmem:$0x210]  }
0x69: {  	v43 =	vld [tilespmem:$0x310]  }
0x6a: {  	v44 =	vld [tilespmem:$0x220]  }
0x6b: {  	v45 =	vld [tilespmem:$0x320];
	v25 =	vmul.u32 $0x4C4C40, v25  }
0x6c: {  	v46 =	vld [tilespmem:$0x230]  }
0x6d: {  	v47 =	vld [tilespmem:$0x240];
	v25 =	vadd.s32 v26, v25;
	v26 =	vmul.u32 $0x4C4C40, v27  }
0x6e: {  	v27 =	vld [tilespmem:$0x330]  }
0x6f: {  	v50 =	vld [tilespmem:$0x250];
	v49 =	vmul.u32 $0x4C4C40, v44;
	v25 =	vshrl.u32 v25, $0x7;
	v26 =	vadd.s32 v43, v26  }
0x70: {  	v51 =	vld [tilespmem:$0x340];
	[tilespmem:$0x500] =	vst v25;
	v26 =	vshrl.u32 v26, $0x7  }
0x71: {  	v52 =	vmul.u32 $0x4C4C40, v46;
	v28 =	vadd.s32 v45, v49;
	[tilespmem:$0x510] =	vst v26;
	v26 =	vadd.s32 $0x1, v26  }
0x72: {  	v53 =	vld [tilespmem:$0x350];
	[tilespmem:$0x590] =	vst v26;
	v26 =	vshrl.u32 v28, $0x7  }
0x73: {  	v55 =	vld [tilespmem:$0x260];
	v54 =	vmul.u32 $0x4C4C40, v47;
	v27 =	vadd.s32 v27, v52;
	[tilespmem:$0x520] =	vst v26;
	v26 =	vadd.s32 $0x1, v26  }
0x74: {  	v56 =	vld [tilespmem:$0x360];
	[tilespmem:$0x5A0] =	vst v26;
	v26 =	vshrl.u32 v27, $0x7  }
0x75: {  	v57 =	vld [tilespmem:$0x270];
	v28 =	vadd.s32 v51, v54;
	v27 =	vmul.u32 $0x4C4C40, v50;
	[tilespmem:$0x530] =	vst v26;
	v26 =	vadd.s32 $0x1, v26  }
0x76: {  	v62 =	vor.u32 $0x8, v0;
	[tilespmem:$0x5B0] =	vst v26;
	v26 =	vshrl.u32 v28, $0x7  }
0x77: {  	v59 =	vand.u32 $0x7, v0;
	v58 =	vld [tilespmem:$0x370];
	v27 =	vadd.s32 v53, v27;
	[tilespmem:$0x540] =	vst v26;
	v26 =	vadd.s32 $0x1, v26  }
0x78: {  	v60 =	vshrl.u32 v0, $0x3;
	v27 =	vshrl.u32 v27, $0x7;
	[tilespmem:$0x5C0] =	vst v26;
	v26 =	vmul.u32 $0x4C4C40, v55  }
0x79: {  	v31 =	vmul.u32 $0x8, v60;
	v61 =	vperm.xlane v25, v59;
	[tilespmem:$0x550] =	vst v27;
	v27 =	vadd.s32 $0x1, v27  }
0x7a: {  	v48 =	vadd.s32 $0x1, v25;
	[tilespmem:$0x5D0] =	vst v27;
	v27 =	vmul.u32 $0x4C4C40, v57;
	v26 =	vadd.s32 v56, v26  }
0x7b: {  	v25 =	vperm.xlane v25, v62;
	[tilespmem:$0x580] =	vst v48;
	v63 =	vadd.s32 v31, v61;
	v26 =	vshrl.u32 v26, $0x7  }
0x7c: {  	v27 =	vadd.s32 v58, v27;
	[tilespmem:$0x560] =	vst v26;
	v26 =	vadd.s32 $0x1, v26  }
0x7d: {  	v25 =	vadd.s32 v31, v25;
	[tilespmem:$0x5E0] =	vst v26;
	v26 =	vshrl.u32 v27, $0x7  }
0x7e: {  	[tilespmem:$0x570] =	vst v26;
	v26 =	vadd.s32 $0x1, v26  }
0x7f: {  	vm0 =	vmmov $0xff;
	[tilespmem:$0x5F0] =	vst v26  }
0x80: {  	[tilespmem:s15], [sflag:$0x2] =	stream.indirect_vreg.gather [hbm4b:s2+s4], $0x80, v63, vm0, $0xb8;
	[tilespmem:$0x18700] =	vst v63  }
0x81: {  	s30 =	simm.s32 $0xF00  }
0x82: {  	[tilespmem:s30], [sflag:$0x2] =	stream.indirect_vreg.gather [hbm4b:s2+s4], $0x80, v25, vm0, $0xb8;
	[tilespmem:$0x18700] =	vst v63  }
0x83: {  	v25 =	vld [tilespmem:$0x510];
	_ =	sdelay $0x4  }
0x84: {  	v26 =	vperm.xlane v25, v59;
	_ =	sdelay $0x1  }
0x85: {  	v25 =	vperm.xlane v25, v62;
	v26 =	vadd.s32 v31, v26;
	_ =	sdelay $0x1  }
0x86: {  	v25 =	vadd.s32 v31, v25;
	_ =	sdelay $0x1  }
0x87: {  	s25 =	simm.s32 $0x1700  }
0x88: {  	[tilespmem:s25], [sflag:$0x2] =	stream.indirect_vreg.gather [hbm4b:s2+s4], $0x80, v26, vm0, $0xb8;
	[tilespmem:$0x18700] =	vst v63  }
0x89: {  	s28 =	simm.s32 $0x1F00  }
0x8a: {  	[tilespmem:s28], [sflag:$0x2] =	stream.indirect_vreg.gather [hbm4b:s2+s4], $0x80, v25, vm0, $0xb8;
	[tilespmem:$0x18700] =	vst v63  }
0x8b: {  	v25 =	vld [tilespmem:$0x520];
	_ =	sdelay $0x4  }
0x8c: {  	v26 =	vperm.xlane v25, v59;
	_ =	sdelay $0x1  }
0x8d: {  	v25 =	vperm.xlane v25, v62;
	v26 =	vadd.s32 v31, v26;
	_ =	sdelay $0x1  }
0x8e: {  	v25 =	vadd.s32 v31, v25;
	_ =	sdelay $0x1  }
0x8f: {  	s30 =	simm.s32 $0x2700  }
0x90: {  	[tilespmem:s30], [sflag:$0x2] =	stream.indirect_vreg.gather [hbm4b:s2+s4], $0x80, v26, vm0, $0xb8;
	[tilespmem:$0x18700] =	vst v63  }
0x91: {  	s25 =	simm.s32 $0x2F00  }
0x92: {  	[tilespmem:s25], [sflag:$0x2] =	stream.indirect_vreg.gather [hbm4b:s2+s4], $0x80, v25, vm0, $0xb8;
	[tilespmem:$0x18700] =	vst v63  }
0x93: {  	v25 =	vld [tilespmem:$0x530];
	_ =	sdelay $0x4  }
0x94: {  	v26 =	vperm.xlane v25, v59;
	_ =	sdelay $0x1  }
0x95: {  	v25 =	vperm.xlane v25, v62;
	v26 =	vadd.s32 v31, v26;
	_ =	sdelay $0x1  }
0x96: {  	v25 =	vadd.s32 v31, v25;
	_ =	sdelay $0x1  }
0x97: {  	s28 =	simm.s32 $0x3700  }
0x98: {  	[tilespmem:s28], [sflag:$0x2] =	stream.indirect_vreg.gather [hbm4b:s2+s4], $0x80, v26, vm0, $0xb8;
	[tilespmem:$0x18700] =	vst v63  }
0x99: {  	s30 =	simm.s32 $0x3F00  }
0x9a: {  	[tilespmem:s30], [sflag:$0x2] =	stream.indirect_vreg.gather [hbm4b:s2+s4], $0x80, v25, vm0, $0xb8;
	[tilespmem:$0x18700] =	vst v63  }
0x9b: {  	v25 =	vld [tilespmem:$0x540];
	_ =	sdelay $0x4  }
0x9c: {  	v26 =	vperm.xlane v25, v59;
	_ =	sdelay $0x1  }
0x9d: {  	v25 =	vperm.xlane v25, v62;
	v26 =	vadd.s32 v31, v26;
	_ =	sdelay $0x1  }
0x9e: {  	v25 =	vadd.s32 v31, v25;
	_ =	sdelay $0x1  }
0x9f: {  	s25 =	simm.s32 $0x4700  }
0xa0: {  	[tilespmem:s25], [sflag:$0x2] =	stream.indirect_vreg.gather [hbm4b:s2+s4], $0x80, v26, vm0, $0xb8;
	[tilespmem:$0x18700] =	vst v63  }
0xa1: {  	s28 =	simm.s32 $0x4F00  }
0xa2: {  	[tilespmem:s28], [sflag:$0x2] =	stream.indirect_vreg.gather [hbm4b:s2+s4], $0x80, v25, vm0, $0xb8;
	[tilespmem:$0x18700] =	vst v63  }
0xa3: {  	v25 =	vld [tilespmem:$0x550];
	_ =	sdelay $0x4  }
0xa4: {  	v26 =	vperm.xlane v25, v59;
	_ =	sdelay $0x1  }
0xa5: {  	v25 =	vperm.xlane v25, v62;
	v26 =	vadd.s32 v31, v26;
	_ =	sdelay $0x1  }
0xa6: {  	v25 =	vadd.s32 v31, v25;
	_ =	sdelay $0x1  }
0xa7: {  	s30 =	simm.s32 $0x5700  }
0xa8: {  	[tilespmem:s30], [sflag:$0x2] =	stream.indirect_vreg.gather [hbm4b:s2+s4], $0x80, v26, vm0, $0xb8;
	[tilespmem:$0x18700] =	vst v63  }
0xa9: {  	s25 =	simm.s32 $0x5F00  }
0xaa: {  	[tilespmem:s25], [sflag:$0x2] =	stream.indirect_vreg.gather [hbm4b:s2+s4], $0x80, v25, vm0, $0xb8;
	[tilespmem:$0x18700] =	vst v63  }
0xab: {  	v25 =	vld [tilespmem:$0x560];
	_ =	sdelay $0x4  }
0xac: {  	v26 =	vperm.xlane v25, v59;
	_ =	sdelay $0x1  }
0xad: {  	v25 =	vperm.xlane v25, v62;
	v26 =	vadd.s32 v31, v26;
	_ =	sdelay $0x1  }
0xae: {  	v25 =	vadd.s32 v31, v25;
	_ =	sdelay $0x1  }
0xaf: {  	s28 =	simm.s32 $0x6700  }
0xb0: {  	[tilespmem:s28], [sflag:$0x2] =	stream.indirect_vreg.gather [hbm4b:s2+s4], $0x80, v26, vm0, $0xb8;
	[tilespmem:$0x18700] =	vst v63  }
0xb1: {  	s30 =	simm.s32 $0x6F00  }
0xb2: {  	[tilespmem:s30], [sflag:$0x2] =	stream.indirect_vreg.gather [hbm4b:s2+s4], $0x80, v25, vm0, $0xb8;
	[tilespmem:$0x18700] =	vst v63  }
0xb3: {  	v25 =	vld [tilespmem:$0x570];
	_ =	sdelay $0x4  }
0xb4: {  	v26 =	vperm.xlane v25, v59;
	_ =	sdelay $0x1  }
0xb5: {  	v25 =	vperm.xlane v25, v62;
	v26 =	vadd.s32 v31, v26;
	_ =	sdelay $0x1  }
0xb6: {  	v25 =	vadd.s32 v31, v25;
	_ =	sdelay $0x1  }
0xb7: {  	s25 =	simm.s32 $0x7700  }
0xb8: {  	[tilespmem:s25], [sflag:$0x2] =	stream.indirect_vreg.gather [hbm4b:s2+s4], $0x80, v26, vm0, $0xb8;
	[tilespmem:$0x18700] =	vst v63  }
0xb9: {  	s28 =	simm.s32 $0x7F00  }
0xba: {  	[tilespmem:s28], [sflag:$0x2] =	stream.indirect_vreg.gather [hbm4b:s2+s4], $0x80, v25, vm0, $0xb8;
	[tilespmem:$0x18700] =	vst v63  }
0xbb: {  	v25 =	vld [tilespmem:$0x580];
	_ =	sdelay $0x4  }
0xbc: {  	v26 =	vperm.xlane v25, v59;
	_ =	sdelay $0x1  }
0xbd: {  	v25 =	vperm.xlane v25, v62;
	v26 =	vadd.s32 v31, v26;
	_ =	sdelay $0x1  }
0xbe: {  	v25 =	vadd.s32 v31, v25;
	_ =	sdelay $0x1  }
0xbf: {  	s30 =	simm.s32 $0xB00  }
0xc0: {  	[tilespmem:s30], [sflag:$0x2] =	stream.indirect_vreg.gather [hbm4b:s2+s4], $0x80, v26, vm0, $0xb8;
	[tilespmem:$0x18700] =	vst v63  }
0xc1: {  	s25 =	simm.s32 $0x1300  }
0xc2: {  	[tilespmem:s25], [sflag:$0x2] =	stream.indirect_vreg.gather [hbm4b:s2+s4], $0x80, v25, vm0, $0xb8;
	[tilespmem:$0x18700] =	vst v63  }
0xc3: {  	v25 =	vld [tilespmem:$0x590];
	_ =	sdelay $0x4  }
0xc4: {  	v26 =	vperm.xlane v25, v59;
	_ =	sdelay $0x1  }
0xc5: {  	v25 =	vperm.xlane v25, v62;
	v26 =	vadd.s32 v31, v26;
	_ =	sdelay $0x1  }
0xc6: {  	v25 =	vadd.s32 v31, v25;
	_ =	sdelay $0x1  }
0xc7: {  	s28 =	simm.s32 $0x1B00  }
0xc8: {  	[tilespmem:s28], [sflag:$0x2] =	stream.indirect_vreg.gather [hbm4b:s2+s4], $0x80, v26, vm0, $0xb8;
	[tilespmem:$0x18700] =	vst v63  }
0xc9: {  	s30 =	simm.s32 $0x2300  }
0xca: {  	[tilespmem:s30], [sflag:$0x2] =	stream.indirect_vreg.gather [hbm4b:s2+s4], $0x80, v25, vm0, $0xb8;
	[tilespmem:$0x18700] =	vst v63  }
0xcb: {  	v25 =	vld [tilespmem:$0x5A0];
	_ =	sdelay $0x4  }
0xcc: {  	v26 =	vperm.xlane v25, v59;
	_ =	sdelay $0x1  }
0xcd: {  	v25 =	vperm.xlane v25, v62;
	v26 =	vadd.s32 v31, v26;
	_ =	sdelay $0x1  }
0xce: {  	v25 =	vadd.s32 v31, v25;
	_ =	sdelay $0x1  }
0xcf: {  	s25 =	simm.s32 $0x2B00  }
0xd0: {  	[tilespmem:s25], [sflag:$0x2] =	stream.indirect_vreg.gather [hbm4b:s2+s4], $0x80, v26, vm0, $0xb8;
	[tilespmem:$0x18700] =	vst v63  }
0xd1: {  	s28 =	simm.s32 $0x3300  }
0xd2: {  	[tilespmem:s28], [sflag:$0x2] =	stream.indirect_vreg.gather [hbm4b:s2+s4], $0x80, v25, vm0, $0xb8;
	[tilespmem:$0x18700] =	vst v63  }
0xd3: {  	v25 =	vld [tilespmem:$0x5B0];
	_ =	sdelay $0x4  }
0xd4: {  	v26 =	vperm.xlane v25, v59;
	_ =	sdelay $0x1  }
0xd5: {  	v25 =	vperm.xlane v25, v62;
	v26 =	vadd.s32 v31, v26;
	_ =	sdelay $0x1  }
0xd6: {  	v25 =	vadd.s32 v31, v25;
	_ =	sdelay $0x1  }
0xd7: {  	s30 =	simm.s32 $0x3B00  }
0xd8: {  	[tilespmem:s30], [sflag:$0x2] =	stream.indirect_vreg.gather [hbm4b:s2+s4], $0x80, v26, vm0, $0xb8;
	[tilespmem:$0x18700] =	vst v63  }
0xd9: {  	s25 =	simm.s32 $0x4300  }
0xda: {  	[tilespmem:s25], [sflag:$0x2] =	stream.indirect_vreg.gather [hbm4b:s2+s4], $0x80, v25, vm0, $0xb8;
	[tilespmem:$0x18700] =	vst v63  }
0xdb: {  	v25 =	vld [tilespmem:$0x5C0];
	_ =	sdelay $0x4  }
0xdc: {  	v26 =	vperm.xlane v25, v59;
	_ =	sdelay $0x1  }
0xdd: {  	v25 =	vperm.xlane v25, v62;
	v26 =	vadd.s32 v31, v26;
	_ =	sdelay $0x1  }
0xde: {  	v25 =	vadd.s32 v31, v25;
	_ =	sdelay $0x1  }
0xdf: {  	s28 =	simm.s32 $0x4B00  }
0xe0: {  	[tilespmem:s28], [sflag:$0x2] =	stream.indirect_vreg.gather [hbm4b:s2+s4], $0x80, v26, vm0, $0xb8;
	[tilespmem:$0x18700] =	vst v63  }
0xe1: {  	s30 =	simm.s32 $0x5300  }
0xe2: {  	[tilespmem:s30], [sflag:$0x2] =	stream.indirect_vreg.gather [hbm4b:s2+s4], $0x80, v25, vm0, $0xb8;
	[tilespmem:$0x18700] =	vst v63  }
0xe3: {  	v25 =	vld [tilespmem:$0x5D0];
	_ =	sdelay $0x4  }
0xe4: {  	v26 =	vperm.xlane v25, v59;
	_ =	sdelay $0x1  }
0xe5: {  	v25 =	vperm.xlane v25, v62;
	v26 =	vadd.s32 v31, v26;
	_ =	sdelay $0x1  }
0xe6: {  	v25 =	vadd.s32 v31, v25;
	_ =	sdelay $0x1  }
0xe7: {  	s25 =	simm.s32 $0x5B00  }
0xe8: {  	[tilespmem:s25], [sflag:$0x2] =	stream.indirect_vreg.gather [hbm4b:s2+s4], $0x80, v26, vm0, $0xb8;
	[tilespmem:$0x18700] =	vst v63  }
0xe9: {  	s28 =	simm.s32 $0x6300  }
0xea: {  	[tilespmem:s28], [sflag:$0x2] =	stream.indirect_vreg.gather [hbm4b:s2+s4], $0x80, v25, vm0, $0xb8;
	[tilespmem:$0x18700] =	vst v63  }
0xeb: {  	v25 =	vld [tilespmem:$0x5E0];
	_ =	sdelay $0x4  }
0xec: {  	v26 =	vperm.xlane v25, v59;
	_ =	sdelay $0x1  }
0xed: {  	v25 =	vperm.xlane v25, v62;
	v26 =	vadd.s32 v31, v26;
	_ =	sdelay $0x1  }
0xee: {  	v25 =	vadd.s32 v31, v25;
	_ =	sdelay $0x1  }
0xef: {  	s30 =	simm.s32 $0x6B00  }
0xf0: {  	[tilespmem:s30], [sflag:$0x2] =	stream.indirect_vreg.gather [hbm4b:s2+s4], $0x80, v26, vm0, $0xb8;
	[tilespmem:$0x18700] =	vst v63  }
0xf1: {  	s25 =	simm.s32 $0x7300  }
0xf2: {  	[tilespmem:s25], [sflag:$0x2] =	stream.indirect_vreg.gather [hbm4b:s2+s4], $0x80, v25, vm0, $0xb8;
	[tilespmem:$0x18700] =	vst v63  }
0xf3: {  	v25 =	vld [tilespmem:$0x5F0];
	_ =	sdelay $0x4  }
0xf4: {  	v26 =	vperm.xlane v25, v59;
	_ =	sdelay $0x1  }
0xf5: {  	v25 =	vperm.xlane v25, v62;
	v26 =	vadd.s32 v31, v26;
	_ =	sdelay $0x1  }
0xf6: {  	v25 =	vadd.s32 v31, v25;
	_ =	sdelay $0x1  }
0xf7: {  	s28 =	simm.s32 $0x7B00  }
0xf8: {  	[tilespmem:s28], [sflag:$0x2] =	stream.indirect_vreg.gather [hbm4b:s2+s4], $0x80, v26, vm0, $0xb8;
	[tilespmem:$0x18700] =	vst v63  }
0xf9: {  	s30 =	simm.s32 $0x8300  }
0xfa: {  	[tilespmem:s30], [sflag:$0x2] =	stream.indirect_vreg.gather [hbm4b:s2+s4], $0x80, v25, vm0, $0xb8;
	[tilespmem:$0x18700] =	vst v63  }
.LBB2_5:
0xfb: {  	p0 =	seq.s32 s3, $0x0  }
.Ltmp6:
0xfc: {  	_ = 	snop;
	(pc) =	sbr.rel @p0 .LBB2_8-.Ltmp6, $1  }
0xfd: {  	_ =	sdelay $0x3  }
0xfe: {  	s16 =	simm.s32 $0x280  }
0xff: {  	[tilespmem:s16], [sflag:$0x6] =	stream.linear.gather [hbm4b:s11+s4], $0x80, $0x38;
	[tilespmem:$0x18700] =	vst v63  }
0x100: {  	_ =	swait.ge [sflag:s23], $0x80  }
0x101: {  	[sflag:s23] =	ssyncset.done $0x0  }
0x102: {  	[sflag:s23] =	ssyncadd.s32 $0xFFFFFF80  }
0x103: {  	v25 =	vld [tilespmem:$0x0]  }
0x104: {  	v26 =	vld [tilespmem:$0x80]  }
0x105: {  	v27 =	vld [tilespmem:$0x280]  }
0x106: {  	v28 =	vld [tilespmem:$0x10]  }
0x107: {  	v29 =	vld [tilespmem:$0x90]  }
0x108: {  	v30 =	vld [tilespmem:$0x290]  }
0x109: {  	v31 =	vld [tilespmem:$0x20]  }
0x10a: {  	v32 =	vld [tilespmem:$0xA0]  }
0x10b: {  	v33 =	vld [tilespmem:$0x2A0]  }
0x10c: {  	v34 =	vld [tilespmem:$0x30]  }
0x10d: {  	v35 =	vld [tilespmem:$0xB0]  }
0x10e: {  	v36 =	vld [tilespmem:$0x2B0]  }
0x10f: {  	v37 =	vld [tilespmem:$0x40];
	v25 =	vmul.u32 $0xC350, v25  }
0x110: {  	v38 =	vld [tilespmem:$0xC0];
	v27 =	vmul.u32 $0x4C4B41, v27  }
0x111: {  	v57 =	vld [tilespmem:$0x2C0];
	v25 =	vadd.s32 v26, v25;
	v26 =	vmul.u32 $0xC350, v28  }
0x112: {  	v58 =	vld [tilespmem:$0x50];
	v25 =	vadd.s32 v27, v25;
	v27 =	vmul.u32 $0x4C4B41, v30  }
0x113: {  	v60 =	vld [tilespmem:$0xD0];
	v59 =	vmul.u32 $0xC350, v31;
	[tilespmem:$0x100] =	vst v25;
	v25 =	vadd.s32 $0x1, v25;
	v26 =	vadd.s32 v29, v26  }
0x114: {  	v62 =	vld [tilespmem:$0x60];
	[tilespmem:$0x180] =	vst v25;
	v25 =	vadd.s32 v27, v26;
	v26 =	vmul.u32 $0x4C4B41, v33  }
0x115: {  	v61 =	vmul.u32 $0xC350, v34;
	v29 =	vadd.s32 v32, v59;
	v27 =	vld [tilespmem:$0x2D0];
	[tilespmem:$0x110] =	vst v25;
	v25 =	vadd.s32 $0x1, v25  }
0x116: {  	v63 =	vld [tilespmem:$0xE0];
	[tilespmem:$0x190] =	vst v25;
	v25 =	vadd.s32 v26, v29;
	v26 =	vmul.u32 $0x4C4B41, v36  }
0x117: {  	v32 =	vadd.s32 v35, v61;
	v36 =	vmul.u32 $0xC350, v37;
	v37 =	vld [tilespmem:$0x2E0];
	[tilespmem:$0x120] =	vst v25;
	v25 =	vadd.s32 $0x1, v25  }
0x118: {  	v39 =	vld [tilespmem:$0x70];
	[tilespmem:$0x1A0] =	vst v25;
	v25 =	vadd.s32 v26, v32;
	v26 =	vmul.u32 $0x4C4B41, v57  }
0x119: {  	v41 =	vld [tilespmem:$0x2F0];
	v30 =	vmul.u32 $0xC350, v58;
	v40 =	vadd.s32 v38, v36;
	[tilespmem:$0x130] =	vst v25;
	v25 =	vadd.s32 $0x1, v25  }
0x11a: {  	[tilespmem:$0x1B0] =	vst v25;
	v25 =	vadd.s32 v26, v40;
	v26 =	vmul.u32 $0x4C4B41, v27;
	v27 =	vld [tilespmem:$0xF0]  }
0x11b: {  	v42 =	vmul.u32 $0xC350, v62;
	v30 =	vadd.s32 v60, v30;
	[tilespmem:$0x140] =	vst v25;
	v25 =	vadd.s32 $0x1, v25  }
0x11c: {  	[tilespmem:$0x1C0] =	vst v25;
	v25 =	vadd.s32 v26, v30;
	v26 =	vmul.u32 $0x4C4B41, v37  }
0x11d: {  	v28 =	vmul.u32 $0xC350, v39;
	v29 =	vadd.s32 v63, v42;
	[tilespmem:$0x150] =	vst v25;
	v25 =	vadd.s32 $0x1, v25  }
0x11e: {  	[tilespmem:$0x1D0] =	vst v25;
	v25 =	vadd.s32 v26, v29;
	v26 =	vmul.u32 $0x4C4B41, v41  }
0x11f: {  	[tilespmem:$0x160] =	vst v25;
	v25 =	vadd.s32 $0x1, v25;
	v27 =	vadd.s32 v27, v28  }
0x120: {  	[tilespmem:$0x1E0] =	vst v25;
	v25 =	vadd.s32 v26, v27  }
0x121: {  	[tilespmem:$0x170] =	vst v25;
	v25 =	vadd.s32 $0x1, v25  }
0x122: {  	s30 =	simm.s32 $0x400;
	[tilespmem:$0x1F0] =	vst v25  }
0x123: {  	[tilespmem:s30], [sflag:$0x1] =	stream.indirect.gather [hbm4b:s7+s24], $0x1, s26, s24, $0xb8;
	[tilespmem:$0x18700] =	vst v63  }
0x124: {  	s16 =	simm.s32 $0x480  }
0x125: {  	[tilespmem:s16], [sflag:$0x1] =	stream.indirect.gather [hbm4b:s7+s24], $0x1, s29, s24, $0xb8;
	[tilespmem:$0x18700] =	vst v63  }
0x126: {  	_ =	swait.ge [sflag:s31], $0x80  }
0x127: {  	[sflag:s31] =	ssyncset.done $0x0  }
0x128: {  	[sflag:s31] =	ssyncadd.s32 $0xFFFFFF80  }
0x129: {  	_ =	swait.ge [sflag:s31], $0x80  }
0x12a: {  	[sflag:s31] =	ssyncset.done $0x0  }
0x12b: {  	[sflag:s31] =	ssyncadd.s32 $0xFFFFFF80  }
0x12c: {  	v25 =	vld [tilespmem:$0x280]  }
0x12d: {  	v26 =	vld [tilespmem:$0x400]  }
0x12e: {  	v27 =	vld [tilespmem:$0x290]  }
0x12f: {  	v43 =	vld [tilespmem:$0x410]  }
0x130: {  	v44 =	vld [tilespmem:$0x2A0]  }
0x131: {  	v45 =	vld [tilespmem:$0x420];
	v25 =	vmul.u32 $0x4C4C40, v25  }
0x132: {  	v46 =	vld [tilespmem:$0x2B0]  }
0x133: {  	v47 =	vld [tilespmem:$0x2C0];
	v25 =	vadd.s32 v26, v25;
	v26 =	vmul.u32 $0x4C4C40, v27  }
0x134: {  	v27 =	vld [tilespmem:$0x430]  }
0x135: {  	v50 =	vld [tilespmem:$0x2D0];
	v49 =	vmul.u32 $0x4C4C40, v44;
	v25 =	vshrl.u32 v25, $0x7;
	v26 =	vadd.s32 v43, v26  }
0x136: {  	v51 =	vld [tilespmem:$0x440];
	[tilespmem:$0x600] =	vst v25;
	v26 =	vshrl.u32 v26, $0x7  }
0x137: {  	v52 =	vmul.u32 $0x4C4C40, v46;
	v28 =	vadd.s32 v45, v49;
	[tilespmem:$0x610] =	vst v26;
	v26 =	vadd.s32 $0x1, v26  }
0x138: {  	v53 =	vld [tilespmem:$0x450];
	[tilespmem:$0x690] =	vst v26;
	v26 =	vshrl.u32 v28, $0x7  }
0x139: {  	v55 =	vld [tilespmem:$0x2E0];
	v54 =	vmul.u32 $0x4C4C40, v47;
	v27 =	vadd.s32 v27, v52;
	[tilespmem:$0x620] =	vst v26;
	v26 =	vadd.s32 $0x1, v26  }
0x13a: {  	v56 =	vld [tilespmem:$0x460];
	[tilespmem:$0x6A0] =	vst v26;
	v26 =	vshrl.u32 v27, $0x7  }
0x13b: {  	v57 =	vld [tilespmem:$0x2F0];
	v28 =	vadd.s32 v51, v54;
	v27 =	vmul.u32 $0x4C4C40, v50;
	[tilespmem:$0x630] =	vst v26;
	v26 =	vadd.s32 $0x1, v26  }
0x13c: {  	v62 =	vor.u32 $0x8, v0;
	[tilespmem:$0x6B0] =	vst v26;
	v26 =	vshrl.u32 v28, $0x7  }
0x13d: {  	v59 =	vand.u32 $0x7, v0;
	v58 =	vld [tilespmem:$0x470];
	v27 =	vadd.s32 v53, v27;
	[tilespmem:$0x640] =	vst v26;
	v26 =	vadd.s32 $0x1, v26  }
0x13e: {  	v60 =	vshrl.u32 v0, $0x3;
	v27 =	vshrl.u32 v27, $0x7;
	[tilespmem:$0x6C0] =	vst v26;
	v26 =	vmul.u32 $0x4C4C40, v55  }
0x13f: {  	v31 =	vmul.u32 $0x8, v60;
	v61 =	vperm.xlane v25, v59;
	[tilespmem:$0x650] =	vst v27;
	v27 =	vadd.s32 $0x1, v27  }
0x140: {  	v48 =	vadd.s32 $0x1, v25;
	[tilespmem:$0x6D0] =	vst v27;
	v27 =	vmul.u32 $0x4C4C40, v57;
	v26 =	vadd.s32 v56, v26  }
0x141: {  	v25 =	vperm.xlane v25, v62;
	[tilespmem:$0x680] =	vst v48;
	v63 =	vadd.s32 v31, v61;
	v26 =	vshrl.u32 v26, $0x7  }
0x142: {  	v27 =	vadd.s32 v58, v27;
	[tilespmem:$0x660] =	vst v26;
	v26 =	vadd.s32 $0x1, v26  }
0x143: {  	v25 =	vadd.s32 v31, v25;
	[tilespmem:$0x6E0] =	vst v26;
	v26 =	vshrl.u32 v27, $0x7  }
0x144: {  	[tilespmem:$0x670] =	vst v26;
	v26 =	vadd.s32 $0x1, v26  }
0x145: {  	vm0 =	vmmov $0xff;
	[tilespmem:$0x6F0] =	vst v26  }
0x146: {  	[tilespmem:s19], [sflag:$0x3] =	stream.indirect_vreg.gather [hbm4b:s2+s4], $0x80, v63, vm0, $0xb8;
	[tilespmem:$0x18700] =	vst v63  }
0x147: {  	s25 =	simm.s32 $0x8F00  }
0x148: {  	[tilespmem:s25], [sflag:$0x3] =	stream.indirect_vreg.gather [hbm4b:s2+s4], $0x80, v25, vm0, $0xb8;
	[tilespmem:$0x18700] =	vst v63  }
0x149: {  	v25 =	vld [tilespmem:$0x610];
	_ =	sdelay $0x4  }
0x14a: {  	v26 =	vperm.xlane v25, v59;
	_ =	sdelay $0x1  }
0x14b: {  	v25 =	vperm.xlane v25, v62;
	v26 =	vadd.s32 v31, v26;
	_ =	sdelay $0x1  }
0x14c: {  	v25 =	vadd.s32 v31, v25;
	_ =	sdelay $0x1  }
0x14d: {  	s28 =	simm.s32 $0x9700  }
0x14e: {  	[tilespmem:s28], [sflag:$0x3] =	stream.indirect_vreg.gather [hbm4b:s2+s4], $0x80, v26, vm0, $0xb8;
	[tilespmem:$0x18700] =	vst v63  }
0x14f: {  	s30 =	simm.s32 $0x9F00  }
0x150: {  	[tilespmem:s30], [sflag:$0x3] =	stream.indirect_vreg.gather [hbm4b:s2+s4], $0x80, v25, vm0, $0xb8;
	[tilespmem:$0x18700] =	vst v63  }
0x151: {  	v25 =	vld [tilespmem:$0x620];
	_ =	sdelay $0x4  }
0x152: {  	v26 =	vperm.xlane v25, v59;
	_ =	sdelay $0x1  }
0x153: {  	v25 =	vperm.xlane v25, v62;
	v26 =	vadd.s32 v31, v26;
	_ =	sdelay $0x1  }
0x154: {  	v25 =	vadd.s32 v31, v25;
	_ =	sdelay $0x1  }
0x155: {  	s16 =	simm.s32 $0xA700  }
0x156: {  	[tilespmem:s16], [sflag:$0x3] =	stream.indirect_vreg.gather [hbm4b:s2+s4], $0x80, v26, vm0, $0xb8;
	[tilespmem:$0x18700] =	vst v63  }
0x157: {  	s25 =	simm.s32 $0xAF00  }
0x158: {  	[tilespmem:s25], [sflag:$0x3] =	stream.indirect_vreg.gather [hbm4b:s2+s4], $0x80, v25, vm0, $0xb8;
	[tilespmem:$0x18700] =	vst v63  }
0x159: {  	v25 =	vld [tilespmem:$0x630];
	_ =	sdelay $0x4  }
0x15a: {  	v26 =	vperm.xlane v25, v59;
	_ =	sdelay $0x1  }
0x15b: {  	v25 =	vperm.xlane v25, v62;
	v26 =	vadd.s32 v31, v26;
	_ =	sdelay $0x1  }
0x15c: {  	v25 =	vadd.s32 v31, v25;
	_ =	sdelay $0x1  }
0x15d: {  	s28 =	simm.s32 $0xB700  }
0x15e: {  	[tilespmem:s28], [sflag:$0x3] =	stream.indirect_vreg.gather [hbm4b:s2+s4], $0x80, v26, vm0, $0xb8;
	[tilespmem:$0x18700] =	vst v63  }
0x15f: {  	s30 =	simm.s32 $0xBF00  }
0x160: {  	[tilespmem:s30], [sflag:$0x3] =	stream.indirect_vreg.gather [hbm4b:s2+s4], $0x80, v25, vm0, $0xb8;
	[tilespmem:$0x18700] =	vst v63  }
0x161: {  	v25 =	vld [tilespmem:$0x640];
	_ =	sdelay $0x4  }
0x162: {  	v26 =	vperm.xlane v25, v59;
	_ =	sdelay $0x1  }
0x163: {  	v25 =	vperm.xlane v25, v62;
	v26 =	vadd.s32 v31, v26;
	_ =	sdelay $0x1  }
0x164: {  	v25 =	vadd.s32 v31, v25;
	_ =	sdelay $0x1  }
0x165: {  	s16 =	simm.s32 $0xC700  }
0x166: {  	[tilespmem:s16], [sflag:$0x3] =	stream.indirect_vreg.gather [hbm4b:s2+s4], $0x80, v26, vm0, $0xb8;
	[tilespmem:$0x18700] =	vst v63  }
0x167: {  	s25 =	simm.s32 $0xCF00  }
0x168: {  	[tilespmem:s25], [sflag:$0x3] =	stream.indirect_vreg.gather [hbm4b:s2+s4], $0x80, v25, vm0, $0xb8;
	[tilespmem:$0x18700] =	vst v63  }
0x169: {  	v25 =	vld [tilespmem:$0x650];
	_ =	sdelay $0x4  }
0x16a: {  	v26 =	vperm.xlane v25, v59;
	_ =	sdelay $0x1  }
0x16b: {  	v25 =	vperm.xlane v25, v62;
	v26 =	vadd.s32 v31, v26;
	_ =	sdelay $0x1  }
0x16c: {  	v25 =	vadd.s32 v31, v25;
	_ =	sdelay $0x1  }
0x16d: {  	s28 =	simm.s32 $0xD700  }
0x16e: {  	[tilespmem:s28], [sflag:$0x3] =	stream.indirect_vreg.gather [hbm4b:s2+s4], $0x80, v26, vm0, $0xb8;
	[tilespmem:$0x18700] =	vst v63  }
0x16f: {  	s30 =	simm.s32 $0xDF00  }
0x170: {  	[tilespmem:s30], [sflag:$0x3] =	stream.indirect_vreg.gather [hbm4b:s2+s4], $0x80, v25, vm0, $0xb8;
	[tilespmem:$0x18700] =	vst v63  }
0x171: {  	v25 =	vld [tilespmem:$0x660];
	_ =	sdelay $0x4  }
0x172: {  	v26 =	vperm.xlane v25, v59;
	_ =	sdelay $0x1  }
0x173: {  	v25 =	vperm.xlane v25, v62;
	v26 =	vadd.s32 v31, v26;
	_ =	sdelay $0x1  }
0x174: {  	v25 =	vadd.s32 v31, v25;
	_ =	sdelay $0x1  }
0x175: {  	s16 =	simm.s32 $0xE700  }
0x176: {  	[tilespmem:s16], [sflag:$0x3] =	stream.indirect_vreg.gather [hbm4b:s2+s4], $0x80, v26, vm0, $0xb8;
	[tilespmem:$0x18700] =	vst v63  }
0x177: {  	s25 =	simm.s32 $0xEF00  }
0x178: {  	[tilespmem:s25], [sflag:$0x3] =	stream.indirect_vreg.gather [hbm4b:s2+s4], $0x80, v25, vm0, $0xb8;
	[tilespmem:$0x18700] =	vst v63  }
0x179: {  	v25 =	vld [tilespmem:$0x670];
	_ =	sdelay $0x4  }
0x17a: {  	v26 =	vperm.xlane v25, v59;
	_ =	sdelay $0x1  }
0x17b: {  	v25 =	vperm.xlane v25, v62;
	v26 =	vadd.s32 v31, v26;
	_ =	sdelay $0x1  }
0x17c: {  	v25 =	vadd.s32 v31, v25;
	_ =	sdelay $0x1  }
0x17d: {  	s28 =	simm.s32 $0xF700  }
0x17e: {  	[tilespmem:s28], [sflag:$0x3] =	stream.indirect_vreg.gather [hbm4b:s2+s4], $0x80, v26, vm0, $0xb8;
	[tilespmem:$0x18700] =	vst v63  }
0x17f: {  	s30 =	simm.s32 $0xFF00  }
0x180: {  	[tilespmem:s30], [sflag:$0x3] =	stream.indirect_vreg.gather [hbm4b:s2+s4], $0x80, v25, vm0, $0xb8;
	[tilespmem:$0x18700] =	vst v63  }
0x181: {  	v25 =	vld [tilespmem:$0x680];
	_ =	sdelay $0x4  }
0x182: {  	v26 =	vperm.xlane v25, v59;
	_ =	sdelay $0x1  }
0x183: {  	v25 =	vperm.xlane v25, v62;
	v26 =	vadd.s32 v31, v26;
	_ =	sdelay $0x1  }
0x184: {  	v25 =	vadd.s32 v31, v25;
	_ =	sdelay $0x1  }
0x185: {  	s16 =	simm.s32 $0x8B00  }
0x186: {  	[tilespmem:s16], [sflag:$0x3] =	stream.indirect_vreg.gather [hbm4b:s2+s4], $0x80, v26, vm0, $0xb8;
	[tilespmem:$0x18700] =	vst v63  }
0x187: {  	s25 =	simm.s32 $0x9300  }
0x188: {  	[tilespmem:s25], [sflag:$0x3] =	stream.indirect_vreg.gather [hbm4b:s2+s4], $0x80, v25, vm0, $0xb8;
	[tilespmem:$0x18700] =	vst v63  }
0x189: {  	v25 =	vld [tilespmem:$0x690];
	_ =	sdelay $0x4  }
0x18a: {  	v26 =	vperm.xlane v25, v59;
	_ =	sdelay $0x1  }
0x18b: {  	v25 =	vperm.xlane v25, v62;
	v26 =	vadd.s32 v31, v26;
	_ =	sdelay $0x1  }
0x18c: {  	v25 =	vadd.s32 v31, v25;
	_ =	sdelay $0x1  }
0x18d: {  	s28 =	simm.s32 $0x9B00  }
0x18e: {  	[tilespmem:s28], [sflag:$0x3] =	stream.indirect_vreg.gather [hbm4b:s2+s4], $0x80, v26, vm0, $0xb8;
	[tilespmem:$0x18700] =	vst v63  }
0x18f: {  	s30 =	simm.s32 $0xA300  }
0x190: {  	[tilespmem:s30], [sflag:$0x3] =	stream.indirect_vreg.gather [hbm4b:s2+s4], $0x80, v25, vm0, $0xb8;
	[tilespmem:$0x18700] =	vst v63  }
0x191: {  	v25 =	vld [tilespmem:$0x6A0];
	_ =	sdelay $0x4  }
0x192: {  	v26 =	vperm.xlane v25, v59;
	_ =	sdelay $0x1  }
0x193: {  	v25 =	vperm.xlane v25, v62;
	v26 =	vadd.s32 v31, v26;
	_ =	sdelay $0x1  }
0x194: {  	v25 =	vadd.s32 v31, v25;
	_ =	sdelay $0x1  }
0x195: {  	s16 =	simm.s32 $0xAB00  }
0x196: {  	[tilespmem:s16], [sflag:$0x3] =	stream.indirect_vreg.gather [hbm4b:s2+s4], $0x80, v26, vm0, $0xb8;
	[tilespmem:$0x18700] =	vst v63  }
0x197: {  	s25 =	simm.s32 $0xB300  }
0x198: {  	[tilespmem:s25], [sflag:$0x3] =	stream.indirect_vreg.gather [hbm4b:s2+s4], $0x80, v25, vm0, $0xb8;
	[tilespmem:$0x18700] =	vst v63  }
0x199: {  	v25 =	vld [tilespmem:$0x6B0];
	_ =	sdelay $0x4  }
0x19a: {  	v26 =	vperm.xlane v25, v59;
	_ =	sdelay $0x1  }
0x19b: {  	v25 =	vperm.xlane v25, v62;
	v26 =	vadd.s32 v31, v26;
	_ =	sdelay $0x1  }
0x19c: {  	v25 =	vadd.s32 v31, v25;
	_ =	sdelay $0x1  }
0x19d: {  	s28 =	simm.s32 $0xBB00  }
0x19e: {  	[tilespmem:s28], [sflag:$0x3] =	stream.indirect_vreg.gather [hbm4b:s2+s4], $0x80, v26, vm0, $0xb8;
	[tilespmem:$0x18700] =	vst v63  }
0x19f: {  	s30 =	simm.s32 $0xC300  }
0x1a0: {  	[tilespmem:s30], [sflag:$0x3] =	stream.indirect_vreg.gather [hbm4b:s2+s4], $0x80, v25, vm0, $0xb8;
	[tilespmem:$0x18700] =	vst v63  }
0x1a1: {  	v25 =	vld [tilespmem:$0x6C0];
	_ =	sdelay $0x4  }
0x1a2: {  	v26 =	vperm.xlane v25, v59;
	_ =	sdelay $0x1  }
0x1a3: {  	v25 =	vperm.xlane v25, v62;
	v26 =	vadd.s32 v31, v26;
	_ =	sdelay $0x1  }
0x1a4: {  	v25 =	vadd.s32 v31, v25;
	_ =	sdelay $0x1  }
0x1a5: {  	s16 =	simm.s32 $0xCB00  }
0x1a6: {  	[tilespmem:s16], [sflag:$0x3] =	stream.indirect_vreg.gather [hbm4b:s2+s4], $0x80, v26, vm0, $0xb8;
	[tilespmem:$0x18700] =	vst v63  }
0x1a7: {  	s25 =	simm.s32 $0xD300  }
0x1a8: {  	[tilespmem:s25], [sflag:$0x3] =	stream.indirect_vreg.gather [hbm4b:s2+s4], $0x80, v25, vm0, $0xb8;
	[tilespmem:$0x18700] =	vst v63  }
0x1a9: {  	v25 =	vld [tilespmem:$0x6D0];
	_ =	sdelay $0x4  }
0x1aa: {  	v26 =	vperm.xlane v25, v59;
	_ =	sdelay $0x1  }
0x1ab: {  	v25 =	vperm.xlane v25, v62;
	v26 =	vadd.s32 v31, v26;
	_ =	sdelay $0x1  }
0x1ac: {  	v25 =	vadd.s32 v31, v25;
	_ =	sdelay $0x1  }
0x1ad: {  	s28 =	simm.s32 $0xDB00  }
0x1ae: {  	[tilespmem:s28], [sflag:$0x3] =	stream.indirect_vreg.gather [hbm4b:s2+s4], $0x80, v26, vm0, $0xb8;
	[tilespmem:$0x18700] =	vst v63  }
0x1af: {  	s30 =	simm.s32 $0xE300  }
0x1b0: {  	[tilespmem:s30], [sflag:$0x3] =	stream.indirect_vreg.gather [hbm4b:s2+s4], $0x80, v25, vm0, $0xb8;
	[tilespmem:$0x18700] =	vst v63  }
0x1b1: {  	v25 =	vld [tilespmem:$0x6E0];
	_ =	sdelay $0x4  }
0x1b2: {  	v26 =	vperm.xlane v25, v59;
	_ =	sdelay $0x1  }
0x1b3: {  	v25 =	vperm.xlane v25, v62;
	v26 =	vadd.s32 v31, v26;
	_ =	sdelay $0x1  }
0x1b4: {  	v25 =	vadd.s32 v31, v25;
	_ =	sdelay $0x1  }
0x1b5: {  	s16 =	simm.s32 $0xEB00  }
0x1b6: {  	[tilespmem:s16], [sflag:$0x3] =	stream.indirect_vreg.gather [hbm4b:s2+s4], $0x80, v26, vm0, $0xb8;
	[tilespmem:$0x18700] =	vst v63  }
0x1b7: {  	s25 =	simm.s32 $0xF300  }
0x1b8: {  	[tilespmem:s25], [sflag:$0x3] =	stream.indirect_vreg.gather [hbm4b:s2+s4], $0x80, v25, vm0, $0xb8;
	[tilespmem:$0x18700] =	vst v63  }
0x1b9: {  	v25 =	vld [tilespmem:$0x6F0];
	_ =	sdelay $0x4  }
0x1ba: {  	v26 =	vperm.xlane v25, v59;
	_ =	sdelay $0x1  }
0x1bb: {  	v25 =	vperm.xlane v25, v62;
	v26 =	vadd.s32 v31, v26;
	_ =	sdelay $0x1  }
0x1bc: {  	p0 =	sgt.u32 s0, $0x2;
	v25 =	vadd.s32 v31, v25  }
.Ltmp7:
0x1bd: {  	_ = 	snop;
	(pc) =	sbr.rel @!p0 .LBB2_7-.Ltmp7, $4  }
0x1be: {  	s28 =	simm.s32 $0xFB00  }
0x1bf: {  	[tilespmem:s28], [sflag:$0x3] =	stream.indirect_vreg.gather [hbm4b:s2+s4], $0x80, v26, vm0, $0xb8;
	[tilespmem:$0x18700] =	vst v63  }
0x1c0: {  	s30 =	simm.s32 $0x10300  }
0x1c1: {  	[tilespmem:s30], [sflag:$0x3] =	stream.indirect_vreg.gather [hbm4b:s2+s4], $0x80, v25, vm0, $0xb8;
	[tilespmem:$0x18700] =	vst v63  }
0x1c2: {  	_ =	swait.ge [sflag:s22], $0x2000  }
.Ltmp8:
0x1c3: {  	[sflag:s22] =	ssyncset.done $0x0;
	(pc) =	sbr.rel @p1 .LBB2_12-.Ltmp8, $4  }
.Ltmp9:
0x1c4: {  	[sflag:s22] =	ssyncadd.s32 $0xFFFFE000;
	(pc) =	sbr.rel @!p1 .LBB2_11-.Ltmp9, $4  }
0x1c5: {  	_ =	swait.ge [sflag:s22], $0x2000  }
0x1c6: {  	[sflag:s22] =	ssyncset.done $0x0  }
0x1c7: {  	p0 =	por $0x1, $0x1;
	p2 =	por $0x1, $0x1;
	[sflag:s22] =	ssyncadd.s32 $0xFFFFE000  }
0x1c8: {  	_ = 	snop  }
.LBB2_8:
0x1c9: {  	p1 =	slt.u32 s0, $0x3  }
0x1ca: {  	p0 =	seq.s32 @!p1 s3, $0x0  }
0x1cb: {  	p3 =	por p1, !p0  }
.Ltmp10:
0x1cc: {  	_ = 	snop;
	(pc) =	sbr.rel @p3 .LBB2_9-.Ltmp10, $2  }
0x1cd: {  	_ =	sdelay $0x2  }
0x1ce: {  	p2 =	por $0x0, $0x0;
	p0 =	sne.s32 s0, $0x0  }
.LBB2_11:
0x1cf: {  	_ =	swait.ge [sflag:s13], $0x2000  }
.Ltmp11:
0x1d0: {  	[sflag:s13] =	ssyncset.done $0x0;
	(pc) =	sbr.rel @!p2 .LBB2_15-.Ltmp11, $4  }
.Ltmp12:
0x1d1: {  	[sflag:s13] =	ssyncadd.s32 $0xFFFFE000;
	(pc) =	sbr.rel @p2 .LBB2_12-.Ltmp12, $4  }
0x1d2: {  	_ =	swait.ge [sflag:s13], $0x2000  }
0x1d3: {  	[sflag:s13] =	ssyncset.done $0x0  }
0x1d4: {  	[sflag:s13] =	ssyncadd.s32 $0xFFFFE000  }
0x1d5: {  	_ = 	snop  }
.LBB2_9:
.Ltmp13:
0x1d6: {  	(pc) =	sbr.rel .LBB2_15-.Ltmp13, $2  }
0x1d7: {  	_ =	sdelay $0x2  }
0x1d8: {  	p0 =	por @!p1 p0, p0  }
.LBB2_7:
0x1d9: {  	p0 =	sne.s32 s0, $0x0  }
.LBB2_12:
0x1da: {  	_ =	swait.ge [sflag:s14], $0x4000  }
0x1db: {  	[sflag:s14] =	ssyncset.done $0x0  }
0x1dc: {  	[sflag:s14] =	ssyncadd.s32 $0xFFFFC000  }
0x1dd: {  	s11 =	simm.s32 $0x0;
	_ =	swait.ge [sflag:s14], $0x4000  }
0x1de: {  	s25 =	simm.s32 $0x200;
	s28 =	simm.s32 $0x380;
	[sflag:s14] =	ssyncset.done $0x0  }
0x1df: {  	s30 =	simm.s32 $0x10900;
	s16 =	simm.s32 $0x14900;
	[sflag:s14] =	ssyncadd.s32 $0xFFFFC000  }
.LBB2_13:
0x1e0: {  	v25 =	vld [tilespmem:s25+$0x0]  }
0x1e1: {  	v27 =	vld [tilespmem:s28+$0xFFFFFF80];
	_ =	sdelay $0x3  }
0x1e2: {  	v26 =	vmov s11;
	v25 =	vshll.u32 v25, $0x6  }
0x1e3: {  	v26 =	vshll.u32 v26, $0x8;
	v25 =	vadd.s32 v27, v25  }
0x1e4: {  	v26 =	vor.u32 v2, v26;
	v25 =	vand.u32 $0x7F, v25  }
0x1e5: {  	v26 =	vor.u32 v26, v25  }
0x1e6: {  	v28 =	vperm.xlane v26, v5;
	_ =	sdelay $0x1  }
0x1e7: {  	v25 =	vadd.s32 v0, v28  }
0x1e8: {  	v29 =	vshll.u32 v25, $0x3  }
0x1e9: {  	v30 =	vshrl.u32 v25, $0x1;
	v25 =	vand.u32 $0xFFFFF87F, v25;
	v29 =	vand.u32 $0x400, v29  }
0x1ea: {  	v31 =	vld [tilespmem:s28+$0x0];
	v30 =	vand.u32 $0x380, v30;
	v25 =	vor.u32 v29, v25  }
0x1eb: {  	v29 =	vor.u32 v30, v25;
	_ =	sdelay $0x2  }
0x1ec: {  	v43 =	vadd.s32 v8, v28  }
0x1ed: {  	v25 =	vsub.s32 v31, v27;
	v27 =	vshll.u32 v43, $0x3  }
0x1ee: {  	v44 =	vshrl.u32 v43, $0x1;
	v30 =	vand.u32 $0xFFFFF87F, v43;
	v27 =	vand.u32 $0x400, v27;
	v29 =	vld.idx.msk [tilespmem:v29+s15+$0x0], $0xffff  }
0x1ef: {  	v31 =	vand.u32 $0x380, v44;
	v32 =	vperm.xlane v25, v5;
	v27 =	vor.u32 v27, v30  }
0x1f0: {  	v27 =	vor.u32 v31, v27  }
0x1f1: {  	v45 =	vadd.s32 v3, v32  }
0x1f2: {  	vm0 =	vgt.s32 v45, $0x0  }
0x1f3: {  	v47 =	vadd.s32 v10, v28;
	v46 =	vsel vm0, $0x1, v5;
	[tilespmem:s30+$0xFFFFFE00] =	vst v29  }
0x1f4: {  	v48 =	vshll.u32 v47, $0x3;
	[tilespmem:s16+$0xFFFFFE00] =	vst v46  }
0x1f5: {  	v49 =	vshrl.u32 v47, $0x1;
	v30 =	vand.u32 $0xFFFFF87F, v47;
	v29 =	vand.u32 $0x400, v48;
	v27 =	vld.idx.msk [tilespmem:v27+s15+$0x0], $0xffff  }
0x1f6: {  	v31 =	vand.u32 $0x380, v49;
	v29 =	vor.u32 v29, v30  }
0x1f7: {  	v29 =	vor.u32 v31, v29  }
0x1f8: {  	v50 =	vadd.s32 v9, v32  }
0x1f9: {  	vm13 =	vgt.s32 v50, $0x0  }
0x1fa: {  	v28 =	vadd.s32 v12, v28;
	[tilespmem:s30+$0xFFFFFE10] =	vst v27;
	v27 =	vsel vm13, $0x1, v5  }
0x1fb: {  	[tilespmem:s16+$0xFFFFFE10] =	vst v27;
	v27 =	vshll.u32 v28, $0x3  }
0x1fc: {  	v51 =	vshrl.u32 v28, $0x1;
	v28 =	vand.u32 $0xFFFFF87F, v28;
	v29 =	vld.idx.msk [tilespmem:v29+s15+$0x0], $0xffff;
	v27 =	vand.u32 $0x400, v27  }
0x1fd: {  	v30 =	vand.u32 $0x380, v51;
	v27 =	vor.u32 v27, v28  }
0x1fe: {  	v27 =	vor.u32 v30, v27  }
0x1ff: {  	v53 =	vperm.xlane v26, v7;
	v52 =	vadd.s32 v11, v32  }
0x200: {  	vm14 =	vgt.s32 v52, $0x0  }
0x201: {  	v54 =	vadd.s32 v0, v53;
	v28 =	vsel vm14, $0x1, v5;
	[tilespmem:s30+$0xFFFFFE20] =	vst v29  }
0x202: {  	v55 =	vshll.u32 v54, $0x3;
	[tilespmem:s16+$0xFFFFFE20] =	vst v28  }
0x203: {  	v56 =	vshrl.u32 v54, $0x1;
	v29 =	vand.u32 $0xFFFFF87F, v54;
	v28 =	vand.u32 $0x400, v55;
	v27 =	vld.idx.msk [tilespmem:v27+s15+$0x0], $0xffff  }
0x204: {  	v31 =	vand.u32 $0x380, v56;
	v28 =	vor.u32 v28, v29  }
0x205: {  	v28 =	vor.u32 v31, v28  }
0x206: {  	v57 =	vadd.s32 v13, v32  }
0x207: {  	vm15 =	vgt.s32 v57, $0x0  }
0x208: {  	v58 =	vadd.s32 v8, v53;
	[tilespmem:s30+$0xFFFFFE30] =	vst v27;
	v27 =	vsel vm15, $0x1, v5  }
0x209: {  	[tilespmem:s16+$0xFFFFFE30] =	vst v27;
	v27 =	vshll.u32 v58, $0x3  }
0x20a: {  	v59 =	vshrl.u32 v58, $0x1;
	v29 =	vand.u32 $0xFFFFF87F, v58;
	v28 =	vld.idx.msk [tilespmem:v28+s15+$0x0], $0xffff;
	v27 =	vand.u32 $0x400, v27  }
0x20b: {  	v60 =	vperm.xlane v25, v7;
	v31 =	vand.u32 $0x380, v59;
	v27 =	vor.u32 v27, v29  }
0x20c: {  	v27 =	vor.u32 v31, v27  }
0x20d: {  	v61 =	vadd.s32 v3, v60  }
0x20e: {  	vm4 =	vgt.s32 v61, $0x0  }
0x20f: {  	v63 =	vadd.s32 v10, v53;
	v62 =	vsel vm4, $0x1, v5;
	[tilespmem:s30+$0xFFFFFE40] =	vst v28  }
0x210: {  	v33 =	vshll.u32 v63, $0x3;
	[tilespmem:s16+$0xFFFFFE40] =	vst v62  }
0x211: {  	v34 =	vshrl.u32 v63, $0x1;
	v29 =	vand.u32 $0xFFFFF87F, v63;
	v28 =	vand.u32 $0x400, v33;
	v27 =	vld.idx.msk [tilespmem:v27+s15+$0x0], $0xffff  }
0x212: {  	v31 =	vand.u32 $0x380, v34;
	v28 =	vor.u32 v28, v29  }
0x213: {  	v28 =	vor.u32 v31, v28  }
0x214: {  	v35 =	vadd.s32 v9, v60  }
0x215: {  	vm5 =	vgt.s32 v35, $0x0  }
0x216: {  	v36 =	vadd.s32 v12, v53;
	[tilespmem:s30+$0xFFFFFE50] =	vst v27;
	v27 =	vsel vm5, $0x1, v5  }
0x217: {  	[tilespmem:s16+$0xFFFFFE50] =	vst v27;
	v27 =	vshll.u32 v36, $0x3  }
0x218: {  	v30 =	vshrl.u32 v36, $0x1;
	v29 =	vand.u32 $0xFFFFF87F, v36;
	v28 =	vld.idx.msk [tilespmem:v28+s15+$0x0], $0xffff;
	v27 =	vand.u32 $0x400, v27  }
0x219: {  	v30 =	vand.u32 $0x380, v30;
	v27 =	vor.u32 v27, v29  }
0x21a: {  	v27 =	vor.u32 v30, v27  }
0x21b: {  	v38 =	vperm.xlane v26, v14;
	v37 =	vadd.s32 v11, v60  }
0x21c: {  	vm6 =	vgt.s32 v37, $0x0  }
0x21d: {  	v40 =	vadd.s32 v0, v38;
	v39 =	vsel vm6, $0x1, v5;
	[tilespmem:s30+$0xFFFFFE60] =	vst v28  }
0x21e: {  	v41 =	vshll.u32 v40, $0x3;
	[tilespmem:s16+$0xFFFFFE60] =	vst v39  }
0x21f: {  	v42 =	vshrl.u32 v40, $0x1;
	v29 =	vand.u32 $0xFFFFF87F, v40;
	v28 =	vand.u32 $0x400, v41;
	v27 =	vld.idx.msk [tilespmem:v27+s15+$0x0], $0xffff  }
0x220: {  	v31 =	vand.u32 $0x380, v42;
	v28 =	vor.u32 v28, v29  }
0x221: {  	v28 =	vor.u32 v31, v28  }
0x222: {  	v43 =	vadd.s32 v13, v60  }
0x223: {  	vm7 =	vgt.s32 v43, $0x0  }
0x224: {  	v44 =	vadd.s32 v8, v38;
	[tilespmem:s30+$0xFFFFFE70] =	vst v27;
	v27 =	vsel vm7, $0x1, v5  }
0x225: {  	[tilespmem:s16+$0xFFFFFE70] =	vst v27;
	v27 =	vshll.u32 v44, $0x3  }
0x226: {  	v45 =	vshrl.u32 v44, $0x1;
	v29 =	vand.u32 $0xFFFFF87F, v44;
	v28 =	vld.idx.msk [tilespmem:v28+s15+$0x0], $0xffff;
	v27 =	vand.u32 $0x400, v27  }
0x227: {  	v46 =	vperm.xlane v25, v14;
	v31 =	vand.u32 $0x380, v45;
	v27 =	vor.u32 v27, v29  }
0x228: {  	v27 =	vor.u32 v31, v27  }
0x229: {  	v47 =	vadd.s32 v3, v46  }
0x22a: {  	vm8 =	vgt.s32 v47, $0x0  }
0x22b: {  	v49 =	vadd.s32 v10, v38;
	v48 =	vsel vm8, $0x1, v5;
	[tilespmem:s30+$0xFFFFFE80] =	vst v28  }
0x22c: {  	v50 =	vshll.u32 v49, $0x3;
	[tilespmem:s16+$0xFFFFFE80] =	vst v48  }
0x22d: {  	v51 =	vshrl.u32 v49, $0x1;
	v29 =	vand.u32 $0xFFFFF87F, v49;
	v28 =	vand.u32 $0x400, v50;
	v27 =	vld.idx.msk [tilespmem:v27+s15+$0x0], $0xffff  }
0x22e: {  	v31 =	vand.u32 $0x380, v51;
	v28 =	vor.u32 v28, v29  }
0x22f: {  	v28 =	vor.u32 v31, v28  }
0x230: {  	v52 =	vadd.s32 v9, v46  }
0x231: {  	vm9 =	vgt.s32 v52, $0x0  }
0x232: {  	v53 =	vadd.s32 v12, v38;
	[tilespmem:s30+$0xFFFFFE90] =	vst v27;
	v27 =	vsel vm9, $0x1, v5  }
0x233: {  	[tilespmem:s16+$0xFFFFFE90] =	vst v27;
	v27 =	vshll.u32 v53, $0x3  }
0x234: {  	v30 =	vshrl.u32 v53, $0x1;
	v29 =	vand.u32 $0xFFFFF87F, v53;
	v28 =	vld.idx.msk [tilespmem:v28+s15+$0x0], $0xffff;
	v27 =	vand.u32 $0x400, v27  }
0x235: {  	v30 =	vand.u32 $0x380, v30;
	v27 =	vor.u32 v27, v29  }
0x236: {  	v27 =	vor.u32 v30, v27  }
0x237: {  	v54 =	vadd.s32 v11, v46;
	v55 =	vperm.xlane v26, v6  }
0x238: {  	vm10 =	vgt.s32 v54, $0x0  }
0x239: {  	v56 =	vsel vm10, $0x1, v5;
	v57 =	vadd.s32 v0, v55;
	[tilespmem:s30+$0xFFFFFEA0] =	vst v28  }
0x23a: {  	v58 =	vshll.u32 v57, $0x3;
	[tilespmem:s16+$0xFFFFFEA0] =	vst v56  }
0x23b: {  	v59 =	vshrl.u32 v57, $0x1;
	v29 =	vand.u32 $0xFFFFF87F, v57;
	v28 =	vand.u32 $0x400, v58;
	v27 =	vld.idx.msk [tilespmem:v27+s15+$0x0], $0xffff  }
0x23c: {  	v31 =	vand.u32 $0x380, v59;
	v28 =	vor.u32 v28, v29  }
0x23d: {  	v28 =	vor.u32 v31, v28  }
0x23e: {  	v60 =	vadd.s32 v13, v46  }
0x23f: {  	vm11 =	vgt.s32 v60, $0x0  }
0x240: {  	v61 =	vadd.s32 v8, v55;
	[tilespmem:s30+$0xFFFFFEB0] =	vst v27;
	v27 =	vsel vm11, $0x1, v5  }
0x241: {  	[tilespmem:s16+$0xFFFFFEB0] =	vst v27;
	v27 =	vshll.u32 v61, $0x3  }
0x242: {  	v62 =	vshrl.u32 v61, $0x1;
	v29 =	vand.u32 $0xFFFFF87F, v61;
	v28 =	vld.idx.msk [tilespmem:v28+s15+$0x0], $0xffff;
	v27 =	vand.u32 $0x400, v27  }
0x243: {  	v63 =	vperm.xlane v25, v6;
	v31 =	vand.u32 $0x380, v62;
	v27 =	vor.u32 v27, v29  }
0x244: {  	v27 =	vor.u32 v31, v27  }
0x245: {  	v35 =	vadd.s32 v3, v63  }
0x246: {  	vm12 =	vgt.s32 v35, $0x0  }
0x247: {  	v37 =	vadd.s32 v10, v55;
	v36 =	vsel vm12, $0x1, v5;
	[tilespmem:s30+$0xFFFFFEC0] =	vst v28  }
0x248: {  	v38 =	vshll.u32 v37, $0x3;
	[tilespmem:s16+$0xFFFFFEC0] =	vst v36  }
0x249: {  	v39 =	vshrl.u32 v37, $0x1;
	v29 =	vand.u32 $0xFFFFF87F, v37;
	v28 =	vand.u32 $0x400, v38;
	v27 =	vld.idx.msk [tilespmem:v27+s15+$0x0], $0xffff  }
0x24a: {  	v31 =	vand.u32 $0x380, v39;
	v28 =	vor.u32 v28, v29  }
0x24b: {  	v28 =	vor.u32 v31, v28  }
0x24c: {  	v40 =	vadd.s32 v9, v63  }
0x24d: {  	vm13 =	vgt.s32 v40, $0x0  }
0x24e: {  	v41 =	vadd.s32 v12, v55;
	[tilespmem:s30+$0xFFFFFED0] =	vst v27;
	v27 =	vsel vm13, $0x1, v5  }
0x24f: {  	[tilespmem:s16+$0xFFFFFED0] =	vst v27;
	v27 =	vshll.u32 v41, $0x3  }
0x250: {  	v30 =	vshrl.u32 v41, $0x1;
	v29 =	vand.u32 $0xFFFFF87F, v41;
	v28 =	vld.idx.msk [tilespmem:v28+s15+$0x0], $0xffff;
	v27 =	vand.u32 $0x400, v27  }
0x251: {  	v30 =	vand.u32 $0x380, v30;
	v27 =	vor.u32 v27, v29  }
0x252: {  	v27 =	vor.u32 v30, v27  }
0x253: {  	v43 =	vperm.xlane v26, v15;
	v42 =	vadd.s32 v11, v63  }
0x254: {  	vm14 =	vgt.s32 v42, $0x0  }
0x255: {  	v45 =	vadd.s32 v0, v43;
	v44 =	vsel vm14, $0x1, v5;
	[tilespmem:s30+$0xFFFFFEE0] =	vst v28  }
0x256: {  	v46 =	vshll.u32 v45, $0x3;
	[tilespmem:s16+$0xFFFFFEE0] =	vst v44  }
0x257: {  	v47 =	vshrl.u32 v45, $0x1;
	v29 =	vand.u32 $0xFFFFF87F, v45;
	v28 =	vand.u32 $0x400, v46;
	v27 =	vld.idx.msk [tilespmem:v27+s15+$0x0], $0xffff  }
0x258: {  	v31 =	vand.u32 $0x380, v47;
	v28 =	vor.u32 v28, v29  }
0x259: {  	v28 =	vor.u32 v31, v28  }
0x25a: {  	v48 =	vadd.s32 v13, v63  }
0x25b: {  	vm15 =	vgt.s32 v48, $0x0  }
0x25c: {  	v49 =	vadd.s32 v8, v43;
	[tilespmem:s30+$0xFFFFFEF0] =	vst v27;
	v27 =	vsel vm15, $0x1, v5  }
0x25d: {  	[tilespmem:s16+$0xFFFFFEF0] =	vst v27;
	v27 =	vshll.u32 v49, $0x3  }
0x25e: {  	v50 =	vshrl.u32 v49, $0x1;
	v29 =	vand.u32 $0xFFFFF87F, v49;
	v28 =	vld.idx.msk [tilespmem:v28+s15+$0x0], $0xffff;
	v27 =	vand.u32 $0x400, v27  }
0x25f: {  	v51 =	vperm.xlane v25, v15;
	v31 =	vand.u32 $0x380, v50;
	v27 =	vor.u32 v27, v29  }
0x260: {  	v27 =	vor.u32 v31, v27  }
0x261: {  	v52 =	vadd.s32 v3, v51  }
0x262: {  	vm4 =	vgt.s32 v52, $0x0  }
0x263: {  	v54 =	vadd.s32 v10, v43;
	v53 =	vsel vm4, $0x1, v5;
	[tilespmem:s30+$0xFFFFFF00] =	vst v28  }
0x264: {  	v55 =	vshll.u32 v54, $0x3;
	[tilespmem:s16+$0xFFFFFF00] =	vst v53  }
0x265: {  	v56 =	vshrl.u32 v54, $0x1;
	v29 =	vand.u32 $0xFFFFF87F, v54;
	v28 =	vand.u32 $0x400, v55;
	v27 =	vld.idx.msk [tilespmem:v27+s15+$0x0], $0xffff  }
0x266: {  	v31 =	vand.u32 $0x380, v56;
	v28 =	vor.u32 v28, v29  }
0x267: {  	v28 =	vor.u32 v31, v28  }
0x268: {  	v57 =	vadd.s32 v9, v51  }
0x269: {  	vm5 =	vgt.s32 v57, $0x0  }
0x26a: {  	v58 =	vadd.s32 v12, v43;
	[tilespmem:s30+$0xFFFFFF10] =	vst v27;
	v27 =	vsel vm5, $0x1, v5  }
0x26b: {  	[tilespmem:s16+$0xFFFFFF10] =	vst v27;
	v27 =	vshll.u32 v58, $0x3  }
0x26c: {  	v30 =	vshrl.u32 v58, $0x1;
	v29 =	vand.u32 $0xFFFFF87F, v58;
	v28 =	vld.idx.msk [tilespmem:v28+s15+$0x0], $0xffff;
	v27 =	vand.u32 $0x400, v27  }
0x26d: {  	v30 =	vand.u32 $0x380, v30;
	v27 =	vor.u32 v27, v29  }
0x26e: {  	v27 =	vor.u32 v30, v27  }
0x26f: {  	v60 =	vperm.xlane v26, v16;
	v59 =	vadd.s32 v11, v51  }
0x270: {  	vm6 =	vgt.s32 v59, $0x0  }
0x271: {  	v62 =	vadd.s32 v0, v60;
	v61 =	vsel vm6, $0x1, v5;
	[tilespmem:s30+$0xFFFFFF20] =	vst v28  }
0x272: {  	v63 =	vshll.u32 v62, $0x3;
	[tilespmem:s16+$0xFFFFFF20] =	vst v61  }
0x273: {  	v33 =	vshrl.u32 v62, $0x1;
	v29 =	vand.u32 $0xFFFFF87F, v62;
	v28 =	vand.u32 $0x400, v63;
	v27 =	vld.idx.msk [tilespmem:v27+s15+$0x0], $0xffff  }
0x274: {  	v31 =	vand.u32 $0x380, v33;
	v28 =	vor.u32 v28, v29  }
0x275: {  	v28 =	vor.u32 v31, v28  }
0x276: {  	v34 =	vadd.s32 v13, v51  }
0x277: {  	vm7 =	vgt.s32 v34, $0x0  }
0x278: {  	v35 =	vadd.s32 v8, v60;
	[tilespmem:s30+$0xFFFFFF30] =	vst v27;
	v27 =	vsel vm7, $0x1, v5  }
0x279: {  	[tilespmem:s16+$0xFFFFFF30] =	vst v27;
	v27 =	vshll.u32 v35, $0x3  }
0x27a: {  	v36 =	vshrl.u32 v35, $0x1;
	v29 =	vand.u32 $0xFFFFF87F, v35;
	v28 =	vld.idx.msk [tilespmem:v28+s15+$0x0], $0xffff;
	v27 =	vand.u32 $0x400, v27  }
0x27b: {  	v37 =	vperm.xlane v25, v16;
	v31 =	vand.u32 $0x380, v36;
	v27 =	vor.u32 v27, v29  }
0x27c: {  	v27 =	vor.u32 v31, v27  }
0x27d: {  	v38 =	vadd.s32 v3, v37  }
0x27e: {  	vm8 =	vgt.s32 v38, $0x0  }
0x27f: {  	v40 =	vadd.s32 v10, v60;
	v39 =	vsel vm8, $0x1, v5;
	[tilespmem:s30+$0xFFFFFF40] =	vst v28  }
0x280: {  	v41 =	vshll.u32 v40, $0x3;
	[tilespmem:s16+$0xFFFFFF40] =	vst v39  }
0x281: {  	v42 =	vshrl.u32 v40, $0x1;
	v29 =	vand.u32 $0xFFFFF87F, v40;
	v28 =	vand.u32 $0x400, v41;
	v27 =	vld.idx.msk [tilespmem:v27+s15+$0x0], $0xffff  }
0x282: {  	v31 =	vand.u32 $0x380, v42;
	v28 =	vor.u32 v28, v29  }
0x283: {  	v28 =	vor.u32 v31, v28  }
0x284: {  	v43 =	vadd.s32 v9, v37  }
0x285: {  	vm9 =	vgt.s32 v43, $0x0  }
0x286: {  	v44 =	vadd.s32 v12, v60;
	[tilespmem:s30+$0xFFFFFF50] =	vst v27;
	v27 =	vsel vm9, $0x1, v5  }
0x287: {  	[tilespmem:s16+$0xFFFFFF50] =	vst v27;
	v27 =	vshll.u32 v44, $0x3  }
0x288: {  	v30 =	vshrl.u32 v44, $0x1;
	v29 =	vand.u32 $0xFFFFF87F, v44;
	v28 =	vld.idx.msk [tilespmem:v28+s15+$0x0], $0xffff;
	v27 =	vand.u32 $0x400, v27  }
0x289: {  	v30 =	vand.u32 $0x380, v30;
	v27 =	vor.u32 v27, v29  }
0x28a: {  	v27 =	vor.u32 v30, v27  }
0x28b: {  	v45 =	vadd.s32 v11, v37;
	v46 =	vperm.xlane v26, v1  }
0x28c: {  	vm10 =	vgt.s32 v45, $0x0  }
0x28d: {  	v47 =	vsel vm10, $0x1, v5;
	v48 =	vadd.s32 v0, v46;
	[tilespmem:s30+$0xFFFFFF60] =	vst v28  }
0x28e: {  	v49 =	vshll.u32 v48, $0x3;
	[tilespmem:s16+$0xFFFFFF60] =	vst v47  }
0x28f: {  	v50 =	vshrl.u32 v48, $0x1;
	v29 =	vand.u32 $0xFFFFF87F, v48;
	v28 =	vand.u32 $0x400, v49;
	v27 =	vld.idx.msk [tilespmem:v27+s15+$0x0], $0xffff  }
0x290: {  	v31 =	vand.u32 $0x380, v50;
	v28 =	vor.u32 v28, v29  }
0x291: {  	v28 =	vor.u32 v31, v28  }
0x292: {  	v51 =	vadd.s32 v13, v37  }
0x293: {  	vm11 =	vgt.s32 v51, $0x0  }
0x294: {  	v52 =	vadd.s32 v8, v46;
	[tilespmem:s30+$0xFFFFFF70] =	vst v27;
	v27 =	vsel vm11, $0x1, v5  }
0x295: {  	[tilespmem:s16+$0xFFFFFF70] =	vst v27;
	v27 =	vshll.u32 v52, $0x3  }
0x296: {  	v53 =	vshrl.u32 v52, $0x1;
	v29 =	vand.u32 $0xFFFFF87F, v52;
	v28 =	vld.idx.msk [tilespmem:v28+s15+$0x0], $0xffff;
	v27 =	vand.u32 $0x400, v27  }
0x297: {  	v54 =	vperm.xlane v25, v1;
	v31 =	vand.u32 $0x380, v53;
	v27 =	vor.u32 v27, v29  }
0x298: {  	v27 =	vor.u32 v31, v27  }
0x299: {  	v55 =	vadd.s32 v3, v54  }
0x29a: {  	vm12 =	vgt.s32 v55, $0x0  }
0x29b: {  	v57 =	vadd.s32 v10, v46;
	v56 =	vsel vm12, $0x1, v5;
	[tilespmem:s30+$0xFFFFFF80] =	vst v28  }
0x29c: {  	v58 =	vshll.u32 v57, $0x3;
	[tilespmem:s16+$0xFFFFFF80] =	vst v56  }
0x29d: {  	v59 =	vshrl.u32 v57, $0x1;
	v29 =	vand.u32 $0xFFFFF87F, v57;
	v28 =	vand.u32 $0x400, v58;
	v27 =	vld.idx.msk [tilespmem:v27+s15+$0x0], $0xffff  }
0x29e: {  	v31 =	vand.u32 $0x380, v59;
	v28 =	vor.u32 v28, v29  }
0x29f: {  	v28 =	vor.u32 v31, v28  }
0x2a0: {  	v60 =	vadd.s32 v9, v54  }
0x2a1: {  	vm13 =	vgt.s32 v60, $0x0  }
0x2a2: {  	v61 =	vadd.s32 v12, v46;
	[tilespmem:s30+$0xFFFFFF90] =	vst v27;
	v27 =	vsel vm13, $0x1, v5  }
0x2a3: {  	[tilespmem:s16+$0xFFFFFF90] =	vst v27;
	v27 =	vshll.u32 v61, $0x3  }
0x2a4: {  	v30 =	vshrl.u32 v61, $0x1;
	v29 =	vand.u32 $0xFFFFF87F, v61;
	v28 =	vld.idx.msk [tilespmem:v28+s15+$0x0], $0xffff;
	v27 =	vand.u32 $0x400, v27  }
0x2a5: {  	v30 =	vand.u32 $0x380, v30;
	v27 =	vor.u32 v27, v29  }
0x2a6: {  	v27 =	vor.u32 v30, v27  }
0x2a7: {  	v62 =	vadd.s32 v11, v54;
	v63 =	vperm.xlane v26, v17  }
0x2a8: {  	vm14 =	vgt.s32 v62, $0x0  }
0x2a9: {  	v36 =	vsel vm14, $0x1, v5;
	v37 =	vadd.s32 v0, v63;
	[tilespmem:s30+$0xFFFFFFA0] =	vst v28  }
0x2aa: {  	v38 =	vshll.u32 v37, $0x3;
	[tilespmem:s16+$0xFFFFFFA0] =	vst v36  }
0x2ab: {  	v39 =	vshrl.u32 v37, $0x1;
	v29 =	vand.u32 $0xFFFFF87F, v37;
	v28 =	vand.u32 $0x400, v38;
	v27 =	vld.idx.msk [tilespmem:v27+s15+$0x0], $0xffff  }
0x2ac: {  	v31 =	vand.u32 $0x380, v39;
	v28 =	vor.u32 v28, v29  }
0x2ad: {  	v28 =	vor.u32 v31, v28  }
0x2ae: {  	v40 =	vadd.s32 v13, v54  }
0x2af: {  	vm15 =	vgt.s32 v40, $0x0  }
0x2b0: {  	v41 =	vadd.s32 v8, v63;
	[tilespmem:s30+$0xFFFFFFB0] =	vst v27;
	v27 =	vsel vm15, $0x1, v5  }
0x2b1: {  	[tilespmem:s16+$0xFFFFFFB0] =	vst v27;
	v27 =	vshll.u32 v41, $0x3  }
0x2b2: {  	v42 =	vshrl.u32 v41, $0x1;
	v29 =	vand.u32 $0xFFFFF87F, v41;
	v28 =	vld.idx.msk [tilespmem:v28+s15+$0x0], $0xffff;
	v27 =	vand.u32 $0x400, v27  }
0x2b3: {  	v43 =	vperm.xlane v25, v17;
	v31 =	vand.u32 $0x380, v42;
	v27 =	vor.u32 v27, v29  }
0x2b4: {  	v27 =	vor.u32 v31, v27  }
0x2b5: {  	v44 =	vadd.s32 v3, v43  }
0x2b6: {  	vm4 =	vgt.s32 v44, $0x0  }
0x2b7: {  	v46 =	vadd.s32 v10, v63;
	v45 =	vsel vm4, $0x1, v5;
	[tilespmem:s30+$0xFFFFFFC0] =	vst v28  }
0x2b8: {  	v47 =	vshll.u32 v46, $0x3;
	[tilespmem:s16+$0xFFFFFFC0] =	vst v45  }
0x2b9: {  	v48 =	vshrl.u32 v46, $0x1;
	v29 =	vand.u32 $0xFFFFF87F, v46;
	v28 =	vand.u32 $0x400, v47;
	v27 =	vld.idx.msk [tilespmem:v27+s15+$0x0], $0xffff  }
0x2ba: {  	v31 =	vand.u32 $0x380, v48;
	v28 =	vor.u32 v28, v29  }
0x2bb: {  	v28 =	vor.u32 v31, v28  }
0x2bc: {  	v49 =	vadd.s32 v9, v43  }
0x2bd: {  	vm5 =	vgt.s32 v49, $0x0  }
0x2be: {  	v50 =	vadd.s32 v12, v63;
	[tilespmem:s30+$0xFFFFFFD0] =	vst v27;
	v27 =	vsel vm5, $0x1, v5  }
0x2bf: {  	[tilespmem:s16+$0xFFFFFFD0] =	vst v27;
	v27 =	vshll.u32 v50, $0x3  }
0x2c0: {  	v30 =	vshrl.u32 v50, $0x1;
	v29 =	vand.u32 $0xFFFFF87F, v50;
	v28 =	vld.idx.msk [tilespmem:v28+s15+$0x0], $0xffff;
	v27 =	vand.u32 $0x400, v27  }
0x2c1: {  	v30 =	vand.u32 $0x380, v30;
	v27 =	vor.u32 v27, v29  }
0x2c2: {  	v27 =	vor.u32 v30, v27  }
0x2c3: {  	v51 =	vadd.s32 v11, v43;
	v52 =	vperm.xlane v26, v4  }
0x2c4: {  	vm6 =	vgt.s32 v51, $0x0  }
0x2c5: {  	v53 =	vsel vm6, $0x1, v5;
	v54 =	vadd.s32 v0, v52;
	[tilespmem:s30+$0xFFFFFFE0] =	vst v28  }
0x2c6: {  	v55 =	vshll.u32 v54, $0x3;
	[tilespmem:s16+$0xFFFFFFE0] =	vst v53  }
0x2c7: {  	v56 =	vshrl.u32 v54, $0x1;
	v29 =	vand.u32 $0xFFFFF87F, v54;
	v28 =	vand.u32 $0x400, v55;
	v27 =	vld.idx.msk [tilespmem:v27+s15+$0x0], $0xffff  }
0x2c8: {  	v31 =	vand.u32 $0x380, v56;
	v28 =	vor.u32 v28, v29  }
0x2c9: {  	v28 =	vor.u32 v31, v28  }
0x2ca: {  	v57 =	vadd.s32 v13, v43  }
0x2cb: {  	vm7 =	vgt.s32 v57, $0x0  }
0x2cc: {  	v58 =	vadd.s32 v8, v52;
	[tilespmem:s30+$0xFFFFFFF0] =	vst v27;
	v27 =	vsel vm7, $0x1, v5  }
0x2cd: {  	[tilespmem:s16+$0xFFFFFFF0] =	vst v27;
	v27 =	vshll.u32 v58, $0x3  }
0x2ce: {  	v59 =	vshrl.u32 v58, $0x1;
	v29 =	vand.u32 $0xFFFFF87F, v58;
	v28 =	vld.idx.msk [tilespmem:v28+s15+$0x0], $0xffff;
	v27 =	vand.u32 $0x400, v27  }
0x2cf: {  	v60 =	vperm.xlane v25, v4;
	v31 =	vand.u32 $0x380, v59;
	v27 =	vor.u32 v27, v29  }
0x2d0: {  	v27 =	vor.u32 v31, v27  }
0x2d1: {  	v61 =	vadd.s32 v3, v60  }
0x2d2: {  	vm8 =	vgt.s32 v61, $0x0  }
0x2d3: {  	v63 =	vadd.s32 v10, v52;
	v62 =	vsel vm8, $0x1, v5;
	[tilespmem:s30+$0x0] =	vst v28  }
0x2d4: {  	v33 =	vshll.u32 v63, $0x3;
	[tilespmem:s16+$0x0] =	vst v62  }
0x2d5: {  	v34 =	vshrl.u32 v63, $0x1;
	v29 =	vand.u32 $0xFFFFF87F, v63;
	v28 =	vand.u32 $0x400, v33;
	v27 =	vld.idx.msk [tilespmem:v27+s15+$0x0], $0xffff  }
0x2d6: {  	v31 =	vand.u32 $0x380, v34;
	v28 =	vor.u32 v28, v29  }
0x2d7: {  	v28 =	vor.u32 v31, v28  }
0x2d8: {  	v35 =	vadd.s32 v9, v60  }
0x2d9: {  	vm9 =	vgt.s32 v35, $0x0  }
0x2da: {  	v36 =	vadd.s32 v12, v52;
	[tilespmem:s30+$0x10] =	vst v27;
	v27 =	vsel vm9, $0x1, v5  }
0x2db: {  	[tilespmem:s16+$0x10] =	vst v27;
	v27 =	vshll.u32 v36, $0x3  }
0x2dc: {  	v30 =	vshrl.u32 v36, $0x1;
	v29 =	vand.u32 $0xFFFFF87F, v36;
	v28 =	vld.idx.msk [tilespmem:v28+s15+$0x0], $0xffff;
	v27 =	vand.u32 $0x400, v27  }
0x2dd: {  	v30 =	vand.u32 $0x380, v30;
	v27 =	vor.u32 v27, v29  }
0x2de: {  	v27 =	vor.u32 v30, v27  }
0x2df: {  	v37 =	vadd.s32 v11, v60;
	v38 =	vperm.xlane v26, v18  }
0x2e0: {  	vm10 =	vgt.s32 v37, $0x0  }
0x2e1: {  	v39 =	vsel vm10, $0x1, v5;
	v40 =	vadd.s32 v0, v38;
	[tilespmem:s30+$0x20] =	vst v28  }
0x2e2: {  	v41 =	vshll.u32 v40, $0x3;
	[tilespmem:s16+$0x20] =	vst v39  }
0x2e3: {  	v42 =	vshrl.u32 v40, $0x1;
	v29 =	vand.u32 $0xFFFFF87F, v40;
	v28 =	vand.u32 $0x400, v41;
	v27 =	vld.idx.msk [tilespmem:v27+s15+$0x0], $0xffff  }
0x2e4: {  	v31 =	vand.u32 $0x380, v42;
	v28 =	vor.u32 v28, v29  }
0x2e5: {  	v28 =	vor.u32 v31, v28  }
0x2e6: {  	v43 =	vadd.s32 v13, v60  }
0x2e7: {  	vm11 =	vgt.s32 v43, $0x0  }
0x2e8: {  	v44 =	vadd.s32 v8, v38;
	[tilespmem:s30+$0x30] =	vst v27;
	v27 =	vsel vm11, $0x1, v5  }
0x2e9: {  	[tilespmem:s16+$0x30] =	vst v27;
	v27 =	vshll.u32 v44, $0x3  }
0x2ea: {  	v45 =	vshrl.u32 v44, $0x1;
	v29 =	vand.u32 $0xFFFFF87F, v44;
	v28 =	vld.idx.msk [tilespmem:v28+s15+$0x0], $0xffff;
	v27 =	vand.u32 $0x400, v27  }
0x2eb: {  	v46 =	vperm.xlane v25, v18;
	v31 =	vand.u32 $0x380, v45;
	v27 =	vor.u32 v27, v29  }
0x2ec: {  	v27 =	vor.u32 v31, v27  }
0x2ed: {  	v47 =	vadd.s32 v3, v46  }
0x2ee: {  	vm12 =	vgt.s32 v47, $0x0  }
0x2ef: {  	v49 =	vadd.s32 v10, v38;
	v48 =	vsel vm12, $0x1, v5;
	[tilespmem:s30+$0x40] =	vst v28  }
0x2f0: {  	v50 =	vshll.u32 v49, $0x3;
	[tilespmem:s16+$0x40] =	vst v48  }
0x2f1: {  	v51 =	vshrl.u32 v49, $0x1;
	v29 =	vand.u32 $0xFFFFF87F, v49;
	v28 =	vand.u32 $0x400, v50;
	v27 =	vld.idx.msk [tilespmem:v27+s15+$0x0], $0xffff  }
0x2f2: {  	v31 =	vand.u32 $0x380, v51;
	v28 =	vor.u32 v28, v29  }
0x2f3: {  	v28 =	vor.u32 v31, v28  }
0x2f4: {  	v52 =	vadd.s32 v9, v46  }
0x2f5: {  	vm13 =	vgt.s32 v52, $0x0  }
0x2f6: {  	v53 =	vadd.s32 v12, v38;
	[tilespmem:s30+$0x50] =	vst v27;
	v27 =	vsel vm13, $0x1, v5  }
0x2f7: {  	[tilespmem:s16+$0x50] =	vst v27;
	v27 =	vshll.u32 v53, $0x3  }
0x2f8: {  	v30 =	vshrl.u32 v53, $0x1;
	v29 =	vand.u32 $0xFFFFF87F, v53;
	v28 =	vld.idx.msk [tilespmem:v28+s15+$0x0], $0xffff;
	v27 =	vand.u32 $0x400, v27  }
0x2f9: {  	v30 =	vand.u32 $0x380, v30;
	v27 =	vor.u32 v27, v29  }
0x2fa: {  	v27 =	vor.u32 v30, v27  }
0x2fb: {  	v54 =	vadd.s32 v11, v46;
	v55 =	vperm.xlane v26, v19  }
0x2fc: {  	vm14 =	vgt.s32 v54, $0x0  }
0x2fd: {  	v56 =	vsel vm14, $0x1, v5;
	v57 =	vadd.s32 v0, v55;
	[tilespmem:s30+$0x60] =	vst v28  }
0x2fe: {  	v58 =	vshll.u32 v57, $0x3;
	[tilespmem:s16+$0x60] =	vst v56  }
0x2ff: {  	v59 =	vshrl.u32 v57, $0x1;
	v29 =	vand.u32 $0xFFFFF87F, v57;
	v28 =	vand.u32 $0x400, v58;
	v27 =	vld.idx.msk [tilespmem:v27+s15+$0x0], $0xffff  }
0x300: {  	v31 =	vand.u32 $0x380, v59;
	v28 =	vor.u32 v28, v29  }
0x301: {  	v28 =	vor.u32 v31, v28  }
0x302: {  	v60 =	vadd.s32 v13, v46  }
0x303: {  	vm15 =	vgt.s32 v60, $0x0  }
0x304: {  	v61 =	vadd.s32 v8, v55;
	[tilespmem:s30+$0x70] =	vst v27;
	v27 =	vsel vm15, $0x1, v5  }
0x305: {  	[tilespmem:s16+$0x70] =	vst v27;
	v27 =	vshll.u32 v61, $0x3  }
0x306: {  	v62 =	vshrl.u32 v61, $0x1;
	v29 =	vand.u32 $0xFFFFF87F, v61;
	v28 =	vld.idx.msk [tilespmem:v28+s15+$0x0], $0xffff;
	v27 =	vand.u32 $0x400, v27  }
0x307: {  	v63 =	vperm.xlane v25, v19;
	v31 =	vand.u32 $0x380, v62;
	v27 =	vor.u32 v27, v29  }
0x308: {  	v27 =	vor.u32 v31, v27  }
0x309: {  	v35 =	vadd.s32 v3, v63  }
0x30a: {  	vm4 =	vgt.s32 v35, $0x0  }
0x30b: {  	v37 =	vadd.s32 v10, v55;
	v36 =	vsel vm4, $0x1, v5;
	[tilespmem:s30+$0x80] =	vst v28  }
0x30c: {  	v38 =	vshll.u32 v37, $0x3;
	[tilespmem:s16+$0x80] =	vst v36  }
0x30d: {  	v39 =	vshrl.u32 v37, $0x1;
	v29 =	vand.u32 $0xFFFFF87F, v37;
	v28 =	vand.u32 $0x400, v38;
	v27 =	vld.idx.msk [tilespmem:v27+s15+$0x0], $0xffff  }
0x30e: {  	v31 =	vand.u32 $0x380, v39;
	v28 =	vor.u32 v28, v29  }
0x30f: {  	v28 =	vor.u32 v31, v28  }
0x310: {  	v40 =	vadd.s32 v9, v63  }
0x311: {  	vm5 =	vgt.s32 v40, $0x0  }
0x312: {  	v41 =	vadd.s32 v12, v55;
	[tilespmem:s30+$0x90] =	vst v27;
	v27 =	vsel vm5, $0x1, v5  }
0x313: {  	[tilespmem:s16+$0x90] =	vst v27;
	v27 =	vshll.u32 v41, $0x3  }
0x314: {  	v30 =	vshrl.u32 v41, $0x1;
	v29 =	vand.u32 $0xFFFFF87F, v41;
	v28 =	vld.idx.msk [tilespmem:v28+s15+$0x0], $0xffff;
	v27 =	vand.u32 $0x400, v27  }
0x315: {  	v30 =	vand.u32 $0x380, v30;
	v27 =	vor.u32 v27, v29  }
0x316: {  	v27 =	vor.u32 v30, v27  }
0x317: {  	v43 =	vperm.xlane v26, v20;
	v42 =	vadd.s32 v11, v63  }
0x318: {  	vm6 =	vgt.s32 v42, $0x0  }
0x319: {  	v45 =	vadd.s32 v0, v43;
	v44 =	vsel vm6, $0x1, v5;
	[tilespmem:s30+$0xA0] =	vst v28  }
0x31a: {  	v46 =	vshll.u32 v45, $0x3;
	[tilespmem:s16+$0xA0] =	vst v44  }
0x31b: {  	v47 =	vshrl.u32 v45, $0x1;
	v29 =	vand.u32 $0xFFFFF87F, v45;
	v28 =	vand.u32 $0x400, v46;
	v27 =	vld.idx.msk [tilespmem:v27+s15+$0x0], $0xffff  }
0x31c: {  	v31 =	vand.u32 $0x380, v47;
	v28 =	vor.u32 v28, v29  }
0x31d: {  	v28 =	vor.u32 v31, v28  }
0x31e: {  	v48 =	vadd.s32 v13, v63  }
0x31f: {  	vm7 =	vgt.s32 v48, $0x0  }
0x320: {  	v49 =	vadd.s32 v8, v43;
	[tilespmem:s30+$0xB0] =	vst v27;
	v27 =	vsel vm7, $0x1, v5  }
0x321: {  	[tilespmem:s16+$0xB0] =	vst v27;
	v27 =	vshll.u32 v49, $0x3  }
0x322: {  	v50 =	vshrl.u32 v49, $0x1;
	v29 =	vand.u32 $0xFFFFF87F, v49;
	v28 =	vld.idx.msk [tilespmem:v28+s15+$0x0], $0xffff;
	v27 =	vand.u32 $0x400, v27  }
0x323: {  	v51 =	vperm.xlane v25, v20;
	v31 =	vand.u32 $0x380, v50;
	v27 =	vor.u32 v27, v29  }
0x324: {  	v27 =	vor.u32 v31, v27  }
0x325: {  	v52 =	vadd.s32 v3, v51  }
0x326: {  	vm8 =	vgt.s32 v52, $0x0  }
0x327: {  	v54 =	vadd.s32 v10, v43;
	v53 =	vsel vm8, $0x1, v5;
	[tilespmem:s30+$0xC0] =	vst v28  }
0x328: {  	v55 =	vshll.u32 v54, $0x3;
	[tilespmem:s16+$0xC0] =	vst v53  }
0x329: {  	v56 =	vshrl.u32 v54, $0x1;
	v29 =	vand.u32 $0xFFFFF87F, v54;
	v28 =	vand.u32 $0x400, v55;
	v27 =	vld.idx.msk [tilespmem:v27+s15+$0x0], $0xffff  }
0x32a: {  	v31 =	vand.u32 $0x380, v56;
	v28 =	vor.u32 v28, v29  }
0x32b: {  	v28 =	vor.u32 v31, v28  }
0x32c: {  	v57 =	vadd.s32 v9, v51  }
0x32d: {  	vm9 =	vgt.s32 v57, $0x0  }
0x32e: {  	v58 =	vadd.s32 v12, v43;
	[tilespmem:s30+$0xD0] =	vst v27;
	v27 =	vsel vm9, $0x1, v5  }
0x32f: {  	[tilespmem:s16+$0xD0] =	vst v27;
	v27 =	vshll.u32 v58, $0x3  }
0x330: {  	v30 =	vshrl.u32 v58, $0x1;
	v29 =	vand.u32 $0xFFFFF87F, v58;
	v28 =	vld.idx.msk [tilespmem:v28+s15+$0x0], $0xffff;
	v27 =	vand.u32 $0x400, v27  }
0x331: {  	v30 =	vand.u32 $0x380, v30;
	v27 =	vor.u32 v27, v29  }
0x332: {  	v27 =	vor.u32 v30, v27  }
0x333: {  	v60 =	vperm.xlane v26, v21;
	v59 =	vadd.s32 v11, v51  }
0x334: {  	vm10 =	vgt.s32 v59, $0x0  }
0x335: {  	v62 =	vadd.s32 v0, v60;
	v61 =	vsel vm10, $0x1, v5;
	[tilespmem:s30+$0xE0] =	vst v28  }
0x336: {  	v63 =	vshll.u32 v62, $0x3;
	[tilespmem:s16+$0xE0] =	vst v61  }
0x337: {  	v33 =	vshrl.u32 v62, $0x1;
	v29 =	vand.u32 $0xFFFFF87F, v62;
	v28 =	vand.u32 $0x400, v63;
	v27 =	vld.idx.msk [tilespmem:v27+s15+$0x0], $0xffff  }
0x338: {  	v31 =	vand.u32 $0x380, v33;
	v28 =	vor.u32 v28, v29  }
0x339: {  	v28 =	vor.u32 v31, v28  }
0x33a: {  	v34 =	vadd.s32 v13, v51  }
0x33b: {  	vm11 =	vgt.s32 v34, $0x0  }
0x33c: {  	v35 =	vadd.s32 v8, v60;
	[tilespmem:s30+$0xF0] =	vst v27;
	v27 =	vsel vm11, $0x1, v5  }
0x33d: {  	[tilespmem:s16+$0xF0] =	vst v27;
	v27 =	vshll.u32 v35, $0x3  }
0x33e: {  	v36 =	vshrl.u32 v35, $0x1;
	v29 =	vand.u32 $0xFFFFF87F, v35;
	v28 =	vld.idx.msk [tilespmem:v28+s15+$0x0], $0xffff;
	v27 =	vand.u32 $0x400, v27  }
0x33f: {  	v37 =	vperm.xlane v25, v21;
	v31 =	vand.u32 $0x380, v36;
	v27 =	vor.u32 v27, v29  }
0x340: {  	v27 =	vor.u32 v31, v27  }
0x341: {  	v38 =	vadd.s32 v3, v37  }
0x342: {  	vm12 =	vgt.s32 v38, $0x0  }
0x343: {  	v40 =	vadd.s32 v10, v60;
	v39 =	vsel vm12, $0x1, v5;
	[tilespmem:s30+$0x100] =	vst v28  }
0x344: {  	v41 =	vshll.u32 v40, $0x3;
	[tilespmem:s16+$0x100] =	vst v39  }
0x345: {  	v42 =	vshrl.u32 v40, $0x1;
	v29 =	vand.u32 $0xFFFFF87F, v40;
	v28 =	vand.u32 $0x400, v41;
	v27 =	vld.idx.msk [tilespmem:v27+s15+$0x0], $0xffff  }
0x346: {  	v31 =	vand.u32 $0x380, v42;
	v28 =	vor.u32 v28, v29  }
0x347: {  	v28 =	vor.u32 v31, v28  }
0x348: {  	v43 =	vadd.s32 v9, v37  }
0x349: {  	vm13 =	vgt.s32 v43, $0x0  }
0x34a: {  	v44 =	vadd.s32 v12, v60;
	[tilespmem:s30+$0x110] =	vst v27;
	v27 =	vsel vm13, $0x1, v5  }
0x34b: {  	[tilespmem:s16+$0x110] =	vst v27;
	v27 =	vshll.u32 v44, $0x3  }
0x34c: {  	v30 =	vshrl.u32 v44, $0x1;
	v29 =	vand.u32 $0xFFFFF87F, v44;
	v28 =	vld.idx.msk [tilespmem:v28+s15+$0x0], $0xffff;
	v27 =	vand.u32 $0x400, v27  }
0x34d: {  	v30 =	vand.u32 $0x380, v30;
	v27 =	vor.u32 v27, v29  }
0x34e: {  	v27 =	vor.u32 v30, v27  }
0x34f: {  	v45 =	vadd.s32 v11, v37;
	v46 =	vperm.xlane v26, v22  }
0x350: {  	vm14 =	vgt.s32 v45, $0x0  }
0x351: {  	v47 =	vsel vm14, $0x1, v5;
	v48 =	vadd.s32 v0, v46;
	[tilespmem:s30+$0x120] =	vst v28  }
0x352: {  	v49 =	vshll.u32 v48, $0x3;
	[tilespmem:s16+$0x120] =	vst v47  }
0x353: {  	v50 =	vshrl.u32 v48, $0x1;
	v29 =	vand.u32 $0xFFFFF87F, v48;
	v28 =	vand.u32 $0x400, v49;
	v27 =	vld.idx.msk [tilespmem:v27+s15+$0x0], $0xffff  }
0x354: {  	v31 =	vand.u32 $0x380, v50;
	v28 =	vor.u32 v28, v29  }
0x355: {  	v28 =	vor.u32 v31, v28  }
0x356: {  	v51 =	vadd.s32 v13, v37  }
0x357: {  	vm15 =	vgt.s32 v51, $0x0  }
0x358: {  	v52 =	vadd.s32 v8, v46;
	[tilespmem:s30+$0x130] =	vst v27;
	v27 =	vsel vm15, $0x1, v5  }
0x359: {  	[tilespmem:s16+$0x130] =	vst v27;
	v27 =	vshll.u32 v52, $0x3  }
0x35a: {  	v53 =	vshrl.u32 v52, $0x1;
	v29 =	vand.u32 $0xFFFFF87F, v52;
	v28 =	vld.idx.msk [tilespmem:v28+s15+$0x0], $0xffff;
	v27 =	vand.u32 $0x400, v27  }
0x35b: {  	v54 =	vperm.xlane v25, v22;
	v31 =	vand.u32 $0x380, v53;
	v27 =	vor.u32 v27, v29  }
0x35c: {  	v27 =	vor.u32 v31, v27  }
0x35d: {  	v55 =	vadd.s32 v3, v54  }
0x35e: {  	vm4 =	vgt.s32 v55, $0x0  }
0x35f: {  	v57 =	vadd.s32 v10, v46;
	v56 =	vsel vm4, $0x1, v5;
	[tilespmem:s30+$0x140] =	vst v28  }
0x360: {  	v58 =	vshll.u32 v57, $0x3;
	[tilespmem:s16+$0x140] =	vst v56  }
0x361: {  	v59 =	vshrl.u32 v57, $0x1;
	v29 =	vand.u32 $0xFFFFF87F, v57;
	v28 =	vand.u32 $0x400, v58;
	v27 =	vld.idx.msk [tilespmem:v27+s15+$0x0], $0xffff  }
0x362: {  	v31 =	vand.u32 $0x380, v59;
	v28 =	vor.u32 v28, v29  }
0x363: {  	v28 =	vor.u32 v31, v28  }
0x364: {  	v60 =	vadd.s32 v9, v54  }
0x365: {  	vm5 =	vgt.s32 v60, $0x0  }
0x366: {  	v61 =	vadd.s32 v12, v46;
	[tilespmem:s30+$0x150] =	vst v27;
	v27 =	vsel vm5, $0x1, v5  }
0x367: {  	[tilespmem:s16+$0x150] =	vst v27;
	v27 =	vshll.u32 v61, $0x3  }
0x368: {  	v30 =	vshrl.u32 v61, $0x1;
	v29 =	vand.u32 $0xFFFFF87F, v61;
	v28 =	vld.idx.msk [tilespmem:v28+s15+$0x0], $0xffff;
	v27 =	vand.u32 $0x400, v27  }
0x369: {  	v30 =	vand.u32 $0x380, v30;
	v27 =	vor.u32 v27, v29  }
0x36a: {  	v27 =	vor.u32 v30, v27  }
0x36b: {  	v62 =	vadd.s32 v11, v54;
	v63 =	vperm.xlane v26, v23  }
0x36c: {  	vm6 =	vgt.s32 v62, $0x0  }
0x36d: {  	v33 =	vsel vm6, $0x1, v5;
	v34 =	vadd.s32 v0, v63;
	[tilespmem:s30+$0x160] =	vst v28  }
0x36e: {  	v35 =	vshll.u32 v34, $0x3;
	[tilespmem:s16+$0x160] =	vst v33  }
0x36f: {  	v36 =	vshrl.u32 v34, $0x1;
	v29 =	vand.u32 $0xFFFFF87F, v34;
	v28 =	vand.u32 $0x400, v35;
	v27 =	vld.idx.msk [tilespmem:v27+s15+$0x0], $0xffff  }
0x370: {  	v31 =	vand.u32 $0x380, v36;
	v28 =	vor.u32 v28, v29  }
0x371: {  	v28 =	vor.u32 v31, v28  }
0x372: {  	v37 =	vadd.s32 v13, v54  }
0x373: {  	vm7 =	vgt.s32 v37, $0x0  }
0x374: {  	v38 =	vadd.s32 v8, v63;
	[tilespmem:s30+$0x170] =	vst v27;
	v27 =	vsel vm7, $0x1, v5  }
0x375: {  	[tilespmem:s16+$0x170] =	vst v27;
	v27 =	vshll.u32 v38, $0x3  }
0x376: {  	v39 =	vshrl.u32 v38, $0x1;
	v29 =	vand.u32 $0xFFFFF87F, v38;
	v28 =	vld.idx.msk [tilespmem:v28+s15+$0x0], $0xffff;
	v27 =	vand.u32 $0x400, v27  }
0x377: {  	v40 =	vperm.xlane v25, v23;
	v31 =	vand.u32 $0x380, v39;
	v27 =	vor.u32 v27, v29  }
0x378: {  	v27 =	vor.u32 v31, v27  }
0x379: {  	v41 =	vadd.s32 v3, v40  }
0x37a: {  	vm8 =	vgt.s32 v41, $0x0  }
0x37b: {  	v43 =	vadd.s32 v10, v63;
	v42 =	vsel vm8, $0x1, v5;
	[tilespmem:s30+$0x180] =	vst v28  }
0x37c: {  	v44 =	vshll.u32 v43, $0x3;
	[tilespmem:s16+$0x180] =	vst v42  }
0x37d: {  	v45 =	vshrl.u32 v43, $0x1;
	v29 =	vand.u32 $0xFFFFF87F, v43;
	v28 =	vand.u32 $0x400, v44;
	v27 =	vld.idx.msk [tilespmem:v27+s15+$0x0], $0xffff  }
0x37e: {  	v46 =	vand.u32 $0x380, v45;
	v28 =	vor.u32 v28, v29  }
0x37f: {  	v28 =	vor.u32 v46, v28  }
0x380: {  	v47 =	vadd.s32 v9, v40  }
0x381: {  	vm9 =	vgt.s32 v47, $0x0  }
0x382: {  	v48 =	vadd.s32 v12, v63;
	[tilespmem:s30+$0x190] =	vst v27;
	v27 =	vsel vm9, $0x1, v5  }
0x383: {  	[tilespmem:s16+$0x190] =	vst v27;
	v27 =	vshll.u32 v48, $0x3  }
0x384: {  	v30 =	vshrl.u32 v48, $0x1;
	v29 =	vand.u32 $0xFFFFF87F, v48;
	v28 =	vld.idx.msk [tilespmem:v28+s15+$0x0], $0xffff;
	v27 =	vand.u32 $0x400, v27  }
0x385: {  	v30 =	vand.u32 $0x380, v30;
	v27 =	vor.u32 v27, v29  }
0x386: {  	v27 =	vor.u32 v30, v27  }
0x387: {  	v26 =	vperm.xlane v26, v24;
	v49 =	vadd.s32 v11, v40  }
0x388: {  	vm10 =	vgt.s32 v49, $0x0  }
0x389: {  	v51 =	vadd.s32 v0, v26;
	v50 =	vsel vm10, $0x1, v5;
	[tilespmem:s30+$0x1A0] =	vst v28  }
0x38a: {  	v52 =	vshll.u32 v51, $0x3;
	[tilespmem:s16+$0x1A0] =	vst v50  }
0x38b: {  	v53 =	vshrl.u32 v51, $0x1;
	v29 =	vand.u32 $0xFFFFF87F, v51;
	v28 =	vand.u32 $0x400, v52;
	v27 =	vld.idx.msk [tilespmem:v27+s15+$0x0], $0xffff  }
0x38c: {  	v30 =	vand.u32 $0x380, v53;
	v28 =	vor.u32 v28, v29  }
0x38d: {  	v28 =	vor.u32 v30, v28  }
0x38e: {  	v54 =	vadd.s32 v13, v40  }
0x38f: {  	vm11 =	vgt.s32 v54, $0x0  }
0x390: {  	v55 =	vadd.s32 v8, v26;
	[tilespmem:s30+$0x1B0] =	vst v27;
	v27 =	vsel vm11, $0x1, v5  }
0x391: {  	[tilespmem:s16+$0x1B0] =	vst v27;
	v27 =	vshll.u32 v55, $0x3  }
0x392: {  	v56 =	vshrl.u32 v55, $0x1;
	v29 =	vand.u32 $0xFFFFF87F, v55;
	v28 =	vld.idx.msk [tilespmem:v28+s15+$0x0], $0xffff;
	v27 =	vand.u32 $0x400, v27  }
0x393: {  	v25 =	vperm.xlane v25, v24;
	v30 =	vand.u32 $0x380, v56;
	v27 =	vor.u32 v27, v29  }
0x394: {  	v27 =	vor.u32 v30, v27  }
0x395: {  	v57 =	vadd.s32 v3, v25  }
0x396: {  	vm12 =	vgt.s32 v57, $0x0  }
0x397: {  	v59 =	vadd.s32 v10, v26;
	v58 =	vsel vm12, $0x1, v5;
	[tilespmem:s30+$0x1C0] =	vst v28  }
0x398: {  	v60 =	vshll.u32 v59, $0x3;
	[tilespmem:s16+$0x1C0] =	vst v58  }
0x399: {  	v61 =	vshrl.u32 v59, $0x1;
	v29 =	vand.u32 $0xFFFFF87F, v59;
	v28 =	vand.u32 $0x400, v60;
	v27 =	vld.idx.msk [tilespmem:v27+s15+$0x0], $0xffff  }
0x39a: {  	v30 =	vand.u32 $0x380, v61;
	v28 =	vor.u32 v28, v29  }
0x39b: {  	v28 =	vor.u32 v30, v28  }
0x39c: {  	v62 =	vadd.s32 v9, v25  }
0x39d: {  	vm13 =	vgt.s32 v62, $0x0  }
0x39e: {  	v26 =	vadd.s32 v12, v26;
	[tilespmem:s30+$0x1D0] =	vst v27;
	v27 =	vsel vm13, $0x1, v5  }
0x39f: {  	[tilespmem:s16+$0x1D0] =	vst v27;
	v27 =	vshll.u32 v26, $0x3  }
0x3a0: {  	v63 =	vshrl.u32 v26, $0x1;
	v26 =	vand.u32 $0xFFFFF87F, v26;
	v28 =	vld.idx.msk [tilespmem:v28+s15+$0x0], $0xffff;
	v27 =	vand.u32 $0x400, v27  }
0x3a1: {  	v29 =	vand.u32 $0x380, v63;
	v26 =	vor.u32 v27, v26  }
0x3a2: {  	v26 =	vor.u32 v29, v26  }
0x3a3: {  	v27 =	vadd.s32 v11, v25  }
0x3a4: {  	vm14 =	vgt.s32 v27, $0x0  }
0x3a5: {  	v27 =	vsel vm14, $0x1, v5;
	[tilespmem:s30+$0x1E0] =	vst v28  }
0x3a6: {  	[tilespmem:s16+$0x1E0] =	vst v27  }
0x3a7: {  	v26 =	vld.idx.msk [tilespmem:v26+s15+$0x0], $0xffff  }
0x3a8: {  	p1 =	sne.s32 s11, $0x70  }
.Ltmp14:
0x3a9: {  	_ = 	snop;
	(pc) =	sbr.rel @p1 .LBB2_13-.Ltmp14, $4  }
0x3aa: {  	v25 =	vadd.s32 v13, v25  }
0x3ab: {  	vm15 =	vgt.s32 v25, $0x0  }
0x3ac: {  	s25 =	sadd.s32 $0x10, s25;
	s28 =	sadd.s32 $0x10, s28;
	v25 =	vsel vm15, $0x1, v5;
	[tilespmem:s30+$0x1F0] =	vst v26  }
0x3ad: {  	s11 =	sadd.s32 $0x10, s11;
	s30 =	sadd.s32 $0x400, s30;
	[tilespmem:s16+$0x1F0] =	vst v25;
	s16 =	sadd.s32 $0x400, s16  }
0x3ae: {  	s11 =	sshll.u32 s0, $0xA  }
0x3af: {  	s11 =	sadd.s32 s12, s11  }
0x3b0: {  	s25 =	simm.s32 $0x10700;
	s16 =	sadd.s32 s8, s11  }
0x3b1: {  	[hbm4b:s16+s4] =	stream.linear.scatter [tilespmem:s25], [sflag:$0x4], $0x2000, $0x38;
	[tilespmem:$0x18700] =	vst v63  }
0x3b2: {  	s11 =	sadd.s32 s9, s11  }
0x3b3: {  	[hbm4b:s11+s4] =	stream.linear.scatter [tilespmem:s17], [sflag:$0x4], $0x2000, $0x38;
	[tilespmem:$0x18700] =	vst v63  }
.LBB2_15:
0x3b4: {  	p1 =	sne.s32 @p0 s3, $0x0  }
0x3b5: {  	p0 =	por !p0, p1  }
.Ltmp15:
0x3b6: {  	_ = 	snop;
	(pc) =	sbr.rel @p0 .LBB2_19-.Ltmp15, $1  }
0x3b7: {  	_ =	sdelay $0x3  }
0x3b8: {  	_ =	swait.ge [sflag:s18], $0x4000  }
0x3b9: {  	[sflag:s18] =	ssyncset.done $0x0  }
0x3ba: {  	[sflag:s18] =	ssyncadd.s32 $0xFFFFC000  }
0x3bb: {  	s3 =	simm.s32 $0x0;
	_ =	swait.ge [sflag:s18], $0x4000  }
0x3bc: {  	s11 =	simm.s32 $0x280;
	s25 =	simm.s32 $0x480;
	[sflag:s18] =	ssyncset.done $0x0  }
0x3bd: {  	s28 =	simm.s32 $0x12900;
	s16 =	simm.s32 $0x16900;
	[sflag:s18] =	ssyncadd.s32 $0xFFFFC000  }
.LBB2_17:
0x3be: {  	v25 =	vld [tilespmem:s11+$0x0]  }
0x3bf: {  	v27 =	vld [tilespmem:s25+$0xFFFFFF80];
	_ =	sdelay $0x3  }
0x3c0: {  	v26 =	vmov s3;
	v25 =	vshll.u32 v25, $0x6  }
0x3c1: {  	v26 =	vshll.u32 v26, $0x8;
	v25 =	vadd.s32 v27, v25  }
0x3c2: {  	v26 =	vor.u32 v2, v26;
	v25 =	vand.u32 $0x7F, v25  }
0x3c3: {  	v26 =	vor.u32 v26, v25  }
0x3c4: {  	v28 =	vperm.xlane v26, v5;
	_ =	sdelay $0x1  }
0x3c5: {  	v25 =	vadd.s32 v0, v28  }
0x3c6: {  	v29 =	vshll.u32 v25, $0x3  }
0x3c7: {  	v30 =	vshrl.u32 v25, $0x1;
	v25 =	vand.u32 $0xFFFFF87F, v25;
	v29 =	vand.u32 $0x400, v29  }
0x3c8: {  	v31 =	vld [tilespmem:s25+$0x0];
	v30 =	vand.u32 $0x380, v30;
	v25 =	vor.u32 v29, v25  }
0x3c9: {  	v29 =	vor.u32 v30, v25;
	_ =	sdelay $0x2  }
0x3ca: {  	v43 =	vadd.s32 v8, v28  }
0x3cb: {  	v25 =	vsub.s32 v31, v27;
	v27 =	vshll.u32 v43, $0x3  }
0x3cc: {  	v44 =	vshrl.u32 v43, $0x1;
	v30 =	vand.u32 $0xFFFFF87F, v43;
	v27 =	vand.u32 $0x400, v27;
	v29 =	vld.idx.msk [tilespmem:v29+s19+$0x0], $0xffff  }
0x3cd: {  	v31 =	vand.u32 $0x380, v44;
	v32 =	vperm.xlane v25, v5;
	v27 =	vor.u32 v27, v30  }
0x3ce: {  	v27 =	vor.u32 v31, v27  }
0x3cf: {  	v45 =	vadd.s32 v3, v32  }
0x3d0: {  	vm0 =	vgt.s32 v45, $0x0  }
0x3d1: {  	v47 =	vadd.s32 v10, v28;
	v46 =	vsel vm0, $0x1, v5;
	[tilespmem:s28+$0xFFFFFE00] =	vst v29  }
0x3d2: {  	v48 =	vshll.u32 v47, $0x3;
	[tilespmem:s16+$0xFFFFFE00] =	vst v46  }
0x3d3: {  	v49 =	vshrl.u32 v47, $0x1;
	v30 =	vand.u32 $0xFFFFF87F, v47;
	v29 =	vand.u32 $0x400, v48;
	v27 =	vld.idx.msk [tilespmem:v27+s19+$0x0], $0xffff  }
0x3d4: {  	v31 =	vand.u32 $0x380, v49;
	v29 =	vor.u32 v29, v30  }
0x3d5: {  	v29 =	vor.u32 v31, v29  }
0x3d6: {  	v50 =	vadd.s32 v9, v32  }
0x3d7: {  	vm13 =	vgt.s32 v50, $0x0  }
0x3d8: {  	v28 =	vadd.s32 v12, v28;
	[tilespmem:s28+$0xFFFFFE10] =	vst v27;
	v27 =	vsel vm13, $0x1, v5  }
0x3d9: {  	[tilespmem:s16+$0xFFFFFE10] =	vst v27;
	v27 =	vshll.u32 v28, $0x3  }
0x3da: {  	v51 =	vshrl.u32 v28, $0x1;
	v28 =	vand.u32 $0xFFFFF87F, v28;
	v29 =	vld.idx.msk [tilespmem:v29+s19+$0x0], $0xffff;
	v27 =	vand.u32 $0x400, v27  }
0x3db: {  	v30 =	vand.u32 $0x380, v51;
	v27 =	vor.u32 v27, v28  }
0x3dc: {  	v27 =	vor.u32 v30, v27  }
0x3dd: {  	v53 =	vperm.xlane v26, v7;
	v52 =	vadd.s32 v11, v32  }
0x3de: {  	vm14 =	vgt.s32 v52, $0x0  }
0x3df: {  	v54 =	vadd.s32 v0, v53;
	v28 =	vsel vm14, $0x1, v5;
	[tilespmem:s28+$0xFFFFFE20] =	vst v29  }
0x3e0: {  	v55 =	vshll.u32 v54, $0x3;
	[tilespmem:s16+$0xFFFFFE20] =	vst v28  }
0x3e1: {  	v56 =	vshrl.u32 v54, $0x1;
	v29 =	vand.u32 $0xFFFFF87F, v54;
	v28 =	vand.u32 $0x400, v55;
	v27 =	vld.idx.msk [tilespmem:v27+s19+$0x0], $0xffff  }
0x3e2: {  	v31 =	vand.u32 $0x380, v56;
	v28 =	vor.u32 v28, v29  }
0x3e3: {  	v28 =	vor.u32 v31, v28  }
0x3e4: {  	v57 =	vadd.s32 v13, v32  }
0x3e5: {  	vm15 =	vgt.s32 v57, $0x0  }
0x3e6: {  	v58 =	vadd.s32 v8, v53;
	[tilespmem:s28+$0xFFFFFE30] =	vst v27;
	v27 =	vsel vm15, $0x1, v5  }
0x3e7: {  	[tilespmem:s16+$0xFFFFFE30] =	vst v27;
	v27 =	vshll.u32 v58, $0x3  }
0x3e8: {  	v59 =	vshrl.u32 v58, $0x1;
	v29 =	vand.u32 $0xFFFFF87F, v58;
	v28 =	vld.idx.msk [tilespmem:v28+s19+$0x0], $0xffff;
	v27 =	vand.u32 $0x400, v27  }
0x3e9: {  	v60 =	vperm.xlane v25, v7;
	v31 =	vand.u32 $0x380, v59;
	v27 =	vor.u32 v27, v29  }
0x3ea: {  	v27 =	vor.u32 v31, v27  }
0x3eb: {  	v61 =	vadd.s32 v3, v60  }
0x3ec: {  	vm4 =	vgt.s32 v61, $0x0  }
0x3ed: {  	v63 =	vadd.s32 v10, v53;
	v62 =	vsel vm4, $0x1, v5;
	[tilespmem:s28+$0xFFFFFE40] =	vst v28  }
0x3ee: {  	v33 =	vshll.u32 v63, $0x3;
	[tilespmem:s16+$0xFFFFFE40] =	vst v62  }
0x3ef: {  	v34 =	vshrl.u32 v63, $0x1;
	v29 =	vand.u32 $0xFFFFF87F, v63;
	v28 =	vand.u32 $0x400, v33;
	v27 =	vld.idx.msk [tilespmem:v27+s19+$0x0], $0xffff  }
0x3f0: {  	v31 =	vand.u32 $0x380, v34;
	v28 =	vor.u32 v28, v29  }
0x3f1: {  	v28 =	vor.u32 v31, v28  }
0x3f2: {  	v35 =	vadd.s32 v9, v60  }
0x3f3: {  	vm5 =	vgt.s32 v35, $0x0  }
0x3f4: {  	v36 =	vadd.s32 v12, v53;
	[tilespmem:s28+$0xFFFFFE50] =	vst v27;
	v27 =	vsel vm5, $0x1, v5  }
0x3f5: {  	[tilespmem:s16+$0xFFFFFE50] =	vst v27;
	v27 =	vshll.u32 v36, $0x3  }
0x3f6: {  	v30 =	vshrl.u32 v36, $0x1;
	v29 =	vand.u32 $0xFFFFF87F, v36;
	v28 =	vld.idx.msk [tilespmem:v28+s19+$0x0], $0xffff;
	v27 =	vand.u32 $0x400, v27  }
0x3f7: {  	v30 =	vand.u32 $0x380, v30;
	v27 =	vor.u32 v27, v29  }
0x3f8: {  	v27 =	vor.u32 v30, v27  }
0x3f9: {  	v38 =	vperm.xlane v26, v14;
	v37 =	vadd.s32 v11, v60  }
0x3fa: {  	vm6 =	vgt.s32 v37, $0x0  }
0x3fb: {  	v40 =	vadd.s32 v0, v38;
	v39 =	vsel vm6, $0x1, v5;
	[tilespmem:s28+$0xFFFFFE60] =	vst v28  }
0x3fc: {  	v41 =	vshll.u32 v40, $0x3;
	[tilespmem:s16+$0xFFFFFE60] =	vst v39  }
0x3fd: {  	v42 =	vshrl.u32 v40, $0x1;
	v29 =	vand.u32 $0xFFFFF87F, v40;
	v28 =	vand.u32 $0x400, v41;
	v27 =	vld.idx.msk [tilespmem:v27+s19+$0x0], $0xffff  }
0x3fe: {  	v31 =	vand.u32 $0x380, v42;
	v28 =	vor.u32 v28, v29  }
0x3ff: {  	v28 =	vor.u32 v31, v28  }
0x400: {  	v43 =	vadd.s32 v13, v60  }
0x401: {  	vm7 =	vgt.s32 v43, $0x0  }
0x402: {  	v44 =	vadd.s32 v8, v38;
	[tilespmem:s28+$0xFFFFFE70] =	vst v27;
	v27 =	vsel vm7, $0x1, v5  }
0x403: {  	[tilespmem:s16+$0xFFFFFE70] =	vst v27;
	v27 =	vshll.u32 v44, $0x3  }
0x404: {  	v45 =	vshrl.u32 v44, $0x1;
	v29 =	vand.u32 $0xFFFFF87F, v44;
	v28 =	vld.idx.msk [tilespmem:v28+s19+$0x0], $0xffff;
	v27 =	vand.u32 $0x400, v27  }
0x405: {  	v46 =	vperm.xlane v25, v14;
	v31 =	vand.u32 $0x380, v45;
	v27 =	vor.u32 v27, v29  }
0x406: {  	v27 =	vor.u32 v31, v27  }
0x407: {  	v47 =	vadd.s32 v3, v46  }
0x408: {  	vm8 =	vgt.s32 v47, $0x0  }
0x409: {  	v49 =	vadd.s32 v10, v38;
	v48 =	vsel vm8, $0x1, v5;
	[tilespmem:s28+$0xFFFFFE80] =	vst v28  }
0x40a: {  	v50 =	vshll.u32 v49, $0x3;
	[tilespmem:s16+$0xFFFFFE80] =	vst v48  }
0x40b: {  	v51 =	vshrl.u32 v49, $0x1;
	v29 =	vand.u32 $0xFFFFF87F, v49;
	v28 =	vand.u32 $0x400, v50;
	v27 =	vld.idx.msk [tilespmem:v27+s19+$0x0], $0xffff  }
0x40c: {  	v31 =	vand.u32 $0x380, v51;
	v28 =	vor.u32 v28, v29  }
0x40d: {  	v28 =	vor.u32 v31, v28  }
0x40e: {  	v52 =	vadd.s32 v9, v46  }
0x40f: {  	vm9 =	vgt.s32 v52, $0x0  }
0x410: {  	v53 =	vadd.s32 v12, v38;
	[tilespmem:s28+$0xFFFFFE90] =	vst v27;
	v27 =	vsel vm9, $0x1, v5  }
0x411: {  	[tilespmem:s16+$0xFFFFFE90] =	vst v27;
	v27 =	vshll.u32 v53, $0x3  }
0x412: {  	v30 =	vshrl.u32 v53, $0x1;
	v29 =	vand.u32 $0xFFFFF87F, v53;
	v28 =	vld.idx.msk [tilespmem:v28+s19+$0x0], $0xffff;
	v27 =	vand.u32 $0x400, v27  }
0x413: {  	v30 =	vand.u32 $0x380, v30;
	v27 =	vor.u32 v27, v29  }
0x414: {  	v27 =	vor.u32 v30, v27  }
0x415: {  	v54 =	vadd.s32 v11, v46;
	v55 =	vperm.xlane v26, v6  }
0x416: {  	vm10 =	vgt.s32 v54, $0x0  }
0x417: {  	v56 =	vsel vm10, $0x1, v5;
	v57 =	vadd.s32 v0, v55;
	[tilespmem:s28+$0xFFFFFEA0] =	vst v28  }
0x418: {  	v58 =	vshll.u32 v57, $0x3;
	[tilespmem:s16+$0xFFFFFEA0] =	vst v56  }
0x419: {  	v59 =	vshrl.u32 v57, $0x1;
	v29 =	vand.u32 $0xFFFFF87F, v57;
	v28 =	vand.u32 $0x400, v58;
	v27 =	vld.idx.msk [tilespmem:v27+s19+$0x0], $0xffff  }
0x41a: {  	v31 =	vand.u32 $0x380, v59;
	v28 =	vor.u32 v28, v29  }
0x41b: {  	v28 =	vor.u32 v31, v28  }
0x41c: {  	v60 =	vadd.s32 v13, v46  }
0x41d: {  	vm11 =	vgt.s32 v60, $0x0  }
0x41e: {  	v61 =	vadd.s32 v8, v55;
	[tilespmem:s28+$0xFFFFFEB0] =	vst v27;
	v27 =	vsel vm11, $0x1, v5  }
0x41f: {  	[tilespmem:s16+$0xFFFFFEB0] =	vst v27;
	v27 =	vshll.u32 v61, $0x3  }
0x420: {  	v62 =	vshrl.u32 v61, $0x1;
	v29 =	vand.u32 $0xFFFFF87F, v61;
	v28 =	vld.idx.msk [tilespmem:v28+s19+$0x0], $0xffff;
	v27 =	vand.u32 $0x400, v27  }
0x421: {  	v63 =	vperm.xlane v25, v6;
	v31 =	vand.u32 $0x380, v62;
	v27 =	vor.u32 v27, v29  }
0x422: {  	v27 =	vor.u32 v31, v27  }
0x423: {  	v35 =	vadd.s32 v3, v63  }
0x424: {  	vm12 =	vgt.s32 v35, $0x0  }
0x425: {  	v37 =	vadd.s32 v10, v55;
	v36 =	vsel vm12, $0x1, v5;
	[tilespmem:s28+$0xFFFFFEC0] =	vst v28  }
0x426: {  	v38 =	vshll.u32 v37, $0x3;
	[tilespmem:s16+$0xFFFFFEC0] =	vst v36  }
0x427: {  	v39 =	vshrl.u32 v37, $0x1;
	v29 =	vand.u32 $0xFFFFF87F, v37;
	v28 =	vand.u32 $0x400, v38;
	v27 =	vld.idx.msk [tilespmem:v27+s19+$0x0], $0xffff  }
0x428: {  	v31 =	vand.u32 $0x380, v39;
	v28 =	vor.u32 v28, v29  }
0x429: {  	v28 =	vor.u32 v31, v28  }
0x42a: {  	v40 =	vadd.s32 v9, v63  }
0x42b: {  	vm13 =	vgt.s32 v40, $0x0  }
0x42c: {  	v41 =	vadd.s32 v12, v55;
	[tilespmem:s28+$0xFFFFFED0] =	vst v27;
	v27 =	vsel vm13, $0x1, v5  }
0x42d: {  	[tilespmem:s16+$0xFFFFFED0] =	vst v27;
	v27 =	vshll.u32 v41, $0x3  }
0x42e: {  	v30 =	vshrl.u32 v41, $0x1;
	v29 =	vand.u32 $0xFFFFF87F, v41;
	v28 =	vld.idx.msk [tilespmem:v28+s19+$0x0], $0xffff;
	v27 =	vand.u32 $0x400, v27  }
0x42f: {  	v30 =	vand.u32 $0x380, v30;
	v27 =	vor.u32 v27, v29  }
0x430: {  	v27 =	vor.u32 v30, v27  }
0x431: {  	v43 =	vperm.xlane v26, v15;
	v42 =	vadd.s32 v11, v63  }
0x432: {  	vm14 =	vgt.s32 v42, $0x0  }
0x433: {  	v45 =	vadd.s32 v0, v43;
	v44 =	vsel vm14, $0x1, v5;
	[tilespmem:s28+$0xFFFFFEE0] =	vst v28  }
0x434: {  	v46 =	vshll.u32 v45, $0x3;
	[tilespmem:s16+$0xFFFFFEE0] =	vst v44  }
0x435: {  	v47 =	vshrl.u32 v45, $0x1;
	v29 =	vand.u32 $0xFFFFF87F, v45;
	v28 =	vand.u32 $0x400, v46;
	v27 =	vld.idx.msk [tilespmem:v27+s19+$0x0], $0xffff  }
0x436: {  	v31 =	vand.u32 $0x380, v47;
	v28 =	vor.u32 v28, v29  }
0x437: {  	v28 =	vor.u32 v31, v28  }
0x438: {  	v48 =	vadd.s32 v13, v63  }
0x439: {  	vm15 =	vgt.s32 v48, $0x0  }
0x43a: {  	v49 =	vadd.s32 v8, v43;
	[tilespmem:s28+$0xFFFFFEF0] =	vst v27;
	v27 =	vsel vm15, $0x1, v5  }
0x43b: {  	[tilespmem:s16+$0xFFFFFEF0] =	vst v27;
	v27 =	vshll.u32 v49, $0x3  }
0x43c: {  	v50 =	vshrl.u32 v49, $0x1;
	v29 =	vand.u32 $0xFFFFF87F, v49;
	v28 =	vld.idx.msk [tilespmem:v28+s19+$0x0], $0xffff;
	v27 =	vand.u32 $0x400, v27  }
0x43d: {  	v51 =	vperm.xlane v25, v15;
	v31 =	vand.u32 $0x380, v50;
	v27 =	vor.u32 v27, v29  }
0x43e: {  	v27 =	vor.u32 v31, v27  }
0x43f: {  	v52 =	vadd.s32 v3, v51  }
0x440: {  	vm4 =	vgt.s32 v52, $0x0  }
0x441: {  	v54 =	vadd.s32 v10, v43;
	v53 =	vsel vm4, $0x1, v5;
	[tilespmem:s28+$0xFFFFFF00] =	vst v28  }
0x442: {  	v55 =	vshll.u32 v54, $0x3;
	[tilespmem:s16+$0xFFFFFF00] =	vst v53  }
0x443: {  	v56 =	vshrl.u32 v54, $0x1;
	v29 =	vand.u32 $0xFFFFF87F, v54;
	v28 =	vand.u32 $0x400, v55;
	v27 =	vld.idx.msk [tilespmem:v27+s19+$0x0], $0xffff  }
0x444: {  	v31 =	vand.u32 $0x380, v56;
	v28 =	vor.u32 v28, v29  }
0x445: {  	v28 =	vor.u32 v31, v28  }
0x446: {  	v57 =	vadd.s32 v9, v51  }
0x447: {  	vm5 =	vgt.s32 v57, $0x0  }
0x448: {  	v58 =	vadd.s32 v12, v43;
	[tilespmem:s28+$0xFFFFFF10] =	vst v27;
	v27 =	vsel vm5, $0x1, v5  }
0x449: {  	[tilespmem:s16+$0xFFFFFF10] =	vst v27;
	v27 =	vshll.u32 v58, $0x3  }
0x44a: {  	v30 =	vshrl.u32 v58, $0x1;
	v29 =	vand.u32 $0xFFFFF87F, v58;
	v28 =	vld.idx.msk [tilespmem:v28+s19+$0x0], $0xffff;
	v27 =	vand.u32 $0x400, v27  }
0x44b: {  	v30 =	vand.u32 $0x380, v30;
	v27 =	vor.u32 v27, v29  }
0x44c: {  	v27 =	vor.u32 v30, v27  }
0x44d: {  	v60 =	vperm.xlane v26, v16;
	v59 =	vadd.s32 v11, v51  }
0x44e: {  	vm6 =	vgt.s32 v59, $0x0  }
0x44f: {  	v62 =	vadd.s32 v0, v60;
	v61 =	vsel vm6, $0x1, v5;
	[tilespmem:s28+$0xFFFFFF20] =	vst v28  }
0x450: {  	v63 =	vshll.u32 v62, $0x3;
	[tilespmem:s16+$0xFFFFFF20] =	vst v61  }
0x451: {  	v33 =	vshrl.u32 v62, $0x1;
	v29 =	vand.u32 $0xFFFFF87F, v62;
	v28 =	vand.u32 $0x400, v63;
	v27 =	vld.idx.msk [tilespmem:v27+s19+$0x0], $0xffff  }
0x452: {  	v31 =	vand.u32 $0x380, v33;
	v28 =	vor.u32 v28, v29  }
0x453: {  	v28 =	vor.u32 v31, v28  }
0x454: {  	v34 =	vadd.s32 v13, v51  }
0x455: {  	vm7 =	vgt.s32 v34, $0x0  }
0x456: {  	v35 =	vadd.s32 v8, v60;
	[tilespmem:s28+$0xFFFFFF30] =	vst v27;
	v27 =	vsel vm7, $0x1, v5  }
0x457: {  	[tilespmem:s16+$0xFFFFFF30] =	vst v27;
	v27 =	vshll.u32 v35, $0x3  }
0x458: {  	v36 =	vshrl.u32 v35, $0x1;
	v29 =	vand.u32 $0xFFFFF87F, v35;
	v28 =	vld.idx.msk [tilespmem:v28+s19+$0x0], $0xffff;
	v27 =	vand.u32 $0x400, v27  }
0x459: {  	v37 =	vperm.xlane v25, v16;
	v31 =	vand.u32 $0x380, v36;
	v27 =	vor.u32 v27, v29  }
0x45a: {  	v27 =	vor.u32 v31, v27  }
0x45b: {  	v38 =	vadd.s32 v3, v37  }
0x45c: {  	vm8 =	vgt.s32 v38, $0x0  }
0x45d: {  	v40 =	vadd.s32 v10, v60;
	v39 =	vsel vm8, $0x1, v5;
	[tilespmem:s28+$0xFFFFFF40] =	vst v28  }
0x45e: {  	v41 =	vshll.u32 v40, $0x3;
	[tilespmem:s16+$0xFFFFFF40] =	vst v39  }
0x45f: {  	v42 =	vshrl.u32 v40, $0x1;
	v29 =	vand.u32 $0xFFFFF87F, v40;
	v28 =	vand.u32 $0x400, v41;
	v27 =	vld.idx.msk [tilespmem:v27+s19+$0x0], $0xffff  }
0x460: {  	v31 =	vand.u32 $0x380, v42;
	v28 =	vor.u32 v28, v29  }
0x461: {  	v28 =	vor.u32 v31, v28  }
0x462: {  	v43 =	vadd.s32 v9, v37  }
0x463: {  	vm9 =	vgt.s32 v43, $0x0  }
0x464: {  	v44 =	vadd.s32 v12, v60;
	[tilespmem:s28+$0xFFFFFF50] =	vst v27;
	v27 =	vsel vm9, $0x1, v5  }
0x465: {  	[tilespmem:s16+$0xFFFFFF50] =	vst v27;
	v27 =	vshll.u32 v44, $0x3  }
0x466: {  	v30 =	vshrl.u32 v44, $0x1;
	v29 =	vand.u32 $0xFFFFF87F, v44;
	v28 =	vld.idx.msk [tilespmem:v28+s19+$0x0], $0xffff;
	v27 =	vand.u32 $0x400, v27  }
0x467: {  	v30 =	vand.u32 $0x380, v30;
	v27 =	vor.u32 v27, v29  }
0x468: {  	v27 =	vor.u32 v30, v27  }
0x469: {  	v45 =	vadd.s32 v11, v37;
	v46 =	vperm.xlane v26, v1  }
0x46a: {  	vm10 =	vgt.s32 v45, $0x0  }
0x46b: {  	v47 =	vsel vm10, $0x1, v5;
	v48 =	vadd.s32 v0, v46;
	[tilespmem:s28+$0xFFFFFF60] =	vst v28  }
0x46c: {  	v49 =	vshll.u32 v48, $0x3;
	[tilespmem:s16+$0xFFFFFF60] =	vst v47  }
0x46d: {  	v50 =	vshrl.u32 v48, $0x1;
	v29 =	vand.u32 $0xFFFFF87F, v48;
	v28 =	vand.u32 $0x400, v49;
	v27 =	vld.idx.msk [tilespmem:v27+s19+$0x0], $0xffff  }
0x46e: {  	v31 =	vand.u32 $0x380, v50;
	v28 =	vor.u32 v28, v29  }
0x46f: {  	v28 =	vor.u32 v31, v28  }
0x470: {  	v51 =	vadd.s32 v13, v37  }
0x471: {  	vm11 =	vgt.s32 v51, $0x0  }
0x472: {  	v52 =	vadd.s32 v8, v46;
	[tilespmem:s28+$0xFFFFFF70] =	vst v27;
	v27 =	vsel vm11, $0x1, v5  }
0x473: {  	[tilespmem:s16+$0xFFFFFF70] =	vst v27;
	v27 =	vshll.u32 v52, $0x3  }
0x474: {  	v53 =	vshrl.u32 v52, $0x1;
	v29 =	vand.u32 $0xFFFFF87F, v52;
	v28 =	vld.idx.msk [tilespmem:v28+s19+$0x0], $0xffff;
	v27 =	vand.u32 $0x400, v27  }
0x475: {  	v54 =	vperm.xlane v25, v1;
	v31 =	vand.u32 $0x380, v53;
	v27 =	vor.u32 v27, v29  }
0x476: {  	v27 =	vor.u32 v31, v27  }
0x477: {  	v55 =	vadd.s32 v3, v54  }
0x478: {  	vm12 =	vgt.s32 v55, $0x0  }
0x479: {  	v57 =	vadd.s32 v10, v46;
	v56 =	vsel vm12, $0x1, v5;
	[tilespmem:s28+$0xFFFFFF80] =	vst v28  }
0x47a: {  	v58 =	vshll.u32 v57, $0x3;
	[tilespmem:s16+$0xFFFFFF80] =	vst v56  }
0x47b: {  	v59 =	vshrl.u32 v57, $0x1;
	v29 =	vand.u32 $0xFFFFF87F, v57;
	v28 =	vand.u32 $0x400, v58;
	v27 =	vld.idx.msk [tilespmem:v27+s19+$0x0], $0xffff  }
0x47c: {  	v31 =	vand.u32 $0x380, v59;
	v28 =	vor.u32 v28, v29  }
0x47d: {  	v28 =	vor.u32 v31, v28  }
0x47e: {  	v60 =	vadd.s32 v9, v54  }
0x47f: {  	vm13 =	vgt.s32 v60, $0x0  }
0x480: {  	v61 =	vadd.s32 v12, v46;
	[tilespmem:s28+$0xFFFFFF90] =	vst v27;
	v27 =	vsel vm13, $0x1, v5  }
0x481: {  	[tilespmem:s16+$0xFFFFFF90] =	vst v27;
	v27 =	vshll.u32 v61, $0x3  }
0x482: {  	v30 =	vshrl.u32 v61, $0x1;
	v29 =	vand.u32 $0xFFFFF87F, v61;
	v28 =	vld.idx.msk [tilespmem:v28+s19+$0x0], $0xffff;
	v27 =	vand.u32 $0x400, v27  }
0x483: {  	v30 =	vand.u32 $0x380, v30;
	v27 =	vor.u32 v27, v29  }
0x484: {  	v27 =	vor.u32 v30, v27  }
0x485: {  	v62 =	vadd.s32 v11, v54;
	v63 =	vperm.xlane v26, v17  }
0x486: {  	vm14 =	vgt.s32 v62, $0x0  }
0x487: {  	v36 =	vsel vm14, $0x1, v5;
	v37 =	vadd.s32 v0, v63;
	[tilespmem:s28+$0xFFFFFFA0] =	vst v28  }
0x488: {  	v38 =	vshll.u32 v37, $0x3;
	[tilespmem:s16+$0xFFFFFFA0] =	vst v36  }
0x489: {  	v39 =	vshrl.u32 v37, $0x1;
	v29 =	vand.u32 $0xFFFFF87F, v37;
	v28 =	vand.u32 $0x400, v38;
	v27 =	vld.idx.msk [tilespmem:v27+s19+$0x0], $0xffff  }
0x48a: {  	v31 =	vand.u32 $0x380, v39;
	v28 =	vor.u32 v28, v29  }
0x48b: {  	v28 =	vor.u32 v31, v28  }
0x48c: {  	v40 =	vadd.s32 v13, v54  }
0x48d: {  	vm15 =	vgt.s32 v40, $0x0  }
0x48e: {  	v41 =	vadd.s32 v8, v63;
	[tilespmem:s28+$0xFFFFFFB0] =	vst v27;
	v27 =	vsel vm15, $0x1, v5  }
0x48f: {  	[tilespmem:s16+$0xFFFFFFB0] =	vst v27;
	v27 =	vshll.u32 v41, $0x3  }
0x490: {  	v42 =	vshrl.u32 v41, $0x1;
	v29 =	vand.u32 $0xFFFFF87F, v41;
	v28 =	vld.idx.msk [tilespmem:v28+s19+$0x0], $0xffff;
	v27 =	vand.u32 $0x400, v27  }
0x491: {  	v43 =	vperm.xlane v25, v17;
	v31 =	vand.u32 $0x380, v42;
	v27 =	vor.u32 v27, v29  }
0x492: {  	v27 =	vor.u32 v31, v27  }
0x493: {  	v44 =	vadd.s32 v3, v43  }
0x494: {  	vm4 =	vgt.s32 v44, $0x0  }
0x495: {  	v46 =	vadd.s32 v10, v63;
	v45 =	vsel vm4, $0x1, v5;
	[tilespmem:s28+$0xFFFFFFC0] =	vst v28  }
0x496: {  	v47 =	vshll.u32 v46, $0x3;
	[tilespmem:s16+$0xFFFFFFC0] =	vst v45  }
0x497: {  	v48 =	vshrl.u32 v46, $0x1;
	v29 =	vand.u32 $0xFFFFF87F, v46;
	v28 =	vand.u32 $0x400, v47;
	v27 =	vld.idx.msk [tilespmem:v27+s19+$0x0], $0xffff  }
0x498: {  	v31 =	vand.u32 $0x380, v48;
	v28 =	vor.u32 v28, v29  }
0x499: {  	v28 =	vor.u32 v31, v28  }
0x49a: {  	v49 =	vadd.s32 v9, v43  }
0x49b: {  	vm5 =	vgt.s32 v49, $0x0  }
0x49c: {  	v50 =	vadd.s32 v12, v63;
	[tilespmem:s28+$0xFFFFFFD0] =	vst v27;
	v27 =	vsel vm5, $0x1, v5  }
0x49d: {  	[tilespmem:s16+$0xFFFFFFD0] =	vst v27;
	v27 =	vshll.u32 v50, $0x3  }
0x49e: {  	v30 =	vshrl.u32 v50, $0x1;
	v29 =	vand.u32 $0xFFFFF87F, v50;
	v28 =	vld.idx.msk [tilespmem:v28+s19+$0x0], $0xffff;
	v27 =	vand.u32 $0x400, v27  }
0x49f: {  	v30 =	vand.u32 $0x380, v30;
	v27 =	vor.u32 v27, v29  }
0x4a0: {  	v27 =	vor.u32 v30, v27  }
0x4a1: {  	v51 =	vadd.s32 v11, v43;
	v52 =	vperm.xlane v26, v4  }
0x4a2: {  	vm6 =	vgt.s32 v51, $0x0  }
0x4a3: {  	v53 =	vsel vm6, $0x1, v5;
	v54 =	vadd.s32 v0, v52;
	[tilespmem:s28+$0xFFFFFFE0] =	vst v28  }
0x4a4: {  	v55 =	vshll.u32 v54, $0x3;
	[tilespmem:s16+$0xFFFFFFE0] =	vst v53  }
0x4a5: {  	v56 =	vshrl.u32 v54, $0x1;
	v29 =	vand.u32 $0xFFFFF87F, v54;
	v28 =	vand.u32 $0x400, v55;
	v27 =	vld.idx.msk [tilespmem:v27+s19+$0x0], $0xffff  }
0x4a6: {  	v31 =	vand.u32 $0x380, v56;
	v28 =	vor.u32 v28, v29  }
0x4a7: {  	v28 =	vor.u32 v31, v28  }
0x4a8: {  	v57 =	vadd.s32 v13, v43  }
0x4a9: {  	vm7 =	vgt.s32 v57, $0x0  }
0x4aa: {  	v58 =	vadd.s32 v8, v52;
	[tilespmem:s28+$0xFFFFFFF0] =	vst v27;
	v27 =	vsel vm7, $0x1, v5  }
0x4ab: {  	[tilespmem:s16+$0xFFFFFFF0] =	vst v27;
	v27 =	vshll.u32 v58, $0x3  }
0x4ac: {  	v59 =	vshrl.u32 v58, $0x1;
	v29 =	vand.u32 $0xFFFFF87F, v58;
	v28 =	vld.idx.msk [tilespmem:v28+s19+$0x0], $0xffff;
	v27 =	vand.u32 $0x400, v27  }
0x4ad: {  	v60 =	vperm.xlane v25, v4;
	v31 =	vand.u32 $0x380, v59;
	v27 =	vor.u32 v27, v29  }
0x4ae: {  	v27 =	vor.u32 v31, v27  }
0x4af: {  	v61 =	vadd.s32 v3, v60  }
0x4b0: {  	vm8 =	vgt.s32 v61, $0x0  }
0x4b1: {  	v63 =	vadd.s32 v10, v52;
	v62 =	vsel vm8, $0x1, v5;
	[tilespmem:s28+$0x0] =	vst v28  }
0x4b2: {  	v33 =	vshll.u32 v63, $0x3;
	[tilespmem:s16+$0x0] =	vst v62  }
0x4b3: {  	v34 =	vshrl.u32 v63, $0x1;
	v29 =	vand.u32 $0xFFFFF87F, v63;
	v28 =	vand.u32 $0x400, v33;
	v27 =	vld.idx.msk [tilespmem:v27+s19+$0x0], $0xffff  }
0x4b4: {  	v31 =	vand.u32 $0x380, v34;
	v28 =	vor.u32 v28, v29  }
0x4b5: {  	v28 =	vor.u32 v31, v28  }
0x4b6: {  	v35 =	vadd.s32 v9, v60  }
0x4b7: {  	vm9 =	vgt.s32 v35, $0x0  }
0x4b8: {  	v36 =	vadd.s32 v12, v52;
	[tilespmem:s28+$0x10] =	vst v27;
	v27 =	vsel vm9, $0x1, v5  }
0x4b9: {  	[tilespmem:s16+$0x10] =	vst v27;
	v27 =	vshll.u32 v36, $0x3  }
0x4ba: {  	v30 =	vshrl.u32 v36, $0x1;
	v29 =	vand.u32 $0xFFFFF87F, v36;
	v28 =	vld.idx.msk [tilespmem:v28+s19+$0x0], $0xffff;
	v27 =	vand.u32 $0x400, v27  }
0x4bb: {  	v30 =	vand.u32 $0x380, v30;
	v27 =	vor.u32 v27, v29  }
0x4bc: {  	v27 =	vor.u32 v30, v27  }
0x4bd: {  	v37 =	vadd.s32 v11, v60;
	v38 =	vperm.xlane v26, v18  }
0x4be: {  	vm10 =	vgt.s32 v37, $0x0  }
0x4bf: {  	v39 =	vsel vm10, $0x1, v5;
	v40 =	vadd.s32 v0, v38;
	[tilespmem:s28+$0x20] =	vst v28  }
0x4c0: {  	v41 =	vshll.u32 v40, $0x3;
	[tilespmem:s16+$0x20] =	vst v39  }
0x4c1: {  	v42 =	vshrl.u32 v40, $0x1;
	v29 =	vand.u32 $0xFFFFF87F, v40;
	v28 =	vand.u32 $0x400, v41;
	v27 =	vld.idx.msk [tilespmem:v27+s19+$0x0], $0xffff  }
0x4c2: {  	v31 =	vand.u32 $0x380, v42;
	v28 =	vor.u32 v28, v29  }
0x4c3: {  	v28 =	vor.u32 v31, v28  }
0x4c4: {  	v43 =	vadd.s32 v13, v60  }
0x4c5: {  	vm11 =	vgt.s32 v43, $0x0  }
0x4c6: {  	v44 =	vadd.s32 v8, v38;
	[tilespmem:s28+$0x30] =	vst v27;
	v27 =	vsel vm11, $0x1, v5  }
0x4c7: {  	[tilespmem:s16+$0x30] =	vst v27;
	v27 =	vshll.u32 v44, $0x3  }
0x4c8: {  	v45 =	vshrl.u32 v44, $0x1;
	v29 =	vand.u32 $0xFFFFF87F, v44;
	v28 =	vld.idx.msk [tilespmem:v28+s19+$0x0], $0xffff;
	v27 =	vand.u32 $0x400, v27  }
0x4c9: {  	v46 =	vperm.xlane v25, v18;
	v31 =	vand.u32 $0x380, v45;
	v27 =	vor.u32 v27, v29  }
0x4ca: {  	v27 =	vor.u32 v31, v27  }
0x4cb: {  	v47 =	vadd.s32 v3, v46  }
0x4cc: {  	vm12 =	vgt.s32 v47, $0x0  }
0x4cd: {  	v49 =	vadd.s32 v10, v38;
	v48 =	vsel vm12, $0x1, v5;
	[tilespmem:s28+$0x40] =	vst v28  }
0x4ce: {  	v50 =	vshll.u32 v49, $0x3;
	[tilespmem:s16+$0x40] =	vst v48  }
0x4cf: {  	v51 =	vshrl.u32 v49, $0x1;
	v29 =	vand.u32 $0xFFFFF87F, v49;
	v28 =	vand.u32 $0x400, v50;
	v27 =	vld.idx.msk [tilespmem:v27+s19+$0x0], $0xffff  }
0x4d0: {  	v31 =	vand.u32 $0x380, v51;
	v28 =	vor.u32 v28, v29  }
0x4d1: {  	v28 =	vor.u32 v31, v28  }
0x4d2: {  	v52 =	vadd.s32 v9, v46  }
0x4d3: {  	vm13 =	vgt.s32 v52, $0x0  }
0x4d4: {  	v53 =	vadd.s32 v12, v38;
	[tilespmem:s28+$0x50] =	vst v27;
	v27 =	vsel vm13, $0x1, v5  }
0x4d5: {  	[tilespmem:s16+$0x50] =	vst v27;
	v27 =	vshll.u32 v53, $0x3  }
0x4d6: {  	v30 =	vshrl.u32 v53, $0x1;
	v29 =	vand.u32 $0xFFFFF87F, v53;
	v28 =	vld.idx.msk [tilespmem:v28+s19+$0x0], $0xffff;
	v27 =	vand.u32 $0x400, v27  }
0x4d7: {  	v30 =	vand.u32 $0x380, v30;
	v27 =	vor.u32 v27, v29  }
0x4d8: {  	v27 =	vor.u32 v30, v27  }
0x4d9: {  	v54 =	vadd.s32 v11, v46;
	v55 =	vperm.xlane v26, v19  }
0x4da: {  	vm14 =	vgt.s32 v54, $0x0  }
0x4db: {  	v56 =	vsel vm14, $0x1, v5;
	v57 =	vadd.s32 v0, v55;
	[tilespmem:s28+$0x60] =	vst v28  }
0x4dc: {  	v58 =	vshll.u32 v57, $0x3;
	[tilespmem:s16+$0x60] =	vst v56  }
0x4dd: {  	v59 =	vshrl.u32 v57, $0x1;
	v29 =	vand.u32 $0xFFFFF87F, v57;
	v28 =	vand.u32 $0x400, v58;
	v27 =	vld.idx.msk [tilespmem:v27+s19+$0x0], $0xffff  }
0x4de: {  	v31 =	vand.u32 $0x380, v59;
	v28 =	vor.u32 v28, v29  }
0x4df: {  	v28 =	vor.u32 v31, v28  }
0x4e0: {  	v60 =	vadd.s32 v13, v46  }
0x4e1: {  	vm15 =	vgt.s32 v60, $0x0  }
0x4e2: {  	v61 =	vadd.s32 v8, v55;
	[tilespmem:s28+$0x70] =	vst v27;
	v27 =	vsel vm15, $0x1, v5  }
0x4e3: {  	[tilespmem:s16+$0x70] =	vst v27;
	v27 =	vshll.u32 v61, $0x3  }
0x4e4: {  	v62 =	vshrl.u32 v61, $0x1;
	v29 =	vand.u32 $0xFFFFF87F, v61;
	v28 =	vld.idx.msk [tilespmem:v28+s19+$0x0], $0xffff;
	v27 =	vand.u32 $0x400, v27  }
0x4e5: {  	v63 =	vperm.xlane v25, v19;
	v31 =	vand.u32 $0x380, v62;
	v27 =	vor.u32 v27, v29  }
0x4e6: {  	v27 =	vor.u32 v31, v27  }
0x4e7: {  	v35 =	vadd.s32 v3, v63  }
0x4e8: {  	vm4 =	vgt.s32 v35, $0x0  }
0x4e9: {  	v37 =	vadd.s32 v10, v55;
	v36 =	vsel vm4, $0x1, v5;
	[tilespmem:s28+$0x80] =	vst v28  }
0x4ea: {  	v38 =	vshll.u32 v37, $0x3;
	[tilespmem:s16+$0x80] =	vst v36  }
0x4eb: {  	v39 =	vshrl.u32 v37, $0x1;
	v29 =	vand.u32 $0xFFFFF87F, v37;
	v28 =	vand.u32 $0x400, v38;
	v27 =	vld.idx.msk [tilespmem:v27+s19+$0x0], $0xffff  }
0x4ec: {  	v31 =	vand.u32 $0x380, v39;
	v28 =	vor.u32 v28, v29  }
0x4ed: {  	v28 =	vor.u32 v31, v28  }
0x4ee: {  	v40 =	vadd.s32 v9, v63  }
0x4ef: {  	vm5 =	vgt.s32 v40, $0x0  }
0x4f0: {  	v41 =	vadd.s32 v12, v55;
	[tilespmem:s28+$0x90] =	vst v27;
	v27 =	vsel vm5, $0x1, v5  }
0x4f1: {  	[tilespmem:s16+$0x90] =	vst v27;
	v27 =	vshll.u32 v41, $0x3  }
0x4f2: {  	v30 =	vshrl.u32 v41, $0x1;
	v29 =	vand.u32 $0xFFFFF87F, v41;
	v28 =	vld.idx.msk [tilespmem:v28+s19+$0x0], $0xffff;
	v27 =	vand.u32 $0x400, v27  }
0x4f3: {  	v30 =	vand.u32 $0x380, v30;
	v27 =	vor.u32 v27, v29  }
0x4f4: {  	v27 =	vor.u32 v30, v27  }
0x4f5: {  	v43 =	vperm.xlane v26, v20;
	v42 =	vadd.s32 v11, v63  }
0x4f6: {  	vm6 =	vgt.s32 v42, $0x0  }
0x4f7: {  	v45 =	vadd.s32 v0, v43;
	v44 =	vsel vm6, $0x1, v5;
	[tilespmem:s28+$0xA0] =	vst v28  }
0x4f8: {  	v46 =	vshll.u32 v45, $0x3;
	[tilespmem:s16+$0xA0] =	vst v44  }
0x4f9: {  	v47 =	vshrl.u32 v45, $0x1;
	v29 =	vand.u32 $0xFFFFF87F, v45;
	v28 =	vand.u32 $0x400, v46;
	v27 =	vld.idx.msk [tilespmem:v27+s19+$0x0], $0xffff  }
0x4fa: {  	v31 =	vand.u32 $0x380, v47;
	v28 =	vor.u32 v28, v29  }
0x4fb: {  	v28 =	vor.u32 v31, v28  }
0x4fc: {  	v48 =	vadd.s32 v13, v63  }
0x4fd: {  	vm7 =	vgt.s32 v48, $0x0  }
0x4fe: {  	v49 =	vadd.s32 v8, v43;
	[tilespmem:s28+$0xB0] =	vst v27;
	v27 =	vsel vm7, $0x1, v5  }
0x4ff: {  	[tilespmem:s16+$0xB0] =	vst v27;
	v27 =	vshll.u32 v49, $0x3  }
0x500: {  	v50 =	vshrl.u32 v49, $0x1;
	v29 =	vand.u32 $0xFFFFF87F, v49;
	v28 =	vld.idx.msk [tilespmem:v28+s19+$0x0], $0xffff;
	v27 =	vand.u32 $0x400, v27  }
0x501: {  	v51 =	vperm.xlane v25, v20;
	v31 =	vand.u32 $0x380, v50;
	v27 =	vor.u32 v27, v29  }
0x502: {  	v27 =	vor.u32 v31, v27  }
0x503: {  	v52 =	vadd.s32 v3, v51  }
0x504: {  	vm8 =	vgt.s32 v52, $0x0  }
0x505: {  	v54 =	vadd.s32 v10, v43;
	v53 =	vsel vm8, $0x1, v5;
	[tilespmem:s28+$0xC0] =	vst v28  }
0x506: {  	v55 =	vshll.u32 v54, $0x3;
	[tilespmem:s16+$0xC0] =	vst v53  }
0x507: {  	v56 =	vshrl.u32 v54, $0x1;
	v29 =	vand.u32 $0xFFFFF87F, v54;
	v28 =	vand.u32 $0x400, v55;
	v27 =	vld.idx.msk [tilespmem:v27+s19+$0x0], $0xffff  }
0x508: {  	v31 =	vand.u32 $0x380, v56;
	v28 =	vor.u32 v28, v29  }
0x509: {  	v28 =	vor.u32 v31, v28  }
0x50a: {  	v57 =	vadd.s32 v9, v51  }
0x50b: {  	vm9 =	vgt.s32 v57, $0x0  }
0x50c: {  	v58 =	vadd.s32 v12, v43;
	[tilespmem:s28+$0xD0] =	vst v27;
	v27 =	vsel vm9, $0x1, v5  }
0x50d: {  	[tilespmem:s16+$0xD0] =	vst v27;
	v27 =	vshll.u32 v58, $0x3  }
0x50e: {  	v30 =	vshrl.u32 v58, $0x1;
	v29 =	vand.u32 $0xFFFFF87F, v58;
	v28 =	vld.idx.msk [tilespmem:v28+s19+$0x0], $0xffff;
	v27 =	vand.u32 $0x400, v27  }
0x50f: {  	v30 =	vand.u32 $0x380, v30;
	v27 =	vor.u32 v27, v29  }
0x510: {  	v27 =	vor.u32 v30, v27  }
0x511: {  	v60 =	vperm.xlane v26, v21;
	v59 =	vadd.s32 v11, v51  }
0x512: {  	vm10 =	vgt.s32 v59, $0x0  }
0x513: {  	v62 =	vadd.s32 v0, v60;
	v61 =	vsel vm10, $0x1, v5;
	[tilespmem:s28+$0xE0] =	vst v28  }
0x514: {  	v63 =	vshll.u32 v62, $0x3;
	[tilespmem:s16+$0xE0] =	vst v61  }
0x515: {  	v33 =	vshrl.u32 v62, $0x1;
	v29 =	vand.u32 $0xFFFFF87F, v62;
	v28 =	vand.u32 $0x400, v63;
	v27 =	vld.idx.msk [tilespmem:v27+s19+$0x0], $0xffff  }
0x516: {  	v31 =	vand.u32 $0x380, v33;
	v28 =	vor.u32 v28, v29  }
0x517: {  	v28 =	vor.u32 v31, v28  }
0x518: {  	v34 =	vadd.s32 v13, v51  }
0x519: {  	vm11 =	vgt.s32 v34, $0x0  }
0x51a: {  	v35 =	vadd.s32 v8, v60;
	[tilespmem:s28+$0xF0] =	vst v27;
	v27 =	vsel vm11, $0x1, v5  }
0x51b: {  	[tilespmem:s16+$0xF0] =	vst v27;
	v27 =	vshll.u32 v35, $0x3  }
0x51c: {  	v36 =	vshrl.u32 v35, $0x1;
	v29 =	vand.u32 $0xFFFFF87F, v35;
	v28 =	vld.idx.msk [tilespmem:v28+s19+$0x0], $0xffff;
	v27 =	vand.u32 $0x400, v27  }
0x51d: {  	v37 =	vperm.xlane v25, v21;
	v31 =	vand.u32 $0x380, v36;
	v27 =	vor.u32 v27, v29  }
0x51e: {  	v27 =	vor.u32 v31, v27  }
0x51f: {  	v38 =	vadd.s32 v3, v37  }
0x520: {  	vm12 =	vgt.s32 v38, $0x0  }
0x521: {  	v40 =	vadd.s32 v10, v60;
	v39 =	vsel vm12, $0x1, v5;
	[tilespmem:s28+$0x100] =	vst v28  }
0x522: {  	v41 =	vshll.u32 v40, $0x3;
	[tilespmem:s16+$0x100] =	vst v39  }
0x523: {  	v42 =	vshrl.u32 v40, $0x1;
	v29 =	vand.u32 $0xFFFFF87F, v40;
	v28 =	vand.u32 $0x400, v41;
	v27 =	vld.idx.msk [tilespmem:v27+s19+$0x0], $0xffff  }
0x524: {  	v31 =	vand.u32 $0x380, v42;
	v28 =	vor.u32 v28, v29  }
0x525: {  	v28 =	vor.u32 v31, v28  }
0x526: {  	v43 =	vadd.s32 v9, v37  }
0x527: {  	vm13 =	vgt.s32 v43, $0x0  }
0x528: {  	v44 =	vadd.s32 v12, v60;
	[tilespmem:s28+$0x110] =	vst v27;
	v27 =	vsel vm13, $0x1, v5  }
0x529: {  	[tilespmem:s16+$0x110] =	vst v27;
	v27 =	vshll.u32 v44, $0x3  }
0x52a: {  	v30 =	vshrl.u32 v44, $0x1;
	v29 =	vand.u32 $0xFFFFF87F, v44;
	v28 =	vld.idx.msk [tilespmem:v28+s19+$0x0], $0xffff;
	v27 =	vand.u32 $0x400, v27  }
0x52b: {  	v30 =	vand.u32 $0x380, v30;
	v27 =	vor.u32 v27, v29  }
0x52c: {  	v27 =	vor.u32 v30, v27  }
0x52d: {  	v45 =	vadd.s32 v11, v37;
	v46 =	vperm.xlane v26, v22  }
0x52e: {  	vm14 =	vgt.s32 v45, $0x0  }
0x52f: {  	v47 =	vsel vm14, $0x1, v5;
	v48 =	vadd.s32 v0, v46;
	[tilespmem:s28+$0x120] =	vst v28  }
0x530: {  	v49 =	vshll.u32 v48, $0x3;
	[tilespmem:s16+$0x120] =	vst v47  }
0x531: {  	v50 =	vshrl.u32 v48, $0x1;
	v29 =	vand.u32 $0xFFFFF87F, v48;
	v28 =	vand.u32 $0x400, v49;
	v27 =	vld.idx.msk [tilespmem:v27+s19+$0x0], $0xffff  }
0x532: {  	v31 =	vand.u32 $0x380, v50;
	v28 =	vor.u32 v28, v29  }
0x533: {  	v28 =	vor.u32 v31, v28  }
0x534: {  	v51 =	vadd.s32 v13, v37  }
0x535: {  	vm15 =	vgt.s32 v51, $0x0  }
0x536: {  	v52 =	vadd.s32 v8, v46;
	[tilespmem:s28+$0x130] =	vst v27;
	v27 =	vsel vm15, $0x1, v5  }
0x537: {  	[tilespmem:s16+$0x130] =	vst v27;
	v27 =	vshll.u32 v52, $0x3  }
0x538: {  	v53 =	vshrl.u32 v52, $0x1;
	v29 =	vand.u32 $0xFFFFF87F, v52;
	v28 =	vld.idx.msk [tilespmem:v28+s19+$0x0], $0xffff;
	v27 =	vand.u32 $0x400, v27  }
0x539: {  	v54 =	vperm.xlane v25, v22;
	v31 =	vand.u32 $0x380, v53;
	v27 =	vor.u32 v27, v29  }
0x53a: {  	v27 =	vor.u32 v31, v27  }
0x53b: {  	v55 =	vadd.s32 v3, v54  }
0x53c: {  	vm4 =	vgt.s32 v55, $0x0  }
0x53d: {  	v57 =	vadd.s32 v10, v46;
	v56 =	vsel vm4, $0x1, v5;
	[tilespmem:s28+$0x140] =	vst v28  }
0x53e: {  	v58 =	vshll.u32 v57, $0x3;
	[tilespmem:s16+$0x140] =	vst v56  }
0x53f: {  	v59 =	vshrl.u32 v57, $0x1;
	v29 =	vand.u32 $0xFFFFF87F, v57;
	v28 =	vand.u32 $0x400, v58;
	v27 =	vld.idx.msk [tilespmem:v27+s19+$0x0], $0xffff  }
0x540: {  	v31 =	vand.u32 $0x380, v59;
	v28 =	vor.u32 v28, v29  }
0x541: {  	v28 =	vor.u32 v31, v28  }
0x542: {  	v60 =	vadd.s32 v9, v54  }
0x543: {  	vm5 =	vgt.s32 v60, $0x0  }
0x544: {  	v61 =	vadd.s32 v12, v46;
	[tilespmem:s28+$0x150] =	vst v27;
	v27 =	vsel vm5, $0x1, v5  }
0x545: {  	[tilespmem:s16+$0x150] =	vst v27;
	v27 =	vshll.u32 v61, $0x3  }
0x546: {  	v30 =	vshrl.u32 v61, $0x1;
	v29 =	vand.u32 $0xFFFFF87F, v61;
	v28 =	vld.idx.msk [tilespmem:v28+s19+$0x0], $0xffff;
	v27 =	vand.u32 $0x400, v27  }
0x547: {  	v30 =	vand.u32 $0x380, v30;
	v27 =	vor.u32 v27, v29  }
0x548: {  	v27 =	vor.u32 v30, v27  }
0x549: {  	v62 =	vadd.s32 v11, v54;
	v63 =	vperm.xlane v26, v23  }
0x54a: {  	vm6 =	vgt.s32 v62, $0x0  }
0x54b: {  	v33 =	vsel vm6, $0x1, v5;
	v34 =	vadd.s32 v0, v63;
	[tilespmem:s28+$0x160] =	vst v28  }
0x54c: {  	v35 =	vshll.u32 v34, $0x3;
	[tilespmem:s16+$0x160] =	vst v33  }
0x54d: {  	v36 =	vshrl.u32 v34, $0x1;
	v29 =	vand.u32 $0xFFFFF87F, v34;
	v28 =	vand.u32 $0x400, v35;
	v27 =	vld.idx.msk [tilespmem:v27+s19+$0x0], $0xffff  }
0x54e: {  	v31 =	vand.u32 $0x380, v36;
	v28 =	vor.u32 v28, v29  }
0x54f: {  	v28 =	vor.u32 v31, v28  }
0x550: {  	v37 =	vadd.s32 v13, v54  }
0x551: {  	vm7 =	vgt.s32 v37, $0x0  }
0x552: {  	v38 =	vadd.s32 v8, v63;
	[tilespmem:s28+$0x170] =	vst v27;
	v27 =	vsel vm7, $0x1, v5  }
0x553: {  	[tilespmem:s16+$0x170] =	vst v27;
	v27 =	vshll.u32 v38, $0x3  }
0x554: {  	v39 =	vshrl.u32 v38, $0x1;
	v29 =	vand.u32 $0xFFFFF87F, v38;
	v28 =	vld.idx.msk [tilespmem:v28+s19+$0x0], $0xffff;
	v27 =	vand.u32 $0x400, v27  }
0x555: {  	v40 =	vperm.xlane v25, v23;
	v31 =	vand.u32 $0x380, v39;
	v27 =	vor.u32 v27, v29  }
0x556: {  	v27 =	vor.u32 v31, v27  }
0x557: {  	v41 =	vadd.s32 v3, v40  }
0x558: {  	vm8 =	vgt.s32 v41, $0x0  }
0x559: {  	v43 =	vadd.s32 v10, v63;
	v42 =	vsel vm8, $0x1, v5;
	[tilespmem:s28+$0x180] =	vst v28  }
0x55a: {  	v44 =	vshll.u32 v43, $0x3;
	[tilespmem:s16+$0x180] =	vst v42  }
0x55b: {  	v45 =	vshrl.u32 v43, $0x1;
	v29 =	vand.u32 $0xFFFFF87F, v43;
	v28 =	vand.u32 $0x400, v44;
	v27 =	vld.idx.msk [tilespmem:v27+s19+$0x0], $0xffff  }
0x55c: {  	v46 =	vand.u32 $0x380, v45;
	v28 =	vor.u32 v28, v29  }
0x55d: {  	v28 =	vor.u32 v46, v28  }
0x55e: {  	v47 =	vadd.s32 v9, v40  }
0x55f: {  	vm9 =	vgt.s32 v47, $0x0  }
0x560: {  	v48 =	vadd.s32 v12, v63;
	[tilespmem:s28+$0x190] =	vst v27;
	v27 =	vsel vm9, $0x1, v5  }
0x561: {  	[tilespmem:s16+$0x190] =	vst v27;
	v27 =	vshll.u32 v48, $0x3  }
0x562: {  	v30 =	vshrl.u32 v48, $0x1;
	v29 =	vand.u32 $0xFFFFF87F, v48;
	v28 =	vld.idx.msk [tilespmem:v28+s19+$0x0], $0xffff;
	v27 =	vand.u32 $0x400, v27  }
0x563: {  	v30 =	vand.u32 $0x380, v30;
	v27 =	vor.u32 v27, v29  }
0x564: {  	v27 =	vor.u32 v30, v27  }
0x565: {  	v26 =	vperm.xlane v26, v24;
	v49 =	vadd.s32 v11, v40  }
0x566: {  	vm10 =	vgt.s32 v49, $0x0  }
0x567: {  	v51 =	vadd.s32 v0, v26;
	v50 =	vsel vm10, $0x1, v5;
	[tilespmem:s28+$0x1A0] =	vst v28  }
0x568: {  	v52 =	vshll.u32 v51, $0x3;
	[tilespmem:s16+$0x1A0] =	vst v50  }
0x569: {  	v53 =	vshrl.u32 v51, $0x1;
	v29 =	vand.u32 $0xFFFFF87F, v51;
	v28 =	vand.u32 $0x400, v52;
	v27 =	vld.idx.msk [tilespmem:v27+s19+$0x0], $0xffff  }
0x56a: {  	v30 =	vand.u32 $0x380, v53;
	v28 =	vor.u32 v28, v29  }
0x56b: {  	v28 =	vor.u32 v30, v28  }
0x56c: {  	v54 =	vadd.s32 v13, v40  }
0x56d: {  	vm11 =	vgt.s32 v54, $0x0  }
0x56e: {  	v55 =	vadd.s32 v8, v26;
	[tilespmem:s28+$0x1B0] =	vst v27;
	v27 =	vsel vm11, $0x1, v5  }
0x56f: {  	[tilespmem:s16+$0x1B0] =	vst v27;
	v27 =	vshll.u32 v55, $0x3  }
0x570: {  	v56 =	vshrl.u32 v55, $0x1;
	v29 =	vand.u32 $0xFFFFF87F, v55;
	v28 =	vld.idx.msk [tilespmem:v28+s19+$0x0], $0xffff;
	v27 =	vand.u32 $0x400, v27  }
0x571: {  	v25 =	vperm.xlane v25, v24;
	v30 =	vand.u32 $0x380, v56;
	v27 =	vor.u32 v27, v29  }
0x572: {  	v27 =	vor.u32 v30, v27  }
0x573: {  	v57 =	vadd.s32 v3, v25  }
0x574: {  	vm12 =	vgt.s32 v57, $0x0  }
0x575: {  	v59 =	vadd.s32 v10, v26;
	v58 =	vsel vm12, $0x1, v5;
	[tilespmem:s28+$0x1C0] =	vst v28  }
0x576: {  	v60 =	vshll.u32 v59, $0x3;
	[tilespmem:s16+$0x1C0] =	vst v58  }
0x577: {  	v61 =	vshrl.u32 v59, $0x1;
	v29 =	vand.u32 $0xFFFFF87F, v59;
	v28 =	vand.u32 $0x400, v60;
	v27 =	vld.idx.msk [tilespmem:v27+s19+$0x0], $0xffff  }
0x578: {  	v30 =	vand.u32 $0x380, v61;
	v28 =	vor.u32 v28, v29  }
0x579: {  	v28 =	vor.u32 v30, v28  }
0x57a: {  	v62 =	vadd.s32 v9, v25  }
0x57b: {  	vm13 =	vgt.s32 v62, $0x0  }
0x57c: {  	v26 =	vadd.s32 v12, v26;
	[tilespmem:s28+$0x1D0] =	vst v27;
	v27 =	vsel vm13, $0x1, v5  }
0x57d: {  	[tilespmem:s16+$0x1D0] =	vst v27;
	v27 =	vshll.u32 v26, $0x3  }
0x57e: {  	v63 =	vshrl.u32 v26, $0x1;
	v26 =	vand.u32 $0xFFFFF87F, v26;
	v28 =	vld.idx.msk [tilespmem:v28+s19+$0x0], $0xffff;
	v27 =	vand.u32 $0x400, v27  }
0x57f: {  	v29 =	vand.u32 $0x380, v63;
	v26 =	vor.u32 v27, v26  }
0x580: {  	v26 =	vor.u32 v29, v26  }
0x581: {  	v27 =	vadd.s32 v11, v25  }
0x582: {  	vm14 =	vgt.s32 v27, $0x0  }
0x583: {  	v27 =	vsel vm14, $0x1, v5;
	[tilespmem:s28+$0x1E0] =	vst v28  }
0x584: {  	[tilespmem:s16+$0x1E0] =	vst v27  }
0x585: {  	v26 =	vld.idx.msk [tilespmem:v26+s19+$0x0], $0xffff  }
0x586: {  	p0 =	sne.s32 s3, $0x70  }
.Ltmp16:
0x587: {  	_ = 	snop;
	(pc) =	sbr.rel @p0 .LBB2_17-.Ltmp16, $4  }
0x588: {  	v25 =	vadd.s32 v13, v25  }
0x589: {  	vm15 =	vgt.s32 v25, $0x0  }
0x58a: {  	s11 =	sadd.s32 $0x10, s11;
	s25 =	sadd.s32 $0x10, s25;
	v25 =	vsel vm15, $0x1, v5;
	[tilespmem:s28+$0x1F0] =	vst v26  }
0x58b: {  	s3 =	sadd.s32 $0x10, s3;
	s28 =	sadd.s32 $0x400, s28;
	[tilespmem:s16+$0x1F0] =	vst v25;
	s16 =	sadd.s32 $0x400, s16  }
0x58c: {  	s3 =	sshll.u32 s0, $0xA  }
.Ltmp17:
0x58d: {  	s3 =	sadd.s32 s12, s3;
	(pc) =	sbr.rel .LBB2_19-.Ltmp17, $4  }
0x58e: {  	s11 =	sadd.s32 s8, s3  }
0x58f: {  	[hbm4b:s11+s4] =	stream.linear.scatter [tilespmem:s20], [sflag:$0x5], $0x2000, $0x38;
	[tilespmem:$0x18700] =	vst v63  }
0x590: {  	s3 =	sadd.s32 s9, s3  }
0x591: {  	[hbm4b:s3+s4] =	stream.linear.scatter [tilespmem:s21], [sflag:$0x5], $0x2000, $0x38;
	[tilespmem:$0x18700] =	vst v63  }
.LBB2_21:
0x592: {  	_ =	sfence.sel $0x180000  }
0x593: {  	[bflag:$0x0] =	sbarrier.arrive $0xFFFF  }
0x594: {  	_ =	strace $0x90000047  }
0x595: {  	s0 =	stileid.u32;
	[bflag:$0x2] =	sbarrier.arrive $0xFFFF  }
0x596: {  	p0 =	sne.s32 s0, $0x0;
	s0 =	rddreg [dreg:$0x3]  }
0x597: {  	s0 =	sadd.s32 @!p0 $0x100000, s0  }
0x598: {  	[sflag:s0] =	ssyncadd.tile.s32 @!p0 $0x1;
	_ =	shalt  }
.Lfunc_end2:
_tile_overlayer_lowered:
.L_overlay_start_2:
0x599: {  	(tag) =	ssettag $0x2  }
0x59a: {  	s0 =	rddreg [dreg:$0x0];
	s2 =	stileid.u32  }
0x59b: {  	s1 =	rddreg [dreg:$0x1];
	p0 =	sne.s32 s2, $0x0  }
0x59c: {  	s3 =	rddreg [dreg:$0x2];
	[bflag:$0x3] =	sbarrier.arrive $0xFFFF;
	s2 =	simm.s32 @!p0 $0x1C06  }
0x59d: {  	[timem:s3], [sflag:s2] =	dma.local @!p0 [hbm:s0], s1  }
0x59e: {  	s0 =	simm.s32 @!p0 $0x6  }
0x59f: {  	_ =	swait.ge @!p0 [sflag:s0], s1  }
0x5a0: {  	s1 =	ssub.s32 @!p0 $0x0, s1;
	[sflag:s0] =	ssyncset.done @!p0 $0x0  }
0x5a1: {  	[sflag:s0] =	ssyncadd.s32 @!p0 s1  }
0x5a2: {  	[bflag:$0x3] =	sbarrier.arrive $0xFFFF  }
0x5a3: {  	_ =	shalt  }

// kernel: sparse-core-data-format-call.cloned.1.call-start
scs
called_computation_lowered:
.L_overlay_start_0:
0x0: {  	s2 =	sld [smem:$0x3FD9]  }
0x1: {  	s3 =	sld [smem:$0x3FFE];
	_ =	sdelay $0x1  }
0x2: {  	s1 =	srdreg.scid  }
0x3: {  	s0 =	sand.u32 $0x1, s1  }
0x4: {  	s15 =	sshll.u32 s0, $0xA;
	s2 =	sadd.s32 s3, s2  }
0x5: {  	s2 =	sadd.s32 s2, s15  }
0x6: {  	[smem:$0x3FC1] =	sst s2  }
0x7: {  	_ = 	snop  }
0x8: {  	s2 =	sld [smem:$0x3FD0];
	_ =	sdelay $0x2  }
0x9: {  	s16 =	simm.s32 $0xA;
	s4 =	simm.s32 $0x10  }
0xa: {  	[smem:s4], [sflag:s16] =	dma.local [hbm:s2], $0x1  }
0xb: {  	_ =	swait.eq [sflag:s16], $0x1  }
0xc: {  	[sflag:s16] =	ssyncset.done $0x0  }
0xd: {  	[sflag:s16] =	ssyncadd.s32 $0xFFFFFFFF  }
0xe: {  	s17 =	sld [smem:$0x10];
	(tm) =	ssettm $0x1  }
0xf: {  	s18 =	sld [smem:$0x3FFB];
	_ =	sdelay $0x3  }
0x10: {  	_ =	strace s18  }
0x11: {  	s3 =	sld [smem:$0x3FFC];
	_ =	sdelay $0x3  }
0x12: {  	_ =	strace s3  }
0x13: {  	s3 =	sld [smem:$0x3FFD];
	_ =	sdelay $0x3  }
0x14: {  	_ =	strace s3  }
0x15: {  	_ =	strace $0x8FFFFFFF  }
0x16: {  	s19 =	sld [smem:$0x3FDB];
	_ =	sdelay $0x1  }
0x17: {  	s20 =	simm.s32 $_scs_section_size  }
0x18: {  	s5 =	simm.s32 $_size__tile_overlayer_lowered;
	s6 =	simm.s32 $_tile_overlayer_lowered  }
0x19: {  	s23 =	simm.s32 $0x1BFF;
	s22 =	sshll.u32 s6, $0x1;
	s3 =	sadd.s32 s20, s19  }
0x1a: {  	s7 =	simm.s32 $0x0;
	s21 =	sshll.u32 s5, $0x1;
	s5 =	sadd.s32 s22, s3  }
0x1b: {  	[timem:s7], [sflag:s23] =	dma.local [hbm:s5], s21  }
0x1c: {  	_ =	swait.ge [sflag:s23], s21  }
0x1d: {  	s4 =	ssub.s32 $0x0, s21;
	[sflag:s23] =	ssyncset.done $0x0  }
0x1e: {  	[sflag:s23] =	ssyncadd.s32 s4;
	_ =	sdelay $0x1  }
0x1f: {  	s24 =	simm.s32 $0x1B8B  }
0x20: {  	_ =	swait.ge [sflag:s24], $0x1  }
0x21: {  	[sflag:s24] =	ssyncset.done $0x0  }
0x22: {  	s26 =	simm.s32 $0x1B8E;
	s25 =	sld [smem:$0x3FFE];
	[sflag:s24] =	ssyncadd.s32 $0xFFFFFFFF  }
0x23: {  	s27 =	simm.s32 $execute0_lowered;
	[smem:$0x3FD2] =	sst s26  }
0x24: {  	s5 =	sshll.u32 s27, $0x1;
	_ =	strace $0x80000049;
	[dreg:$0x1] =	wrdreg $0xFFFFFFFF  }
0x25: {  	s28 =	simm.s32 $_size_execute0_lowered;
	s3 =	sadd.s32 s3, s5;
	[dreg:$0x0] =	wrdreg $0x0  }
0x26: {  	s5 =	sshll.u32 s28, $0x1;
	[dreg:$0x2] =	wrdreg s3  }
0x27: {  	[dreg:$0x3] =	wrdreg s5  }
0x28: {  	[dreg:$0x4] =	wrdreg $0xC0  }
0x29: {  	_ =	task [dreg:s7], $0x5FFFF  }
0x2a: {  	[dreg:$0x1] =	wrdreg $0xFFFFFFFF  }
0x2b: {  	[dreg:$0x0] =	wrdreg $0x60  }
0x2c: {  	[dreg:$0x2] =	wrdreg s25  }
0x2d: {  	[dreg:$0x3] =	wrdreg s17  }
0x2e: {  	[dreg:$0x4] =	wrdreg $0x9  }
0x2f: {  	_ =	task.clear_ibuf [dreg:s7], $0x5FFFF;
	_ =	strace $0x90000049  }
0x30: {  	s29 =	simm.s32 $0x9;
	_ =	strace $0x8000004B  }
0x31: {  	_ =	swait.ge [sflag:s29], $0x1  }
0x32: {  	[sflag:s29] =	ssyncadd.s32 $0xFFFFFFFF  }
0x33: {  	_ =	strace $0x9000004B  }
0x34: {  	_ =	sfence  }
0x35: {  	s30 =	sld [smem:$0x0];
	_ =	sdelay $0x2  }
0x36: {  	s31 =	sshll.u32 s1, $0xD;
	s1 =	sshrl.u32 s1, $0x2  }
0x37: {  	s3 =	sand.u32 $0x4000, s31;
	s1 =	sadd.s32 s1, s30  }
0x38: {  	s0 =	sor.u32 s3, s0;
	s1 =	sshll.u32 s1, $0x11  }
0x39: {  	s0 =	sor.u32 s1, s0  }
0x3a: {  	s0 =	sadd.s32 $0x8F2B, s0  }
0x3b: {  	[sflag:s0] =	ssyncadd.remote.s32 $0x1  }
0x3c: {  	_ =	sfence.sel $0xFFFF  }
0x3d: {  	[dreg:$0x0] =	wrdreg $0xFFFFFFFF;
	(pc) =	sbr.abs _section_cstart, $3  }
0x3e: {  	[dreg:$0x1] =	wrdreg $0xFFFFFFFF  }
0x3f: {  	_ =	task.clear_ibuf [dreg:s7], $0x2FFFF;
	_ =	strace $0x9FFFFFFF  }
0x40: {  	(tm) =	ssettm $0x7FFFFFFF  }
0x41: {  	_ =	shalt  }
tec
execute0_lowered:
.L_overlay_start_1:
0x0: {  	(tag) =	ssettag $0x1  }
0x1: {  	s4 =	rddreg [dreg:$0x0]  }
0x2: {  	s0 =	srdreg.scid;
	s2 =	rddreg [dreg:$0x1]  }
0x3: {  	s1 =	stileid.u32;
	s5 =	simm.s32 $0x1;
	s0 =	sshll.u32 s0, $0x4  }
0x4: {  	s7 =	simm.s32 $0x2;
	s11 =	simm.s32 $0x0;
	s3 =	sand.u32 $0x10, s0  }
.Ltmp0:
0x5: {  	p0 =	por $0x0, $0x0;
	s3 =	sor.u32 s1, s3;
	(pc) =	sbr.rel .LBB1_1-.Ltmp0, $4  }
0x6: {  	s8 =	simm.s32 $0x186C00;
	s10 =	simm.s32 $0x0;
	s3 =	sshll.u32 s3, $0x7  }
0x7: {  	s0 =	rddreg [dreg:$0x2];
	_ =	strace $0x8000004A;
	s6 =	ssub.s32 $0x30D00, s3  }
0x8: {  	s4 =	sadd.s32 $0x45FE00, s4;
	[sflag:s5] =	ssyncpa.u1 $0x0;
	s6 =	sshrl.u32 s6, $0xC  }
0x9: {  	[sflag:s7] =	ssyncpa.u1 $0x0;
	s9 =	smov.u32 s3;
	s7 =	sadd.s32 $0x2, s6  }
.LBB1_5:
0xa: {  	s13 =	sadd.s32 $0x1000, s9  }
0xb: {  	p2 =	sgt.s32 s13, $0x30D3F  }
0xc: {  	s13 =	smov.u32 @p2 s3;
	p2 =	sne.s32 s10, s7  }
.Ltmp1:
0xd: {  	p1 =	slt.u32 s10, $0x2;
	(pc) =	sbr.rel @!p2 .LBB1_6-.Ltmp1, $4  }
0xe: {  	s12 =	simm.s32 @!p1 $0x2  }
0xf: {  	s14 =	sadd.s32 $0x1, s10;
	_ =	swait.ge @!p1 [sflag:s12], $0x2000  }
0x10: {  	s11 =	smov.u32 s9;
	p0 =	por !p0, !p0;
	[sflag:s12] =	ssyncset.done @!p1 $0x0  }
0x11: {  	s10 =	smov.u32 s14;
	s9 =	smov.u32 s13;
	[sflag:s12] =	ssyncadd.s32 @!p1 $0xFFFFE000  }
.LBB1_1:
0x12: {  	p1 =	sgt.u32 s10, s6  }
0x13: {  	s13 =	smov.u32 s9;
	p2 =	sgt.s32 @!p1 s9, $0x30CC0  }
0x14: {  	s12 =	sand.u32 @!p1 $0x1FFFFFF, s9;
	s14 =	sshra.s32 @!p1 s9, $0x1F;
	p2 =	por !p2, p1  }
0x15: {  	s15 =	smulhi.u32 @!p1 $0x14F8B59, s12;
	s14 =	sand.u32 @!p1 s14, s9;
	s13 =	simm.s32 @p2 $0x30CC0  }
0x16: {  	s13 =	ssub.s32 @!p1 s13, s14  }
0x17: {  	s14 =	sshrl.u32 @!p1 s15, $0xA;
	s13 =	sadd.s32 @!p1 $0xFFFCF340, s13  }
0x18: {  	s15 =	sxor.u32 @!p1 $0xFFFFFFFF, s10;
	s14 =	smul.u32 @!p1 $0x30D40, s14;
	s16 =	sshll.u32 @!p1 s13, $0x8  }
0x19: {  	s15 =	sshll.u32 @!p1 s15, $0xD;
	p2 =	sgt.s32 @!p1 s13, $0x7F;
	s13 =	ssub.s32 @!p1 $0x8000, s16  }
0x1a: {  	s12 =	ssub.s32 @!p1 s12, s14;
	p2 =	por !p2, p1;
	s14 =	sand.u32 @!p1 $0x2000, s15  }
0x1b: {  	s15 =	simm.s32 @!p1 $0x40;
	s13 =	sshrl.u32 @!p1 s13, $0x2;
	s12 =	sshll.u32 @!p1 s12, $0x4  }
0x1c: {  	s16 =	simm.s32 @!p1 $0x80;
	s13 =	simm.s32 @!p2 $0x0;
	s12 =	sadd.s32 @!p1 s4, s12  }
0x1d: {  	[tilespmem:s14], [sflag:$0x1] =	stream.strided.gather @!p1 [hbm4b:s12+s15], s13, s16, s15, $0x38;
	[tilespmem:$0x8080] =	vst v63  }
0x1e: {  	p1 =	seq.s32 s10, $0x0  }
0x1f: {  	p2 =	sge.u32 @!p1 s10, s7  }
0x20: {  	p1 =	por p1, p2  }
.Ltmp2:
0x21: {  	_ = 	snop;
	(pc) =	sbr.rel @p1 .LBB1_5-.Ltmp2, $1  }
0x22: {  	_ =	sdelay $0x3  }
0x23: {  	p1 =	sgt.s32 s11, $0x30CC0;
	s12 =	smov.u32 s11;
	s13 =	sshra.s32 s11, $0x1F  }
0x24: {  	s12 =	simm.s32 @!p1 $0x30CC0;
	s13 =	sand.u32 s13, s11  }
0x25: {  	s12 =	ssub.s32 s12, s13  }
0x26: {  	s12 =	sadd.s32 $0xFFFCF340, s12  }
0x27: {  	s28 =	sshll.u32 s12, $0x8  }
0x28: {  	s13 =	ssub.s32 $0x8000, s28  }
0x29: {  	p1 =	sgt.s32 s12, $0x7F;
	s12 =	sshrl.u32 s13, $0x2  }
0x2a: {  	s13 =	simm.s32 $0x1;
	s12 =	simm.s32 @p1 $0x0  }
0x2b: {  	s13 =	simm.s32 @!p0 $0x0;
	_ =	swait.ge [sflag:s5], s12  }
0x2c: {  	s14 =	sshll.u32 s13, $0xD;
	s12 =	ssub.s32 $0x0, s12;
	[sflag:s5] =	ssyncset.done $0x0  }
0x2d: {  	s16 =	sor.u32 $0x20, s14;
	[sflag:s5] =	ssyncadd.s32 s12  }
0x2e: {  	s29 =	smul.u32 $0x8100, s13;
	v3 =	vld [tilespmem:s16+$0x10]  }
0x2f: {  	s30 =	sand.u32 $0x1, s10;
	v2 =	vld [tilespmem:s16+$0xFFFFFFF0]  }
0x30: {  	s13 =	smul.u32 $0x8100, s30;
	s12 =	sshrl.u32 s29, $0x2;
	v0 =	vld [tilespmem:s16+$0x0]  }
0x31: {  	s14 =	sor.u32 $0x4000, s12;
	v1 =	vld [tilespmem:s16+$0xFFFFFFE0]  }
0x32: {  	s31 =	sshrl.u32 s13, $0x2;
	s13 =	sadd.s32 $0x0, s14  }
0x33: {  	s15 =	simm.s32 $0x4;
	s12 =	sor.u32 $0x4000, s31;
	s16 =	sadd.s32 $0x40, s16;
	[tilespmem:s13+$0x1830 ss:$0x81] =	vst.msk $0xffff, v3  }
.LBB1_3:
0x34: {  	v3 =	vld [tilespmem:s16+$0x10];
	p1 =	sne.s32 s15, $0x1FC;
	[tilespmem:s13+$0x810 ss:$0x81] =	vst.msk $0xffff, v2;
	s17 =	smov.u32 s15;
	s15 =	sadd.s32 $0x4, s15  }
.Ltmp3:
0x35: {  	v2 =	vld [tilespmem:s16+$0xFFFFFFF0];
	[tilespmem:s13+$0x1020 ss:$0x81] =	vst.msk $0xffff, v0;
	(pc) =	sbr.rel @p1 .LBB1_3-.Ltmp3, $4  }
0x36: {  	v0 =	vld [tilespmem:s16+$0x0];
	[tilespmem:s13+$0x0 ss:$0x81] =	vst.msk $0xffff, v1  }
0x37: {  	s13 =	sshra.s32 s17, $0x2;
	v1 =	vld [tilespmem:s16+$0xFFFFFFE0]  }
0x38: {  	s13 =	sadd.s32 s13, s14  }
0x39: {  	s16 =	sadd.s32 $0x40, s16;
	[tilespmem:s13+$0x1830 ss:$0x81] =	vst.msk $0xffff, v3  }
0x3a: {  	s14 =	sshll.u32 s11, $0x3  }
0x3b: {  	s14 =	sand.u32 $0xFFFFFC00, s14  }
0x3c: {  	s15 =	sshrl.u32 s14, $0x7  }
0x3d: {  	s15 =	smulhi.u32 $0xA7B7EF, s15;
	_ =	sdelay $0x1  }
0x3e: {  	s15 =	sshrl.u32 s15, $0x2  }
0x3f: {  	s28 =	sand.u32 $0x7F, s11;
	s16 =	smul.u32 $0x30D80, s15  }
0x40: {  	s11 =	sor.u32 s28, s14  }
.Ltmp4:
0x41: {  	s29 =	sand.u32 $0x3F, s15;
	s11 =	ssub.s32 s11, s16;
	(pc) =	sbr.rel .LBB1_5-.Ltmp4, $4  }
0x42: {  	[tilespmem:s13+$0x810 ss:$0x81] =	vst.msk $0xffff, v2;
	s14 =	smul.u32 $0x61B0, s29;
	s30 =	sshrl.u32 s11, $0x3;
	s11 =	sand.u32 $0x7, s11  }
0x43: {  	[tilespmem:s13+$0x1020 ss:$0x81] =	vst.msk $0xffff, v0;
	s15 =	sadd.s32 s2, s30;
	s11 =	sshll.u32 s11, $0x12  }
0x44: {  	[tilespmem:s13+$0x0 ss:$0x81] =	vst.msk $0xffff, v1;
	s31 =	sadd.s32 s14, s15;
	s11 =	sor.u32 $0x400, s11  }
0x45: {  	[hbm4b:s31+s11] =	stream.strided.scatter [tilespmem:s12], [sflag:$0x2], $0x2000, s8, s11, $0x20;
	[tilespmem:$0x8080] =	vst v63  }
.LBB1_6:
0x46: {  	_ =	sfence.sel $0x180000  }
0x47: {  	s2 =	simm.s32 $0x1;
	[bflag:$0x0] =	sbarrier.arrive $0xFFFF  }
0x48: {  	s31 =	simm.s32 $0x2;
	[sflag:s2] =	ssyncpa.u1 $0x1  }
0x49: {  	[sflag:s31] =	ssyncpa.u1 $0x1  }
0x4a: {  	p0 =	sne.s32 s1, $0x0;
	_ =	strace $0x9000004A  }
0x4b: {  	s0 =	sadd.s32 @!p0 $0x100000, s0;
	[bflag:$0x2] =	sbarrier.arrive $0xFFFF  }
0x4c: {  	[sflag:s0] =	ssyncadd.tile.s32 @!p0 $0x1;
	_ =	shalt  }
.Lfunc_end1:
_tile_overlayer_lowered:
.L_overlay_start_2:
0x4d: {  	(tag) =	ssettag $0x2  }
0x4e: {  	s0 =	rddreg [dreg:$0x0];
	s2 =	stileid.u32  }
0x4f: {  	s1 =	rddreg [dreg:$0x1];
	p0 =	sne.s32 s2, $0x0  }
0x50: {  	s3 =	rddreg [dreg:$0x2];
	[bflag:$0x3] =	sbarrier.arrive $0xFFFF;
	s2 =	simm.s32 @!p0 $0x1C01  }
0x51: {  	[timem:s3], [sflag:s2] =	dma.local @!p0 [hbm:s0], s1  }
0x52: {  	s0 =	simm.s32 @!p0 $0x1  }
0x53: {  	_ =	swait.ge @!p0 [sflag:s0], s1  }
0x54: {  	s1 =	ssub.s32 @!p0 $0x0, s1;
	[sflag:s0] =	ssyncset.done @!p0 $0x0  }
0x55: {  	[sflag:s0] =	ssyncadd.s32 @!p0 s1  }
0x56: {  	[bflag:$0x3] =	sbarrier.arrive $0xFFFF  }
0x57: {  	_ =	shalt  }

</sc_bundles>
